<compile_context>
chip_gen: v7x
topology: tpu7x:2x2x1
jax: 0.10.2.dev20260603
libtpu: 0.0.44.dev20260713+nightly
codegen_flags: <defaults>
</compile_context>

<pallas_src>
import dataclasses

import jax
import jax.numpy as jnp
from jax import lax
from jax.experimental import pallas as pl
from jax.experimental.pallas import tpu as pltpu
from jax.experimental.pallas import tpu_sc as plsc

N = 10000
D = 128
E = 320000
CHUNK = 128
NW = 32
NCHUNKS = E // CHUNK
KBASE = NCHUNKS // NW
KREM = NCHUNKS % NW
NMETA = 4
NZBLK = -(-N // CHUNK)
ZREM = N - (NZBLK - 1) * CHUNK
_PREC = lax.Precision.DEFAULT


def _sc_spmm_body(dense_hbm, cols_hbm, rows_hbm, vals_hbm, out_hbm,
                  acc, cols_m, rows_m, vals_m, gbuf, sbuf, gsem, ssem, msem,
                  zsem):
    cid = lax.axis_index("c")
    sid = lax.axis_index("s")
    wid = sid * 2 + cid

    @pl.loop(0, CHUNK)
    def _(r):
        for l in range(D // 16):
            sbuf[0, r, pl.ds(l * 16, 16)] = jnp.zeros((16,), jnp.float32)

    nt = (NZBLK - sid + 15) // 16

    @pl.loop(0, nt)
    def _(t):
        c = sid + 16 * t

        @pl.when(c < NZBLK - 1)
        def _():
            pltpu.async_copy(sbuf.at[0], acc.at[pl.ds(c * CHUNK, CHUNK)],
                             zsem)

        @pl.when(c == NZBLK - 1)
        def _():
            pltpu.async_copy(sbuf.at[0, pl.ds(0, ZREM)],
                             acc.at[pl.ds((NZBLK - 1) * CHUNK, ZREM)], zsem)

    @pl.loop(0, nt)
    def _(t):
        c = sid + 16 * t

        @pl.when(c < NZBLK - 1)
        def _():
            pltpu.make_async_copy(
                sbuf.at[0], acc.at[pl.ds(0, CHUNK)], zsem).wait()

        @pl.when(c == NZBLK - 1)
        def _():
            pltpu.make_async_copy(
                sbuf.at[0, pl.ds(0, ZREM)], acc.at[pl.ds(0, ZREM)],
                zsem).wait()

    plsc.subcore_barrier()

    base = KBASE * wid + jnp.minimum(wid, KREM)
    nk = KBASE + (wid < KREM).astype(jnp.int32)

    for s in range(2):
        pltpu.async_copy(cols_hbm.at[base + s], cols_m.at[s], msem.at[s])
        pltpu.async_copy(rows_hbm.at[base + s], rows_m.at[s], msem.at[s])
        pltpu.async_copy(vals_hbm.at[base + s], vals_m.at[s], msem.at[s])
    pltpu.make_async_copy(cols_hbm.at[0], cols_m.at[0], msem.at[0]).wait()
    pltpu.make_async_copy(cols_hbm.at[0], rows_m.at[0], msem.at[0]).wait()
    pltpu.make_async_copy(cols_hbm.at[0], vals_m.at[0], msem.at[0]).wait()
    pltpu.async_copy(dense_hbm.at[cols_m.at[0, 0]], gbuf.at[0], gsem.at[0])

    @pl.loop(0, nk)
    def _(j):
        b = lax.rem(j, 2)
        bn = lax.rem(j + 1, 2)

        @pl.when(j >= 2)
        def _():
            pltpu.make_async_copy(
                out_hbm.at[0, pl.ds(0, CHUNK)], sbuf.at[b],
                ssem.at[b]).wait()

        @pl.when(j + 2 < nk)
        def _():
            s2 = lax.rem(j + 2, NMETA)
            pltpu.async_copy(cols_hbm.at[base + j + 2], cols_m.at[s2],
                             msem.at[s2])
            pltpu.async_copy(rows_hbm.at[base + j + 2], rows_m.at[s2],
                             msem.at[s2])
            pltpu.async_copy(vals_hbm.at[base + j + 2], vals_m.at[s2],
                             msem.at[s2])

        @pl.when(j + 1 < nk)
        def _():
            s1 = lax.rem(j + 1, NMETA)
            pltpu.make_async_copy(cols_hbm.at[0], cols_m.at[s1],
                                  msem.at[s1]).wait()
            pltpu.make_async_copy(cols_hbm.at[0], rows_m.at[s1],
                                  msem.at[s1]).wait()
            pltpu.make_async_copy(cols_hbm.at[0], vals_m.at[s1],
                                  msem.at[s1]).wait()
            pltpu.async_copy(dense_hbm.at[cols_m.at[s1, 0]], gbuf.at[bn],
                             gsem.at[bn])

        pltpu.make_async_copy(
            dense_hbm.at[pl.ds(0, CHUNK)], gbuf.at[b], gsem.at[b]).wait()

        s0 = lax.rem(j, NMETA)

        @plsc.parallel_loop(0, CHUNK, unroll=4)
        def _(e):
            sdx = jnp.full((16,), s0, jnp.int32)
            zdx = jnp.zeros((16,), jnp.int32)
            edx = jnp.full((16,), e, jnp.int32)
            vbc = plsc.load_gather(vals_m, [sdx, zdx, edx])
            for g in range(D // 32):
                x = gbuf[b, e, pl.ds(g * 16, 16)]
                lo = plsc.bitcast(jnp.left_shift(x, 16), jnp.float32)
                hi = plsc.bitcast(jnp.bitwise_and(x, jnp.int32(-65536)),
                                  jnp.float32)
                sbuf[b, e, pl.ds(g * 16, 16)] = lo * vbc
                sbuf[b, e, pl.ds(D // 2 + g * 16, 16)] = hi * vbc

        pltpu.async_copy(sbuf.at[b], acc.at[rows_m.at[s0, 0]], ssem.at[b],
                         add=True)

    @pl.loop(0, 2)
    def _(t):
        b = lax.rem(nk - 1 - t, 2)
        pltpu.make_async_copy(
            out_hbm.at[0, pl.ds(0, CHUNK)], sbuf.at[b], ssem.at[b]).wait()

    plsc.subcore_barrier()

    @pl.loop(0, nt)
    def _(t):
        c = sid + 16 * t

        @pl.when(c < NZBLK - 1)
        def _():
            pltpu.async_copy(acc.at[pl.ds(c * CHUNK, CHUNK)],
                             out_hbm.at[cid, pl.ds(c * CHUNK, CHUNK)], zsem)

        @pl.when(c == NZBLK - 1)
        def _():
            pltpu.async_copy(acc.at[pl.ds((NZBLK - 1) * CHUNK, ZREM)],
                             out_hbm.at[cid, pl.ds((NZBLK - 1) * CHUNK, ZREM)],
                             zsem)

    @pl.loop(0, nt)
    def _(t):
        c = sid + 16 * t

        @pl.when(c < NZBLK - 1)
        def _():
            pltpu.make_async_copy(
                acc.at[pl.ds(0, CHUNK)], out_hbm.at[cid, pl.ds(0, CHUNK)],
                zsem).wait()

        @pl.when(c == NZBLK - 1)
        def _():
            pltpu.make_async_copy(
                acc.at[pl.ds(0, ZREM)], out_hbm.at[cid, pl.ds(0, ZREM)],
                zsem).wait()


def _sc_spmm(dense, cols, rows, vals):
    mesh = plsc.VectorSubcoreMesh(core_axis_name="c", subcore_axis_name="s")
    cp = pltpu.CompilerParams()
    if "needs_layout_passes" in pltpu.CompilerParams.__dataclass_fields__:
        cp = dataclasses.replace(cp, needs_layout_passes=False)
    if "use_tc_tiling_on_sc" in pltpu.CompilerParams.__dataclass_fields__:
        cp = dataclasses.replace(cp, use_tc_tiling_on_sc=False)
    k = pl.kernel(
        _sc_spmm_body,
        out_type=jax.ShapeDtypeStruct((2, N, D), jnp.float32),
        mesh=mesh,
        compiler_params=cp,
        scratch_types=[
            pltpu.VMEM_SHARED((N, D), jnp.float32),
            pltpu.VMEM((NMETA, 1, CHUNK), jnp.int32),
            pltpu.VMEM((NMETA, 1, CHUNK), jnp.int32),
            pltpu.VMEM((NMETA, 1, CHUNK), jnp.float32),
            pltpu.VMEM((2, CHUNK, D // 2), jnp.int32),
            pltpu.VMEM((2, CHUNK, D), jnp.float32),
            pltpu.SemaphoreType.DMA((2,)),
            pltpu.SemaphoreType.DMA((2,)),
            pltpu.SemaphoreType.DMA((NMETA,)),
            pltpu.SemaphoreType.DMA,
        ],
    )
    return k(dense, cols, rows, vals)


def _edge_chunks(rows, cols, vals):
    return (rows.astype(jnp.int32).reshape(NCHUNKS, 1, CHUNK),
            cols.astype(jnp.int32).reshape(NCHUNKS, 1, CHUNK),
            vals.reshape(NCHUNKS, 1, CHUNK))


BM = 2000
NB = N // BM


def _msg_body(x_ref, w1_ref, b1_ref, w2_ref, b2_ref, o_ref):
    x = x_ref[...]
    h = jnp.maximum(
        jnp.dot(x, w1_ref[0], preferred_element_type=jnp.float32,
                precision=_PREC) + b1_ref[0], 0.0)
    y = jnp.maximum(
        jnp.dot(h, w2_ref[0], preferred_element_type=jnp.float32,
                precision=_PREC) + b2_ref[0], 0.0)
    bits = jax.lax.bitcast_convert_type(y, jnp.int32)
    bf = jax.lax.shift_right_logical(
        bits + 0x7FFF + (jax.lax.shift_right_logical(bits, 16) & 1), 16)
    o_ref[...] = bf[:, :D // 2] | jax.lax.shift_left(bf[:, D // 2:], 16)


def _msg_mlp(h, p_pos, p_neg):
    w1 = jnp.stack([p_pos["W1"], p_neg["W1"]])
    b1 = jnp.stack([p_pos["b1"], p_neg["b1"]])[:, None, :]
    w2 = jnp.stack([p_pos["W2"], p_neg["W2"]])
    b2 = jnp.stack([p_pos["b2"], p_neg["b2"]])[:, None, :]
    return pl.pallas_call(
        _msg_body,
        grid=(2, NB),
        in_specs=[
            pl.BlockSpec((BM, D), lambda p, j: (j, 0)),
            pl.BlockSpec((1, D, D), lambda p, j: (p, 0, 0)),
            pl.BlockSpec((1, 1, D), lambda p, j: (p, 0, 0)),
            pl.BlockSpec((1, D, D), lambda p, j: (p, 0, 0)),
            pl.BlockSpec((1, 1, D), lambda p, j: (p, 0, 0)),
        ],
        out_specs=pl.BlockSpec((BM, D // 2), lambda p, j: (p * NB + j, 0)),
        out_shape=jax.ShapeDtypeStruct((2 * N, D // 2), jnp.int32),
    )(h, w1, b1, w2, b2)


def _upd_body(h_ref, m0_ref, m1_ref, w1h_ref, w1m_ref, b1_ref,
              w2_ref, b2_ref, o_ref):
    m = m0_ref[0] + m1_ref[0]
    h1 = jnp.maximum(
        jnp.dot(h_ref[...], w1h_ref[...], preferred_element_type=jnp.float32,
                precision=_PREC)
        + jnp.dot(m, w1m_ref[...], preferred_element_type=jnp.float32,
                  precision=_PREC)
        + b1_ref[...], 0.0)
    o_ref[...] = jnp.maximum(
        jnp.dot(h1, w2_ref[...], preferred_element_type=jnp.float32,
                precision=_PREC) + b2_ref[...], 0.0)


def _upd_mlp(h, parts, p):
    w1h = p["W1"][:D]
    w1m = p["W1"][D:]
    return pl.pallas_call(
        _upd_body,
        grid=(NB,),
        in_specs=[
            pl.BlockSpec((BM, D), lambda j: (j, 0)),
            pl.BlockSpec((1, BM, D), lambda j: (0, j, 0)),
            pl.BlockSpec((1, BM, D), lambda j: (1, j, 0)),
            pl.BlockSpec((D, D), lambda j: (0, 0)),
            pl.BlockSpec((D, D), lambda j: (0, 0)),
            pl.BlockSpec((1, D), lambda j: (0, 0)),
            pl.BlockSpec((D, D), lambda j: (0, 0)),
            pl.BlockSpec((1, D), lambda j: (0, 0)),
        ],
        out_specs=pl.BlockSpec((BM, D), lambda j: (j, 0)),
        out_shape=jax.ShapeDtypeStruct((N, D), jnp.float32),
    )(h, parts, parts, w1h, w1m, p["b1"][None, :], p["W2"], p["b2"][None, :])


def kernel(hv, hc, vadj_rows, vadj_cols, vadj_values,
           cadj_rows, cadj_cols, cadj_values, params):
    cat_c = _msg_mlp(hc, params["fmv_pos"], params["fmv_neg"])
    vrows, vcols, vvals = _edge_chunks(vadj_rows, vadj_cols, vadj_values)
    mv_parts = _sc_spmm(cat_c, vcols, vrows, vvals)

    cat_v = _msg_mlp(hv, params["fmc_pos"], params["fmc_neg"])
    crows, ccols, cvals = _edge_chunks(cadj_rows, cadj_cols, cadj_values)
    mc_parts = _sc_spmm(cat_v, ccols, crows, cvals)

    hv_out = _upd_mlp(hv, mv_parts, params["fuv"])
    hc_out = _upd_mlp(hc, mc_parts, params["fuc"])
    return (hv_out, hc_out)

# --- scband reference (transcript-rebuilt; emitter-appended) ---
"""Pipeline reference for scband-graph-conv-15590731285087 (READ-ONLY COPY).

The authoritative reference and input builder live on the scoring server;
editing this copy changes nothing except your own understanding.
"""

import jax, jax.numpy as jnp
import numpy as np

NV = 10000
NC = 10000
EV = 320000
EC = 320000
D = 128


def _mlp_params(key, din, dout):
    k1, k2, k3, k4 = jax.random.split(key, 4)
    s1 = 1.0 / np.sqrt(din)
    s2 = 1.0 / np.sqrt(dout)
    return {
        'W1': jax.random.uniform(k1, (din, dout), minval=-s1, maxval=s1, dtype=jnp.float32),
        'b1': jax.random.uniform(k2, (dout,), minval=-s1, maxval=s1, dtype=jnp.float32),
        'W2': jax.random.uniform(k3, (dout, dout), minval=-s2, maxval=s2, dtype=jnp.float32),
        'b2': jax.random.uniform(k4, (dout,), minval=-s2, maxval=s2, dtype=jnp.float32),
    }


def _mlp(p, x):
    h = jax.nn.relu(x @ p['W1'] + p['b1'])
    return jax.nn.relu(h @ p['W2'] + p['b2'])


def _spmm(rows, cols, vals, dense, n_rows):
    # sparse [n_rows, n_cols] @ dense [n_cols, d] via gather + segment-sum scatter-add
    gathered = vals[:, None] * jnp.take(dense, cols, axis=0)
    return jax.ops.segment_sum(gathered, rows, num_segments=n_rows)


def setup_inputs(seed: int = 0):
    key = jax.random.key(seed)
    ks = jax.random.split(key, 14)
    hv = jax.random.normal(ks[0], (NV, D), dtype=jnp.float32)
    hc = jax.random.normal(ks[1], (NC, D), dtype=jnp.float32)
    vadj_rows = jax.random.randint(ks[2], (EV,), 0, NV)
    vadj_cols = jax.random.randint(ks[3], (EV,), 0, 2 * NC)
    vadj_values = jax.random.uniform(ks[4], (EV,), dtype=jnp.float32)
    cadj_rows = jax.random.randint(ks[5], (EC,), 0, NC)
    cadj_cols = jax.random.randint(ks[6], (EC,), 0, 2 * NV)
    cadj_values = jax.random.uniform(ks[7], (EC,), dtype=jnp.float32)
    params = {
        'fmv_pos': _mlp_params(ks[8], D, D),
        'fmc_pos': _mlp_params(ks[9], D, D),
        'fmv_neg': _mlp_params(ks[10], D, D),
        'fmc_neg': _mlp_params(ks[11], D, D),
        'fuv': _mlp_params(ks[12], 2 * D, D),
        'fuc': _mlp_params(ks[13], 2 * D, D),
    }
    return {
        'hv': hv, 'hc': hc,
        'vadj_rows': vadj_rows, 'vadj_cols': vadj_cols, 'vadj_values': vadj_values,
        'cadj_rows': cadj_rows, 'cadj_cols': cadj_cols, 'cadj_values': cadj_values,
        'params': params,
    }


def reference(hv, hc, vadj_rows, vadj_cols, vadj_values, cadj_rows, cadj_cols, cadj_values, params):
    # message
    cat_c = jnp.concatenate([_mlp(params['fmv_pos'], hc), _mlp(params['fmv_neg'], hc)], axis=0)
    mv = _spmm(vadj_rows, vadj_cols, vadj_values, cat_c, NV)
    cat_v = jnp.concatenate([_mlp(params['fmc_pos'], hv), _mlp(params['fmc_neg'], hv)], axis=0)
    mc = _spmm(cadj_rows, cadj_cols, cadj_values, cat_v, NC)
    # update
    hv_out = _mlp(params['fuv'], jnp.concatenate([hv, mv], axis=1))
    hc_out = _mlp(params['fuc'], jnp.concatenate([hc, mc], axis=1))
    return (hv_out, hc_out)

if __name__ == "__main__":
    import jax
    _d = setup_inputs()
    print(jax.jit(kernel)(*tuple(_d.values())))

</pallas_src>

<mosaic_0001>
#map = affine_map<(d0, d1) -> (0, 0)>
#map1 = affine_map<(d0, d1) -> (0, 0, 0)>
module attributes {stable_mosaic.version = 14 : i64} {
  func.func @_sc_spmm_body(%arg0: i32, %arg1: i32, %arg2: memref<20000x64xi32, #tpu.memory_space<hbm>>, %arg3: memref<2500x1x128xi32, #tpu.memory_space<hbm>>, %arg4: memref<2500x1x128xi32, #tpu.memory_space<hbm>>, %arg5: memref<2500x1x128xf32, #tpu.memory_space<hbm>>, %arg6: memref<2x10000x128xf32, #tpu.memory_space<hbm>>, %arg7: memref<10000x128xf32, #tpu.memory_space<vmem_shared>>, %arg8: memref<4x1x128xi32, #tpu.memory_space<vmem>>, %arg9: memref<4x1x128xi32, #tpu.memory_space<vmem>>, %arg10: memref<4x1x128xf32, #tpu.memory_space<vmem>>, %arg11: memref<2x128x64xi32, #tpu.memory_space<vmem>>, %arg12: memref<2x128x128xf32, #tpu.memory_space<vmem>>, %arg13: memref<2x!tpu.dma_semaphore, #tpu.memory_space<semaphore_mem>>, %arg14: memref<2x!tpu.dma_semaphore, #tpu.memory_space<semaphore_mem>>, %arg15: memref<4x!tpu.dma_semaphore, #tpu.memory_space<semaphore_mem>>, %arg16: memref<!tpu.dma_semaphore, #tpu.memory_space<semaphore_mem>>) attributes {dimension_semantics = [#tpu.dimension_semantics<core_parallel>, #tpu.dimension_semantics<subcore_parallel>], iteration_bounds = array<i64: 2, 16>, scalar_prefetch = 0 : i64, scratch_operands = 10 : i64, tpu.core_type = #tpu.core_type<sc_vector_subcore>, window_params = [{transform_indices = #map}, {transform_indices = #map1}, {transform_indices = #map1}, {transform_indices = #map1}, {transform_indices = #map1}]} {
    %mul3A = arith.constant 2 : i32
    %mul3A_0 = arith.muli %arg1, %mul3A : i32
    %add3A = arith.addi %mul3A_0, %arg0 : i32
    %scan3A = arith.constant 0 : i32
    %scan3A_1 = arith.constant 128 : i32
    %scan3A_2 = arith.addi %scan3A, %scan3A_1 : i32
    %scan3A_3 = arith.constant 1 : i32
    scf.for %scan3A_341 = %scan3A to %scan3A_2 step %scan3A_3  : i32 {
      %mul3A_342 = arith.constant 1 : i32
      %mul3A_343 = arith.muli %scan3A_341, %mul3A_342 : i32
      %add3A_344 = arith.constant 0 : i32
      %add3A_345 = arith.addi %add3A_344, %mul3A_343 : i32
      %broadcast_in_dim3A = arith.constant 0.000000e+00 : f32
      %broadcast_in_dim3A_346 = vector.broadcast %broadcast_in_dim3A : f32 to vector<16xf32>
      %swap3A = arith.constant 0 : i32
      %swap3A_347 = arith.index_cast %swap3A : i32 to index
      %swap3A_348 = arith.index_cast %add3A_345 : i32 to index
      %swap3A_349 = arith.constant 0 : index
      %swap3A_350 = tpu.vector_load %arg12[%swap3A_347, %swap3A_348, %swap3A_349] {strides = array<i32>} : memref<2x128x128xf32, #tpu.memory_space<vmem>>, vector<16xf32>,
      tpu.vector_store %arg12[%swap3A_347, %swap3A_348, %swap3A_349], %broadcast_in_dim3A_346 {strides = array<i32>} : memref<2x128x128xf32, #tpu.memory_space<vmem>>, vector<16xf32>,
      %broadcast_in_dim3A_351 = arith.constant 0.000000e+00 : f32
      %broadcast_in_dim3A_352 = vector.broadcast %broadcast_in_dim3A_351 : f32 to vector<16xf32>
      %swap3A_353 = arith.constant 0 : i32
      %swap3A_354 = arith.index_cast %swap3A_353 : i32 to index
      %swap3A_355 = arith.index_cast %add3A_345 : i32 to index
      %swap3A_356 = arith.constant 16 : index
      %swap3A_357 = tpu.vector_load %arg12[%swap3A_354, %swap3A_355, %swap3A_356] {strides = array<i32>} : memref<2x128x128xf32, #tpu.memory_space<vmem>>, vector<16xf32>,
      tpu.vector_store %arg12[%swap3A_354, %swap3A_355, %swap3A_356], %broadcast_in_dim3A_352 {strides = array<i32>} : memref<2x128x128xf32, #tpu.memory_space<vmem>>, vector<16xf32>,
      %broadcast_in_dim3A_358 = arith.constant 0.000000e+00 : f32
      %broadcast_in_dim3A_359 = vector.broadcast %broadcast_in_dim3A_358 : f32 to vector<16xf32>
      %swap3A_360 = arith.constant 0 : i32
      %swap3A_361 = arith.index_cast %swap3A_360 : i32 to index
      %swap3A_362 = arith.index_cast %add3A_345 : i32 to index
      %swap3A_363 = arith.constant 32 : index
      %swap3A_364 = tpu.vector_load %arg12[%swap3A_361, %swap3A_362, %swap3A_363] {strides = array<i32>} : memref<2x128x128xf32, #tpu.memory_space<vmem>>, vector<16xf32>,
      tpu.vector_store %arg12[%swap3A_361, %swap3A_362, %swap3A_363], %broadcast_in_dim3A_359 {strides = array<i32>} : memref<2x128x128xf32, #tpu.memory_space<vmem>>, vector<16xf32>,
      %broadcast_in_dim3A_365 = arith.constant 0.000000e+00 : f32
      %broadcast_in_dim3A_366 = vector.broadcast %broadcast_in_dim3A_365 : f32 to vector<16xf32>
      %swap3A_367 = arith.constant 0 : i32
      %swap3A_368 = arith.index_cast %swap3A_367 : i32 to index
      %swap3A_369 = arith.index_cast %add3A_345 : i32 to index
      %swap3A_370 = arith.constant 48 : index
      %swap3A_371 = tpu.vector_load %arg12[%swap3A_368, %swap3A_369, %swap3A_370] {strides = array<i32>} : memref<2x128x128xf32, #tpu.memory_space<vmem>>, vector<16xf32>,
      tpu.vector_store %arg12[%swap3A_368, %swap3A_369, %swap3A_370], %broadcast_in_dim3A_366 {strides = array<i32>} : memref<2x128x128xf32, #tpu.memory_space<vmem>>, vector<16xf32>,
      %broadcast_in_dim3A_372 = arith.constant 0.000000e+00 : f32
      %broadcast_in_dim3A_373 = vector.broadcast %broadcast_in_dim3A_372 : f32 to vector<16xf32>
      %swap3A_374 = arith.constant 0 : i32
      %swap3A_375 = arith.index_cast %swap3A_374 : i32 to index
      %swap3A_376 = arith.index_cast %add3A_345 : i32 to index
      %swap3A_377 = arith.constant 64 : index
      %swap3A_378 = tpu.vector_load %arg12[%swap3A_375, %swap3A_376, %swap3A_377] {strides = array<i32>} : memref<2x128x128xf32, #tpu.memory_space<vmem>>, vector<16xf32>,
      tpu.vector_store %arg12[%swap3A_375, %swap3A_376, %swap3A_377], %broadcast_in_dim3A_373 {strides = array<i32>} : memref<2x128x128xf32, #tpu.memory_space<vmem>>, vector<16xf32>,
      %broadcast_in_dim3A_379 = arith.constant 0.000000e+00 : f32
      %broadcast_in_dim3A_380 = vector.broadcast %broadcast_in_dim3A_379 : f32 to vector<16xf32>
      %swap3A_381 = arith.constant 0 : i32
      %swap3A_382 = arith.index_cast %swap3A_381 : i32 to index
      %swap3A_383 = arith.index_cast %add3A_345 : i32 to index
      %swap3A_384 = arith.constant 80 : index
      %swap3A_385 = tpu.vector_load %arg12[%swap3A_382, %swap3A_383, %swap3A_384] {strides = array<i32>} : memref<2x128x128xf32, #tpu.memory_space<vmem>>, vector<16xf32>,
      tpu.vector_store %arg12[%swap3A_382, %swap3A_383, %swap3A_384], %broadcast_in_dim3A_380 {strides = array<i32>} : memref<2x128x128xf32, #tpu.memory_space<vmem>>, vector<16xf32>,
      %broadcast_in_dim3A_386 = arith.constant 0.000000e+00 : f32
      %broadcast_in_dim3A_387 = vector.broadcast %broadcast_in_dim3A_386 : f32 to vector<16xf32>
      %swap3A_388 = arith.constant 0 : i32
      %swap3A_389 = arith.index_cast %swap3A_388 : i32 to index
      %swap3A_390 = arith.index_cast %add3A_345 : i32 to index
      %swap3A_391 = arith.constant 96 : index
      %swap3A_392 = tpu.vector_load %arg12[%swap3A_389, %swap3A_390, %swap3A_391] {strides = array<i32>} : memref<2x128x128xf32, #tpu.memory_space<vmem>>, vector<16xf32>,
      tpu.vector_store %arg12[%swap3A_389, %swap3A_390, %swap3A_391], %broadcast_in_dim3A_387 {strides = array<i32>} : memref<2x128x128xf32, #tpu.memory_space<vmem>>, vector<16xf32>,
      %broadcast_in_dim3A_393 = arith.constant 0.000000e+00 : f32
      %broadcast_in_dim3A_394 = vector.broadcast %broadcast_in_dim3A_393 : f32 to vector<16xf32>
      %swap3A_395 = arith.constant 0 : i32
      %swap3A_396 = arith.index_cast %swap3A_395 : i32 to index
      %swap3A_397 = arith.index_cast %add3A_345 : i32 to index
      %swap3A_398 = arith.constant 112 : index
      %swap3A_399 = tpu.vector_load %arg12[%swap3A_396, %swap3A_397, %swap3A_398] {strides = array<i32>} : memref<2x128x128xf32, #tpu.memory_space<vmem>>, vector<16xf32>,
      tpu.vector_store %arg12[%swap3A_396, %swap3A_397, %swap3A_398], %broadcast_in_dim3A_394 {strides = array<i32>} : memref<2x128x128xf32, #tpu.memory_space<vmem>>, vector<16xf32>,
    }
    %scan3A_4 = arith.constant 128 : i32
    %sub3A = arith.constant 79 : i32
    %sub3A_5 = arith.subi %sub3A, %arg1 : i32
    %add3A_6 = arith.constant 15 : i32
    %add3A_7 = arith.addi %sub3A_5, %add3A_6 : i32
    %jit3A = arith.constant 16 : i32
    %div3A = arith.divsi %add3A_7, %jit3A : i32
    %sign3A = arith.constant 0 : i32
    %sign3A_8 = arith.cmpi sgt, %add3A_7, %sign3A : i32
    %sign3A_9 = arith.extui %sign3A_8 : i1 to i32
    %sign3A_10 = arith.constant 0 : i32
    %sign3A_11 = arith.cmpi slt, %add3A_7, %sign3A_10 : i32
    %sign3A_12 = arith.extui %sign3A_11 : i1 to i32
    %sign3A_13 = arith.subi %sign3A_9, %sign3A_12 : i32
    %sign3A_14 = arith.constant 0 : i32
    %sign3A_15 = arith.cmpi sgt, %jit3A, %sign3A_14 : i32
    %sign3A_16 = arith.extui %sign3A_15 : i1 to i32
    %sign3A_17 = arith.constant 0 : i32
    %sign3A_18 = arith.cmpi slt, %jit3A, %sign3A_17 : i32
    %sign3A_19 = arith.extui %sign3A_18 : i1 to i32
    %sign3A_20 = arith.subi %sign3A_16, %sign3A_19 : i32
    %ne3A = arith.cmpi ne, %sign3A_13, %sign3A_20 : i32
    %rem3A = arith.remsi %add3A_7, %jit3A : i32
    %ne3A_21 = arith.constant 0 : i32
    %ne3A_22 = arith.cmpi ne, %rem3A, %ne3A_21 : i32
    %and3A = arith.andi %ne3A, %ne3A_22 : i1
    %sub3A_23 = arith.constant 1 : i32
    %sub3A_24 = arith.subi %div3A, %sub3A_23 : i32
    %select_n3A = arith.select %and3A, %sub3A_24, %div3A : i32
    %sub3A_25 = arith.constant 0 : i32
    %sub3A_26 = arith.subi %select_n3A, %sub3A_25 : i32
    %sub3A_27 = arith.constant 1 : i32
    %sub3A_28 = arith.constant 1 : i32
    %sub3A_29 = arith.subi %sub3A_27, %sub3A_28 : i32
    %add3A_30 = arith.addi %sub3A_26, %sub3A_29 : i32
    %div3A_31 = arith.constant 1 : i32
    %div3A_32 = arith.divsi %add3A_30, %div3A_31 : i32
    %while3A = arith.constant 1 : i32
    %while3A_33 = arith.constant 0 : i32
    %while3A_34 = arith.constant 0 : i32
    %while3A_35 = arith.subi %div3A_32, %while3A_34 : i32
    %while3A_36 = arith.addi %while3A_34, %while3A_35 : i32
    %while3A_37 = arith.constant 1 : i32
    %while3A_38 = arith.divsi %while3A_35, %while3A_37 : i32
    %while3A_39 = arith.muli %while3A_38, %while3A_37 : i32
    %while3A_40 = arith.addi %while3A_34, %while3A_39 : i32
    %while3A_41 = arith.constant 1 : i32
    scf.for %while3A_341 = %while3A_34 to %while3A_40 step %while3A_41  : i32 {
      %mul3A_342 = arith.muli %while3A_341, %while3A : i32
      %add3A_343 = arith.addi %while3A_33, %mul3A_342 : i32
      %mul3A_344 = arith.constant 16 : i32
      %mul3A_345 = arith.muli %mul3A_344, %add3A_343 : i32
      %add3A_346 = arith.addi %arg1, %mul3A_345 : i32
      %lt3A_347 = arith.constant 78 : i32
      %lt3A_348 = arith.cmpi slt, %add3A_346, %lt3A_347 : i32
      %convert_element_type3A_349 = arith.extui %lt3A_348 : i1 to i32
      %cond3A = arith.constant 0 : i32
      %cond3A_350 = arith.cmpi ne, %convert_element_type3A_349, %cond3A : i32
      scf.if %cond3A_350 {
        %mul3A_355 = arith.constant 128 : i32
        %mul3A_356 = arith.muli %add3A_346, %mul3A_355 : i32
        %dma_start3A_357 = arith.constant 0 : i32
        %dma_start3A_358 = arith.constant 0 : i32
        %dma_start3A_359 = arith.constant 0 : i32
        %dma_start3A_360 = tpu.memref_slice %arg12[%dma_start3A_357, %dma_start3A_358, %dma_start3A_359] : memref<2x128x128xf32, #tpu.memory_space<vmem>> -> memref<1x128x128xf32, #tpu.memory_space<vmem>>
        %dma_start3A_361 = tpu.memref_squeeze %dma_start3A_360 : memref<1x128x128xf32, #tpu.memory_space<vmem>> -> memref<128x128xf32, #tpu.memory_space<vmem>>
        %dma_start3A_362 = arith.constant 0 : i32
        %dma_start3A_363 = tpu.memref_slice %arg7[%mul3A_356, %dma_start3A_362] : memref<10000x128xf32, #tpu.memory_space<vmem_shared>> -> memref<128x128xf32, #tpu.memory_space<vmem_shared>>
        %dma_start3A_364 = arith.constant 0 : i32
        %dma_start3A_365 = tpu.memref_slice %arg7[%mul3A_356, %dma_start3A_364] : memref<10000x128xf32, #tpu.memory_space<vmem_shared>> -> memref<128x128xf32, #tpu.memory_space<vmem_shared>>
        %dma_start3A_366 = arith.constant 0 : i32
        %dma_start3A_367 = arith.constant 0 : i32
        %dma_start3A_368 = tpu.memref_slice %arg12[%dma_start3A_357, %dma_start3A_366, %dma_start3A_367] : memref<2x128x128xf32, #tpu.memory_space<vmem>> -> memref<1x128x128xf32, #tpu.memory_space<vmem>>
        %dma_start3A_369 = tpu.memref_squeeze %dma_start3A_368 : memref<1x128x128xf32, #tpu.memory_space<vmem>> -> memref<128x128xf32, #tpu.memory_space<vmem>>
        tpu.enqueue_dma source(%dma_start3A_369 : memref<128x128xf32, #tpu.memory_space<vmem>>) target(%dma_start3A_365 : memref<128x128xf32, #tpu.memory_space<vmem_shared>>) target_semaphore(%arg16 : memref<!tpu.dma_semaphore, #tpu.memory_space<semaphore_mem>>)
      } else {
      }
      %eq3A = arith.constant 78 : i32
      %eq3A_351 = arith.cmpi eq, %add3A_346, %eq3A : i32
      %convert_element_type3A_352 = arith.extui %eq3A_351 : i1 to i32
      %cond3A_353 = arith.constant 0 : i32
      %cond3A_354 = arith.cmpi ne, %convert_element_type3A_352, %cond3A_353 : i32
      scf.if %cond3A_354 {
        %dma_start3A_355 = arith.constant 0 : i32
        %dma_start3A_356 = arith.constant 0 : i32
        %dma_start3A_357 = arith.constant 0 : i32
        %dma_start3A_358 = tpu.memref_slice %arg12[%dma_start3A_355, %dma_start3A_356, %dma_start3A_357] : memref<2x128x128xf32, #tpu.memory_space<vmem>> -> memref<1x16x128xf32, #tpu.memory_space<vmem>>
        %dma_start3A_359 = tpu.memref_squeeze %dma_start3A_358 : memref<1x16x128xf32, #tpu.memory_space<vmem>> -> memref<16x128xf32, #tpu.memory_space<vmem>>
        %dma_start3A_360 = arith.constant 9984 : i32
        %dma_start3A_361 = arith.constant 0 : i32
        %dma_start3A_362 = tpu.memref_slice %arg7[%dma_start3A_360, %dma_start3A_361] : memref<10000x128xf32, #tpu.memory_space<vmem_shared>> -> memref<16x128xf32, #tpu.memory_space<vmem_shared>>
        %dma_start3A_363 = arith.constant 9984 : i32
        %dma_start3A_364 = arith.constant 0 : i32
        %dma_start3A_365 = tpu.memref_slice %arg7[%dma_start3A_363, %dma_start3A_364] : memref<10000x128xf32, #tpu.memory_space<vmem_shared>> -> memref<16x128xf32, #tpu.memory_space<vmem_shared>>
        %dma_start3A_366 = arith.constant 0 : i32
        %dma_start3A_367 = arith.constant 0 : i32
        %dma_start3A_368 = tpu.memref_slice %arg12[%dma_start3A_355, %dma_start3A_366, %dma_start3A_367] : memref<2x128x128xf32, #tpu.memory_space<vmem>> -> memref<1x16x128xf32, #tpu.memory_space<vmem>>
        %dma_start3A_369 = tpu.memref_squeeze %dma_start3A_368 : memref<1x16x128xf32, #tpu.memory_space<vmem>> -> memref<16x128xf32, #tpu.memory_space<vmem>>
        tpu.enqueue_dma source(%dma_start3A_369 : memref<16x128xf32, #tpu.memory_space<vmem>>) target(%dma_start3A_365 : memref<16x128xf32, #tpu.memory_space<vmem_shared>>) target_semaphore(%arg16 : memref<!tpu.dma_semaphore, #tpu.memory_space<semaphore_mem>>)
      } else {
      }
    }
    %while3A_42 = arith.constant 1 : i32
    scf.for %while3A_341 = %while3A_40 to %while3A_36 step %while3A_42  : i32 {
      %mul3A_342 = arith.muli %while3A_341, %while3A : i32
      %add3A_343 = arith.addi %while3A_33, %mul3A_342 : i32
      %mul3A_344 = arith.constant 16 : i32
      %mul3A_345 = arith.muli %mul3A_344, %add3A_343 : i32
      %add3A_346 = arith.addi %arg1, %mul3A_345 : i32
      %lt3A_347 = arith.constant 78 : i32
      %lt3A_348 = arith.cmpi slt, %add3A_346, %lt3A_347 : i32
      %convert_element_type3A_349 = arith.extui %lt3A_348 : i1 to i32
      %cond3A = arith.constant 0 : i32
      %cond3A_350 = arith.cmpi ne, %convert_element_type3A_349, %cond3A : i32
      scf.if %cond3A_350 {
        %mul3A_355 = arith.constant 128 : i32
        %mul3A_356 = arith.muli %add3A_346, %mul3A_355 : i32
        %dma_start3A_357 = arith.constant 0 : i32
        %dma_start3A_358 = arith.constant 0 : i32
        %dma_start3A_359 = arith.constant 0 : i32
        %dma_start3A_360 = tpu.memref_slice %arg12[%dma_start3A_357, %dma_start3A_358, %dma_start3A_359] : memref<2x128x128xf32, #tpu.memory_space<vmem>> -> memref<1x128x128xf32, #tpu.memory_space<vmem>>
        %dma_start3A_361 = tpu.memref_squeeze %dma_start3A_360 : memref<1x128x128xf32, #tpu.memory_space<vmem>> -> memref<128x128xf32, #tpu.memory_space<vmem>>
        %dma_start3A_362 = arith.constant 0 : i32
        %dma_start3A_363 = tpu.memref_slice %arg7[%mul3A_356, %dma_start3A_362] : memref<10000x128xf32, #tpu.memory_space<vmem_shared>> -> memref<128x128xf32, #tpu.memory_space<vmem_shared>>
        %dma_start3A_364 = arith.constant 0 : i32
        %dma_start3A_365 = tpu.memref_slice %arg7[%mul3A_356, %dma_start3A_364] : memref<10000x128xf32, #tpu.memory_space<vmem_shared>> -> memref<128x128xf32, #tpu.memory_space<vmem_shared>>
        %dma_start3A_366 = arith.constant 0 : i32
        %dma_start3A_367 = arith.constant 0 : i32
        %dma_start3A_368 = tpu.memref_slice %arg12[%dma_start3A_357, %dma_start3A_366, %dma_start3A_367] : memref<2x128x128xf32, #tpu.memory_space<vmem>> -> memref<1x128x128xf32, #tpu.memory_space<vmem>>
        %dma_start3A_369 = tpu.memref_squeeze %dma_start3A_368 : memref<1x128x128xf32, #tpu.memory_space<vmem>> -> memref<128x128xf32, #tpu.memory_space<vmem>>
        tpu.enqueue_dma source(%dma_start3A_369 : memref<128x128xf32, #tpu.memory_space<vmem>>) target(%dma_start3A_365 : memref<128x128xf32, #tpu.memory_space<vmem_shared>>) target_semaphore(%arg16 : memref<!tpu.dma_semaphore, #tpu.memory_space<semaphore_mem>>)
      } else {
      }
      %eq3A = arith.constant 78 : i32
      %eq3A_351 = arith.cmpi eq, %add3A_346, %eq3A : i32
      %convert_element_type3A_352 = arith.extui %eq3A_351 : i1 to i32
      %cond3A_353 = arith.constant 0 : i32
      %cond3A_354 = arith.cmpi ne, %convert_element_type3A_352, %cond3A_353 : i32
      scf.if %cond3A_354 {
        %dma_start3A_355 = arith.constant 0 : i32
        %dma_start3A_356 = arith.constant 0 : i32
        %dma_start3A_357 = arith.constant 0 : i32
        %dma_start3A_358 = tpu.memref_slice %arg12[%dma_start3A_355, %dma_start3A_356, %dma_start3A_357] : memref<2x128x128xf32, #tpu.memory_space<vmem>> -> memref<1x16x128xf32, #tpu.memory_space<vmem>>
        %dma_start3A_359 = tpu.memref_squeeze %dma_start3A_358 : memref<1x16x128xf32, #tpu.memory_space<vmem>> -> memref<16x128xf32, #tpu.memory_space<vmem>>
        %dma_start3A_360 = arith.constant 9984 : i32
        %dma_start3A_361 = arith.constant 0 : i32
        %dma_start3A_362 = tpu.memref_slice %arg7[%dma_start3A_360, %dma_start3A_361] : memref<10000x128xf32, #tpu.memory_space<vmem_shared>> -> memref<16x128xf32, #tpu.memory_space<vmem_shared>>
        %dma_start3A_363 = arith.constant 9984 : i32
        %dma_start3A_364 = arith.constant 0 : i32
        %dma_start3A_365 = tpu.memref_slice %arg7[%dma_start3A_363, %dma_start3A_364] : memref<10000x128xf32, #tpu.memory_space<vmem_shared>> -> memref<16x128xf32, #tpu.memory_space<vmem_shared>>
        %dma_start3A_366 = arith.constant 0 : i32
        %dma_start3A_367 = arith.constant 0 : i32
        %dma_start3A_368 = tpu.memref_slice %arg12[%dma_start3A_355, %dma_start3A_366, %dma_start3A_367] : memref<2x128x128xf32, #tpu.memory_space<vmem>> -> memref<1x16x128xf32, #tpu.memory_space<vmem>>
        %dma_start3A_369 = tpu.memref_squeeze %dma_start3A_368 : memref<1x16x128xf32, #tpu.memory_space<vmem>> -> memref<16x128xf32, #tpu.memory_space<vmem>>
        tpu.enqueue_dma source(%dma_start3A_369 : memref<16x128xf32, #tpu.memory_space<vmem>>) target(%dma_start3A_365 : memref<16x128xf32, #tpu.memory_space<vmem_shared>>) target_semaphore(%arg16 : memref<!tpu.dma_semaphore, #tpu.memory_space<semaphore_mem>>)
      } else {
      }
    }
    %sub3A_43 = arith.constant 0 : i32
    %sub3A_44 = arith.subi %select_n3A, %sub3A_43 : i32
    %sub3A_45 = arith.constant 1 : i32
    %sub3A_46 = arith.constant 1 : i32
    %sub3A_47 = arith.subi %sub3A_45, %sub3A_46 : i32
    %add3A_48 = arith.addi %sub3A_44, %sub3A_47 : i32
    %div3A_49 = arith.constant 1 : i32
    %div3A_50 = arith.divsi %add3A_48, %div3A_49 : i32
    %while3A_51 = arith.constant 1 : i32
    %while3A_52 = arith.constant 0 : i32
    %while3A_53 = arith.constant 0 : i32
    %while3A_54 = arith.subi %div3A_50, %while3A_53 : i32
    %while3A_55 = arith.addi %while3A_53, %while3A_54 : i32
    %while3A_56 = arith.constant 1 : i32
    %while3A_57 = arith.divsi %while3A_54, %while3A_56 : i32
    %while3A_58 = arith.muli %while3A_57, %while3A_56 : i32
    %while3A_59 = arith.addi %while3A_53, %while3A_58 : i32
    %while3A_60 = arith.constant 1 : i32
    scf.for %while3A_341 = %while3A_53 to %while3A_59 step %while3A_60  : i32 {
      %mul3A_342 = arith.muli %while3A_341, %while3A_51 : i32
      %add3A_343 = arith.addi %while3A_52, %mul3A_342 : i32
      %mul3A_344 = arith.constant 16 : i32
      %mul3A_345 = arith.muli %mul3A_344, %add3A_343 : i32
      %add3A_346 = arith.addi %arg1, %mul3A_345 : i32
      %lt3A_347 = arith.constant 78 : i32
      %lt3A_348 = arith.cmpi slt, %add3A_346, %lt3A_347 : i32
      %convert_element_type3A_349 = arith.extui %lt3A_348 : i1 to i32
      %cond3A = arith.constant 0 : i32
      %cond3A_350 = arith.cmpi ne, %convert_element_type3A_349, %cond3A : i32
      scf.if %cond3A_350 {
        %dma_wait3A_355 = arith.constant 0 : i32
        %dma_wait3A_356 = arith.constant 0 : i32
        %dma_wait3A_357 = arith.constant 0 : i32
        %dma_wait3A_358 = tpu.memref_slice %arg12[%dma_wait3A_355, %dma_wait3A_356, %dma_wait3A_357] : memref<2x128x128xf32, #tpu.memory_space<vmem>> -> memref<1x128x128xf32, #tpu.memory_space<vmem>>
        %dma_wait3A_359 = tpu.memref_squeeze %dma_wait3A_358 : memref<1x128x128xf32, #tpu.memory_space<vmem>> -> memref<128x128xf32, #tpu.memory_space<vmem>>
        %dma_wait3A_360 = arith.constant 0 : i32
        %dma_wait3A_361 = arith.constant 0 : i32
        %dma_wait3A_362 = tpu.memref_slice %arg7[%dma_wait3A_360, %dma_wait3A_361] : memref<10000x128xf32, #tpu.memory_space<vmem_shared>> -> memref<128x128xf32, #tpu.memory_space<vmem_shared>>
        %dma_wait3A_363 = arith.constant 0 : i32
        %dma_wait3A_364 = arith.constant 0 : i32
        %dma_wait3A_365 = tpu.memref_slice %arg7[%dma_wait3A_363, %dma_wait3A_364] : memref<10000x128xf32, #tpu.memory_space<vmem_shared>> -> memref<128x128xf32, #tpu.memory_space<vmem_shared>>
        %dma_wait3A_366 = arith.constant 0 : i32
        %dma_wait3A_367 = arith.constant 0 : i32
        %dma_wait3A_368 = tpu.memref_slice %arg12[%dma_wait3A_355, %dma_wait3A_366, %dma_wait3A_367] : memref<2x128x128xf32, #tpu.memory_space<vmem>> -> memref<1x128x128xf32, #tpu.memory_space<vmem>>
        %dma_wait3A_369 = tpu.memref_squeeze %dma_wait3A_368 : memref<1x128x128xf32, #tpu.memory_space<vmem>> -> memref<128x128xf32, #tpu.memory_space<vmem>>
        tpu.wait_dma2 semaphore(%arg16 : memref<!tpu.dma_semaphore, #tpu.memory_space<semaphore_mem>>) src(%dma_wait3A_369 : memref<128x128xf32, #tpu.memory_space<vmem>>) dst(%dma_wait3A_365 : memref<128x128xf32, #tpu.memory_space<vmem_shared>>)
      } else {
      }
      %eq3A = arith.constant 78 : i32
      %eq3A_351 = arith.cmpi eq, %add3A_346, %eq3A : i32
      %convert_element_type3A_352 = arith.extui %eq3A_351 : i1 to i32
      %cond3A_353 = arith.constant 0 : i32
      %cond3A_354 = arith.cmpi ne, %convert_element_type3A_352, %cond3A_353 : i32
      scf.if %cond3A_354 {
        %dma_wait3A_355 = arith.constant 0 : i32
        %dma_wait3A_356 = arith.constant 0 : i32
        %dma_wait3A_357 = arith.constant 0 : i32
        %dma_wait3A_358 = tpu.memref_slice %arg12[%dma_wait3A_355, %dma_wait3A_356, %dma_wait3A_357] : memref<2x128x128xf32, #tpu.memory_space<vmem>> -> memref<1x16x128xf32, #tpu.memory_space<vmem>>
        %dma_wait3A_359 = tpu.memref_squeeze %dma_wait3A_358 : memref<1x16x128xf32, #tpu.memory_space<vmem>> -> memref<16x128xf32, #tpu.memory_space<vmem>>
        %dma_wait3A_360 = arith.constant 0 : i32
        %dma_wait3A_361 = arith.constant 0 : i32
        %dma_wait3A_362 = tpu.memref_slice %arg7[%dma_wait3A_360, %dma_wait3A_361] : memref<10000x128xf32, #tpu.memory_space<vmem_shared>> -> memref<16x128xf32, #tpu.memory_space<vmem_shared>>
        %dma_wait3A_363 = arith.constant 0 : i32
        %dma_wait3A_364 = arith.constant 0 : i32
        %dma_wait3A_365 = tpu.memref_slice %arg7[%dma_wait3A_363, %dma_wait3A_364] : memref<10000x128xf32, #tpu.memory_space<vmem_shared>> -> memref<16x128xf32, #tpu.memory_space<vmem_shared>>
        %dma_wait3A_366 = arith.constant 0 : i32
        %dma_wait3A_367 = arith.constant 0 : i32
        %dma_wait3A_368 = tpu.memref_slice %arg12[%dma_wait3A_355, %dma_wait3A_366, %dma_wait3A_367] : memref<2x128x128xf32, #tpu.memory_space<vmem>> -> memref<1x16x128xf32, #tpu.memory_space<vmem>>
        %dma_wait3A_369 = tpu.memref_squeeze %dma_wait3A_368 : memref<1x16x128xf32, #tpu.memory_space<vmem>> -> memref<16x128xf32, #tpu.memory_space<vmem>>
        tpu.wait_dma2 semaphore(%arg16 : memref<!tpu.dma_semaphore, #tpu.memory_space<semaphore_mem>>) src(%dma_wait3A_369 : memref<16x128xf32, #tpu.memory_space<vmem>>) dst(%dma_wait3A_365 : memref<16x128xf32, #tpu.memory_space<vmem_shared>>)
      } else {
      }
    }
    %while3A_61 = arith.constant 1 : i32
    scf.for %while3A_341 = %while3A_59 to %while3A_55 step %while3A_61  : i32 {
      %mul3A_342 = arith.muli %while3A_341, %while3A_51 : i32
      %add3A_343 = arith.addi %while3A_52, %mul3A_342 : i32
      %mul3A_344 = arith.constant 16 : i32
      %mul3A_345 = arith.muli %mul3A_344, %add3A_343 : i32
      %add3A_346 = arith.addi %arg1, %mul3A_345 : i32
      %lt3A_347 = arith.constant 78 : i32
      %lt3A_348 = arith.cmpi slt, %add3A_346, %lt3A_347 : i32
      %convert_element_type3A_349 = arith.extui %lt3A_348 : i1 to i32
      %cond3A = arith.constant 0 : i32
      %cond3A_350 = arith.cmpi ne, %convert_element_type3A_349, %cond3A : i32
      scf.if %cond3A_350 {
        %dma_wait3A_355 = arith.constant 0 : i32
        %dma_wait3A_356 = arith.constant 0 : i32
        %dma_wait3A_357 = arith.constant 0 : i32
        %dma_wait3A_358 = tpu.memref_slice %arg12[%dma_wait3A_355, %dma_wait3A_356, %dma_wait3A_357] : memref<2x128x128xf32, #tpu.memory_space<vmem>> -> memref<1x128x128xf32, #tpu.memory_space<vmem>>
        %dma_wait3A_359 = tpu.memref_squeeze %dma_wait3A_358 : memref<1x128x128xf32, #tpu.memory_space<vmem>> -> memref<128x128xf32, #tpu.memory_space<vmem>>
        %dma_wait3A_360 = arith.constant 0 : i32
        %dma_wait3A_361 = arith.constant 0 : i32
        %dma_wait3A_362 = tpu.memref_slice %arg7[%dma_wait3A_360, %dma_wait3A_361] : memref<10000x128xf32, #tpu.memory_space<vmem_shared>> -> memref<128x128xf32, #tpu.memory_space<vmem_shared>>
        %dma_wait3A_363 = arith.constant 0 : i32
        %dma_wait3A_364 = arith.constant 0 : i32
        %dma_wait3A_365 = tpu.memref_slice %arg7[%dma_wait3A_363, %dma_wait3A_364] : memref<10000x128xf32, #tpu.memory_space<vmem_shared>> -> memref<128x128xf32, #tpu.memory_space<vmem_shared>>
        %dma_wait3A_366 = arith.constant 0 : i32
        %dma_wait3A_367 = arith.constant 0 : i32
        %dma_wait3A_368 = tpu.memref_slice %arg12[%dma_wait3A_355, %dma_wait3A_366, %dma_wait3A_367] : memref<2x128x128xf32, #tpu.memory_space<vmem>> -> memref<1x128x128xf32, #tpu.memory_space<vmem>>
        %dma_wait3A_369 = tpu.memref_squeeze %dma_wait3A_368 : memref<1x128x128xf32, #tpu.memory_space<vmem>> -> memref<128x128xf32, #tpu.memory_space<vmem>>
        tpu.wait_dma2 semaphore(%arg16 : memref<!tpu.dma_semaphore, #tpu.memory_space<semaphore_mem>>) src(%dma_wait3A_369 : memref<128x128xf32, #tpu.memory_space<vmem>>) dst(%dma_wait3A_365 : memref<128x128xf32, #tpu.memory_space<vmem_shared>>)
      } else {
      }
      %eq3A = arith.constant 78 : i32
      %eq3A_351 = arith.cmpi eq, %add3A_346, %eq3A : i32
      %convert_element_type3A_352 = arith.extui %eq3A_351 : i1 to i32
      %cond3A_353 = arith.constant 0 : i32
      %cond3A_354 = arith.cmpi ne, %convert_element_type3A_352, %cond3A_353 : i32
      scf.if %cond3A_354 {
        %dma_wait3A_355 = arith.constant 0 : i32
        %dma_wait3A_356 = arith.constant 0 : i32
        %dma_wait3A_357 = arith.constant 0 : i32
        %dma_wait3A_358 = tpu.memref_slice %arg12[%dma_wait3A_355, %dma_wait3A_356, %dma_wait3A_357] : memref<2x128x128xf32, #tpu.memory_space<vmem>> -> memref<1x16x128xf32, #tpu.memory_space<vmem>>
        %dma_wait3A_359 = tpu.memref_squeeze %dma_wait3A_358 : memref<1x16x128xf32, #tpu.memory_space<vmem>> -> memref<16x128xf32, #tpu.memory_space<vmem>>
        %dma_wait3A_360 = arith.constant 0 : i32
        %dma_wait3A_361 = arith.constant 0 : i32
        %dma_wait3A_362 = tpu.memref_slice %arg7[%dma_wait3A_360, %dma_wait3A_361] : memref<10000x128xf32, #tpu.memory_space<vmem_shared>> -> memref<16x128xf32, #tpu.memory_space<vmem_shared>>
        %dma_wait3A_363 = arith.constant 0 : i32
        %dma_wait3A_364 = arith.constant 0 : i32
        %dma_wait3A_365 = tpu.memref_slice %arg7[%dma_wait3A_363, %dma_wait3A_364] : memref<10000x128xf32, #tpu.memory_space<vmem_shared>> -> memref<16x128xf32, #tpu.memory_space<vmem_shared>>
        %dma_wait3A_366 = arith.constant 0 : i32
        %dma_wait3A_367 = arith.constant 0 : i32
        %dma_wait3A_368 = tpu.memref_slice %arg12[%dma_wait3A_355, %dma_wait3A_366, %dma_wait3A_367] : memref<2x128x128xf32, #tpu.memory_space<vmem>> -> memref<1x16x128xf32, #tpu.memory_space<vmem>>
        %dma_wait3A_369 = tpu.memref_squeeze %dma_wait3A_368 : memref<1x16x128xf32, #tpu.memory_space<vmem>> -> memref<16x128xf32, #tpu.memory_space<vmem>>
        tpu.wait_dma2 semaphore(%arg16 : memref<!tpu.dma_semaphore, #tpu.memory_space<semaphore_mem>>) src(%dma_wait3A_369 : memref<16x128xf32, #tpu.memory_space<vmem>>) dst(%dma_wait3A_365 : memref<16x128xf32, #tpu.memory_space<vmem_shared>>)
      } else {
      }
    }
    %barrier3A = arith.constant 0 : index
    tpu.barrier barrier_id(%barrier3A)
    %mul3A_62 = arith.constant 78 : i32
    %mul3A_63 = arith.muli %mul3A_62, %add3A : i32
    %min3A = arith.constant 4 : i32
    %min3A_64 = arith.minsi %add3A, %min3A : i32
    %add3A_65 = arith.addi %mul3A_63, %min3A_64 : i32
    %lt3A = arith.constant 4 : i32
    %lt3A_66 = arith.cmpi slt, %add3A, %lt3A : i32
    %convert_element_type3A = arith.extui %lt3A_66 : i1 to i32
    %add3A_67 = arith.constant 78 : i32
    %add3A_68 = arith.addi %add3A_67, %convert_element_type3A : i32
    %add3A_69 = arith.constant 0 : i32
    %add3A_70 = arith.addi %add3A_65, %add3A_69 : i32
    %dma_start3A = arith.constant 0 : i32
    %dma_start3A_71 = arith.constant 0 : i32
    %dma_start3A_72 = arith.constant 0 : i32
    %dma_start3A_73 = arith.constant 0 : i32
    %dma_start3A_74 = tpu.memref_slice %arg8[%dma_start3A, %dma_start3A_72, %dma_start3A_73] : memref<4x1x128xi32, #tpu.memory_space<vmem>> -> memref<1x1x128xi32, #tpu.memory_space<vmem>>
    %dma_start3A_75 = tpu.memref_squeeze %dma_start3A_74 : memref<1x1x128xi32, #tpu.memory_space<vmem>> -> memref<1x128xi32, #tpu.memory_space<vmem>>
    %dma_start3A_76 = arith.constant 0 : i32
    %dma_start3A_77 = arith.constant 0 : i32
    %dma_start3A_78 = tpu.memref_slice %arg3[%add3A_70, %dma_start3A_76, %dma_start3A_77] : memref<2500x1x128xi32, #tpu.memory_space<hbm>> -> memref<1x1x128xi32, #tpu.memory_space<hbm>>
    %dma_start3A_79 = tpu.memref_squeeze %dma_start3A_78 : memref<1x1x128xi32, #tpu.memory_space<hbm>> -> memref<1x128xi32, #tpu.memory_space<hbm>>
    %dma_start3A_80 = tpu.memref_slice %arg15[%dma_start3A_71] : memref<4x!tpu.dma_semaphore, #tpu.memory_space<semaphore_mem>> -> memref<1x!tpu.dma_semaphore, #tpu.memory_space<semaphore_mem>>
    %dma_start3A_81 = tpu.memref_squeeze %dma_start3A_80 : memref<1x!tpu.dma_semaphore, #tpu.memory_space<semaphore_mem>> -> memref<!tpu.dma_semaphore, #tpu.memory_space<semaphore_mem>>
    %dma_start3A_82 = arith.constant 0 : i32
    %dma_start3A_83 = arith.constant 0 : i32
    %dma_start3A_84 = tpu.memref_slice %arg8[%dma_start3A, %dma_start3A_82, %dma_start3A_83] : memref<4x1x128xi32, #tpu.memory_space<vmem>> -> memref<1x1x128xi32, #tpu.memory_space<vmem>>
    %dma_start3A_85 = tpu.memref_squeeze %dma_start3A_84 : memref<1x1x128xi32, #tpu.memory_space<vmem>> -> memref<1x128xi32, #tpu.memory_space<vmem>>
    %dma_start3A_86 = arith.constant 0 : i32
    %dma_start3A_87 = arith.constant 0 : i32
    %dma_start3A_88 = tpu.memref_slice %arg3[%add3A_70, %dma_start3A_86, %dma_start3A_87] : memref<2500x1x128xi32, #tpu.memory_space<hbm>> -> memref<1x1x128xi32, #tpu.memory_space<hbm>>
    %dma_start3A_89 = tpu.memref_squeeze %dma_start3A_88 : memref<1x1x128xi32, #tpu.memory_space<hbm>> -> memref<1x128xi32, #tpu.memory_space<hbm>>
    tpu.enqueue_dma source(%dma_start3A_89 : memref<1x128xi32, #tpu.memory_space<hbm>>) target(%dma_start3A_85 : memref<1x128xi32, #tpu.memory_space<vmem>>) target_semaphore(%dma_start3A_81 : memref<!tpu.dma_semaphore, #tpu.memory_space<semaphore_mem>>)
    %add3A_90 = arith.constant 0 : i32
    %add3A_91 = arith.addi %add3A_65, %add3A_90 : i32
    %dma_start3A_92 = arith.constant 0 : i32
    %dma_start3A_93 = arith.constant 0 : i32
    %dma_start3A_94 = arith.constant 0 : i32
    %dma_start3A_95 = arith.constant 0 : i32
    %dma_start3A_96 = tpu.memref_slice %arg9[%dma_start3A_92, %dma_start3A_94, %dma_start3A_95] : memref<4x1x128xi32, #tpu.memory_space<vmem>> -> memref<1x1x128xi32, #tpu.memory_space<vmem>>
    %dma_start3A_97 = tpu.memref_squeeze %dma_start3A_96 : memref<1x1x128xi32, #tpu.memory_space<vmem>> -> memref<1x128xi32, #tpu.memory_space<vmem>>
    %dma_start3A_98 = arith.constant 0 : i32
    %dma_start3A_99 = arith.constant 0 : i32
    %dma_start3A_100 = tpu.memref_slice %arg4[%add3A_91, %dma_start3A_98, %dma_start3A_99] : memref<2500x1x128xi32, #tpu.memory_space<hbm>> -> memref<1x1x128xi32, #tpu.memory_space<hbm>>
    %dma_start3A_101 = tpu.memref_squeeze %dma_start3A_100 : memref<1x1x128xi32, #tpu.memory_space<hbm>> -> memref<1x128xi32, #tpu.memory_space<hbm>>
    %dma_start3A_102 = tpu.memref_slice %arg15[%dma_start3A_93] : memref<4x!tpu.dma_semaphore, #tpu.memory_space<semaphore_mem>> -> memref<1x!tpu.dma_semaphore, #tpu.memory_space<semaphore_mem>>
    %dma_start3A_103 = tpu.memref_squeeze %dma_start3A_102 : memref<1x!tpu.dma_semaphore, #tpu.memory_space<semaphore_mem>> -> memref<!tpu.dma_semaphore, #tpu.memory_space<semaphore_mem>>
    %dma_start3A_104 = arith.constant 0 : i32
    %dma_start3A_105 = arith.constant 0 : i32
    %dma_start3A_106 = tpu.memref_slice %arg9[%dma_start3A_92, %dma_start3A_104, %dma_start3A_105] : memref<4x1x128xi32, #tpu.memory_space<vmem>> -> memref<1x1x128xi32, #tpu.memory_space<vmem>>
    %dma_start3A_107 = tpu.memref_squeeze %dma_start3A_106 : memref<1x1x128xi32, #tpu.memory_space<vmem>> -> memref<1x128xi32, #tpu.memory_space<vmem>>
    %dma_start3A_108 = arith.constant 0 : i32
    %dma_start3A_109 = arith.constant 0 : i32
    %dma_start3A_110 = tpu.memref_slice %arg4[%add3A_91, %dma_start3A_108, %dma_start3A_109] : memref<2500x1x128xi32, #tpu.memory_space<hbm>> -> memref<1x1x128xi32, #tpu.memory_space<hbm>>
    %dma_start3A_111 = tpu.memref_squeeze %dma_start3A_110 : memref<1x1x128xi32, #tpu.memory_space<hbm>> -> memref<1x128xi32, #tpu.memory_space<hbm>>
    tpu.enqueue_dma source(%dma_start3A_111 : memref<1x128xi32, #tpu.memory_space<hbm>>) target(%dma_start3A_107 : memref<1x128xi32, #tpu.memory_space<vmem>>) target_semaphore(%dma_start3A_103 : memref<!tpu.dma_semaphore, #tpu.memory_space<semaphore_mem>>)
    %add3A_112 = arith.constant 0 : i32
    %add3A_113 = arith.addi %add3A_65, %add3A_112 : i32
    %dma_start3A_114 = arith.constant 0 : i32
    %dma_start3A_115 = arith.constant 0 : i32
    %dma_start3A_116 = arith.constant 0 : i32
    %dma_start3A_117 = arith.constant 0 : i32
    %dma_start3A_118 = tpu.memref_slice %arg10[%dma_start3A_114, %dma_start3A_116, %dma_start3A_117] : memref<4x1x128xf32, #tpu.memory_space<vmem>> -> memref<1x1x128xf32, #tpu.memory_space<vmem>>
    %dma_start3A_119 = tpu.memref_squeeze %dma_start3A_118 : memref<1x1x128xf32, #tpu.memory_space<vmem>> -> memref<1x128xf32, #tpu.memory_space<vmem>>
    %dma_start3A_120 = arith.constant 0 : i32
    %dma_start3A_121 = arith.constant 0 : i32
    %dma_start3A_122 = tpu.memref_slice %arg5[%add3A_113, %dma_start3A_120, %dma_start3A_121] : memref<2500x1x128xf32, #tpu.memory_space<hbm>> -> memref<1x1x128xf32, #tpu.memory_space<hbm>>
    %dma_start3A_123 = tpu.memref_squeeze %dma_start3A_122 : memref<1x1x128xf32, #tpu.memory_space<hbm>> -> memref<1x128xf32, #tpu.memory_space<hbm>>
    %dma_start3A_124 = tpu.memref_slice %arg15[%dma_start3A_115] : memref<4x!tpu.dma_semaphore, #tpu.memory_space<semaphore_mem>> -> memref<1x!tpu.dma_semaphore, #tpu.memory_space<semaphore_mem>>
    %dma_start3A_125 = tpu.memref_squeeze %dma_start3A_124 : memref<1x!tpu.dma_semaphore, #tpu.memory_space<semaphore_mem>> -> memref<!tpu.dma_semaphore, #tpu.memory_space<semaphore_mem>>
    %dma_start3A_126 = arith.constant 0 : i32
    %dma_start3A_127 = arith.constant 0 : i32
    %dma_start3A_128 = tpu.memref_slice %arg10[%dma_start3A_114, %dma_start3A_126, %dma_start3A_127] : memref<4x1x128xf32, #tpu.memory_space<vmem>> -> memref<1x1x128xf32, #tpu.memory_space<vmem>>
    %dma_start3A_129 = tpu.memref_squeeze %dma_start3A_128 : memref<1x1x128xf32, #tpu.memory_space<vmem>> -> memref<1x128xf32, #tpu.memory_space<vmem>>
    %dma_start3A_130 = arith.constant 0 : i32
    %dma_start3A_131 = arith.constant 0 : i32
    %dma_start3A_132 = tpu.memref_slice %arg5[%add3A_113, %dma_start3A_130, %dma_start3A_131] : memref<2500x1x128xf32, #tpu.memory_space<hbm>> -> memref<1x1x128xf32, #tpu.memory_space<hbm>>
    %dma_start3A_133 = tpu.memref_squeeze %dma_start3A_132 : memref<1x1x128xf32, #tpu.memory_space<hbm>> -> memref<1x128xf32, #tpu.memory_space<hbm>>
    tpu.enqueue_dma source(%dma_start3A_133 : memref<1x128xf32, #tpu.memory_space<hbm>>) target(%dma_start3A_129 : memref<1x128xf32, #tpu.memory_space<vmem>>) target_semaphore(%dma_start3A_125 : memref<!tpu.dma_semaphore, #tpu.memory_space<semaphore_mem>>)
    %add3A_134 = arith.constant 1 : i32
    %add3A_135 = arith.addi %add3A_65, %add3A_134 : i32
    %dma_start3A_136 = arith.constant 1 : i32
    %dma_start3A_137 = arith.constant 1 : i32
    %dma_start3A_138 = arith.constant 0 : i32
    %dma_start3A_139 = arith.constant 0 : i32
    %dma_start3A_140 = tpu.memref_slice %arg8[%dma_start3A_136, %dma_start3A_138, %dma_start3A_139] : memref<4x1x128xi32, #tpu.memory_space<vmem>> -> memref<1x1x128xi32, #tpu.memory_space<vmem>>
    %dma_start3A_141 = tpu.memref_squeeze %dma_start3A_140 : memref<1x1x128xi32, #tpu.memory_space<vmem>> -> memref<1x128xi32, #tpu.memory_space<vmem>>
    %dma_start3A_142 = arith.constant 0 : i32
    %dma_start3A_143 = arith.constant 0 : i32
    %dma_start3A_144 = tpu.memref_slice %arg3[%add3A_135, %dma_start3A_142, %dma_start3A_143] : memref<2500x1x128xi32, #tpu.memory_space<hbm>> -> memref<1x1x128xi32, #tpu.memory_space<hbm>>
    %dma_start3A_145 = tpu.memref_squeeze %dma_start3A_144 : memref<1x1x128xi32, #tpu.memory_space<hbm>> -> memref<1x128xi32, #tpu.memory_space<hbm>>
    %dma_start3A_146 = tpu.memref_slice %arg15[%dma_start3A_137] : memref<4x!tpu.dma_semaphore, #tpu.memory_space<semaphore_mem>> -> memref<1x!tpu.dma_semaphore, #tpu.memory_space<semaphore_mem>>
    %dma_start3A_147 = tpu.memref_squeeze %dma_start3A_146 : memref<1x!tpu.dma_semaphore, #tpu.memory_space<semaphore_mem>> -> memref<!tpu.dma_semaphore, #tpu.memory_space<semaphore_mem>>
    %dma_start3A_148 = arith.constant 0 : i32
    %dma_start3A_149 = arith.constant 0 : i32
    %dma_start3A_150 = tpu.memref_slice %arg8[%dma_start3A_136, %dma_start3A_148, %dma_start3A_149] : memref<4x1x128xi32, #tpu.memory_space<vmem>> -> memref<1x1x128xi32, #tpu.memory_space<vmem>>
    %dma_start3A_151 = tpu.memref_squeeze %dma_start3A_150 : memref<1x1x128xi32, #tpu.memory_space<vmem>> -> memref<1x128xi32, #tpu.memory_space<vmem>>
    %dma_start3A_152 = arith.constant 0 : i32
    %dma_start3A_153 = arith.constant 0 : i32
    %dma_start3A_154 = tpu.memref_slice %arg3[%add3A_135, %dma_start3A_152, %dma_start3A_153] : memref<2500x1x128xi32, #tpu.memory_space<hbm>> -> memref<1x1x128xi32, #tpu.memory_space<hbm>>
    %dma_start3A_155 = tpu.memref_squeeze %dma_start3A_154 : memref<1x1x128xi32, #tpu.memory_space<hbm>> -> memref<1x128xi32, #tpu.memory_space<hbm>>
    tpu.enqueue_dma source(%dma_start3A_155 : memref<1x128xi32, #tpu.memory_space<hbm>>) target(%dma_start3A_151 : memref<1x128xi32, #tpu.memory_space<vmem>>) target_semaphore(%dma_start3A_147 : memref<!tpu.dma_semaphore, #tpu.memory_space<semaphore_mem>>)
    %add3A_156 = arith.constant 1 : i32
    %add3A_157 = arith.addi %add3A_65, %add3A_156 : i32
    %dma_start3A_158 = arith.constant 1 : i32
    %dma_start3A_159 = arith.constant 1 : i32
    %dma_start3A_160 = arith.constant 0 : i32
    %dma_start3A_161 = arith.constant 0 : i32
    %dma_start3A_162 = tpu.memref_slice %arg9[%dma_start3A_158, %dma_start3A_160, %dma_start3A_161] : memref<4x1x128xi32, #tpu.memory_space<vmem>> -> memref<1x1x128xi32, #tpu.memory_space<vmem>>
    %dma_start3A_163 = tpu.memref_squeeze %dma_start3A_162 : memref<1x1x128xi32, #tpu.memory_space<vmem>> -> memref<1x128xi32, #tpu.memory_space<vmem>>
    %dma_start3A_164 = arith.constant 0 : i32
    %dma_start3A_165 = arith.constant 0 : i32
    %dma_start3A_166 = tpu.memref_slice %arg4[%add3A_157, %dma_start3A_164, %dma_start3A_165] : memref<2500x1x128xi32, #tpu.memory_space<hbm>> -> memref<1x1x128xi32, #tpu.memory_space<hbm>>
    %dma_start3A_167 = tpu.memref_squeeze %dma_start3A_166 : memref<1x1x128xi32, #tpu.memory_space<hbm>> -> memref<1x128xi32, #tpu.memory_space<hbm>>
    %dma_start3A_168 = tpu.memref_slice %arg15[%dma_start3A_159] : memref<4x!tpu.dma_semaphore, #tpu.memory_space<semaphore_mem>> -> memref<1x!tpu.dma_semaphore, #tpu.memory_space<semaphore_mem>>
    %dma_start3A_169 = tpu.memref_squeeze %dma_start3A_168 : memref<1x!tpu.dma_semaphore, #tpu.memory_space<semaphore_mem>> -> memref<!tpu.dma_semaphore, #tpu.memory_space<semaphore_mem>>
    %dma_start3A_170 = arith.constant 0 : i32
    %dma_start3A_171 = arith.constant 0 : i32
    %dma_start3A_172 = tpu.memref_slice %arg9[%dma_start3A_158, %dma_start3A_170, %dma_start3A_171] : memref<4x1x128xi32, #tpu.memory_space<vmem>> -> memref<1x1x128xi32, #tpu.memory_space<vmem>>
    %dma_start3A_173 = tpu.memref_squeeze %dma_start3A_172 : memref<1x1x128xi32, #tpu.memory_space<vmem>> -> memref<1x128xi32, #tpu.memory_space<vmem>>
    %dma_start3A_174 = arith.constant 0 : i32
    %dma_start3A_175 = arith.constant 0 : i32
    %dma_start3A_176 = tpu.memref_slice %arg4[%add3A_157, %dma_start3A_174, %dma_start3A_175] : memref<2500x1x128xi32, #tpu.memory_space<hbm>> -> memref<1x1x128xi32, #tpu.memory_space<hbm>>
    %dma_start3A_177 = tpu.memref_squeeze %dma_start3A_176 : memref<1x1x128xi32, #tpu.memory_space<hbm>> -> memref<1x128xi32, #tpu.memory_space<hbm>>
    tpu.enqueue_dma source(%dma_start3A_177 : memref<1x128xi32, #tpu.memory_space<hbm>>) target(%dma_start3A_173 : memref<1x128xi32, #tpu.memory_space<vmem>>) target_semaphore(%dma_start3A_169 : memref<!tpu.dma_semaphore, #tpu.memory_space<semaphore_mem>>)
    %add3A_178 = arith.constant 1 : i32
    %add3A_179 = arith.addi %add3A_65, %add3A_178 : i32
    %dma_start3A_180 = arith.constant 1 : i32
    %dma_start3A_181 = arith.constant 1 : i32
    %dma_start3A_182 = arith.constant 0 : i32
    %dma_start3A_183 = arith.constant 0 : i32
    %dma_start3A_184 = tpu.memref_slice %arg10[%dma_start3A_180, %dma_start3A_182, %dma_start3A_183] : memref<4x1x128xf32, #tpu.memory_space<vmem>> -> memref<1x1x128xf32, #tpu.memory_space<vmem>>
    %dma_start3A_185 = tpu.memref_squeeze %dma_start3A_184 : memref<1x1x128xf32, #tpu.memory_space<vmem>> -> memref<1x128xf32, #tpu.memory_space<vmem>>
    %dma_start3A_186 = arith.constant 0 : i32
    %dma_start3A_187 = arith.constant 0 : i32
    %dma_start3A_188 = tpu.memref_slice %arg5[%add3A_179, %dma_start3A_186, %dma_start3A_187] : memref<2500x1x128xf32, #tpu.memory_space<hbm>> -> memref<1x1x128xf32, #tpu.memory_space<hbm>>
    %dma_start3A_189 = tpu.memref_squeeze %dma_start3A_188 : memref<1x1x128xf32, #tpu.memory_space<hbm>> -> memref<1x128xf32, #tpu.memory_space<hbm>>
    %dma_start3A_190 = tpu.memref_slice %arg15[%dma_start3A_181] : memref<4x!tpu.dma_semaphore, #tpu.memory_space<semaphore_mem>> -> memref<1x!tpu.dma_semaphore, #tpu.memory_space<semaphore_mem>>
    %dma_start3A_191 = tpu.memref_squeeze %dma_start3A_190 : memref<1x!tpu.dma_semaphore, #tpu.memory_space<semaphore_mem>> -> memref<!tpu.dma_semaphore, #tpu.memory_space<semaphore_mem>>
    %dma_start3A_192 = arith.constant 0 : i32
    %dma_start3A_193 = arith.constant 0 : i32
    %dma_start3A_194 = tpu.memref_slice %arg10[%dma_start3A_180, %dma_start3A_192, %dma_start3A_193] : memref<4x1x128xf32, #tpu.memory_space<vmem>> -> memref<1x1x128xf32, #tpu.memory_space<vmem>>
    %dma_start3A_195 = tpu.memref_squeeze %dma_start3A_194 : memref<1x1x128xf32, #tpu.memory_space<vmem>> -> memref<1x128xf32, #tpu.memory_space<vmem>>
    %dma_start3A_196 = arith.constant 0 : i32
    %dma_start3A_197 = arith.constant 0 : i32
    %dma_start3A_198 = tpu.memref_slice %arg5[%add3A_179, %dma_start3A_196, %dma_start3A_197] : memref<2500x1x128xf32, #tpu.memory_space<hbm>> -> memref<1x1x128xf32, #tpu.memory_space<hbm>>
    %dma_start3A_199 = tpu.memref_squeeze %dma_start3A_198 : memref<1x1x128xf32, #tpu.memory_space<hbm>> -> memref<1x128xf32, #tpu.memory_space<hbm>>
    tpu.enqueue_dma source(%dma_start3A_199 : memref<1x128xf32, #tpu.memory_space<hbm>>) target(%dma_start3A_195 : memref<1x128xf32, #tpu.memory_space<vmem>>) target_semaphore(%dma_start3A_191 : memref<!tpu.dma_semaphore, #tpu.memory_space<semaphore_mem>>)
    %dma_wait3A = arith.constant 0 : i32
    %dma_wait3A_200 = arith.constant 0 : i32
    %dma_wait3A_201 = arith.constant 0 : i32
    %dma_wait3A_202 = arith.constant 0 : i32
    %dma_wait3A_203 = arith.constant 0 : i32
    %dma_wait3A_204 = tpu.memref_slice %arg8[%dma_wait3A_200, %dma_wait3A_202, %dma_wait3A_203] : memref<4x1x128xi32, #tpu.memory_space<vmem>> -> memref<1x1x128xi32, #tpu.memory_space<vmem>>
    %dma_wait3A_205 = tpu.memref_squeeze %dma_wait3A_204 : memref<1x1x128xi32, #tpu.memory_space<vmem>> -> memref<1x128xi32, #tpu.memory_space<vmem>>
    %dma_wait3A_206 = arith.constant 0 : i32
    %dma_wait3A_207 = arith.constant 0 : i32
    %dma_wait3A_208 = tpu.memref_slice %arg3[%dma_wait3A, %dma_wait3A_206, %dma_wait3A_207] : memref<2500x1x128xi32, #tpu.memory_space<hbm>> -> memref<1x1x128xi32, #tpu.memory_space<hbm>>
    %dma_wait3A_209 = tpu.memref_squeeze %dma_wait3A_208 : memref<1x1x128xi32, #tpu.memory_space<hbm>> -> memref<1x128xi32, #tpu.memory_space<hbm>>
    %dma_wait3A_210 = tpu.memref_slice %arg15[%dma_wait3A_201] : memref<4x!tpu.dma_semaphore, #tpu.memory_space<semaphore_mem>> -> memref<1x!tpu.dma_semaphore, #tpu.memory_space<semaphore_mem>>
    %dma_wait3A_211 = tpu.memref_squeeze %dma_wait3A_210 : memref<1x!tpu.dma_semaphore, #tpu.memory_space<semaphore_mem>> -> memref<!tpu.dma_semaphore, #tpu.memory_space<semaphore_mem>>
    %dma_wait3A_212 = arith.constant 0 : i32
    %dma_wait3A_213 = arith.constant 0 : i32
    %dma_wait3A_214 = tpu.memref_slice %arg8[%dma_wait3A_200, %dma_wait3A_212, %dma_wait3A_213] : memref<4x1x128xi32, #tpu.memory_space<vmem>> -> memref<1x1x128xi32, #tpu.memory_space<vmem>>
    %dma_wait3A_215 = tpu.memref_squeeze %dma_wait3A_214 : memref<1x1x128xi32, #tpu.memory_space<vmem>> -> memref<1x128xi32, #tpu.memory_space<vmem>>
    %dma_wait3A_216 = arith.constant 0 : i32
    %dma_wait3A_217 = arith.constant 0 : i32
    %dma_wait3A_218 = tpu.memref_slice %arg3[%dma_wait3A, %dma_wait3A_216, %dma_wait3A_217] : memref<2500x1x128xi32, #tpu.memory_space<hbm>> -> memref<1x1x128xi32, #tpu.memory_space<hbm>>
    %dma_wait3A_219 = tpu.memref_squeeze %dma_wait3A_218 : memref<1x1x128xi32, #tpu.memory_space<hbm>> -> memref<1x128xi32, #tpu.memory_space<hbm>>
    tpu.wait_dma2 semaphore(%dma_wait3A_211 : memref<!tpu.dma_semaphore, #tpu.memory_space<semaphore_mem>>) src(%dma_wait3A_219 : memref<1x128xi32, #tpu.memory_space<hbm>>) dst(%dma_wait3A_215 : memref<1x128xi32, #tpu.memory_space<vmem>>)
    %dma_wait3A_220 = arith.constant 0 : i32
    %dma_wait3A_221 = arith.constant 0 : i32
    %dma_wait3A_222 = arith.constant 0 : i32
    %dma_wait3A_223 = arith.constant 0 : i32
    %dma_wait3A_224 = arith.constant 0 : i32
    %dma_wait3A_225 = tpu.memref_slice %arg9[%dma_wait3A_221, %dma_wait3A_223, %dma_wait3A_224] : memref<4x1x128xi32, #tpu.memory_space<vmem>> -> memref<1x1x128xi32, #tpu.memory_space<vmem>>
    %dma_wait3A_226 = tpu.memref_squeeze %dma_wait3A_225 : memref<1x1x128xi32, #tpu.memory_space<vmem>> -> memref<1x128xi32, #tpu.memory_space<vmem>>
    %dma_wait3A_227 = arith.constant 0 : i32
    %dma_wait3A_228 = arith.constant 0 : i32
    %dma_wait3A_229 = tpu.memref_slice %arg3[%dma_wait3A_220, %dma_wait3A_227, %dma_wait3A_228] : memref<2500x1x128xi32, #tpu.memory_space<hbm>> -> memref<1x1x128xi32, #tpu.memory_space<hbm>>
    %dma_wait3A_230 = tpu.memref_squeeze %dma_wait3A_229 : memref<1x1x128xi32, #tpu.memory_space<hbm>> -> memref<1x128xi32, #tpu.memory_space<hbm>>
    %dma_wait3A_231 = tpu.memref_slice %arg15[%dma_wait3A_222] : memref<4x!tpu.dma_semaphore, #tpu.memory_space<semaphore_mem>> -> memref<1x!tpu.dma_semaphore, #tpu.memory_space<semaphore_mem>>
    %dma_wait3A_232 = tpu.memref_squeeze %dma_wait3A_231 : memref<1x!tpu.dma_semaphore, #tpu.memory_space<semaphore_mem>> -> memref<!tpu.dma_semaphore, #tpu.memory_space<semaphore_mem>>
    %dma_wait3A_233 = arith.constant 0 : i32
    %dma_wait3A_234 = arith.constant 0 : i32
    %dma_wait3A_235 = tpu.memref_slice %arg9[%dma_wait3A_221, %dma_wait3A_233, %dma_wait3A_234] : memref<4x1x128xi32, #tpu.memory_space<vmem>> -> memref<1x1x128xi32, #tpu.memory_space<vmem>>
    %dma_wait3A_236 = tpu.memref_squeeze %dma_wait3A_235 : memref<1x1x128xi32, #tpu.memory_space<vmem>> -> memref<1x128xi32, #tpu.memory_space<vmem>>
    %dma_wait3A_237 = arith.constant 0 : i32
    %dma_wait3A_238 = arith.constant 0 : i32
    %dma_wait3A_239 = tpu.memref_slice %arg3[%dma_wait3A_220, %dma_wait3A_237, %dma_wait3A_238] : memref<2500x1x128xi32, #tpu.memory_space<hbm>> -> memref<1x1x128xi32, #tpu.memory_space<hbm>>
    %dma_wait3A_240 = tpu.memref_squeeze %dma_wait3A_239 : memref<1x1x128xi32, #tpu.memory_space<hbm>> -> memref<1x128xi32, #tpu.memory_space<hbm>>
    tpu.wait_dma2 semaphore(%dma_wait3A_232 : memref<!tpu.dma_semaphore, #tpu.memory_space<semaphore_mem>>) src(%dma_wait3A_240 : memref<1x128xi32, #tpu.memory_space<hbm>>) dst(%dma_wait3A_236 : memref<1x128xi32, #tpu.memory_space<vmem>>)
    %dma_wait3A_241 = arith.constant 0 : i32
    %dma_wait3A_242 = arith.constant 0 : i32
    %dma_wait3A_243 = arith.constant 0 : i32
    %dma_wait3A_244 = arith.constant 0 : i32
    %dma_wait3A_245 = arith.constant 0 : i32
    %dma_wait3A_246 = tpu.memref_slice %arg10[%dma_wait3A_242, %dma_wait3A_244, %dma_wait3A_245] : memref<4x1x128xf32, #tpu.memory_space<vmem>> -> memref<1x1x128xf32, #tpu.memory_space<vmem>>
    %dma_wait3A_247 = tpu.memref_squeeze %dma_wait3A_246 : memref<1x1x128xf32, #tpu.memory_space<vmem>> -> memref<1x128xf32, #tpu.memory_space<vmem>>
    %dma_wait3A_248 = arith.constant 0 : i32
    %dma_wait3A_249 = arith.constant 0 : i32
    %dma_wait3A_250 = tpu.memref_slice %arg3[%dma_wait3A_241, %dma_wait3A_248, %dma_wait3A_249] : memref<2500x1x128xi32, #tpu.memory_space<hbm>> -> memref<1x1x128xi32, #tpu.memory_space<hbm>>
    %dma_wait3A_251 = tpu.memref_squeeze %dma_wait3A_250 : memref<1x1x128xi32, #tpu.memory_space<hbm>> -> memref<1x128xi32, #tpu.memory_space<hbm>>
    %dma_wait3A_252 = tpu.memref_slice %arg15[%dma_wait3A_243] : memref<4x!tpu.dma_semaphore, #tpu.memory_space<semaphore_mem>> -> memref<1x!tpu.dma_semaphore, #tpu.memory_space<semaphore_mem>>
    %dma_wait3A_253 = tpu.memref_squeeze %dma_wait3A_252 : memref<1x!tpu.dma_semaphore, #tpu.memory_space<semaphore_mem>> -> memref<!tpu.dma_semaphore, #tpu.memory_space<semaphore_mem>>
    %dma_wait3A_254 = arith.constant 0 : i32
    %dma_wait3A_255 = arith.constant 0 : i32
    %dma_wait3A_256 = tpu.memref_slice %arg10[%dma_wait3A_242, %dma_wait3A_254, %dma_wait3A_255] : memref<4x1x128xf32, #tpu.memory_space<vmem>> -> memref<1x1x128xf32, #tpu.memory_space<vmem>>
    %dma_wait3A_257 = tpu.memref_squeeze %dma_wait3A_256 : memref<1x1x128xf32, #tpu.memory_space<vmem>> -> memref<1x128xf32, #tpu.memory_space<vmem>>
    %dma_wait3A_258 = arith.constant 0 : i32
    %dma_wait3A_259 = arith.constant 0 : i32
    %dma_wait3A_260 = tpu.memref_slice %arg3[%dma_wait3A_241, %dma_wait3A_258, %dma_wait3A_259] : memref<2500x1x128xi32, #tpu.memory_space<hbm>> -> memref<1x1x128xi32, #tpu.memory_space<hbm>>
    %dma_wait3A_261 = tpu.memref_squeeze %dma_wait3A_260 : memref<1x1x128xi32, #tpu.memory_space<hbm>> -> memref<1x128xi32, #tpu.memory_space<hbm>>
    tpu.wait_dma2 semaphore(%dma_wait3A_253 : memref<!tpu.dma_semaphore, #tpu.memory_space<semaphore_mem>>) src(%dma_wait3A_261 : memref<1x128xi32, #tpu.memory_space<hbm>>) dst(%dma_wait3A_257 : memref<1x128xf32, #tpu.memory_space<vmem>>)
    %dma_start3A_262 = arith.constant 0 : i32
    %dma_start3A_263 = arith.constant 0 : i32
    %dma_start3A_264 = arith.constant 0 : i32
    %dma_start3A_265 = arith.constant 0 : i32
    %dma_start3A_266 = arith.constant 0 : i32
    %dma_start3A_267 = arith.constant 0 : i32
    %dma_start3A_268 = tpu.memref_slice %arg11[%dma_start3A_264, %dma_start3A_266, %dma_start3A_267] : memref<2x128x64xi32, #tpu.memory_space<vmem>> -> memref<1x128x64xi32, #tpu.memory_space<vmem>>
    %dma_start3A_269 = tpu.memref_squeeze %dma_start3A_268 : memref<1x128x64xi32, #tpu.memory_space<vmem>> -> memref<128x64xi32, #tpu.memory_space<vmem>>
    %dma_start3A_270 = arith.constant 0 : i32
    %dma_start3A_271 = tpu.memref_slice %arg8[%dma_start3A_262, %dma_start3A_263, %dma_start3A_270] : memref<4x1x128xi32, #tpu.memory_space<vmem>> -> memref<1x1x128xi32, #tpu.memory_space<vmem>>
    %dma_start3A_272 = tpu.memref_squeeze %dma_start3A_271 : memref<1x1x128xi32, #tpu.memory_space<vmem>> -> memref<128xi32, #tpu.memory_space<vmem>>
    %dma_start3A_273 = arith.constant 0 : i32
    %dma_start3A_274 = arith.constant 0 : i32
    %dma_start3A_275 = tpu.memref_slice %arg2[%dma_start3A_273, %dma_start3A_274] : memref<20000x64xi32, #tpu.memory_space<hbm>> -> memref<20000x64xi32, #tpu.memory_space<hbm>>
    %dma_start3A_276 = tpu.memref_slice %arg13[%dma_start3A_265] : memref<2x!tpu.dma_semaphore, #tpu.memory_space<semaphore_mem>> -> memref<1x!tpu.dma_semaphore, #tpu.memory_space<semaphore_mem>>
    %dma_start3A_277 = tpu.memref_squeeze %dma_start3A_276 : memref<1x!tpu.dma_semaphore, #tpu.memory_space<semaphore_mem>> -> memref<!tpu.dma_semaphore, #tpu.memory_space<semaphore_mem>>
    tpu.enqueue_indirect_dma source(%dma_start3A_275 : memref<20000x64xi32, #tpu.memory_space<hbm>>) target(%dma_start3A_269 : memref<128x64xi32, #tpu.memory_space<vmem>>) offsets(%dma_start3A_272 : memref<128xi32, #tpu.memory_space<vmem>>) semaphore(%dma_start3A_277 : memref<!tpu.dma_semaphore, #tpu.memory_space<semaphore_mem>>)
    %sub3A_278 = arith.constant 0 : i32
    %sub3A_279 = arith.subi %add3A_68, %sub3A_278 : i32
    %sub3A_280 = arith.constant 1 : i32
    %sub3A_281 = arith.constant 1 : i32
    %sub3A_282 = arith.subi %sub3A_280, %sub3A_281 : i32
    %add3A_283 = arith.addi %sub3A_279, %sub3A_282 : i32
    %div3A_284 = arith.constant 1 : i32
    %div3A_285 = arith.divsi %add3A_283, %div3A_284 : i32
    %while3A_286 = arith.constant 1 : i32
    %while3A_287 = arith.constant 0 : i32
    %while3A_288 = arith.constant 0 : i32
    %while3A_289 = arith.subi %div3A_285, %while3A_288 : i32
    %while3A_290 = arith.addi %while3A_288, %while3A_289 : i32
    %while3A_291 = arith.constant 1 : i32
    %while3A_292 = arith.divsi %while3A_289, %while3A_291 : i32
    %while3A_293 = arith.muli %while3A_292, %while3A_291 : i32
    %while3A_294 = arith.addi %while3A_288, %while3A_293 : i32
    %while3A_295 = arith.constant 1 : i32
    scf.for %while3A_341 = %while3A_288 to %while3A_294 step %while3A_295  : i32 {
      %mul3A_342 = arith.muli %while3A_341, %while3A_286 : i32
      %add3A_343 = arith.addi %while3A_287, %mul3A_342 : i32
      %rem3A_344 = arith.constant 2 : i32
      %rem3A_345 = arith.remsi %add3A_343, %rem3A_344 : i32
      %add3A_346 = arith.constant 1 : i32
      %add3A_347 = arith.addi %add3A_343, %add3A_346 : i32
      %rem3A_348 = arith.constant 2 : i32
      %rem3A_349 = arith.remsi %add3A_347, %rem3A_348 : i32
      %ge3A = arith.constant 2 : i32
      %ge3A_350 = arith.cmpi sge, %add3A_343, %ge3A : i32
      %convert_element_type3A_351 = arith.extui %ge3A_350 : i1 to i32
      %cond3A = arith.constant 0 : i32
      %cond3A_352 = arith.cmpi ne, %convert_element_type3A_351, %cond3A : i32
      scf.if %cond3A_352 {
        %dma_wait3A_398 = arith.constant 0 : i32
        %dma_wait3A_399 = arith.constant 0 : i32
        %dma_wait3A_400 = arith.constant 0 : i32
        %dma_wait3A_401 = tpu.memref_slice %arg12[%rem3A_345, %dma_wait3A_399, %dma_wait3A_400] : memref<2x128x128xf32, #tpu.memory_space<vmem>> -> memref<1x128x128xf32, #tpu.memory_space<vmem>>
        %dma_wait3A_402 = tpu.memref_squeeze %dma_wait3A_401 : memref<1x128x128xf32, #tpu.memory_space<vmem>> -> memref<128x128xf32, #tpu.memory_space<vmem>>
        %dma_wait3A_403 = arith.constant 0 : i32
        %dma_wait3A_404 = arith.constant 0 : i32
        %dma_wait3A_405 = tpu.memref_slice %arg6[%dma_wait3A_398, %dma_wait3A_403, %dma_wait3A_404] : memref<2x10000x128xf32, #tpu.memory_space<hbm>> -> memref<1x128x128xf32, #tpu.memory_space<hbm>>
        %dma_wait3A_406 = tpu.memref_squeeze %dma_wait3A_405 : memref<1x128x128xf32, #tpu.memory_space<hbm>> -> memref<128x128xf32, #tpu.memory_space<hbm>>
        %dma_wait3A_407 = tpu.memref_slice %arg14[%rem3A_345] : memref<2x!tpu.dma_semaphore, #tpu.memory_space<semaphore_mem>> -> memref<1x!tpu.dma_semaphore, #tpu.memory_space<semaphore_mem>>
        %dma_wait3A_408 = tpu.memref_squeeze %dma_wait3A_407 : memref<1x!tpu.dma_semaphore, #tpu.memory_space<semaphore_mem>> -> memref<!tpu.dma_semaphore, #tpu.memory_space<semaphore_mem>>
        %dma_wait3A_409 = arith.constant 0 : i32
        %dma_wait3A_410 = arith.constant 0 : i32
        %dma_wait3A_411 = tpu.memref_slice %arg12[%rem3A_345, %dma_wait3A_409, %dma_wait3A_410] : memref<2x128x128xf32, #tpu.memory_space<vmem>> -> memref<1x128x128xf32, #tpu.memory_space<vmem>>
        %dma_wait3A_412 = tpu.memref_squeeze %dma_wait3A_411 : memref<1x128x128xf32, #tpu.memory_space<vmem>> -> memref<128x128xf32, #tpu.memory_space<vmem>>
        %dma_wait3A_413 = arith.constant 0 : i32
        %dma_wait3A_414 = arith.constant 0 : i32
        %dma_wait3A_415 = tpu.memref_slice %arg6[%dma_wait3A_398, %dma_wait3A_413, %dma_wait3A_414] : memref<2x10000x128xf32, #tpu.memory_space<hbm>> -> memref<1x128x128xf32, #tpu.memory_space<hbm>>
        %dma_wait3A_416 = tpu.memref_squeeze %dma_wait3A_415 : memref<1x128x128xf32, #tpu.memory_space<hbm>> -> memref<128x128xf32, #tpu.memory_space<hbm>>
        tpu.wait_dma2 semaphore(%dma_wait3A_408 : memref<!tpu.dma_semaphore, #tpu.memory_space<semaphore_mem>>) src(%dma_wait3A_416 : memref<128x128xf32, #tpu.memory_space<hbm>>) dst(%dma_wait3A_412 : memref<128x128xf32, #tpu.memory_space<vmem>>)
      } else {
      }
      %add3A_353 = arith.constant 2 : i32
      %add3A_354 = arith.addi %add3A_343, %add3A_353 : i32
      %lt3A_355 = arith.cmpi slt, %add3A_354, %add3A_68 : i32
      %convert_element_type3A_356 = arith.extui %lt3A_355 : i1 to i32
      %cond3A_357 = arith.constant 0 : i32
      %cond3A_358 = arith.cmpi ne, %convert_element_type3A_356, %cond3A_357 : i32
      scf.if %cond3A_358 {
        %add3A_398 = arith.constant 2 : i32
        %add3A_399 = arith.addi %add3A_343, %add3A_398 : i32
        %rem3A_400 = arith.constant 4 : i32
        %rem3A_401 = arith.remsi %add3A_399, %rem3A_400 : i32
        %add3A_402 = arith.addi %add3A_65, %add3A_343 : i32
        %add3A_403 = arith.constant 2 : i32
        %add3A_404 = arith.addi %add3A_402, %add3A_403 : i32
        %dma_start3A_405 = arith.constant 0 : i32
        %dma_start3A_406 = arith.constant 0 : i32
        %dma_start3A_407 = tpu.memref_slice %arg8[%rem3A_401, %dma_start3A_405, %dma_start3A_406] : memref<4x1x128xi32, #tpu.memory_space<vmem>> -> memref<1x1x128xi32, #tpu.memory_space<vmem>>
        %dma_start3A_408 = tpu.memref_squeeze %dma_start3A_407 : memref<1x1x128xi32, #tpu.memory_space<vmem>> -> memref<1x128xi32, #tpu.memory_space<vmem>>
        %dma_start3A_409 = arith.constant 0 : i32
        %dma_start3A_410 = arith.constant 0 : i32
        %dma_start3A_411 = tpu.memref_slice %arg3[%add3A_404, %dma_start3A_409, %dma_start3A_410] : memref<2500x1x128xi32, #tpu.memory_space<hbm>> -> memref<1x1x128xi32, #tpu.memory_space<hbm>>
        %dma_start3A_412 = tpu.memref_squeeze %dma_start3A_411 : memref<1x1x128xi32, #tpu.memory_space<hbm>> -> memref<1x128xi32, #tpu.memory_space<hbm>>
        %dma_start3A_413 = tpu.memref_slice %arg15[%rem3A_401] : memref<4x!tpu.dma_semaphore, #tpu.memory_space<semaphore_mem>> -> memref<1x!tpu.dma_semaphore, #tpu.memory_space<semaphore_mem>>
        %dma_start3A_414 = tpu.memref_squeeze %dma_start3A_413 : memref<1x!tpu.dma_semaphore, #tpu.memory_space<semaphore_mem>> -> memref<!tpu.dma_semaphore, #tpu.memory_space<semaphore_mem>>
        %dma_start3A_415 = arith.constant 0 : i32
        %dma_start3A_416 = arith.constant 0 : i32
        %dma_start3A_417 = tpu.memref_slice %arg8[%rem3A_401, %dma_start3A_415, %dma_start3A_416] : memref<4x1x128xi32, #tpu.memory_space<vmem>> -> memref<1x1x128xi32, #tpu.memory_space<vmem>>
        %dma_start3A_418 = tpu.memref_squeeze %dma_start3A_417 : memref<1x1x128xi32, #tpu.memory_space<vmem>> -> memref<1x128xi32, #tpu.memory_space<vmem>>
        %dma_start3A_419 = arith.constant 0 : i32
        %dma_start3A_420 = arith.constant 0 : i32
        %dma_start3A_421 = tpu.memref_slice %arg3[%add3A_404, %dma_start3A_419, %dma_start3A_420] : memref<2500x1x128xi32, #tpu.memory_space<hbm>> -> memref<1x1x128xi32, #tpu.memory_space<hbm>>
        %dma_start3A_422 = tpu.memref_squeeze %dma_start3A_421 : memref<1x1x128xi32, #tpu.memory_space<hbm>> -> memref<1x128xi32, #tpu.memory_space<hbm>>
        tpu.enqueue_dma source(%dma_start3A_422 : memref<1x128xi32, #tpu.memory_space<hbm>>) target(%dma_start3A_418 : memref<1x128xi32, #tpu.memory_space<vmem>>) target_semaphore(%dma_start3A_414 : memref<!tpu.dma_semaphore, #tpu.memory_space<semaphore_mem>>)
        %add3A_423 = arith.addi %add3A_65, %add3A_343 : i32
        %add3A_424 = arith.constant 2 : i32
        %add3A_425 = arith.addi %add3A_423, %add3A_424 : i32
        %dma_start3A_426 = arith.constant 0 : i32
        %dma_start3A_427 = arith.constant 0 : i32
        %dma_start3A_428 = tpu.memref_slice %arg9[%rem3A_401, %dma_start3A_426, %dma_start3A_427] : memref<4x1x128xi32, #tpu.memory_space<vmem>> -> memref<1x1x128xi32, #tpu.memory_space<vmem>>
        %dma_start3A_429 = tpu.memref_squeeze %dma_start3A_428 : memref<1x1x128xi32, #tpu.memory_space<vmem>> -> memref<1x128xi32, #tpu.memory_space<vmem>>
        %dma_start3A_430 = arith.constant 0 : i32
        %dma_start3A_431 = arith.constant 0 : i32
        %dma_start3A_432 = tpu.memref_slice %arg4[%add3A_425, %dma_start3A_430, %dma_start3A_431] : memref<2500x1x128xi32, #tpu.memory_space<hbm>> -> memref<1x1x128xi32, #tpu.memory_space<hbm>>
        %dma_start3A_433 = tpu.memref_squeeze %dma_start3A_432 : memref<1x1x128xi32, #tpu.memory_space<hbm>> -> memref<1x128xi32, #tpu.memory_space<hbm>>
        %dma_start3A_434 = tpu.memref_slice %arg15[%rem3A_401] : memref<4x!tpu.dma_semaphore, #tpu.memory_space<semaphore_mem>> -> memref<1x!tpu.dma_semaphore, #tpu.memory_space<semaphore_mem>>
        %dma_start3A_435 = tpu.memref_squeeze %dma_start3A_434 : memref<1x!tpu.dma_semaphore, #tpu.memory_space<semaphore_mem>> -> memref<!tpu.dma_semaphore, #tpu.memory_space<semaphore_mem>>
        %dma_start3A_436 = arith.constant 0 : i32
        %dma_start3A_437 = arith.constant 0 : i32
        %dma_start3A_438 = tpu.memref_slice %arg9[%rem3A_401, %dma_start3A_436, %dma_start3A_437] : memref<4x1x128xi32, #tpu.memory_space<vmem>> -> memref<1x1x128xi32, #tpu.memory_space<vmem>>
        %dma_start3A_439 = tpu.memref_squeeze %dma_start3A_438 : memref<1x1x128xi32, #tpu.memory_space<vmem>> -> memref<1x128xi32, #tpu.memory_space<vmem>>
        %dma_start3A_440 = arith.constant 0 : i32
        %dma_start3A_441 = arith.constant 0 : i32
        %dma_start3A_442 = tpu.memref_slice %arg4[%add3A_425, %dma_start3A_440, %dma_start3A_441] : memref<2500x1x128xi32, #tpu.memory_space<hbm>> -> memref<1x1x128xi32, #tpu.memory_space<hbm>>
        %dma_start3A_443 = tpu.memref_squeeze %dma_start3A_442 : memref<1x1x128xi32, #tpu.memory_space<hbm>> -> memref<1x128xi32, #tpu.memory_space<hbm>>
        tpu.enqueue_dma source(%dma_start3A_443 : memref<1x128xi32, #tpu.memory_space<hbm>>) target(%dma_start3A_439 : memref<1x128xi32, #tpu.memory_space<vmem>>) target_semaphore(%dma_start3A_435 : memref<!tpu.dma_semaphore, #tpu.memory_space<semaphore_mem>>)
        %add3A_444 = arith.addi %add3A_65, %add3A_343 : i32
        %add3A_445 = arith.constant 2 : i32
        %add3A_446 = arith.addi %add3A_444, %add3A_445 : i32
        %dma_start3A_447 = arith.constant 0 : i32
        %dma_start3A_448 = arith.constant 0 : i32
        %dma_start3A_449 = tpu.memref_slice %arg10[%rem3A_401, %dma_start3A_447, %dma_start3A_448] : memref<4x1x128xf32, #tpu.memory_space<vmem>> -> memref<1x1x128xf32, #tpu.memory_space<vmem>>
        %dma_start3A_450 = tpu.memref_squeeze %dma_start3A_449 : memref<1x1x128xf32, #tpu.memory_space<vmem>> -> memref<1x128xf32, #tpu.memory_space<vmem>>
        %dma_start3A_451 = arith.constant 0 : i32
        %dma_start3A_452 = arith.constant 0 : i32
        %dma_start3A_453 = tpu.memref_slice %arg5[%add3A_446, %dma_start3A_451, %dma_start3A_452] : memref<2500x1x128xf32, #tpu.memory_space<hbm>> -> memref<1x1x128xf32, #tpu.memory_space<hbm>>
        %dma_start3A_454 = tpu.memref_squeeze %dma_start3A_453 : memref<1x1x128xf32, #tpu.memory_space<hbm>> -> memref<1x128xf32, #tpu.memory_space<hbm>>
        %dma_start3A_455 = tpu.memref_slice %arg15[%rem3A_401] : memref<4x!tpu.dma_semaphore, #tpu.memory_space<semaphore_mem>> -> memref<1x!tpu.dma_semaphore, #tpu.memory_space<semaphore_mem>>
        %dma_start3A_456 = tpu.memref_squeeze %dma_start3A_455 : memref<1x!tpu.dma_semaphore, #tpu.memory_space<semaphore_mem>> -> memref<!tpu.dma_semaphore, #tpu.memory_space<semaphore_mem>>
        %dma_start3A_457 = arith.constant 0 : i32
        %dma_start3A_458 = arith.constant 0 : i32
        %dma_start3A_459 = tpu.memref_slice %arg10[%rem3A_401, %dma_start3A_457, %dma_start3A_458] : memref<4x1x128xf32, #tpu.memory_space<vmem>> -> memref<1x1x128xf32, #tpu.memory_space<vmem>>
        %dma_start3A_460 = tpu.memref_squeeze %dma_start3A_459 : memref<1x1x128xf32, #tpu.memory_space<vmem>> -> memref<1x128xf32, #tpu.memory_space<vmem>>
        %dma_start3A_461 = arith.constant 0 : i32
        %dma_start3A_462 = arith.constant 0 : i32
        %dma_start3A_463 = tpu.memref_slice %arg5[%add3A_446, %dma_start3A_461, %dma_start3A_462] : memref<2500x1x128xf32, #tpu.memory_space<hbm>> -> memref<1x1x128xf32, #tpu.memory_space<hbm>>
        %dma_start3A_464 = tpu.memref_squeeze %dma_start3A_463 : memref<1x1x128xf32, #tpu.memory_space<hbm>> -> memref<1x128xf32, #tpu.memory_space<hbm>>
        tpu.enqueue_dma source(%dma_start3A_464 : memref<1x128xf32, #tpu.memory_space<hbm>>) target(%dma_start3A_460 : memref<1x128xf32, #tpu.memory_space<vmem>>) target_semaphore(%dma_start3A_456 : memref<!tpu.dma_semaphore, #tpu.memory_space<semaphore_mem>>)
      } else {
      }
      %add3A_359 = arith.constant 1 : i32
      %add3A_360 = arith.addi %add3A_343, %add3A_359 : i32
      %lt3A_361 = arith.cmpi slt, %add3A_360, %add3A_68 : i32
      %convert_element_type3A_362 = arith.extui %lt3A_361 : i1 to i32
      %cond3A_363 = arith.constant 0 : i32
      %cond3A_364 = arith.cmpi ne, %convert_element_type3A_362, %cond3A_363 : i32
      scf.if %cond3A_364 {
        %add3A_398 = arith.constant 1 : i32
        %add3A_399 = arith.addi %add3A_343, %add3A_398 : i32
        %rem3A_400 = arith.constant 4 : i32
        %rem3A_401 = arith.remsi %add3A_399, %rem3A_400 : i32
        %dma_wait3A_402 = arith.constant 0 : i32
        %dma_wait3A_403 = arith.constant 0 : i32
        %dma_wait3A_404 = arith.constant 0 : i32
        %dma_wait3A_405 = tpu.memref_slice %arg8[%rem3A_401, %dma_wait3A_403, %dma_wait3A_404] : memref<4x1x128xi32, #tpu.memory_space<vmem>> -> memref<1x1x128xi32, #tpu.memory_space<vmem>>
        %dma_wait3A_406 = tpu.memref_squeeze %dma_wait3A_405 : memref<1x1x128xi32, #tpu.memory_space<vmem>> -> memref<1x128xi32, #tpu.memory_space<vmem>>
        %dma_wait3A_407 = arith.constant 0 : i32
        %dma_wait3A_408 = arith.constant 0 : i32
        %dma_wait3A_409 = tpu.memref_slice %arg3[%dma_wait3A_402, %dma_wait3A_407, %dma_wait3A_408] : memref<2500x1x128xi32, #tpu.memory_space<hbm>> -> memref<1x1x128xi32, #tpu.memory_space<hbm>>
        %dma_wait3A_410 = tpu.memref_squeeze %dma_wait3A_409 : memref<1x1x128xi32, #tpu.memory_space<hbm>> -> memref<1x128xi32, #tpu.memory_space<hbm>>
        %dma_wait3A_411 = tpu.memref_slice %arg15[%rem3A_401] : memref<4x!tpu.dma_semaphore, #tpu.memory_space<semaphore_mem>> -> memref<1x!tpu.dma_semaphore, #tpu.memory_space<semaphore_mem>>
        %dma_wait3A_412 = tpu.memref_squeeze %dma_wait3A_411 : memref<1x!tpu.dma_semaphore, #tpu.memory_space<semaphore_mem>> -> memref<!tpu.dma_semaphore, #tpu.memory_space<semaphore_mem>>
        %dma_wait3A_413 = arith.constant 0 : i32
        %dma_wait3A_414 = arith.constant 0 : i32
        %dma_wait3A_415 = tpu.memref_slice %arg8[%rem3A_401, %dma_wait3A_413, %dma_wait3A_414] : memref<4x1x128xi32, #tpu.memory_space<vmem>> -> memref<1x1x128xi32, #tpu.memory_space<vmem>>
        %dma_wait3A_416 = tpu.memref_squeeze %dma_wait3A_415 : memref<1x1x128xi32, #tpu.memory_space<vmem>> -> memref<1x128xi32, #tpu.memory_space<vmem>>
        %dma_wait3A_417 = arith.constant 0 : i32
        %dma_wait3A_418 = arith.constant 0 : i32
        %dma_wait3A_419 = tpu.memref_slice %arg3[%dma_wait3A_402, %dma_wait3A_417, %dma_wait3A_418] : memref<2500x1x128xi32, #tpu.memory_space<hbm>> -> memref<1x1x128xi32, #tpu.memory_space<hbm>>
        %dma_wait3A_420 = tpu.memref_squeeze %dma_wait3A_419 : memref<1x1x128xi32, #tpu.memory_space<hbm>> -> memref<1x128xi32, #tpu.memory_space<hbm>>
        tpu.wait_dma2 semaphore(%dma_wait3A_412 : memref<!tpu.dma_semaphore, #tpu.memory_space<semaphore_mem>>) src(%dma_wait3A_420 : memref<1x128xi32, #tpu.memory_space<hbm>>) dst(%dma_wait3A_416 : memref<1x128xi32, #tpu.memory_space<vmem>>)
        %dma_wait3A_421 = arith.constant 0 : i32
        %dma_wait3A_422 = arith.constant 0 : i32
        %dma_wait3A_423 = arith.constant 0 : i32
        %dma_wait3A_424 = tpu.memref_slice %arg9[%rem3A_401, %dma_wait3A_422, %dma_wait3A_423] : memref<4x1x128xi32, #tpu.memory_space<vmem>> -> memref<1x1x128xi32, #tpu.memory_space<vmem>>
        %dma_wait3A_425 = tpu.memref_squeeze %dma_wait3A_424 : memref<1x1x128xi32, #tpu.memory_space<vmem>> -> memref<1x128xi32, #tpu.memory_space<vmem>>
        %dma_wait3A_426 = arith.constant 0 : i32
        %dma_wait3A_427 = arith.constant 0 : i32
        %dma_wait3A_428 = tpu.memref_slice %arg3[%dma_wait3A_421, %dma_wait3A_426, %dma_wait3A_427] : memref<2500x1x128xi32, #tpu.memory_space<hbm>> -> memref<1x1x128xi32, #tpu.memory_space<hbm>>
        %dma_wait3A_429 = tpu.memref_squeeze %dma_wait3A_428 : memref<1x1x128xi32, #tpu.memory_space<hbm>> -> memref<1x128xi32, #tpu.memory_space<hbm>>
        %dma_wait3A_430 = tpu.memref_slice %arg15[%rem3A_401] : memref<4x!tpu.dma_semaphore, #tpu.memory_space<semaphore_mem>> -> memref<1x!tpu.dma_semaphore, #tpu.memory_space<semaphore_mem>>
        %dma_wait3A_431 = tpu.memref_squeeze %dma_wait3A_430 : memref<1x!tpu.dma_semaphore, #tpu.memory_space<semaphore_mem>> -> memref<!tpu.dma_semaphore, #tpu.memory_space<semaphore_mem>>
        %dma_wait3A_432 = arith.constant 0 : i32
        %dma_wait3A_433 = arith.constant 0 : i32
        %dma_wait3A_434 = tpu.memref_slice %arg9[%rem3A_401, %dma_wait3A_432, %dma_wait3A_433] : memref<4x1x128xi32, #tpu.memory_space<vmem>> -> memref<1x1x128xi32, #tpu.memory_space<vmem>>
        %dma_wait3A_435 = tpu.memref_squeeze %dma_wait3A_434 : memref<1x1x128xi32, #tpu.memory_space<vmem>> -> memref<1x128xi32, #tpu.memory_space<vmem>>
        %dma_wait3A_436 = arith.constant 0 : i32
        %dma_wait3A_437 = arith.constant 0 : i32
        %dma_wait3A_438 = tpu.memref_slice %arg3[%dma_wait3A_421, %dma_wait3A_436, %dma_wait3A_437] : memref<2500x1x128xi32, #tpu.memory_space<hbm>> -> memref<1x1x128xi32, #tpu.memory_space<hbm>>
        %dma_wait3A_439 = tpu.memref_squeeze %dma_wait3A_438 : memref<1x1x128xi32, #tpu.memory_space<hbm>> -> memref<1x128xi32, #tpu.memory_space<hbm>>
        tpu.wait_dma2 semaphore(%dma_wait3A_431 : memref<!tpu.dma_semaphore, #tpu.memory_space<semaphore_mem>>) src(%dma_wait3A_439 : memref<1x128xi32, #tpu.memory_space<hbm>>) dst(%dma_wait3A_435 : memref<1x128xi32, #tpu.memory_space<vmem>>)
        %dma_wait3A_440 = arith.constant 0 : i32
        %dma_wait3A_441 = arith.constant 0 : i32
        %dma_wait3A_442 = arith.constant 0 : i32
        %dma_wait3A_443 = tpu.memref_slice %arg10[%rem3A_401, %dma_wait3A_441, %dma_wait3A_442] : memref<4x1x128xf32, #tpu.memory_space<vmem>> -> memref<1x1x128xf32, #tpu.memory_space<vmem>>
        %dma_wait3A_444 = tpu.memref_squeeze %dma_wait3A_443 : memref<1x1x128xf32, #tpu.memory_space<vmem>> -> memref<1x128xf32, #tpu.memory_space<vmem>>
        %dma_wait3A_445 = arith.constant 0 : i32
        %dma_wait3A_446 = arith.constant 0 : i32
        %dma_wait3A_447 = tpu.memref_slice %arg3[%dma_wait3A_440, %dma_wait3A_445, %dma_wait3A_446] : memref<2500x1x128xi32, #tpu.memory_space<hbm>> -> memref<1x1x128xi32, #tpu.memory_space<hbm>>
        %dma_wait3A_448 = tpu.memref_squeeze %dma_wait3A_447 : memref<1x1x128xi32, #tpu.memory_space<hbm>> -> memref<1x128xi32, #tpu.memory_space<hbm>>
        %dma_wait3A_449 = tpu.memref_slice %arg15[%rem3A_401] : memref<4x!tpu.dma_semaphore, #tpu.memory_space<semaphore_mem>> -> memref<1x!tpu.dma_semaphore, #tpu.memory_space<semaphore_mem>>
        %dma_wait3A_450 = tpu.memref_squeeze %dma_wait3A_449 : memref<1x!tpu.dma_semaphore, #tpu.memory_space<semaphore_mem>> -> memref<!tpu.dma_semaphore, #tpu.memory_space<semaphore_mem>>
        %dma_wait3A_451 = arith.constant 0 : i32
        %dma_wait3A_452 = arith.constant 0 : i32
        %dma_wait3A_453 = tpu.memref_slice %arg10[%rem3A_401, %dma_wait3A_451, %dma_wait3A_452] : memref<4x1x128xf32, #tpu.memory_space<vmem>> -> memref<1x1x128xf32, #tpu.memory_space<vmem>>
        %dma_wait3A_454 = tpu.memref_squeeze %dma_wait3A_453 : memref<1x1x128xf32, #tpu.memory_space<vmem>> -> memref<1x128xf32, #tpu.memory_space<vmem>>
        %dma_wait3A_455 = arith.constant 0 : i32
        %dma_wait3A_456 = arith.constant 0 : i32
        %dma_wait3A_457 = tpu.memref_slice %arg3[%dma_wait3A_440, %dma_wait3A_455, %dma_wait3A_456] : memref<2500x1x128xi32, #tpu.memory_space<hbm>> -> memref<1x1x128xi32, #tpu.memory_space<hbm>>
        %dma_wait3A_458 = tpu.memref_squeeze %dma_wait3A_457 : memref<1x1x128xi32, #tpu.memory_space<hbm>> -> memref<1x128xi32, #tpu.memory_space<hbm>>
        tpu.wait_dma2 semaphore(%dma_wait3A_450 : memref<!tpu.dma_semaphore, #tpu.memory_space<semaphore_mem>>) src(%dma_wait3A_458 : memref<1x128xi32, #tpu.memory_space<hbm>>) dst(%dma_wait3A_454 : memref<1x128xf32, #tpu.memory_space<vmem>>)
        %dma_start3A_459 = arith.constant 0 : i32
        %dma_start3A_460 = arith.constant 0 : i32
        %dma_start3A_461 = arith.constant 0 : i32
        %dma_start3A_462 = tpu.memref_slice %arg11[%rem3A_349, %dma_start3A_460, %dma_start3A_461] : memref<2x128x64xi32, #tpu.memory_space<vmem>> -> memref<1x128x64xi32, #tpu.memory_space<vmem>>
        %dma_start3A_463 = tpu.memref_squeeze %dma_start3A_462 : memref<1x128x64xi32, #tpu.memory_space<vmem>> -> memref<128x64xi32, #tpu.memory_space<vmem>>
        %dma_start3A_464 = arith.constant 0 : i32
        %dma_start3A_465 = tpu.memref_slice %arg8[%rem3A_401, %dma_start3A_459, %dma_start3A_464] : memref<4x1x128xi32, #tpu.memory_space<vmem>> -> memref<1x1x128xi32, #tpu.memory_space<vmem>>
        %dma_start3A_466 = tpu.memref_squeeze %dma_start3A_465 : memref<1x1x128xi32, #tpu.memory_space<vmem>> -> memref<128xi32, #tpu.memory_space<vmem>>
        %dma_start3A_467 = arith.constant 0 : i32
        %dma_start3A_468 = arith.constant 0 : i32
        %dma_start3A_469 = tpu.memref_slice %arg2[%dma_start3A_467, %dma_start3A_468] : memref<20000x64xi32, #tpu.memory_space<hbm>> -> memref<20000x64xi32, #tpu.memory_space<hbm>>
        %dma_start3A_470 = tpu.memref_slice %arg13[%rem3A_349] : memref<2x!tpu.dma_semaphore, #tpu.memory_space<semaphore_mem>> -> memref<1x!tpu.dma_semaphore, #tpu.memory_space<semaphore_mem>>
        %dma_start3A_471 = tpu.memref_squeeze %dma_start3A_470 : memref<1x!tpu.dma_semaphore, #tpu.memory_space<semaphore_mem>> -> memref<!tpu.dma_semaphore, #tpu.memory_space<semaphore_mem>>
        tpu.enqueue_indirect_dma source(%dma_start3A_469 : memref<20000x64xi32, #tpu.memory_space<hbm>>) target(%dma_start3A_463 : memref<128x64xi32, #tpu.memory_space<vmem>>) offsets(%dma_start3A_466 : memref<128xi32, #tpu.memory_space<vmem>>) semaphore(%dma_start3A_471 : memref<!tpu.dma_semaphore, #tpu.memory_space<semaphore_mem>>)
      } else {
      }
      %dma_wait3A_365 = arith.constant 0 : i32
      %dma_wait3A_366 = arith.constant 0 : i32
      %dma_wait3A_367 = tpu.memref_slice %arg11[%rem3A_345, %dma_wait3A_365, %dma_wait3A_366] : memref<2x128x64xi32, #tpu.memory_space<vmem>> -> memref<1x128x64xi32, #tpu.memory_space<vmem>>
      %dma_wait3A_368 = tpu.memref_squeeze %dma_wait3A_367 : memref<1x128x64xi32, #tpu.memory_space<vmem>> -> memref<128x64xi32, #tpu.memory_space<vmem>>
      %dma_wait3A_369 = arith.constant 0 : i32
      %dma_wait3A_370 = arith.constant 0 : i32
      %dma_wait3A_371 = tpu.memref_slice %arg2[%dma_wait3A_369, %dma_wait3A_370] : memref<20000x64xi32, #tpu.memory_space<hbm>> -> memref<128x64xi32, #tpu.memory_space<hbm>>
      %dma_wait3A_372 = tpu.memref_slice %arg13[%rem3A_345] : memref<2x!tpu.dma_semaphore, #tpu.memory_space<semaphore_mem>> -> memref<1x!tpu.dma_semaphore, #tpu.memory_space<semaphore_mem>>
      %dma_wait3A_373 = tpu.memref_squeeze %dma_wait3A_372 : memref<1x!tpu.dma_semaphore, #tpu.memory_space<semaphore_mem>> -> memref<!tpu.dma_semaphore, #tpu.memory_space<semaphore_mem>>
      %dma_wait3A_374 = arith.constant 0 : i32
      %dma_wait3A_375 = arith.constant 0 : i32
      %dma_wait3A_376 = tpu.memref_slice %arg11[%rem3A_345, %dma_wait3A_374, %dma_wait3A_375] : memref<2x128x64xi32, #tpu.memory_space<vmem>> -> memref<1x128x64xi32, #tpu.memory_space<vmem>>
      %dma_wait3A_377 = tpu.memref_squeeze %dma_wait3A_376 : memref<1x128x64xi32, #tpu.memory_space<vmem>> -> memref<128x64xi32, #tpu.memory_space<vmem>>
      %dma_wait3A_378 = arith.constant 0 : i32
      %dma_wait3A_379 = arith.constant 0 : i32
      %dma_wait3A_380 = tpu.memref_slice %arg2[%dma_wait3A_378, %dma_wait3A_379] : memref<20000x64xi32, #tpu.memory_space<hbm>> -> memref<128x64xi32, #tpu.memory_space<hbm>>
      tpu.wait_dma2 semaphore(%dma_wait3A_373 : memref<!tpu.dma_semaphore, #tpu.memory_space<semaphore_mem>>) src(%dma_wait3A_380 : memref<128x64xi32, #tpu.memory_space<hbm>>) dst(%dma_wait3A_377 : memref<128x64xi32, #tpu.memory_space<vmem>>)
      %rem3A_381 = arith.constant 4 : i32
      %rem3A_382 = arith.remsi %add3A_343, %rem3A_381 : i32
      %parallel_loop3A = arith.constant 0 : i32
      %parallel_loop3A_383 = arith.constant 128 : i32
      %parallel_loop3A_384 = arith.constant 1 : i32
      scf.for %parallel_loop3A_398 = %parallel_loop3A to %parallel_loop3A_383 step %parallel_loop3A_384  : i32 {
        %parallel_loop3A_399 = vector.broadcast %rem3A_382 : i32 to vector<16xi32>
        %parallel_loop3A_400 = arith.constant 0 : i32
        %parallel_loop3A_401 = vector.broadcast %parallel_loop3A_400 : i32 to vector<16xi32>
        %parallel_loop3A_402 = vector.broadcast %parallel_loop3A_398 : i32 to vector<16xi32>
        %parallel_loop3A_403 = tpu.vector_load_idx %arg10[%parallel_loop3A_399, %parallel_loop3A_401, %parallel_loop3A_402] : memref<4x1x128xf32, #tpu.memory_space<vmem>>[vector<16xi32>, vector<16xi32>, vector<16xi32>], vector<16xf32>,
        %parallel_loop3A_404 = arith.index_cast %rem3A_345 : i32 to index
        %parallel_loop3A_405 = arith.index_cast %parallel_loop3A_398 : i32 to index
        %parallel_loop3A_406 = arith.constant 0 : index
        %parallel_loop3A_407 = tpu.vector_load %arg11[%parallel_loop3A_404, %parallel_loop3A_405, %parallel_loop3A_406] {strides = array<i32>} : memref<2x128x64xi32, #tpu.memory_space<vmem>>, vector<16xi32>,
        %parallel_loop3A_408 = arith.constant 16 : i32
        %parallel_loop3A_409 = vector.broadcast %parallel_loop3A_408 : i32 to vector<16xi32>
        %parallel_loop3A_410 = arith.shli %parallel_loop3A_407, %parallel_loop3A_409 : vector<16xi32>
        %parallel_loop3A_411 = vector.bitcast %parallel_loop3A_410 : vector<16xi32> to vector<16xf32>
        %parallel_loop3A_412 = arith.constant -65536 : i32
        %parallel_loop3A_413 = vector.broadcast %parallel_loop3A_412 : i32 to vector<16xi32>
        %parallel_loop3A_414 = arith.andi %parallel_loop3A_407, %parallel_loop3A_413 : vector<16xi32>
        %parallel_loop3A_415 = vector.bitcast %parallel_loop3A_414 : vector<16xi32> to vector<16xf32>
        %parallel_loop3A_416 = arith.mulf %parallel_loop3A_411, %parallel_loop3A_403 : vector<16xf32>
        %parallel_loop3A_417 = arith.index_cast %rem3A_345 : i32 to index
        %parallel_loop3A_418 = arith.index_cast %parallel_loop3A_398 : i32 to index
        %parallel_loop3A_419 = arith.constant 0 : index
        %parallel_loop3A_420 = tpu.vector_load %arg12[%parallel_loop3A_417, %parallel_loop3A_418, %parallel_loop3A_419] {strides = array<i32>} : memref<2x128x128xf32, #tpu.memory_space<vmem>>, vector<16xf32>,
        tpu.vector_store %arg12[%parallel_loop3A_417, %parallel_loop3A_418, %parallel_loop3A_419], %parallel_loop3A_416 {strides = array<i32>} : memref<2x128x128xf32, #tpu.memory_space<vmem>>, vector<16xf32>,
        %parallel_loop3A_421 = arith.mulf %parallel_loop3A_415, %parallel_loop3A_403 : vector<16xf32>
        %parallel_loop3A_422 = arith.index_cast %rem3A_345 : i32 to index
        %parallel_loop3A_423 = arith.index_cast %parallel_loop3A_398 : i32 to index
        %parallel_loop3A_424 = arith.constant 64 : index
        %parallel_loop3A_425 = tpu.vector_load %arg12[%parallel_loop3A_422, %parallel_loop3A_423, %parallel_loop3A_424] {strides = array<i32>} : memref<2x128x128xf32, #tpu.memory_space<vmem>>, vector<16xf32>,
        tpu.vector_store %arg12[%parallel_loop3A_422, %parallel_loop3A_423, %parallel_loop3A_424], %parallel_loop3A_421 {strides = array<i32>} : memref<2x128x128xf32, #tpu.memory_space<vmem>>, vector<16xf32>,
        %parallel_loop3A_426 = arith.index_cast %rem3A_345 : i32 to index
        %parallel_loop3A_427 = arith.index_cast %parallel_loop3A_398 : i32 to index
        %parallel_loop3A_428 = arith.constant 16 : index
        %parallel_loop3A_429 = tpu.vector_load %arg11[%parallel_loop3A_426, %parallel_loop3A_427, %parallel_loop3A_428] {strides = array<i32>} : memref<2x128x64xi32, #tpu.memory_space<vmem>>, vector<16xi32>,
        %parallel_loop3A_430 = arith.constant 16 : i32
        %parallel_loop3A_431 = vector.broadcast %parallel_loop3A_430 : i32 to vector<16xi32>
        %parallel_loop3A_432 = arith.shli %parallel_loop3A_429, %parallel_loop3A_431 : vector<16xi32>
        %parallel_loop3A_433 = vector.bitcast %parallel_loop3A_432 : vector<16xi32> to vector<16xf32>
        %parallel_loop3A_434 = arith.constant -65536 : i32
        %parallel_loop3A_435 = vector.broadcast %parallel_loop3A_434 : i32 to vector<16xi32>
        %parallel_loop3A_436 = arith.andi %parallel_loop3A_429, %parallel_loop3A_435 : vector<16xi32>
        %parallel_loop3A_437 = vector.bitcast %parallel_loop3A_436 : vector<16xi32> to vector<16xf32>
        %parallel_loop3A_438 = arith.mulf %parallel_loop3A_433, %parallel_loop3A_403 : vector<16xf32>
        %parallel_loop3A_439 = arith.index_cast %rem3A_345 : i32 to index
        %parallel_loop3A_440 = arith.index_cast %parallel_loop3A_398 : i32 to index
        %parallel_loop3A_441 = arith.constant 16 : index
        %parallel_loop3A_442 = tpu.vector_load %arg12[%parallel_loop3A_439, %parallel_loop3A_440, %parallel_loop3A_441] {strides = array<i32>} : memref<2x128x128xf32, #tpu.memory_space<vmem>>, vector<16xf32>,
        tpu.vector_store %arg12[%parallel_loop3A_439, %parallel_loop3A_440, %parallel_loop3A_441], %parallel_loop3A_438 {strides = array<i32>} : memref<2x128x128xf32, #tpu.memory_space<vmem>>, vector<16xf32>,
        %parallel_loop3A_443 = arith.mulf %parallel_loop3A_437, %parallel_loop3A_403 : vector<16xf32>
        %parallel_loop3A_444 = arith.index_cast %rem3A_345 : i32 to index
        %parallel_loop3A_445 = arith.index_cast %parallel_loop3A_398 : i32 to index
        %parallel_loop3A_446 = arith.constant 80 : index
        %parallel_loop3A_447 = tpu.vector_load %arg12[%parallel_loop3A_444, %parallel_loop3A_445, %parallel_loop3A_446] {strides = array<i32>} : memref<2x128x128xf32, #tpu.memory_space<vmem>>, vector<16xf32>,
        tpu.vector_store %arg12[%parallel_loop3A_444, %parallel_loop3A_445, %parallel_loop3A_446], %parallel_loop3A_443 {strides = array<i32>} : memref<2x128x128xf32, #tpu.memory_space<vmem>>, vector<16xf32>,
        %parallel_loop3A_448 = arith.index_cast %rem3A_345 : i32 to index
        %parallel_loop3A_449 = arith.index_cast %parallel_loop3A_398 : i32 to index
        %parallel_loop3A_450 = arith.constant 32 : index
        %parallel_loop3A_451 = tpu.vector_load %arg11[%parallel_loop3A_448, %parallel_loop3A_449, %parallel_loop3A_450] {strides = array<i32>} : memref<2x128x64xi32, #tpu.memory_space<vmem>>, vector<16xi32>,
        %parallel_loop3A_452 = arith.constant 16 : i32
        %parallel_loop3A_453 = vector.broadcast %parallel_loop3A_452 : i32 to vector<16xi32>
        %parallel_loop3A_454 = arith.shli %parallel_loop3A_451, %parallel_loop3A_453 : vector<16xi32>
        %parallel_loop3A_455 = vector.bitcast %parallel_loop3A_454 : vector<16xi32> to vector<16xf32>
        %parallel_loop3A_456 = arith.constant -65536 : i32
        %parallel_loop3A_457 = vector.broadcast %parallel_loop3A_456 : i32 to vector<16xi32>
        %parallel_loop3A_458 = arith.andi %parallel_loop3A_451, %parallel_loop3A_457 : vector<16xi32>
        %parallel_loop3A_459 = vector.bitcast %parallel_loop3A_458 : vector<16xi32> to vector<16xf32>
        %parallel_loop3A_460 = arith.mulf %parallel_loop3A_455, %parallel_loop3A_403 : vector<16xf32>
        %parallel_loop3A_461 = arith.index_cast %rem3A_345 : i32 to index
        %parallel_loop3A_462 = arith.index_cast %parallel_loop3A_398 : i32 to index
        %parallel_loop3A_463 = arith.constant 32 : index
        %parallel_loop3A_464 = tpu.vector_load %arg12[%parallel_loop3A_461, %parallel_loop3A_462, %parallel_loop3A_463] {strides = array<i32>} : memref<2x128x128xf32, #tpu.memory_space<vmem>>, vector<16xf32>,
        tpu.vector_store %arg12[%parallel_loop3A_461, %parallel_loop3A_462, %parallel_loop3A_463], %parallel_loop3A_460 {strides = array<i32>} : memref<2x128x128xf32, #tpu.memory_space<vmem>>, vector<16xf32>,
        %parallel_loop3A_465 = arith.mulf %parallel_loop3A_459, %parallel_loop3A_403 : vector<16xf32>
        %parallel_loop3A_466 = arith.index_cast %rem3A_345 : i32 to index
        %parallel_loop3A_467 = arith.index_cast %parallel_loop3A_398 : i32 to index
        %parallel_loop3A_468 = arith.constant 96 : index
        %parallel_loop3A_469 = tpu.vector_load %arg12[%parallel_loop3A_466, %parallel_loop3A_467, %parallel_loop3A_468] {strides = array<i32>} : memref<2x128x128xf32, #tpu.memory_space<vmem>>, vector<16xf32>,
        tpu.vector_store %arg12[%parallel_loop3A_466, %parallel_loop3A_467, %parallel_loop3A_468], %parallel_loop3A_465 {strides = array<i32>} : memref<2x128x128xf32, #tpu.memory_space<vmem>>, vector<16xf32>,
        %parallel_loop3A_470 = arith.index_cast %rem3A_345 : i32 to index
        %parallel_loop3A_471 = arith.index_cast %parallel_loop3A_398 : i32 to index
        %parallel_loop3A_472 = arith.constant 48 : index
        %parallel_loop3A_473 = tpu.vector_load %arg11[%parallel_loop3A_470, %parallel_loop3A_471, %parallel_loop3A_472] {strides = array<i32>} : memref<2x128x64xi32, #tpu.memory_space<vmem>>, vector<16xi32>,
        %parallel_loop3A_474 = arith.constant 16 : i32
        %parallel_loop3A_475 = vector.broadcast %parallel_loop3A_474 : i32 to vector<16xi32>
        %parallel_loop3A_476 = arith.shli %parallel_loop3A_473, %parallel_loop3A_475 : vector<16xi32>
        %parallel_loop3A_477 = vector.bitcast %parallel_loop3A_476 : vector<16xi32> to vector<16xf32>
        %parallel_loop3A_478 = arith.constant -65536 : i32
        %parallel_loop3A_479 = vector.broadcast %parallel_loop3A_478 : i32 to vector<16xi32>
        %parallel_loop3A_480 = arith.andi %parallel_loop3A_473, %parallel_loop3A_479 : vector<16xi32>
        %parallel_loop3A_481 = vector.bitcast %parallel_loop3A_480 : vector<16xi32> to vector<16xf32>
        %parallel_loop3A_482 = arith.mulf %parallel_loop3A_477, %parallel_loop3A_403 : vector<16xf32>
        %parallel_loop3A_483 = arith.index_cast %rem3A_345 : i32 to index
        %parallel_loop3A_484 = arith.index_cast %parallel_loop3A_398 : i32 to index
        %parallel_loop3A_485 = arith.constant 48 : index
        %parallel_loop3A_486 = tpu.vector_load %arg12[%parallel_loop3A_483, %parallel_loop3A_484, %parallel_loop3A_485] {strides = array<i32>} : memref<2x128x128xf32, #tpu.memory_space<vmem>>, vector<16xf32>,
        tpu.vector_store %arg12[%parallel_loop3A_483, %parallel_loop3A_484, %parallel_loop3A_485], %parallel_loop3A_482 {strides = array<i32>} : memref<2x128x128xf32, #tpu.memory_space<vmem>>, vector<16xf32>,
        %parallel_loop3A_487 = arith.mulf %parallel_loop3A_481, %parallel_loop3A_403 : vector<16xf32>
        %parallel_loop3A_488 = arith.index_cast %rem3A_345 : i32 to index
        %parallel_loop3A_489 = arith.index_cast %parallel_loop3A_398 : i32 to index
        %parallel_loop3A_490 = arith.constant 112 : index
        %parallel_loop3A_491 = tpu.vector_load %arg12[%parallel_loop3A_488, %parallel_loop3A_489, %parallel_loop3A_490] {strides = array<i32>} : memref<2x128x128xf32, #tpu.memory_space<vmem>>, vector<16xf32>,
        tpu.vector_store %arg12[%parallel_loop3A_488, %parallel_loop3A_489, %parallel_loop3A_490], %parallel_loop3A_487 {strides = array<i32>} : memref<2x128x128xf32, #tpu.memory_space<vmem>>, vector<16xf32>,
      } {sc.loop_unroll_factor = 4 : i64, sc.parallel_access}
      %dma_start3A_385 = arith.constant 0 : i32
      %dma_start3A_386 = arith.constant 0 : i32
      %dma_start3A_387 = arith.constant 0 : i32
      %dma_start3A_388 = tpu.memref_slice %arg12[%rem3A_345, %dma_start3A_386, %dma_start3A_387] : memref<2x128x128xf32, #tpu.memory_space<vmem>> -> memref<1x128x128xf32, #tpu.memory_space<vmem>>
      %dma_start3A_389 = tpu.memref_squeeze %dma_start3A_388 : memref<1x128x128xf32, #tpu.memory_space<vmem>> -> memref<128x128xf32, #tpu.memory_space<vmem>>
      %dma_start3A_390 = arith.constant 0 : i32
      %dma_start3A_391 = tpu.memref_slice %arg9[%rem3A_382, %dma_start3A_385, %dma_start3A_390] : memref<4x1x128xi32, #tpu.memory_space<vmem>> -> memref<1x1x128xi32, #tpu.memory_space<vmem>>
      %dma_start3A_392 = tpu.memref_squeeze %dma_start3A_391 : memref<1x1x128xi32, #tpu.memory_space<vmem>> -> memref<128xi32, #tpu.memory_space<vmem>>
      %dma_start3A_393 = arith.constant 0 : i32
      %dma_start3A_394 = arith.constant 0 : i32
      %dma_start3A_395 = tpu.memref_slice %arg7[%dma_start3A_393, %dma_start3A_394] : memref<10000x128xf32, #tpu.memory_space<vmem_shared>> -> memref<10000x128xf32, #tpu.memory_space<vmem_shared>>
      %dma_start3A_396 = tpu.memref_slice %arg14[%rem3A_345] : memref<2x!tpu.dma_semaphore, #tpu.memory_space<semaphore_mem>> -> memref<1x!tpu.dma_semaphore, #tpu.memory_space<semaphore_mem>>
      %dma_start3A_397 = tpu.memref_squeeze %dma_start3A_396 : memref<1x!tpu.dma_semaphore, #tpu.memory_space<semaphore_mem>> -> memref<!tpu.dma_semaphore, #tpu.memory_space<semaphore_mem>>
      tpu.enqueue_indirect_dma source(%dma_start3A_389 : memref<128x128xf32, #tpu.memory_space<vmem>>) target(%dma_start3A_395 : memref<10000x128xf32, #tpu.memory_space<vmem_shared>>) offsets(%dma_start3A_392 : memref<128xi32, #tpu.memory_space<vmem>>) semaphore(%dma_start3A_397 : memref<!tpu.dma_semaphore, #tpu.memory_space<semaphore_mem>>) {add = true}
    }
    %while3A_296 = arith.constant 1 : i32
    scf.for %while3A_341 = %while3A_294 to %while3A_290 step %while3A_296  : i32 {
      %mul3A_342 = arith.muli %while3A_341, %while3A_286 : i32
      %add3A_343 = arith.addi %while3A_287, %mul3A_342 : i32
      %rem3A_344 = arith.constant 2 : i32
      %rem3A_345 = arith.remsi %add3A_343, %rem3A_344 : i32
      %add3A_346 = arith.constant 1 : i32
      %add3A_347 = arith.addi %add3A_343, %add3A_346 : i32
      %rem3A_348 = arith.constant 2 : i32
      %rem3A_349 = arith.remsi %add3A_347, %rem3A_348 : i32
      %ge3A = arith.constant 2 : i32
      %ge3A_350 = arith.cmpi sge, %add3A_343, %ge3A : i32
      %convert_element_type3A_351 = arith.extui %ge3A_350 : i1 to i32
      %cond3A = arith.constant 0 : i32
      %cond3A_352 = arith.cmpi ne, %convert_element_type3A_351, %cond3A : i32
      scf.if %cond3A_352 {
        %dma_wait3A_398 = arith.constant 0 : i32
        %dma_wait3A_399 = arith.constant 0 : i32
        %dma_wait3A_400 = arith.constant 0 : i32
        %dma_wait3A_401 = tpu.memref_slice %arg12[%rem3A_345, %dma_wait3A_399, %dma_wait3A_400] : memref<2x128x128xf32, #tpu.memory_space<vmem>> -> memref<1x128x128xf32, #tpu.memory_space<vmem>>
        %dma_wait3A_402 = tpu.memref_squeeze %dma_wait3A_401 : memref<1x128x128xf32, #tpu.memory_space<vmem>> -> memref<128x128xf32, #tpu.memory_space<vmem>>
        %dma_wait3A_403 = arith.constant 0 : i32
        %dma_wait3A_404 = arith.constant 0 : i32
        %dma_wait3A_405 = tpu.memref_slice %arg6[%dma_wait3A_398, %dma_wait3A_403, %dma_wait3A_404] : memref<2x10000x128xf32, #tpu.memory_space<hbm>> -> memref<1x128x128xf32, #tpu.memory_space<hbm>>
        %dma_wait3A_406 = tpu.memref_squeeze %dma_wait3A_405 : memref<1x128x128xf32, #tpu.memory_space<hbm>> -> memref<128x128xf32, #tpu.memory_space<hbm>>
        %dma_wait3A_407 = tpu.memref_slice %arg14[%rem3A_345] : memref<2x!tpu.dma_semaphore, #tpu.memory_space<semaphore_mem>> -> memref<1x!tpu.dma_semaphore, #tpu.memory_space<semaphore_mem>>
        %dma_wait3A_408 = tpu.memref_squeeze %dma_wait3A_407 : memref<1x!tpu.dma_semaphore, #tpu.memory_space<semaphore_mem>> -> memref<!tpu.dma_semaphore, #tpu.memory_space<semaphore_mem>>
        %dma_wait3A_409 = arith.constant 0 : i32
        %dma_wait3A_410 = arith.constant 0 : i32
        %dma_wait3A_411 = tpu.memref_slice %arg12[%rem3A_345, %dma_wait3A_409, %dma_wait3A_410] : memref<2x128x128xf32, #tpu.memory_space<vmem>> -> memref<1x128x128xf32, #tpu.memory_space<vmem>>
        %dma_wait3A_412 = tpu.memref_squeeze %dma_wait3A_411 : memref<1x128x128xf32, #tpu.memory_space<vmem>> -> memref<128x128xf32, #tpu.memory_space<vmem>>
        %dma_wait3A_413 = arith.constant 0 : i32
        %dma_wait3A_414 = arith.constant 0 : i32
        %dma_wait3A_415 = tpu.memref_slice %arg6[%dma_wait3A_398, %dma_wait3A_413, %dma_wait3A_414] : memref<2x10000x128xf32, #tpu.memory_space<hbm>> -> memref<1x128x128xf32, #tpu.memory_space<hbm>>
        %dma_wait3A_416 = tpu.memref_squeeze %dma_wait3A_415 : memref<1x128x128xf32, #tpu.memory_space<hbm>> -> memref<128x128xf32, #tpu.memory_space<hbm>>
        tpu.wait_dma2 semaphore(%dma_wait3A_408 : memref<!tpu.dma_semaphore, #tpu.memory_space<semaphore_mem>>) src(%dma_wait3A_416 : memref<128x128xf32, #tpu.memory_space<hbm>>) dst(%dma_wait3A_412 : memref<128x128xf32, #tpu.memory_space<vmem>>)
      } else {
      }
      %add3A_353 = arith.constant 2 : i32
      %add3A_354 = arith.addi %add3A_343, %add3A_353 : i32
      %lt3A_355 = arith.cmpi slt, %add3A_354, %add3A_68 : i32
      %convert_element_type3A_356 = arith.extui %lt3A_355 : i1 to i32
      %cond3A_357 = arith.constant 0 : i32
      %cond3A_358 = arith.cmpi ne, %convert_element_type3A_356, %cond3A_357 : i32
      scf.if %cond3A_358 {
        %add3A_398 = arith.constant 2 : i32
        %add3A_399 = arith.addi %add3A_343, %add3A_398 : i32
        %rem3A_400 = arith.constant 4 : i32
        %rem3A_401 = arith.remsi %add3A_399, %rem3A_400 : i32
        %add3A_402 = arith.addi %add3A_65, %add3A_343 : i32
        %add3A_403 = arith.constant 2 : i32
        %add3A_404 = arith.addi %add3A_402, %add3A_403 : i32
        %dma_start3A_405 = arith.constant 0 : i32
        %dma_start3A_406 = arith.constant 0 : i32
        %dma_start3A_407 = tpu.memref_slice %arg8[%rem3A_401, %dma_start3A_405, %dma_start3A_406] : memref<4x1x128xi32, #tpu.memory_space<vmem>> -> memref<1x1x128xi32, #tpu.memory_space<vmem>>
        %dma_start3A_408 = tpu.memref_squeeze %dma_start3A_407 : memref<1x1x128xi32, #tpu.memory_space<vmem>> -> memref<1x128xi32, #tpu.memory_space<vmem>>
        %dma_start3A_409 = arith.constant 0 : i32
        %dma_start3A_410 = arith.constant 0 : i32
        %dma_start3A_411 = tpu.memref_slice %arg3[%add3A_404, %dma_start3A_409, %dma_start3A_410] : memref<2500x1x128xi32, #tpu.memory_space<hbm>> -> memref<1x1x128xi32, #tpu.memory_space<hbm>>
        %dma_start3A_412 = tpu.memref_squeeze %dma_start3A_411 : memref<1x1x128xi32, #tpu.memory_space<hbm>> -> memref<1x128xi32, #tpu.memory_space<hbm>>
        %dma_start3A_413 = tpu.memref_slice %arg15[%rem3A_401] : memref<4x!tpu.dma_semaphore, #tpu.memory_space<semaphore_mem>> -> memref<1x!tpu.dma_semaphore, #tpu.memory_space<semaphore_mem>>
        %dma_start3A_414 = tpu.memref_squeeze %dma_start3A_413 : memref<1x!tpu.dma_semaphore, #tpu.memory_space<semaphore_mem>> -> memref<!tpu.dma_semaphore, #tpu.memory_space<semaphore_mem>>
        %dma_start3A_415 = arith.constant 0 : i32
        %dma_start3A_416 = arith.constant 0 : i32
        %dma_start3A_417 = tpu.memref_slice %arg8[%rem3A_401, %dma_start3A_415, %dma_start3A_416] : memref<4x1x128xi32, #tpu.memory_space<vmem>> -> memref<1x1x128xi32, #tpu.memory_space<vmem>>
        %dma_start3A_418 = tpu.memref_squeeze %dma_start3A_417 : memref<1x1x128xi32, #tpu.memory_space<vmem>> -> memref<1x128xi32, #tpu.memory_space<vmem>>
        %dma_start3A_419 = arith.constant 0 : i32
        %dma_start3A_420 = arith.constant 0 : i32
        %dma_start3A_421 = tpu.memref_slice %arg3[%add3A_404, %dma_start3A_419, %dma_start3A_420] : memref<2500x1x128xi32, #tpu.memory_space<hbm>> -> memref<1x1x128xi32, #tpu.memory_space<hbm>>
        %dma_start3A_422 = tpu.memref_squeeze %dma_start3A_421 : memref<1x1x128xi32, #tpu.memory_space<hbm>> -> memref<1x128xi32, #tpu.memory_space<hbm>>
        tpu.enqueue_dma source(%dma_start3A_422 : memref<1x128xi32, #tpu.memory_space<hbm>>) target(%dma_start3A_418 : memref<1x128xi32, #tpu.memory_space<vmem>>) target_semaphore(%dma_start3A_414 : memref<!tpu.dma_semaphore, #tpu.memory_space<semaphore_mem>>)
        %add3A_423 = arith.addi %add3A_65, %add3A_343 : i32
        %add3A_424 = arith.constant 2 : i32
        %add3A_425 = arith.addi %add3A_423, %add3A_424 : i32
        %dma_start3A_426 = arith.constant 0 : i32
        %dma_start3A_427 = arith.constant 0 : i32
        %dma_start3A_428 = tpu.memref_slice %arg9[%rem3A_401, %dma_start3A_426, %dma_start3A_427] : memref<4x1x128xi32, #tpu.memory_space<vmem>> -> memref<1x1x128xi32, #tpu.memory_space<vmem>>
        %dma_start3A_429 = tpu.memref_squeeze %dma_start3A_428 : memref<1x1x128xi32, #tpu.memory_space<vmem>> -> memref<1x128xi32, #tpu.memory_space<vmem>>
        %dma_start3A_430 = arith.constant 0 : i32
        %dma_start3A_431 = arith.constant 0 : i32
        %dma_start3A_432 = tpu.memref_slice %arg4[%add3A_425, %dma_start3A_430, %dma_start3A_431] : memref<2500x1x128xi32, #tpu.memory_space<hbm>> -> memref<1x1x128xi32, #tpu.memory_space<hbm>>
        %dma_start3A_433 = tpu.memref_squeeze %dma_start3A_432 : memref<1x1x128xi32, #tpu.memory_space<hbm>> -> memref<1x128xi32, #tpu.memory_space<hbm>>
        %dma_start3A_434 = tpu.memref_slice %arg15[%rem3A_401] : memref<4x!tpu.dma_semaphore, #tpu.memory_space<semaphore_mem>> -> memref<1x!tpu.dma_semaphore, #tpu.memory_space<semaphore_mem>>
        %dma_start3A_435 = tpu.memref_squeeze %dma_start3A_434 : memref<1x!tpu.dma_semaphore, #tpu.memory_space<semaphore_mem>> -> memref<!tpu.dma_semaphore, #tpu.memory_space<semaphore_mem>>
        %dma_start3A_436 = arith.constant 0 : i32
        %dma_start3A_437 = arith.constant 0 : i32
        %dma_start3A_438 = tpu.memref_slice %arg9[%rem3A_401, %dma_start3A_436, %dma_start3A_437] : memref<4x1x128xi32, #tpu.memory_space<vmem>> -> memref<1x1x128xi32, #tpu.memory_space<vmem>>
        %dma_start3A_439 = tpu.memref_squeeze %dma_start3A_438 : memref<1x1x128xi32, #tpu.memory_space<vmem>> -> memref<1x128xi32, #tpu.memory_space<vmem>>
        %dma_start3A_440 = arith.constant 0 : i32
        %dma_start3A_441 = arith.constant 0 : i32
        %dma_start3A_442 = tpu.memref_slice %arg4[%add3A_425, %dma_start3A_440, %dma_start3A_441] : memref<2500x1x128xi32, #tpu.memory_space<hbm>> -> memref<1x1x128xi32, #tpu.memory_space<hbm>>
        %dma_start3A_443 = tpu.memref_squeeze %dma_start3A_442 : memref<1x1x128xi32, #tpu.memory_space<hbm>> -> memref<1x128xi32, #tpu.memory_space<hbm>>
        tpu.enqueue_dma source(%dma_start3A_443 : memref<1x128xi32, #tpu.memory_space<hbm>>) target(%dma_start3A_439 : memref<1x128xi32, #tpu.memory_space<vmem>>) target_semaphore(%dma_start3A_435 : memref<!tpu.dma_semaphore, #tpu.memory_space<semaphore_mem>>)
        %add3A_444 = arith.addi %add3A_65, %add3A_343 : i32
        %add3A_445 = arith.constant 2 : i32
        %add3A_446 = arith.addi %add3A_444, %add3A_445 : i32
        %dma_start3A_447 = arith.constant 0 : i32
        %dma_start3A_448 = arith.constant 0 : i32
        %dma_start3A_449 = tpu.memref_slice %arg10[%rem3A_401, %dma_start3A_447, %dma_start3A_448] : memref<4x1x128xf32, #tpu.memory_space<vmem>> -> memref<1x1x128xf32, #tpu.memory_space<vmem>>
        %dma_start3A_450 = tpu.memref_squeeze %dma_start3A_449 : memref<1x1x128xf32, #tpu.memory_space<vmem>> -> memref<1x128xf32, #tpu.memory_space<vmem>>
        %dma_start3A_451 = arith.constant 0 : i32
        %dma_start3A_452 = arith.constant 0 : i32
        %dma_start3A_453 = tpu.memref_slice %arg5[%add3A_446, %dma_start3A_451, %dma_start3A_452] : memref<2500x1x128xf32, #tpu.memory_space<hbm>> -> memref<1x1x128xf32, #tpu.memory_space<hbm>>
        %dma_start3A_454 = tpu.memref_squeeze %dma_start3A_453 : memref<1x1x128xf32, #tpu.memory_space<hbm>> -> memref<1x128xf32, #tpu.memory_space<hbm>>
        %dma_start3A_455 = tpu.memref_slice %arg15[%rem3A_401] : memref<4x!tpu.dma_semaphore, #tpu.memory_space<semaphore_mem>> -> memref<1x!tpu.dma_semaphore, #tpu.memory_space<semaphore_mem>>
        %dma_start3A_456 = tpu.memref_squeeze %dma_start3A_455 : memref<1x!tpu.dma_semaphore, #tpu.memory_space<semaphore_mem>> -> memref<!tpu.dma_semaphore, #tpu.memory_space<semaphore_mem>>
        %dma_start3A_457 = arith.constant 0 : i32
        %dma_start3A_458 = arith.constant 0 : i32
        %dma_start3A_459 = tpu.memref_slice %arg10[%rem3A_401, %dma_start3A_457, %dma_start3A_458] : memref<4x1x128xf32, #tpu.memory_space<vmem>> -> memref<1x1x128xf32, #tpu.memory_space<vmem>>
        %dma_start3A_460 = tpu.memref_squeeze %dma_start3A_459 : memref<1x1x128xf32, #tpu.memory_space<vmem>> -> memref<1x128xf32, #tpu.memory_space<vmem>>
        %dma_start3A_461 = arith.constant 0 : i32
        %dma_start3A_462 = arith.constant 0 : i32
        %dma_start3A_463 = tpu.memref_slice %arg5[%add3A_446, %dma_start3A_461, %dma_start3A_462] : memref<2500x1x128xf32, #tpu.memory_space<hbm>> -> memref<1x1x128xf32, #tpu.memory_space<hbm>>
        %dma_start3A_464 = tpu.memref_squeeze %dma_start3A_463 : memref<1x1x128xf32, #tpu.memory_space<hbm>> -> memref<1x128xf32, #tpu.memory_space<hbm>>
        tpu.enqueue_dma source(%dma_start3A_464 : memref<1x128xf32, #tpu.memory_space<hbm>>) target(%dma_start3A_460 : memref<1x128xf32, #tpu.memory_space<vmem>>) target_semaphore(%dma_start3A_456 : memref<!tpu.dma_semaphore, #tpu.memory_space<semaphore_mem>>)
      } else {
      }
      %add3A_359 = arith.constant 1 : i32
      %add3A_360 = arith.addi %add3A_343, %add3A_359 : i32
      %lt3A_361 = arith.cmpi slt, %add3A_360, %add3A_68 : i32
      %convert_element_type3A_362 = arith.extui %lt3A_361 : i1 to i32
      %cond3A_363 = arith.constant 0 : i32
      %cond3A_364 = arith.cmpi ne, %convert_element_type3A_362, %cond3A_363 : i32
      scf.if %cond3A_364 {
        %add3A_398 = arith.constant 1 : i32
        %add3A_399 = arith.addi %add3A_343, %add3A_398 : i32
        %rem3A_400 = arith.constant 4 : i32
        %rem3A_401 = arith.remsi %add3A_399, %rem3A_400 : i32
        %dma_wait3A_402 = arith.constant 0 : i32
        %dma_wait3A_403 = arith.constant 0 : i32
        %dma_wait3A_404 = arith.constant 0 : i32
        %dma_wait3A_405 = tpu.memref_slice %arg8[%rem3A_401, %dma_wait3A_403, %dma_wait3A_404] : memref<4x1x128xi32, #tpu.memory_space<vmem>> -> memref<1x1x128xi32, #tpu.memory_space<vmem>>
        %dma_wait3A_406 = tpu.memref_squeeze %dma_wait3A_405 : memref<1x1x128xi32, #tpu.memory_space<vmem>> -> memref<1x128xi32, #tpu.memory_space<vmem>>
        %dma_wait3A_407 = arith.constant 0 : i32
        %dma_wait3A_408 = arith.constant 0 : i32
        %dma_wait3A_409 = tpu.memref_slice %arg3[%dma_wait3A_402, %dma_wait3A_407, %dma_wait3A_408] : memref<2500x1x128xi32, #tpu.memory_space<hbm>> -> memref<1x1x128xi32, #tpu.memory_space<hbm>>
        %dma_wait3A_410 = tpu.memref_squeeze %dma_wait3A_409 : memref<1x1x128xi32, #tpu.memory_space<hbm>> -> memref<1x128xi32, #tpu.memory_space<hbm>>
        %dma_wait3A_411 = tpu.memref_slice %arg15[%rem3A_401] : memref<4x!tpu.dma_semaphore, #tpu.memory_space<semaphore_mem>> -> memref<1x!tpu.dma_semaphore, #tpu.memory_space<semaphore_mem>>
        %dma_wait3A_412 = tpu.memref_squeeze %dma_wait3A_411 : memref<1x!tpu.dma_semaphore, #tpu.memory_space<semaphore_mem>> -> memref<!tpu.dma_semaphore, #tpu.memory_space<semaphore_mem>>
        %dma_wait3A_413 = arith.constant 0 : i32
        %dma_wait3A_414 = arith.constant 0 : i32
        %dma_wait3A_415 = tpu.memref_slice %arg8[%rem3A_401, %dma_wait3A_413, %dma_wait3A_414] : memref<4x1x128xi32, #tpu.memory_space<vmem>> -> memref<1x1x128xi32, #tpu.memory_space<vmem>>
        %dma_wait3A_416 = tpu.memref_squeeze %dma_wait3A_415 : memref<1x1x128xi32, #tpu.memory_space<vmem>> -> memref<1x128xi32, #tpu.memory_space<vmem>>
        %dma_wait3A_417 = arith.constant 0 : i32
        %dma_wait3A_418 = arith.constant 0 : i32
        %dma_wait3A_419 = tpu.memref_slice %arg3[%dma_wait3A_402, %dma_wait3A_417, %dma_wait3A_418] : memref<2500x1x128xi32, #tpu.memory_space<hbm>> -> memref<1x1x128xi32, #tpu.memory_space<hbm>>
        %dma_wait3A_420 = tpu.memref_squeeze %dma_wait3A_419 : memref<1x1x128xi32, #tpu.memory_space<hbm>> -> memref<1x128xi32, #tpu.memory_space<hbm>>
        tpu.wait_dma2 semaphore(%dma_wait3A_412 : memref<!tpu.dma_semaphore, #tpu.memory_space<semaphore_mem>>) src(%dma_wait3A_420 : memref<1x128xi32, #tpu.memory_space<hbm>>) dst(%dma_wait3A_416 : memref<1x128xi32, #tpu.memory_space<vmem>>)
        %dma_wait3A_421 = arith.constant 0 : i32
        %dma_wait3A_422 = arith.constant 0 : i32
        %dma_wait3A_423 = arith.constant 0 : i32
        %dma_wait3A_424 = tpu.memref_slice %arg9[%rem3A_401, %dma_wait3A_422, %dma_wait3A_423] : memref<4x1x128xi32, #tpu.memory_space<vmem>> -> memref<1x1x128xi32, #tpu.memory_space<vmem>>
        %dma_wait3A_425 = tpu.memref_squeeze %dma_wait3A_424 : memref<1x1x128xi32, #tpu.memory_space<vmem>> -> memref<1x128xi32, #tpu.memory_space<vmem>>
        %dma_wait3A_426 = arith.constant 0 : i32
        %dma_wait3A_427 = arith.constant 0 : i32
        %dma_wait3A_428 = tpu.memref_slice %arg3[%dma_wait3A_421, %dma_wait3A_426, %dma_wait3A_427] : memref<2500x1x128xi32, #tpu.memory_space<hbm>> -> memref<1x1x128xi32, #tpu.memory_space<hbm>>
        %dma_wait3A_429 = tpu.memref_squeeze %dma_wait3A_428 : memref<1x1x128xi32, #tpu.memory_space<hbm>> -> memref<1x128xi32, #tpu.memory_space<hbm>>
        %dma_wait3A_430 = tpu.memref_slice %arg15[%rem3A_401] : memref<4x!tpu.dma_semaphore, #tpu.memory_space<semaphore_mem>> -> memref<1x!tpu.dma_semaphore, #tpu.memory_space<semaphore_mem>>
        %dma_wait3A_431 = tpu.memref_squeeze %dma_wait3A_430 : memref<1x!tpu.dma_semaphore, #tpu.memory_space<semaphore_mem>> -> memref<!tpu.dma_semaphore, #tpu.memory_space<semaphore_mem>>
        %dma_wait3A_432 = arith.constant 0 : i32
        %dma_wait3A_433 = arith.constant 0 : i32
        %dma_wait3A_434 = tpu.memref_slice %arg9[%rem3A_401, %dma_wait3A_432, %dma_wait3A_433] : memref<4x1x128xi32, #tpu.memory_space<vmem>> -> memref<1x1x128xi32, #tpu.memory_space<vmem>>
        %dma_wait3A_435 = tpu.memref_squeeze %dma_wait3A_434 : memref<1x1x128xi32, #tpu.memory_space<vmem>> -> memref<1x128xi32, #tpu.memory_space<vmem>>
        %dma_wait3A_436 = arith.constant 0 : i32
        %dma_wait3A_437 = arith.constant 0 : i32
        %dma_wait3A_438 = tpu.memref_slice %arg3[%dma_wait3A_421, %dma_wait3A_436, %dma_wait3A_437] : memref<2500x1x128xi32, #tpu.memory_space<hbm>> -> memref<1x1x128xi32, #tpu.memory_space<hbm>>
        %dma_wait3A_439 = tpu.memref_squeeze %dma_wait3A_438 : memref<1x1x128xi32, #tpu.memory_space<hbm>> -> memref<1x128xi32, #tpu.memory_space<hbm>>
        tpu.wait_dma2 semaphore(%dma_wait3A_431 : memref<!tpu.dma_semaphore, #tpu.memory_space<semaphore_mem>>) src(%dma_wait3A_439 : memref<1x128xi32, #tpu.memory_space<hbm>>) dst(%dma_wait3A_435 : memref<1x128xi32, #tpu.memory_space<vmem>>)
        %dma_wait3A_440 = arith.constant 0 : i32
        %dma_wait3A_441 = arith.constant 0 : i32
        %dma_wait3A_442 = arith.constant 0 : i32
        %dma_wait3A_443 = tpu.memref_slice %arg10[%rem3A_401, %dma_wait3A_441, %dma_wait3A_442] : memref<4x1x128xf32, #tpu.memory_space<vmem>> -> memref<1x1x128xf32, #tpu.memory_space<vmem>>
        %dma_wait3A_444 = tpu.memref_squeeze %dma_wait3A_443 : memref<1x1x128xf32, #tpu.memory_space<vmem>> -> memref<1x128xf32, #tpu.memory_space<vmem>>
        %dma_wait3A_445 = arith.constant 0 : i32
        %dma_wait3A_446 = arith.constant 0 : i32
        %dma_wait3A_447 = tpu.memref_slice %arg3[%dma_wait3A_440, %dma_wait3A_445, %dma_wait3A_446] : memref<2500x1x128xi32, #tpu.memory_space<hbm>> -> memref<1x1x128xi32, #tpu.memory_space<hbm>>
        %dma_wait3A_448 = tpu.memref_squeeze %dma_wait3A_447 : memref<1x1x128xi32, #tpu.memory_space<hbm>> -> memref<1x128xi32, #tpu.memory_space<hbm>>
        %dma_wait3A_449 = tpu.memref_slice %arg15[%rem3A_401] : memref<4x!tpu.dma_semaphore, #tpu.memory_space<semaphore_mem>> -> memref<1x!tpu.dma_semaphore, #tpu.memory_space<semaphore_mem>>
        %dma_wait3A_450 = tpu.memref_squeeze %dma_wait3A_449 : memref<1x!tpu.dma_semaphore, #tpu.memory_space<semaphore_mem>> -> memref<!tpu.dma_semaphore, #tpu.memory_space<semaphore_mem>>
        %dma_wait3A_451 = arith.constant 0 : i32
        %dma_wait3A_452 = arith.constant 0 : i32
        %dma_wait3A_453 = tpu.memref_slice %arg10[%rem3A_401, %dma_wait3A_451, %dma_wait3A_452] : memref<4x1x128xf32, #tpu.memory_space<vmem>> -> memref<1x1x128xf32, #tpu.memory_space<vmem>>
        %dma_wait3A_454 = tpu.memref_squeeze %dma_wait3A_453 : memref<1x1x128xf32, #tpu.memory_space<vmem>> -> memref<1x128xf32, #tpu.memory_space<vmem>>
        %dma_wait3A_455 = arith.constant 0 : i32
        %dma_wait3A_456 = arith.constant 0 : i32
        %dma_wait3A_457 = tpu.memref_slice %arg3[%dma_wait3A_440, %dma_wait3A_455, %dma_wait3A_456] : memref<2500x1x128xi32, #tpu.memory_space<hbm>> -> memref<1x1x128xi32, #tpu.memory_space<hbm>>
        %dma_wait3A_458 = tpu.memref_squeeze %dma_wait3A_457 : memref<1x1x128xi32, #tpu.memory_space<hbm>> -> memref<1x128xi32, #tpu.memory_space<hbm>>
        tpu.wait_dma2 semaphore(%dma_wait3A_450 : memref<!tpu.dma_semaphore, #tpu.memory_space<semaphore_mem>>) src(%dma_wait3A_458 : memref<1x128xi32, #tpu.memory_space<hbm>>) dst(%dma_wait3A_454 : memref<1x128xf32, #tpu.memory_space<vmem>>)
        %dma_start3A_459 = arith.constant 0 : i32
        %dma_start3A_460 = arith.constant 0 : i32
        %dma_start3A_461 = arith.constant 0 : i32
        %dma_start3A_462 = tpu.memref_slice %arg11[%rem3A_349, %dma_start3A_460, %dma_start3A_461] : memref<2x128x64xi32, #tpu.memory_space<vmem>> -> memref<1x128x64xi32, #tpu.memory_space<vmem>>
        %dma_start3A_463 = tpu.memref_squeeze %dma_start3A_462 : memref<1x128x64xi32, #tpu.memory_space<vmem>> -> memref<128x64xi32, #tpu.memory_space<vmem>>
        %dma_start3A_464 = arith.constant 0 : i32
        %dma_start3A_465 = tpu.memref_slice %arg8[%rem3A_401, %dma_start3A_459, %dma_start3A_464] : memref<4x1x128xi32, #tpu.memory_space<vmem>> -> memref<1x1x128xi32, #tpu.memory_space<vmem>>
        %dma_start3A_466 = tpu.memref_squeeze %dma_start3A_465 : memref<1x1x128xi32, #tpu.memory_space<vmem>> -> memref<128xi32, #tpu.memory_space<vmem>>
        %dma_start3A_467 = arith.constant 0 : i32
        %dma_start3A_468 = arith.constant 0 : i32
        %dma_start3A_469 = tpu.memref_slice %arg2[%dma_start3A_467, %dma_start3A_468] : memref<20000x64xi32, #tpu.memory_space<hbm>> -> memref<20000x64xi32, #tpu.memory_space<hbm>>
        %dma_start3A_470 = tpu.memref_slice %arg13[%rem3A_349] : memref<2x!tpu.dma_semaphore, #tpu.memory_space<semaphore_mem>> -> memref<1x!tpu.dma_semaphore, #tpu.memory_space<semaphore_mem>>
        %dma_start3A_471 = tpu.memref_squeeze %dma_start3A_470 : memref<1x!tpu.dma_semaphore, #tpu.memory_space<semaphore_mem>> -> memref<!tpu.dma_semaphore, #tpu.memory_space<semaphore_mem>>
        tpu.enqueue_indirect_dma source(%dma_start3A_469 : memref<20000x64xi32, #tpu.memory_space<hbm>>) target(%dma_start3A_463 : memref<128x64xi32, #tpu.memory_space<vmem>>) offsets(%dma_start3A_466 : memref<128xi32, #tpu.memory_space<vmem>>) semaphore(%dma_start3A_471 : memref<!tpu.dma_semaphore, #tpu.memory_space<semaphore_mem>>)
      } else {
      }
      %dma_wait3A_365 = arith.constant 0 : i32
      %dma_wait3A_366 = arith.constant 0 : i32
      %dma_wait3A_367 = tpu.memref_slice %arg11[%rem3A_345, %dma_wait3A_365, %dma_wait3A_366] : memref<2x128x64xi32, #tpu.memory_space<vmem>> -> memref<1x128x64xi32, #tpu.memory_space<vmem>>
      %dma_wait3A_368 = tpu.memref_squeeze %dma_wait3A_367 : memref<1x128x64xi32, #tpu.memory_space<vmem>> -> memref<128x64xi32, #tpu.memory_space<vmem>>
      %dma_wait3A_369 = arith.constant 0 : i32
      %dma_wait3A_370 = arith.constant 0 : i32
      %dma_wait3A_371 = tpu.memref_slice %arg2[%dma_wait3A_369, %dma_wait3A_370] : memref<20000x64xi32, #tpu.memory_space<hbm>> -> memref<128x64xi32, #tpu.memory_space<hbm>>
      %dma_wait3A_372 = tpu.memref_slice %arg13[%rem3A_345] : memref<2x!tpu.dma_semaphore, #tpu.memory_space<semaphore_mem>> -> memref<1x!tpu.dma_semaphore, #tpu.memory_space<semaphore_mem>>
      %dma_wait3A_373 = tpu.memref_squeeze %dma_wait3A_372 : memref<1x!tpu.dma_semaphore, #tpu.memory_space<semaphore_mem>> -> memref<!tpu.dma_semaphore, #tpu.memory_space<semaphore_mem>>
      %dma_wait3A_374 = arith.constant 0 : i32
      %dma_wait3A_375 = arith.constant 0 : i32
      %dma_wait3A_376 = tpu.memref_slice %arg11[%rem3A_345, %dma_wait3A_374, %dma_wait3A_375] : memref<2x128x64xi32, #tpu.memory_space<vmem>> -> memref<1x128x64xi32, #tpu.memory_space<vmem>>
      %dma_wait3A_377 = tpu.memref_squeeze %dma_wait3A_376 : memref<1x128x64xi32, #tpu.memory_space<vmem>> -> memref<128x64xi32, #tpu.memory_space<vmem>>
      %dma_wait3A_378 = arith.constant 0 : i32
      %dma_wait3A_379 = arith.constant 0 : i32
      %dma_wait3A_380 = tpu.memref_slice %arg2[%dma_wait3A_378, %dma_wait3A_379] : memref<20000x64xi32, #tpu.memory_space<hbm>> -> memref<128x64xi32, #tpu.memory_space<hbm>>
      tpu.wait_dma2 semaphore(%dma_wait3A_373 : memref<!tpu.dma_semaphore, #tpu.memory_space<semaphore_mem>>) src(%dma_wait3A_380 : memref<128x64xi32, #tpu.memory_space<hbm>>) dst(%dma_wait3A_377 : memref<128x64xi32, #tpu.memory_space<vmem>>)
      %rem3A_381 = arith.constant 4 : i32
      %rem3A_382 = arith.remsi %add3A_343, %rem3A_381 : i32
      %parallel_loop3A = arith.constant 0 : i32
      %parallel_loop3A_383 = arith.constant 128 : i32
      %parallel_loop3A_384 = arith.constant 1 : i32
      scf.for %parallel_loop3A_398 = %parallel_loop3A to %parallel_loop3A_383 step %parallel_loop3A_384  : i32 {
        %parallel_loop3A_399 = vector.broadcast %rem3A_382 : i32 to vector<16xi32>
        %parallel_loop3A_400 = arith.constant 0 : i32
        %parallel_loop3A_401 = vector.broadcast %parallel_loop3A_400 : i32 to vector<16xi32>
        %parallel_loop3A_402 = vector.broadcast %parallel_loop3A_398 : i32 to vector<16xi32>
        %parallel_loop3A_403 = tpu.vector_load_idx %arg10[%parallel_loop3A_399, %parallel_loop3A_401, %parallel_loop3A_402] : memref<4x1x128xf32, #tpu.memory_space<vmem>>[vector<16xi32>, vector<16xi32>, vector<16xi32>], vector<16xf32>,
        %parallel_loop3A_404 = arith.index_cast %rem3A_345 : i32 to index
        %parallel_loop3A_405 = arith.index_cast %parallel_loop3A_398 : i32 to index
        %parallel_loop3A_406 = arith.constant 0 : index
        %parallel_loop3A_407 = tpu.vector_load %arg11[%parallel_loop3A_404, %parallel_loop3A_405, %parallel_loop3A_406] {strides = array<i32>} : memref<2x128x64xi32, #tpu.memory_space<vmem>>, vector<16xi32>,
        %parallel_loop3A_408 = arith.constant 16 : i32
        %parallel_loop3A_409 = vector.broadcast %parallel_loop3A_408 : i32 to vector<16xi32>
        %parallel_loop3A_410 = arith.shli %parallel_loop3A_407, %parallel_loop3A_409 : vector<16xi32>
        %parallel_loop3A_411 = vector.bitcast %parallel_loop3A_410 : vector<16xi32> to vector<16xf32>
        %parallel_loop3A_412 = arith.constant -65536 : i32
        %parallel_loop3A_413 = vector.broadcast %parallel_loop3A_412 : i32 to vector<16xi32>
        %parallel_loop3A_414 = arith.andi %parallel_loop3A_407, %parallel_loop3A_413 : vector<16xi32>
        %parallel_loop3A_415 = vector.bitcast %parallel_loop3A_414 : vector<16xi32> to vector<16xf32>
        %parallel_loop3A_416 = arith.mulf %parallel_loop3A_411, %parallel_loop3A_403 : vector<16xf32>
        %parallel_loop3A_417 = arith.index_cast %rem3A_345 : i32 to index
        %parallel_loop3A_418 = arith.index_cast %parallel_loop3A_398 : i32 to index
        %parallel_loop3A_419 = arith.constant 0 : index
        %parallel_loop3A_420 = tpu.vector_load %arg12[%parallel_loop3A_417, %parallel_loop3A_418, %parallel_loop3A_419] {strides = array<i32>} : memref<2x128x128xf32, #tpu.memory_space<vmem>>, vector<16xf32>,
        tpu.vector_store %arg12[%parallel_loop3A_417, %parallel_loop3A_418, %parallel_loop3A_419], %parallel_loop3A_416 {strides = array<i32>} : memref<2x128x128xf32, #tpu.memory_space<vmem>>, vector<16xf32>,
        %parallel_loop3A_421 = arith.mulf %parallel_loop3A_415, %parallel_loop3A_403 : vector<16xf32>
        %parallel_loop3A_422 = arith.index_cast %rem3A_345 : i32 to index
        %parallel_loop3A_423 = arith.index_cast %parallel_loop3A_398 : i32 to index
        %parallel_loop3A_424 = arith.constant 64 : index
        %parallel_loop3A_425 = tpu.vector_load %arg12[%parallel_loop3A_422, %parallel_loop3A_423, %parallel_loop3A_424] {strides = array<i32>} : memref<2x128x128xf32, #tpu.memory_space<vmem>>, vector<16xf32>,
        tpu.vector_store %arg12[%parallel_loop3A_422, %parallel_loop3A_423, %parallel_loop3A_424], %parallel_loop3A_421 {strides = array<i32>} : memref<2x128x128xf32, #tpu.memory_space<vmem>>, vector<16xf32>,
        %parallel_loop3A_426 = arith.index_cast %rem3A_345 : i32 to index
        %parallel_loop3A_427 = arith.index_cast %parallel_loop3A_398 : i32 to index
        %parallel_loop3A_428 = arith.constant 16 : index
        %parallel_loop3A_429 = tpu.vector_load %arg11[%parallel_loop3A_426, %parallel_loop3A_427, %parallel_loop3A_428] {strides = array<i32>} : memref<2x128x64xi32, #tpu.memory_space<vmem>>, vector<16xi32>,
        %parallel_loop3A_430 = arith.constant 16 : i32
        %parallel_loop3A_431 = vector.broadcast %parallel_loop3A_430 : i32 to vector<16xi32>
        %parallel_loop3A_432 = arith.shli %parallel_loop3A_429, %parallel_loop3A_431 : vector<16xi32>
        %parallel_loop3A_433 = vector.bitcast %parallel_loop3A_432 : vector<16xi32> to vector<16xf32>
        %parallel_loop3A_434 = arith.constant -65536 : i32
        %parallel_loop3A_435 = vector.broadcast %parallel_loop3A_434 : i32 to vector<16xi32>
        %parallel_loop3A_436 = arith.andi %parallel_loop3A_429, %parallel_loop3A_435 : vector<16xi32>
        %parallel_loop3A_437 = vector.bitcast %parallel_loop3A_436 : vector<16xi32> to vector<16xf32>
        %parallel_loop3A_438 = arith.mulf %parallel_loop3A_433, %parallel_loop3A_403 : vector<16xf32>
        %parallel_loop3A_439 = arith.index_cast %rem3A_345 : i32 to index
        %parallel_loop3A_440 = arith.index_cast %parallel_loop3A_398 : i32 to index
        %parallel_loop3A_441 = arith.constant 16 : index
        %parallel_loop3A_442 = tpu.vector_load %arg12[%parallel_loop3A_439, %parallel_loop3A_440, %parallel_loop3A_441] {strides = array<i32>} : memref<2x128x128xf32, #tpu.memory_space<vmem>>, vector<16xf32>,
        tpu.vector_store %arg12[%parallel_loop3A_439, %parallel_loop3A_440, %parallel_loop3A_441], %parallel_loop3A_438 {strides = array<i32>} : memref<2x128x128xf32, #tpu.memory_space<vmem>>, vector<16xf32>,
        %parallel_loop3A_443 = arith.mulf %parallel_loop3A_437, %parallel_loop3A_403 : vector<16xf32>
        %parallel_loop3A_444 = arith.index_cast %rem3A_345 : i32 to index
        %parallel_loop3A_445 = arith.index_cast %parallel_loop3A_398 : i32 to index
        %parallel_loop3A_446 = arith.constant 80 : index
        %parallel_loop3A_447 = tpu.vector_load %arg12[%parallel_loop3A_444, %parallel_loop3A_445, %parallel_loop3A_446] {strides = array<i32>} : memref<2x128x128xf32, #tpu.memory_space<vmem>>, vector<16xf32>,
        tpu.vector_store %arg12[%parallel_loop3A_444, %parallel_loop3A_445, %parallel_loop3A_446], %parallel_loop3A_443 {strides = array<i32>} : memref<2x128x128xf32, #tpu.memory_space<vmem>>, vector<16xf32>,
        %parallel_loop3A_448 = arith.index_cast %rem3A_345 : i32 to index
        %parallel_loop3A_449 = arith.index_cast %parallel_loop3A_398 : i32 to index
        %parallel_loop3A_450 = arith.constant 32 : index
        %parallel_loop3A_451 = tpu.vector_load %arg11[%parallel_loop3A_448, %parallel_loop3A_449, %parallel_loop3A_450] {strides = array<i32>} : memref<2x128x64xi32, #tpu.memory_space<vmem>>, vector<16xi32>,
        %parallel_loop3A_452 = arith.constant 16 : i32
        %parallel_loop3A_453 = vector.broadcast %parallel_loop3A_452 : i32 to vector<16xi32>
        %parallel_loop3A_454 = arith.shli %parallel_loop3A_451, %parallel_loop3A_453 : vector<16xi32>
        %parallel_loop3A_455 = vector.bitcast %parallel_loop3A_454 : vector<16xi32> to vector<16xf32>
        %parallel_loop3A_456 = arith.constant -65536 : i32
        %parallel_loop3A_457 = vector.broadcast %parallel_loop3A_456 : i32 to vector<16xi32>
        %parallel_loop3A_458 = arith.andi %parallel_loop3A_451, %parallel_loop3A_457 : vector<16xi32>
        %parallel_loop3A_459 = vector.bitcast %parallel_loop3A_458 : vector<16xi32> to vector<16xf32>
        %parallel_loop3A_460 = arith.mulf %parallel_loop3A_455, %parallel_loop3A_403 : vector<16xf32>
        %parallel_loop3A_461 = arith.index_cast %rem3A_345 : i32 to index
        %parallel_loop3A_462 = arith.index_cast %parallel_loop3A_398 : i32 to index
        %parallel_loop3A_463 = arith.constant 32 : index
        %parallel_loop3A_464 = tpu.vector_load %arg12[%parallel_loop3A_461, %parallel_loop3A_462, %parallel_loop3A_463] {strides = array<i32>} : memref<2x128x128xf32, #tpu.memory_space<vmem>>, vector<16xf32>,
        tpu.vector_store %arg12[%parallel_loop3A_461, %parallel_loop3A_462, %parallel_loop3A_463], %parallel_loop3A_460 {strides = array<i32>} : memref<2x128x128xf32, #tpu.memory_space<vmem>>, vector<16xf32>,
        %parallel_loop3A_465 = arith.mulf %parallel_loop3A_459, %parallel_loop3A_403 : vector<16xf32>
        %parallel_loop3A_466 = arith.index_cast %rem3A_345 : i32 to index
        %parallel_loop3A_467 = arith.index_cast %parallel_loop3A_398 : i32 to index
        %parallel_loop3A_468 = arith.constant 96 : index
        %parallel_loop3A_469 = tpu.vector_load %arg12[%parallel_loop3A_466, %parallel_loop3A_467, %parallel_loop3A_468] {strides = array<i32>} : memref<2x128x128xf32, #tpu.memory_space<vmem>>, vector<16xf32>,
        tpu.vector_store %arg12[%parallel_loop3A_466, %parallel_loop3A_467, %parallel_loop3A_468], %parallel_loop3A_465 {strides = array<i32>} : memref<2x128x128xf32, #tpu.memory_space<vmem>>, vector<16xf32>,
        %parallel_loop3A_470 = arith.index_cast %rem3A_345 : i32 to index
        %parallel_loop3A_471 = arith.index_cast %parallel_loop3A_398 : i32 to index
        %parallel_loop3A_472 = arith.constant 48 : index
        %parallel_loop3A_473 = tpu.vector_load %arg11[%parallel_loop3A_470, %parallel_loop3A_471, %parallel_loop3A_472] {strides = array<i32>} : memref<2x128x64xi32, #tpu.memory_space<vmem>>, vector<16xi32>,
        %parallel_loop3A_474 = arith.constant 16 : i32
        %parallel_loop3A_475 = vector.broadcast %parallel_loop3A_474 : i32 to vector<16xi32>
        %parallel_loop3A_476 = arith.shli %parallel_loop3A_473, %parallel_loop3A_475 : vector<16xi32>
        %parallel_loop3A_477 = vector.bitcast %parallel_loop3A_476 : vector<16xi32> to vector<16xf32>
        %parallel_loop3A_478 = arith.constant -65536 : i32
        %parallel_loop3A_479 = vector.broadcast %parallel_loop3A_478 : i32 to vector<16xi32>
        %parallel_loop3A_480 = arith.andi %parallel_loop3A_473, %parallel_loop3A_479 : vector<16xi32>
        %parallel_loop3A_481 = vector.bitcast %parallel_loop3A_480 : vector<16xi32> to vector<16xf32>
        %parallel_loop3A_482 = arith.mulf %parallel_loop3A_477, %parallel_loop3A_403 : vector<16xf32>
        %parallel_loop3A_483 = arith.index_cast %rem3A_345 : i32 to index
        %parallel_loop3A_484 = arith.index_cast %parallel_loop3A_398 : i32 to index
        %parallel_loop3A_485 = arith.constant 48 : index
        %parallel_loop3A_486 = tpu.vector_load %arg12[%parallel_loop3A_483, %parallel_loop3A_484, %parallel_loop3A_485] {strides = array<i32>} : memref<2x128x128xf32, #tpu.memory_space<vmem>>, vector<16xf32>,
        tpu.vector_store %arg12[%parallel_loop3A_483, %parallel_loop3A_484, %parallel_loop3A_485], %parallel_loop3A_482 {strides = array<i32>} : memref<2x128x128xf32, #tpu.memory_space<vmem>>, vector<16xf32>,
        %parallel_loop3A_487 = arith.mulf %parallel_loop3A_481, %parallel_loop3A_403 : vector<16xf32>
        %parallel_loop3A_488 = arith.index_cast %rem3A_345 : i32 to index
        %parallel_loop3A_489 = arith.index_cast %parallel_loop3A_398 : i32 to index
        %parallel_loop3A_490 = arith.constant 112 : index
        %parallel_loop3A_491 = tpu.vector_load %arg12[%parallel_loop3A_488, %parallel_loop3A_489, %parallel_loop3A_490] {strides = array<i32>} : memref<2x128x128xf32, #tpu.memory_space<vmem>>, vector<16xf32>,
        tpu.vector_store %arg12[%parallel_loop3A_488, %parallel_loop3A_489, %parallel_loop3A_490], %parallel_loop3A_487 {strides = array<i32>} : memref<2x128x128xf32, #tpu.memory_space<vmem>>, vector<16xf32>,
      } {sc.loop_unroll_factor = 4 : i64, sc.parallel_access}
      %dma_start3A_385 = arith.constant 0 : i32
      %dma_start3A_386 = arith.constant 0 : i32
      %dma_start3A_387 = arith.constant 0 : i32
      %dma_start3A_388 = tpu.memref_slice %arg12[%rem3A_345, %dma_start3A_386, %dma_start3A_387] : memref<2x128x128xf32, #tpu.memory_space<vmem>> -> memref<1x128x128xf32, #tpu.memory_space<vmem>>
      %dma_start3A_389 = tpu.memref_squeeze %dma_start3A_388 : memref<1x128x128xf32, #tpu.memory_space<vmem>> -> memref<128x128xf32, #tpu.memory_space<vmem>>
      %dma_start3A_390 = arith.constant 0 : i32
      %dma_start3A_391 = tpu.memref_slice %arg9[%rem3A_382, %dma_start3A_385, %dma_start3A_390] : memref<4x1x128xi32, #tpu.memory_space<vmem>> -> memref<1x1x128xi32, #tpu.memory_space<vmem>>
      %dma_start3A_392 = tpu.memref_squeeze %dma_start3A_391 : memref<1x1x128xi32, #tpu.memory_space<vmem>> -> memref<128xi32, #tpu.memory_space<vmem>>
      %dma_start3A_393 = arith.constant 0 : i32
      %dma_start3A_394 = arith.constant 0 : i32
      %dma_start3A_395 = tpu.memref_slice %arg7[%dma_start3A_393, %dma_start3A_394] : memref<10000x128xf32, #tpu.memory_space<vmem_shared>> -> memref<10000x128xf32, #tpu.memory_space<vmem_shared>>
      %dma_start3A_396 = tpu.memref_slice %arg14[%rem3A_345] : memref<2x!tpu.dma_semaphore, #tpu.memory_space<semaphore_mem>> -> memref<1x!tpu.dma_semaphore, #tpu.memory_space<semaphore_mem>>
      %dma_start3A_397 = tpu.memref_squeeze %dma_start3A_396 : memref<1x!tpu.dma_semaphore, #tpu.memory_space<semaphore_mem>> -> memref<!tpu.dma_semaphore, #tpu.memory_space<semaphore_mem>>
      tpu.enqueue_indirect_dma source(%dma_start3A_389 : memref<128x128xf32, #tpu.memory_space<vmem>>) target(%dma_start3A_395 : memref<10000x128xf32, #tpu.memory_space<vmem_shared>>) offsets(%dma_start3A_392 : memref<128xi32, #tpu.memory_space<vmem>>) semaphore(%dma_start3A_397 : memref<!tpu.dma_semaphore, #tpu.memory_space<semaphore_mem>>) {add = true}
    }
    %scan3A_297 = arith.constant 0 : i32
    %scan3A_298 = arith.constant 2 : i32
    %scan3A_299 = arith.addi %scan3A_297, %scan3A_298 : i32
    %scan3A_300 = arith.constant 1 : i32
    scf.for %scan3A_341 = %scan3A_297 to %scan3A_299 step %scan3A_300  : i32 {
      %mul3A_342 = arith.constant 1 : i32
      %mul3A_343 = arith.muli %scan3A_341, %mul3A_342 : i32
      %add3A_344 = arith.constant 0 : i32
      %add3A_345 = arith.addi %add3A_344, %mul3A_343 : i32
      %sub3A_346 = arith.constant 1 : i32
      %sub3A_347 = arith.subi %add3A_68, %sub3A_346 : i32
      %sub3A_348 = arith.subi %sub3A_347, %add3A_345 : i32
      %rem3A_349 = arith.constant 2 : i32
      %rem3A_350 = arith.remsi %sub3A_348, %rem3A_349 : i32
      %dma_wait3A_351 = arith.constant 0 : i32
      %dma_wait3A_352 = arith.constant 0 : i32
      %dma_wait3A_353 = arith.constant 0 : i32
      %dma_wait3A_354 = tpu.memref_slice %arg12[%rem3A_350, %dma_wait3A_352, %dma_wait3A_353] : memref<2x128x128xf32, #tpu.memory_space<vmem>> -> memref<1x128x128xf32, #tpu.memory_space<vmem>>
      %dma_wait3A_355 = tpu.memref_squeeze %dma_wait3A_354 : memref<1x128x128xf32, #tpu.memory_space<vmem>> -> memref<128x128xf32, #tpu.memory_space<vmem>>
      %dma_wait3A_356 = arith.constant 0 : i32
      %dma_wait3A_357 = arith.constant 0 : i32
      %dma_wait3A_358 = tpu.memref_slice %arg6[%dma_wait3A_351, %dma_wait3A_356, %dma_wait3A_357] : memref<2x10000x128xf32, #tpu.memory_space<hbm>> -> memref<1x128x128xf32, #tpu.memory_space<hbm>>
      %dma_wait3A_359 = tpu.memref_squeeze %dma_wait3A_358 : memref<1x128x128xf32, #tpu.memory_space<hbm>> -> memref<128x128xf32, #tpu.memory_space<hbm>>
      %dma_wait3A_360 = tpu.memref_slice %arg14[%rem3A_350] : memref<2x!tpu.dma_semaphore, #tpu.memory_space<semaphore_mem>> -> memref<1x!tpu.dma_semaphore, #tpu.memory_space<semaphore_mem>>
      %dma_wait3A_361 = tpu.memref_squeeze %dma_wait3A_360 : memref<1x!tpu.dma_semaphore, #tpu.memory_space<semaphore_mem>> -> memref<!tpu.dma_semaphore, #tpu.memory_space<semaphore_mem>>
      %dma_wait3A_362 = arith.constant 0 : i32
      %dma_wait3A_363 = arith.constant 0 : i32
      %dma_wait3A_364 = tpu.memref_slice %arg12[%rem3A_350, %dma_wait3A_362, %dma_wait3A_363] : memref<2x128x128xf32, #tpu.memory_space<vmem>> -> memref<1x128x128xf32, #tpu.memory_space<vmem>>
      %dma_wait3A_365 = tpu.memref_squeeze %dma_wait3A_364 : memref<1x128x128xf32, #tpu.memory_space<vmem>> -> memref<128x128xf32, #tpu.memory_space<vmem>>
      %dma_wait3A_366 = arith.constant 0 : i32
      %dma_wait3A_367 = arith.constant 0 : i32
      %dma_wait3A_368 = tpu.memref_slice %arg6[%dma_wait3A_351, %dma_wait3A_366, %dma_wait3A_367] : memref<2x10000x128xf32, #tpu.memory_space<hbm>> -> memref<1x128x128xf32, #tpu.memory_space<hbm>>
      %dma_wait3A_369 = tpu.memref_squeeze %dma_wait3A_368 : memref<1x128x128xf32, #tpu.memory_space<hbm>> -> memref<128x128xf32, #tpu.memory_space<hbm>>
      tpu.wait_dma2 semaphore(%dma_wait3A_361 : memref<!tpu.dma_semaphore, #tpu.memory_space<semaphore_mem>>) src(%dma_wait3A_369 : memref<128x128xf32, #tpu.memory_space<hbm>>) dst(%dma_wait3A_365 : memref<128x128xf32, #tpu.memory_space<vmem>>)
    }
    %scan3A_301 = arith.constant 2 : i32
    %barrier3A_302 = arith.constant 0 : index
    tpu.barrier barrier_id(%barrier3A_302)
    %sub3A_303 = arith.constant 0 : i32
    %sub3A_304 = arith.subi %select_n3A, %sub3A_303 : i32
    %sub3A_305 = arith.constant 1 : i32
    %sub3A_306 = arith.constant 1 : i32
    %sub3A_307 = arith.subi %sub3A_305, %sub3A_306 : i32
    %add3A_308 = arith.addi %sub3A_304, %sub3A_307 : i32
    %div3A_309 = arith.constant 1 : i32
    %div3A_310 = arith.divsi %add3A_308, %div3A_309 : i32
    %while3A_311 = arith.constant 1 : i32
    %while3A_312 = arith.constant 0 : i32
    %while3A_313 = arith.constant 0 : i32
    %while3A_314 = arith.subi %div3A_310, %while3A_313 : i32
    %while3A_315 = arith.addi %while3A_313, %while3A_314 : i32
    %while3A_316 = arith.constant 1 : i32
    %while3A_317 = arith.divsi %while3A_314, %while3A_316 : i32
    %while3A_318 = arith.muli %while3A_317, %while3A_316 : i32
    %while3A_319 = arith.addi %while3A_313, %while3A_318 : i32
    %while3A_320 = arith.constant 1 : i32
    scf.for %while3A_341 = %while3A_313 to %while3A_319 step %while3A_320  : i32 {
      %mul3A_342 = arith.muli %while3A_341, %while3A_311 : i32
      %add3A_343 = arith.addi %while3A_312, %mul3A_342 : i32
      %mul3A_344 = arith.constant 16 : i32
      %mul3A_345 = arith.muli %mul3A_344, %add3A_343 : i32
      %add3A_346 = arith.addi %arg1, %mul3A_345 : i32
      %lt3A_347 = arith.constant 78 : i32
      %lt3A_348 = arith.cmpi slt, %add3A_346, %lt3A_347 : i32
      %convert_element_type3A_349 = arith.extui %lt3A_348 : i1 to i32
      %cond3A = arith.constant 0 : i32
      %cond3A_350 = arith.cmpi ne, %convert_element_type3A_349, %cond3A : i32
      scf.if %cond3A_350 {
        %mul3A_355 = arith.constant 128 : i32
        %mul3A_356 = arith.muli %add3A_346, %mul3A_355 : i32
        %mul3A_357 = arith.constant 128 : i32
        %mul3A_358 = arith.muli %add3A_346, %mul3A_357 : i32
        %dma_start3A_359 = arith.constant 0 : i32
        %dma_start3A_360 = tpu.memref_slice %arg6[%arg0, %mul3A_358, %dma_start3A_359] : memref<2x10000x128xf32, #tpu.memory_space<hbm>> -> memref<1x128x128xf32, #tpu.memory_space<hbm>>
        %dma_start3A_361 = tpu.memref_squeeze %dma_start3A_360 : memref<1x128x128xf32, #tpu.memory_space<hbm>> -> memref<128x128xf32, #tpu.memory_space<hbm>>
        %dma_start3A_362 = arith.constant 0 : i32
        %dma_start3A_363 = tpu.memref_slice %arg7[%mul3A_356, %dma_start3A_362] : memref<10000x128xf32, #tpu.memory_space<vmem_shared>> -> memref<128x128xf32, #tpu.memory_space<vmem_shared>>
        tpu.enqueue_dma source(%dma_start3A_363 : memref<128x128xf32, #tpu.memory_space<vmem_shared>>) target(%dma_start3A_361 : memref<128x128xf32, #tpu.memory_space<hbm>>) target_semaphore(%arg16 : memref<!tpu.dma_semaphore, #tpu.memory_space<semaphore_mem>>)
      } else {
      }
      %eq3A = arith.constant 78 : i32
      %eq3A_351 = arith.cmpi eq, %add3A_346, %eq3A : i32
      %convert_element_type3A_352 = arith.extui %eq3A_351 : i1 to i32
      %cond3A_353 = arith.constant 0 : i32
      %cond3A_354 = arith.cmpi ne, %convert_element_type3A_352, %cond3A_353 : i32
      scf.if %cond3A_354 {
        %dma_start3A_355 = arith.constant 9984 : i32
        %dma_start3A_356 = arith.constant 0 : i32
        %dma_start3A_357 = tpu.memref_slice %arg6[%arg0, %dma_start3A_355, %dma_start3A_356] : memref<2x10000x128xf32, #tpu.memory_space<hbm>> -> memref<1x16x128xf32, #tpu.memory_space<hbm>>
        %dma_start3A_358 = tpu.memref_squeeze %dma_start3A_357 : memref<1x16x128xf32, #tpu.memory_space<hbm>> -> memref<16x128xf32, #tpu.memory_space<hbm>>
        %dma_start3A_359 = arith.constant 9984 : i32
        %dma_start3A_360 = arith.constant 0 : i32
        %dma_start3A_361 = tpu.memref_slice %arg7[%dma_start3A_359, %dma_start3A_360] : memref<10000x128xf32, #tpu.memory_space<vmem_shared>> -> memref<16x128xf32, #tpu.memory_space<vmem_shared>>
        tpu.enqueue_dma source(%dma_start3A_361 : memref<16x128xf32, #tpu.memory_space<vmem_shared>>) target(%dma_start3A_358 : memref<16x128xf32, #tpu.memory_space<hbm>>) target_semaphore(%arg16 : memref<!tpu.dma_semaphore, #tpu.memory_space<semaphore_mem>>)
      } else {
      }
    }
    %while3A_321 = arith.constant 1 : i32
    scf.for %while3A_341 = %while3A_319 to %while3A_315 step %while3A_321  : i32 {
      %mul3A_342 = arith.muli %while3A_341, %while3A_311 : i32
      %add3A_343 = arith.addi %while3A_312, %mul3A_342 : i32
      %mul3A_344 = arith.constant 16 : i32
      %mul3A_345 = arith.muli %mul3A_344, %add3A_343 : i32
      %add3A_346 = arith.addi %arg1, %mul3A_345 : i32
      %lt3A_347 = arith.constant 78 : i32
      %lt3A_348 = arith.cmpi slt, %add3A_346, %lt3A_347 : i32
      %convert_element_type3A_349 = arith.extui %lt3A_348 : i1 to i32
      %cond3A = arith.constant 0 : i32
      %cond3A_350 = arith.cmpi ne, %convert_element_type3A_349, %cond3A : i32
      scf.if %cond3A_350 {
        %mul3A_355 = arith.constant 128 : i32
        %mul3A_356 = arith.muli %add3A_346, %mul3A_355 : i32
        %mul3A_357 = arith.constant 128 : i32
        %mul3A_358 = arith.muli %add3A_346, %mul3A_357 : i32
        %dma_start3A_359 = arith.constant 0 : i32
        %dma_start3A_360 = tpu.memref_slice %arg6[%arg0, %mul3A_358, %dma_start3A_359] : memref<2x10000x128xf32, #tpu.memory_space<hbm>> -> memref<1x128x128xf32, #tpu.memory_space<hbm>>
        %dma_start3A_361 = tpu.memref_squeeze %dma_start3A_360 : memref<1x128x128xf32, #tpu.memory_space<hbm>> -> memref<128x128xf32, #tpu.memory_space<hbm>>
        %dma_start3A_362 = arith.constant 0 : i32
        %dma_start3A_363 = tpu.memref_slice %arg7[%mul3A_356, %dma_start3A_362] : memref<10000x128xf32, #tpu.memory_space<vmem_shared>> -> memref<128x128xf32, #tpu.memory_space<vmem_shared>>
        tpu.enqueue_dma source(%dma_start3A_363 : memref<128x128xf32, #tpu.memory_space<vmem_shared>>) target(%dma_start3A_361 : memref<128x128xf32, #tpu.memory_space<hbm>>) target_semaphore(%arg16 : memref<!tpu.dma_semaphore, #tpu.memory_space<semaphore_mem>>)
      } else {
      }
      %eq3A = arith.constant 78 : i32
      %eq3A_351 = arith.cmpi eq, %add3A_346, %eq3A : i32
      %convert_element_type3A_352 = arith.extui %eq3A_351 : i1 to i32
      %cond3A_353 = arith.constant 0 : i32
      %cond3A_354 = arith.cmpi ne, %convert_element_type3A_352, %cond3A_353 : i32
      scf.if %cond3A_354 {
        %dma_start3A_355 = arith.constant 9984 : i32
        %dma_start3A_356 = arith.constant 0 : i32
        %dma_start3A_357 = tpu.memref_slice %arg6[%arg0, %dma_start3A_355, %dma_start3A_356] : memref<2x10000x128xf32, #tpu.memory_space<hbm>> -> memref<1x16x128xf32, #tpu.memory_space<hbm>>
        %dma_start3A_358 = tpu.memref_squeeze %dma_start3A_357 : memref<1x16x128xf32, #tpu.memory_space<hbm>> -> memref<16x128xf32, #tpu.memory_space<hbm>>
        %dma_start3A_359 = arith.constant 9984 : i32
        %dma_start3A_360 = arith.constant 0 : i32
        %dma_start3A_361 = tpu.memref_slice %arg7[%dma_start3A_359, %dma_start3A_360] : memref<10000x128xf32, #tpu.memory_space<vmem_shared>> -> memref<16x128xf32, #tpu.memory_space<vmem_shared>>
        tpu.enqueue_dma source(%dma_start3A_361 : memref<16x128xf32, #tpu.memory_space<vmem_shared>>) target(%dma_start3A_358 : memref<16x128xf32, #tpu.memory_space<hbm>>) target_semaphore(%arg16 : memref<!tpu.dma_semaphore, #tpu.memory_space<semaphore_mem>>)
      } else {
      }
    }
    %sub3A_322 = arith.constant 0 : i32
    %sub3A_323 = arith.subi %select_n3A, %sub3A_322 : i32
    %sub3A_324 = arith.constant 1 : i32
    %sub3A_325 = arith.constant 1 : i32
    %sub3A_326 = arith.subi %sub3A_324, %sub3A_325 : i32
    %add3A_327 = arith.addi %sub3A_323, %sub3A_326 : i32
    %div3A_328 = arith.constant 1 : i32
    %div3A_329 = arith.divsi %add3A_327, %div3A_328 : i32
    %while3A_330 = arith.constant 1 : i32
    %while3A_331 = arith.constant 0 : i32
    %while3A_332 = arith.constant 0 : i32
    %while3A_333 = arith.subi %div3A_329, %while3A_332 : i32
    %while3A_334 = arith.addi %while3A_332, %while3A_333 : i32
    %while3A_335 = arith.constant 1 : i32
    %while3A_336 = arith.divsi %while3A_333, %while3A_335 : i32
    %while3A_337 = arith.muli %while3A_336, %while3A_335 : i32
    %while3A_338 = arith.addi %while3A_332, %while3A_337 : i32
    %while3A_339 = arith.constant 1 : i32
    scf.for %while3A_341 = %while3A_332 to %while3A_338 step %while3A_339  : i32 {
      %mul3A_342 = arith.muli %while3A_341, %while3A_330 : i32
      %add3A_343 = arith.addi %while3A_331, %mul3A_342 : i32
      %mul3A_344 = arith.constant 16 : i32
      %mul3A_345 = arith.muli %mul3A_344, %add3A_343 : i32
      %add3A_346 = arith.addi %arg1, %mul3A_345 : i32
      %lt3A_347 = arith.constant 78 : i32
      %lt3A_348 = arith.cmpi slt, %add3A_346, %lt3A_347 : i32
      %convert_element_type3A_349 = arith.extui %lt3A_348 : i1 to i32
      %cond3A = arith.constant 0 : i32
      %cond3A_350 = arith.cmpi ne, %convert_element_type3A_349, %cond3A : i32
      scf.if %cond3A_350 {
        %dma_wait3A_355 = arith.constant 0 : i32
        %dma_wait3A_356 = arith.constant 0 : i32
        %dma_wait3A_357 = tpu.memref_slice %arg6[%arg0, %dma_wait3A_355, %dma_wait3A_356] : memref<2x10000x128xf32, #tpu.memory_space<hbm>> -> memref<1x128x128xf32, #tpu.memory_space<hbm>>
        %dma_wait3A_358 = tpu.memref_squeeze %dma_wait3A_357 : memref<1x128x128xf32, #tpu.memory_space<hbm>> -> memref<128x128xf32, #tpu.memory_space<hbm>>
        %dma_wait3A_359 = arith.constant 0 : i32
        %dma_wait3A_360 = arith.constant 0 : i32
        %dma_wait3A_361 = tpu.memref_slice %arg7[%dma_wait3A_359, %dma_wait3A_360] : memref<10000x128xf32, #tpu.memory_space<vmem_shared>> -> memref<128x128xf32, #tpu.memory_space<vmem_shared>>
        tpu.wait_dma2 semaphore(%arg16 : memref<!tpu.dma_semaphore, #tpu.memory_space<semaphore_mem>>) src(%dma_wait3A_361 : memref<128x128xf32, #tpu.memory_space<vmem_shared>>) dst(%dma_wait3A_358 : memref<128x128xf32, #tpu.memory_space<hbm>>)
      } else {
      }
      %eq3A = arith.constant 78 : i32
      %eq3A_351 = arith.cmpi eq, %add3A_346, %eq3A : i32
      %convert_element_type3A_352 = arith.extui %eq3A_351 : i1 to i32
      %cond3A_353 = arith.constant 0 : i32
      %cond3A_354 = arith.cmpi ne, %convert_element_type3A_352, %cond3A_353 : i32
      scf.if %cond3A_354 {
        %dma_wait3A_355 = arith.constant 0 : i32
        %dma_wait3A_356 = arith.constant 0 : i32
        %dma_wait3A_357 = tpu.memref_slice %arg6[%arg0, %dma_wait3A_355, %dma_wait3A_356] : memref<2x10000x128xf32, #tpu.memory_space<hbm>> -> memref<1x16x128xf32, #tpu.memory_space<hbm>>
        %dma_wait3A_358 = tpu.memref_squeeze %dma_wait3A_357 : memref<1x16x128xf32, #tpu.memory_space<hbm>> -> memref<16x128xf32, #tpu.memory_space<hbm>>
        %dma_wait3A_359 = arith.constant 0 : i32
        %dma_wait3A_360 = arith.constant 0 : i32
        %dma_wait3A_361 = tpu.memref_slice %arg7[%dma_wait3A_359, %dma_wait3A_360] : memref<10000x128xf32, #tpu.memory_space<vmem_shared>> -> memref<16x128xf32, #tpu.memory_space<vmem_shared>>
        tpu.wait_dma2 semaphore(%arg16 : memref<!tpu.dma_semaphore, #tpu.memory_space<semaphore_mem>>) src(%dma_wait3A_361 : memref<16x128xf32, #tpu.memory_space<vmem_shared>>) dst(%dma_wait3A_358 : memref<16x128xf32, #tpu.memory_space<hbm>>)
      } else {
      }
    }
    %while3A_340 = arith.constant 1 : i32
    scf.for %while3A_341 = %while3A_338 to %while3A_334 step %while3A_340  : i32 {
      %mul3A_342 = arith.muli %while3A_341, %while3A_330 : i32
      %add3A_343 = arith.addi %while3A_331, %mul3A_342 : i32
      %mul3A_344 = arith.constant 16 : i32
      %mul3A_345 = arith.muli %mul3A_344, %add3A_343 : i32
      %add3A_346 = arith.addi %arg1, %mul3A_345 : i32
      %lt3A_347 = arith.constant 78 : i32
      %lt3A_348 = arith.cmpi slt, %add3A_346, %lt3A_347 : i32
      %convert_element_type3A_349 = arith.extui %lt3A_348 : i1 to i32
      %cond3A = arith.constant 0 : i32
      %cond3A_350 = arith.cmpi ne, %convert_element_type3A_349, %cond3A : i32
      scf.if %cond3A_350 {
        %dma_wait3A_355 = arith.constant 0 : i32
        %dma_wait3A_356 = arith.constant 0 : i32
        %dma_wait3A_357 = tpu.memref_slice %arg6[%arg0, %dma_wait3A_355, %dma_wait3A_356] : memref<2x10000x128xf32, #tpu.memory_space<hbm>> -> memref<1x128x128xf32, #tpu.memory_space<hbm>>
        %dma_wait3A_358 = tpu.memref_squeeze %dma_wait3A_357 : memref<1x128x128xf32, #tpu.memory_space<hbm>> -> memref<128x128xf32, #tpu.memory_space<hbm>>
        %dma_wait3A_359 = arith.constant 0 : i32
        %dma_wait3A_360 = arith.constant 0 : i32
        %dma_wait3A_361 = tpu.memref_slice %arg7[%dma_wait3A_359, %dma_wait3A_360] : memref<10000x128xf32, #tpu.memory_space<vmem_shared>> -> memref<128x128xf32, #tpu.memory_space<vmem_shared>>
        tpu.wait_dma2 semaphore(%arg16 : memref<!tpu.dma_semaphore, #tpu.memory_space<semaphore_mem>>) src(%dma_wait3A_361 : memref<128x128xf32, #tpu.memory_space<vmem_shared>>) dst(%dma_wait3A_358 : memref<128x128xf32, #tpu.memory_space<hbm>>)
      } else {
      }
      %eq3A = arith.constant 78 : i32
      %eq3A_351 = arith.cmpi eq, %add3A_346, %eq3A : i32
      %convert_element_type3A_352 = arith.extui %eq3A_351 : i1 to i32
      %cond3A_353 = arith.constant 0 : i32
      %cond3A_354 = arith.cmpi ne, %convert_element_type3A_352, %cond3A_353 : i32
      scf.if %cond3A_354 {
        %dma_wait3A_355 = arith.constant 0 : i32
        %dma_wait3A_356 = arith.constant 0 : i32
        %dma_wait3A_357 = tpu.memref_slice %arg6[%arg0, %dma_wait3A_355, %dma_wait3A_356] : memref<2x10000x128xf32, #tpu.memory_space<hbm>> -> memref<1x16x128xf32, #tpu.memory_space<hbm>>
        %dma_wait3A_358 = tpu.memref_squeeze %dma_wait3A_357 : memref<1x16x128xf32, #tpu.memory_space<hbm>> -> memref<16x128xf32, #tpu.memory_space<hbm>>
        %dma_wait3A_359 = arith.constant 0 : i32
        %dma_wait3A_360 = arith.constant 0 : i32
        %dma_wait3A_361 = tpu.memref_slice %arg7[%dma_wait3A_359, %dma_wait3A_360] : memref<10000x128xf32, #tpu.memory_space<vmem_shared>> -> memref<16x128xf32, #tpu.memory_space<vmem_shared>>
        tpu.wait_dma2 semaphore(%arg16 : memref<!tpu.dma_semaphore, #tpu.memory_space<semaphore_mem>>) src(%dma_wait3A_361 : memref<16x128xf32, #tpu.memory_space<vmem_shared>>) dst(%dma_wait3A_358 : memref<16x128xf32, #tpu.memory_space<hbm>>)
      } else {
      }
    }
    return
  }
}

#map = affine_map<(d0, d1) -> (0, 0)>
#map1 = affine_map<(d0, d1) -> (0, 0, 0)>
module attributes {stable_mosaic.version = 14 : i64} {
  func.func @_sc_spmm_body(%arg0: i32, %arg1: i32, %arg2: memref<20000x64xi32, #tpu.memory_space<hbm>>, %arg3: memref<2500x1x128xi32, #tpu.memory_space<hbm>>, %arg4: memref<2500x1x128xi32, #tpu.memory_space<hbm>>, %arg5: memref<2500x1x128xf32, #tpu.memory_space<hbm>>, %arg6: memref<2x10000x128xf32, #tpu.memory_space<hbm>>, %arg7: memref<10000x128xf32, #tpu.memory_space<vmem_shared>>, %arg8: memref<4x1x128xi32, #tpu.memory_space<vmem>>, %arg9: memref<4x1x128xi32, #tpu.memory_space<vmem>>, %arg10: memref<4x1x128xf32, #tpu.memory_space<vmem>>, %arg11: memref<2x128x64xi32, #tpu.memory_space<vmem>>, %arg12: memref<2x128x128xf32, #tpu.memory_space<vmem>>, %arg13: memref<2x!tpu.dma_semaphore, #tpu.memory_space<semaphore_mem>>, %arg14: memref<2x!tpu.dma_semaphore, #tpu.memory_space<semaphore_mem>>, %arg15: memref<4x!tpu.dma_semaphore, #tpu.memory_space<semaphore_mem>>, %arg16: memref<!tpu.dma_semaphore, #tpu.memory_space<semaphore_mem>>) attributes {dimension_semantics = [#tpu.dimension_semantics<core_parallel>, #tpu.dimension_semantics<subcore_parallel>], iteration_bounds = array<i64: 2, 16>, scalar_prefetch = 0 : i64, scratch_operands = 10 : i64, tpu.core_type = #tpu.core_type<sc_vector_subcore>, window_params = [{transform_indices = #map}, {transform_indices = #map1}, {transform_indices = #map1}, {transform_indices = #map1}, {transform_indices = #map1}]} {
    %mul3A = arith.constant 2 : i32
    %mul3A_0 = arith.muli %arg1, %mul3A : i32
    %add3A = arith.addi %mul3A_0, %arg0 : i32
    %scan3A = arith.constant 0 : i32
    %scan3A_1 = arith.constant 128 : i32
    %scan3A_2 = arith.addi %scan3A, %scan3A_1 : i32
    %scan3A_3 = arith.constant 1 : i32
    scf.for %scan3A_341 = %scan3A to %scan3A_2 step %scan3A_3  : i32 {
      %mul3A_342 = arith.constant 1 : i32
      %mul3A_343 = arith.muli %scan3A_341, %mul3A_342 : i32
      %add3A_344 = arith.constant 0 : i32
      %add3A_345 = arith.addi %add3A_344, %mul3A_343 : i32
      %broadcast_in_dim3A = arith.constant 0.000000e+00 : f32
      %broadcast_in_dim3A_346 = vector.broadcast %broadcast_in_dim3A : f32 to vector<16xf32>
      %swap3A = arith.constant 0 : i32
      %swap3A_347 = arith.index_cast %swap3A : i32 to index
      %swap3A_348 = arith.index_cast %add3A_345 : i32 to index
      %swap3A_349 = arith.constant 0 : index
      %swap3A_350 = tpu.vector_load %arg12[%swap3A_347, %swap3A_348, %swap3A_349] {strides = array<i32>} : memref<2x128x128xf32, #tpu.memory_space<vmem>>, vector<16xf32>,
      tpu.vector_store %arg12[%swap3A_347, %swap3A_348, %swap3A_349], %broadcast_in_dim3A_346 {strides = array<i32>} : memref<2x128x128xf32, #tpu.memory_space<vmem>>, vector<16xf32>,
      %broadcast_in_dim3A_351 = arith.constant 0.000000e+00 : f32
      %broadcast_in_dim3A_352 = vector.broadcast %broadcast_in_dim3A_351 : f32 to vector<16xf32>
      %swap3A_353 = arith.constant 0 : i32
      %swap3A_354 = arith.index_cast %swap3A_353 : i32 to index
      %swap3A_355 = arith.index_cast %add3A_345 : i32 to index
      %swap3A_356 = arith.constant 16 : index
      %swap3A_357 = tpu.vector_load %arg12[%swap3A_354, %swap3A_355, %swap3A_356] {strides = array<i32>} : memref<2x128x128xf32, #tpu.memory_space<vmem>>, vector<16xf32>,
      tpu.vector_store %arg12[%swap3A_354, %swap3A_355, %swap3A_356], %broadcast_in_dim3A_352 {strides = array<i32>} : memref<2x128x128xf32, #tpu.memory_space<vmem>>, vector<16xf32>,
      %broadcast_in_dim3A_358 = arith.constant 0.000000e+00 : f32
      %broadcast_in_dim3A_359 = vector.broadcast %broadcast_in_dim3A_358 : f32 to vector<16xf32>
      %swap3A_360 = arith.constant 0 : i32
      %swap3A_361 = arith.index_cast %swap3A_360 : i32 to index
      %swap3A_362 = arith.index_cast %add3A_345 : i32 to index
      %swap3A_363 = arith.constant 32 : index
      %swap3A_364 = tpu.vector_load %arg12[%swap3A_361, %swap3A_362, %swap3A_363] {strides = array<i32>} : memref<2x128x128xf32, #tpu.memory_space<vmem>>, vector<16xf32>,
      tpu.vector_store %arg12[%swap3A_361, %swap3A_362, %swap3A_363], %broadcast_in_dim3A_359 {strides = array<i32>} : memref<2x128x128xf32, #tpu.memory_space<vmem>>, vector<16xf32>,
      %broadcast_in_dim3A_365 = arith.constant 0.000000e+00 : f32
      %broadcast_in_dim3A_366 = vector.broadcast %broadcast_in_dim3A_365 : f32 to vector<16xf32>
      %swap3A_367 = arith.constant 0 : i32
      %swap3A_368 = arith.index_cast %swap3A_367 : i32 to index
      %swap3A_369 = arith.index_cast %add3A_345 : i32 to index
      %swap3A_370 = arith.constant 48 : index
      %swap3A_371 = tpu.vector_load %arg12[%swap3A_368, %swap3A_369, %swap3A_370] {strides = array<i32>} : memref<2x128x128xf32, #tpu.memory_space<vmem>>, vector<16xf32>,
      tpu.vector_store %arg12[%swap3A_368, %swap3A_369, %swap3A_370], %broadcast_in_dim3A_366 {strides = array<i32>} : memref<2x128x128xf32, #tpu.memory_space<vmem>>, vector<16xf32>,
      %broadcast_in_dim3A_372 = arith.constant 0.000000e+00 : f32
      %broadcast_in_dim3A_373 = vector.broadcast %broadcast_in_dim3A_372 : f32 to vector<16xf32>
      %swap3A_374 = arith.constant 0 : i32
      %swap3A_375 = arith.index_cast %swap3A_374 : i32 to index
      %swap3A_376 = arith.index_cast %add3A_345 : i32 to index
      %swap3A_377 = arith.constant 64 : index
      %swap3A_378 = tpu.vector_load %arg12[%swap3A_375, %swap3A_376, %swap3A_377] {strides = array<i32>} : memref<2x128x128xf32, #tpu.memory_space<vmem>>, vector<16xf32>,
      tpu.vector_store %arg12[%swap3A_375, %swap3A_376, %swap3A_377], %broadcast_in_dim3A_373 {strides = array<i32>} : memref<2x128x128xf32, #tpu.memory_space<vmem>>, vector<16xf32>,
      %broadcast_in_dim3A_379 = arith.constant 0.000000e+00 : f32
      %broadcast_in_dim3A_380 = vector.broadcast %broadcast_in_dim3A_379 : f32 to vector<16xf32>
      %swap3A_381 = arith.constant 0 : i32
      %swap3A_382 = arith.index_cast %swap3A_381 : i32 to index
      %swap3A_383 = arith.index_cast %add3A_345 : i32 to index
      %swap3A_384 = arith.constant 80 : index
      %swap3A_385 = tpu.vector_load %arg12[%swap3A_382, %swap3A_383, %swap3A_384] {strides = array<i32>} : memref<2x128x128xf32, #tpu.memory_space<vmem>>, vector<16xf32>,
      tpu.vector_store %arg12[%swap3A_382, %swap3A_383, %swap3A_384], %broadcast_in_dim3A_380 {strides = array<i32>} : memref<2x128x128xf32, #tpu.memory_space<vmem>>, vector<16xf32>,
      %broadcast_in_dim3A_386 = arith.constant 0.000000e+00 : f32
      %broadcast_in_dim3A_387 = vector.broadcast %broadcast_in_dim3A_386 : f32 to vector<16xf32>
      %swap3A_388 = arith.constant 0 : i32
      %swap3A_389 = arith.index_cast %swap3A_388 : i32 to index
      %swap3A_390 = arith.index_cast %add3A_345 : i32 to index
      %swap3A_391 = arith.constant 96 : index
      %swap3A_392 = tpu.vector_load %arg12[%swap3A_389, %swap3A_390, %swap3A_391] {strides = array<i32>} : memref<2x128x128xf32, #tpu.memory_space<vmem>>, vector<16xf32>,
      tpu.vector_store %arg12[%swap3A_389, %swap3A_390, %swap3A_391], %broadcast_in_dim3A_387 {strides = array<i32>} : memref<2x128x128xf32, #tpu.memory_space<vmem>>, vector<16xf32>,
      %broadcast_in_dim3A_393 = arith.constant 0.000000e+00 : f32
      %broadcast_in_dim3A_394 = vector.broadcast %broadcast_in_dim3A_393 : f32 to vector<16xf32>
      %swap3A_395 = arith.constant 0 : i32
      %swap3A_396 = arith.index_cast %swap3A_395 : i32 to index
      %swap3A_397 = arith.index_cast %add3A_345 : i32 to index
      %swap3A_398 = arith.constant 112 : index
      %swap3A_399 = tpu.vector_load %arg12[%swap3A_396, %swap3A_397, %swap3A_398] {strides = array<i32>} : memref<2x128x128xf32, #tpu.memory_space<vmem>>, vector<16xf32>,
      tpu.vector_store %arg12[%swap3A_396, %swap3A_397, %swap3A_398], %broadcast_in_dim3A_394 {strides = array<i32>} : memref<2x128x128xf32, #tpu.memory_space<vmem>>, vector<16xf32>,
    }
    %scan3A_4 = arith.constant 128 : i32
    %sub3A = arith.constant 79 : i32
    %sub3A_5 = arith.subi %sub3A, %arg1 : i32
    %add3A_6 = arith.constant 15 : i32
    %add3A_7 = arith.addi %sub3A_5, %add3A_6 : i32
    %jit3A = arith.constant 16 : i32
    %div3A = arith.divsi %add3A_7, %jit3A : i32
    %sign3A = arith.constant 0 : i32
    %sign3A_8 = arith.cmpi sgt, %add3A_7, %sign3A : i32
    %sign3A_9 = arith.extui %sign3A_8 : i1 to i32
    %sign3A_10 = arith.constant 0 : i32
    %sign3A_11 = arith.cmpi slt, %add3A_7, %sign3A_10 : i32
    %sign3A_12 = arith.extui %sign3A_11 : i1 to i32
    %sign3A_13 = arith.subi %sign3A_9, %sign3A_12 : i32
    %sign3A_14 = arith.constant 0 : i32
    %sign3A_15 = arith.cmpi sgt, %jit3A, %sign3A_14 : i32
    %sign3A_16 = arith.extui %sign3A_15 : i1 to i32
    %sign3A_17 = arith.constant 0 : i32
    %sign3A_18 = arith.cmpi slt, %jit3A, %sign3A_17 : i32
    %sign3A_19 = arith.extui %sign3A_18 : i1 to i32
    %sign3A_20 = arith.subi %sign3A_16, %sign3A_19 : i32
    %ne3A = arith.cmpi ne, %sign3A_13, %sign3A_20 : i32
    %rem3A = arith.remsi %add3A_7, %jit3A : i32
    %ne3A_21 = arith.constant 0 : i32
    %ne3A_22 = arith.cmpi ne, %rem3A, %ne3A_21 : i32
    %and3A = arith.andi %ne3A, %ne3A_22 : i1
    %sub3A_23 = arith.constant 1 : i32
    %sub3A_24 = arith.subi %div3A, %sub3A_23 : i32
    %select_n3A = arith.select %and3A, %sub3A_24, %div3A : i32
    %sub3A_25 = arith.constant 0 : i32
    %sub3A_26 = arith.subi %select_n3A, %sub3A_25 : i32
    %sub3A_27 = arith.constant 1 : i32
    %sub3A_28 = arith.constant 1 : i32
    %sub3A_29 = arith.subi %sub3A_27, %sub3A_28 : i32
    %add3A_30 = arith.addi %sub3A_26, %sub3A_29 : i32
    %div3A_31 = arith.constant 1 : i32
    %div3A_32 = arith.divsi %add3A_30, %div3A_31 : i32
    %while3A = arith.constant 1 : i32
    %while3A_33 = arith.constant 0 : i32
    %while3A_34 = arith.constant 0 : i32
    %while3A_35 = arith.subi %div3A_32, %while3A_34 : i32
    %while3A_36 = arith.addi %while3A_34, %while3A_35 : i32
    %while3A_37 = arith.constant 1 : i32
    %while3A_38 = arith.divsi %while3A_35, %while3A_37 : i32
    %while3A_39 = arith.muli %while3A_38, %while3A_37 : i32
    %while3A_40 = arith.addi %while3A_34, %while3A_39 : i32
    %while3A_41 = arith.constant 1 : i32
    scf.for %while3A_341 = %while3A_34 to %while3A_40 step %while3A_41  : i32 {
      %mul3A_342 = arith.muli %while3A_341, %while3A : i32
      %add3A_343 = arith.addi %while3A_33, %mul3A_342 : i32
      %mul3A_344 = arith.constant 16 : i32
      %mul3A_345 = arith.muli %mul3A_344, %add3A_343 : i32
      %add3A_346 = arith.addi %arg1, %mul3A_345 : i32
      %lt3A_347 = arith.constant 78 : i32
      %lt3A_348 = arith.cmpi slt, %add3A_346, %lt3A_347 : i32
      %convert_element_type3A_349 = arith.extui %lt3A_348 : i1 to i32
      %cond3A = arith.constant 0 : i32
      %cond3A_350 = arith.cmpi ne, %convert_element_type3A_349, %cond3A : i32
      scf.if %cond3A_350 {
        %mul3A_355 = arith.constant 128 : i32
        %mul3A_356 = arith.muli %add3A_346, %mul3A_355 : i32
        %dma_start3A_357 = arith.constant 0 : i32
        %dma_start3A_358 = arith.constant 0 : i32
        %dma_start3A_359 = arith.constant 0 : i32
        %dma_start3A_360 = tpu.memref_slice %arg12[%dma_start3A_357, %dma_start3A_358, %dma_start3A_359] : memref<2x128x128xf32, #tpu.memory_space<vmem>> -> memref<1x128x128xf32, #tpu.memory_space<vmem>>
        %dma_start3A_361 = tpu.memref_squeeze %dma_start3A_360 : memref<1x128x128xf32, #tpu.memory_space<vmem>> -> memref<128x128xf32, #tpu.memory_space<vmem>>
        %dma_start3A_362 = arith.constant 0 : i32
        %dma_start3A_363 = tpu.memref_slice %arg7[%mul3A_356, %dma_start3A_362] : memref<10000x128xf32, #tpu.memory_space<vmem_shared>> -> memref<128x128xf32, #tpu.memory_space<vmem_shared>>
        %dma_start3A_364 = arith.constant 0 : i32
        %dma_start3A_365 = tpu.memref_slice %arg7[%mul3A_356, %dma_start3A_364] : memref<10000x128xf32, #tpu.memory_space<vmem_shared>> -> memref<128x128xf32, #tpu.memory_space<vmem_shared>>
        %dma_start3A_366 = arith.constant 0 : i32
        %dma_start3A_367 = arith.constant 0 : i32
        %dma_start3A_368 = tpu.memref_slice %arg12[%dma_start3A_357, %dma_start3A_366, %dma_start3A_367] : memref<2x128x128xf32, #tpu.memory_space<vmem>> -> memref<1x128x128xf32, #tpu.memory_space<vmem>>
        %dma_start3A_369 = tpu.memref_squeeze %dma_start3A_368 : memref<1x128x128xf32, #tpu.memory_space<vmem>> -> memref<128x128xf32, #tpu.memory_space<vmem>>
        tpu.enqueue_dma source(%dma_start3A_369 : memref<128x128xf32, #tpu.memory_space<vmem>>) target(%dma_start3A_365 : memref<128x128xf32, #tpu.memory_space<vmem_shared>>) target_semaphore(%arg16 : memref<!tpu.dma_semaphore, #tpu.memory_space<semaphore_mem>>)
      } else {
      }
      %eq3A = arith.constant 78 : i32
      %eq3A_351 = arith.cmpi eq, %add3A_346, %eq3A : i32
      %convert_element_type3A_352 = arith.extui %eq3A_351 : i1 to i32
      %cond3A_353 = arith.constant 0 : i32
      %cond3A_354 = arith.cmpi ne, %convert_element_type3A_352, %cond3A_353 : i32
      scf.if %cond3A_354 {
        %dma_start3A_355 = arith.constant 0 : i32
        %dma_start3A_356 = arith.constant 0 : i32
        %dma_start3A_357 = arith.constant 0 : i32
        %dma_start3A_358 = tpu.memref_slice %arg12[%dma_start3A_355, %dma_start3A_356, %dma_start3A_357] : memref<2x128x128xf32, #tpu.memory_space<vmem>> -> memref<1x16x128xf32, #tpu.memory_space<vmem>>
        %dma_start3A_359 = tpu.memref_squeeze %dma_start3A_358 : memref<1x16x128xf32, #tpu.memory_space<vmem>> -> memref<16x128xf32, #tpu.memory_space<vmem>>
        %dma_start3A_360 = arith.constant 9984 : i32
        %dma_start3A_361 = arith.constant 0 : i32
        %dma_start3A_362 = tpu.memref_slice %arg7[%dma_start3A_360, %dma_start3A_361] : memref<10000x128xf32, #tpu.memory_space<vmem_shared>> -> memref<16x128xf32, #tpu.memory_space<vmem_shared>>
        %dma_start3A_363 = arith.constant 9984 : i32
        %dma_start3A_364 = arith.constant 0 : i32
        %dma_start3A_365 = tpu.memref_slice %arg7[%dma_start3A_363, %dma_start3A_364] : memref<10000x128xf32, #tpu.memory_space<vmem_shared>> -> memref<16x128xf32, #tpu.memory_space<vmem_shared>>
        %dma_start3A_366 = arith.constant 0 : i32
        %dma_start3A_367 = arith.constant 0 : i32
        %dma_start3A_368 = tpu.memref_slice %arg12[%dma_start3A_355, %dma_start3A_366, %dma_start3A_367] : memref<2x128x128xf32, #tpu.memory_space<vmem>> -> memref<1x16x128xf32, #tpu.memory_space<vmem>>
        %dma_start3A_369 = tpu.memref_squeeze %dma_start3A_368 : memref<1x16x128xf32, #tpu.memory_space<vmem>> -> memref<16x128xf32, #tpu.memory_space<vmem>>
        tpu.enqueue_dma source(%dma_start3A_369 : memref<16x128xf32, #tpu.memory_space<vmem>>) target(%dma_start3A_365 : memref<16x128xf32, #tpu.memory_space<vmem_shared>>) target_semaphore(%arg16 : memref<!tpu.dma_semaphore, #tpu.memory_space<semaphore_mem>>)
      } else {
      }
    }
    %while3A_42 = arith.constant 1 : i32
    scf.for %while3A_341 = %while3A_40 to %while3A_36 step %while3A_42  : i32 {
      %mul3A_342 = arith.muli %while3A_341, %while3A : i32
      %add3A_343 = arith.addi %while3A_33, %mul3A_342 : i32
      %mul3A_344 = arith.constant 16 : i32
      %mul3A_345 = arith.muli %mul3A_344, %add3A_343 : i32
      %add3A_346 = arith.addi %arg1, %mul3A_345 : i32
      %lt3A_347 = arith.constant 78 : i32
      %lt3A_348 = arith.cmpi slt, %add3A_346, %lt3A_347 : i32
      %convert_element_type3A_349 = arith.extui %lt3A_348 : i1 to i32
      %cond3A = arith.constant 0 : i32
      %cond3A_350 = arith.cmpi ne, %convert_element_type3A_349, %cond3A : i32
      scf.if %cond3A_350 {
        %mul3A_355 = arith.constant 128 : i32
        %mul3A_356 = arith.muli %add3A_346, %mul3A_355 : i32
        %dma_start3A_357 = arith.constant 0 : i32
        %dma_start3A_358 = arith.constant 0 : i32
        %dma_start3A_359 = arith.constant 0 : i32
        %dma_start3A_360 = tpu.memref_slice %arg12[%dma_start3A_357, %dma_start3A_358, %dma_start3A_359] : memref<2x128x128xf32, #tpu.memory_space<vmem>> -> memref<1x128x128xf32, #tpu.memory_space<vmem>>
        %dma_start3A_361 = tpu.memref_squeeze %dma_start3A_360 : memref<1x128x128xf32, #tpu.memory_space<vmem>> -> memref<128x128xf32, #tpu.memory_space<vmem>>
        %dma_start3A_362 = arith.constant 0 : i32
        %dma_start3A_363 = tpu.memref_slice %arg7[%mul3A_356, %dma_start3A_362] : memref<10000x128xf32, #tpu.memory_space<vmem_shared>> -> memref<128x128xf32, #tpu.memory_space<vmem_shared>>
        %dma_start3A_364 = arith.constant 0 : i32
        %dma_start3A_365 = tpu.memref_slice %arg7[%mul3A_356, %dma_start3A_364] : memref<10000x128xf32, #tpu.memory_space<vmem_shared>> -> memref<128x128xf32, #tpu.memory_space<vmem_shared>>
        %dma_start3A_366 = arith.constant 0 : i32
        %dma_start3A_367 = arith.constant 0 : i32
        %dma_start3A_368 = tpu.memref_slice %arg12[%dma_start3A_357, %dma_start3A_366, %dma_start3A_367] : memref<2x128x128xf32, #tpu.memory_space<vmem>> -> memref<1x128x128xf32, #tpu.memory_space<vmem>>
        %dma_start3A_369 = tpu.memref_squeeze %dma_start3A_368 : memref<1x128x128xf32, #tpu.memory_space<vmem>> -> memref<128x128xf32, #tpu.memory_space<vmem>>
        tpu.enqueue_dma source(%dma_start3A_369 : memref<128x128xf32, #tpu.memory_space<vmem>>) target(%dma_start3A_365 : memref<128x128xf32, #tpu.memory_space<vmem_shared>>) target_semaphore(%arg16 : memref<!tpu.dma_semaphore, #tpu.memory_space<semaphore_mem>>)
      } else {
      }
      %eq3A = arith.constant 78 : i32
      %eq3A_351 = arith.cmpi eq, %add3A_346, %eq3A : i32
      %convert_element_type3A_352 = arith.extui %eq3A_351 : i1 to i32
      %cond3A_353 = arith.constant 0 : i32
      %cond3A_354 = arith.cmpi ne, %convert_element_type3A_352, %cond3A_353 : i32
      scf.if %cond3A_354 {
        %dma_start3A_355 = arith.constant 0 : i32
        %dma_start3A_356 = arith.constant 0 : i32
        %dma_start3A_357 = arith.constant 0 : i32
        %dma_start3A_358 = tpu.memref_slice %arg12[%dma_start3A_355, %dma_start3A_356, %dma_start3A_357] : memref<2x128x128xf32, #tpu.memory_space<vmem>> -> memref<1x16x128xf32, #tpu.memory_space<vmem>>
        %dma_start3A_359 = tpu.memref_squeeze %dma_start3A_358 : memref<1x16x128xf32, #tpu.memory_space<vmem>> -> memref<16x128xf32, #tpu.memory_space<vmem>>
        %dma_start3A_360 = arith.constant 9984 : i32
        %dma_start3A_361 = arith.constant 0 : i32
        %dma_start3A_362 = tpu.memref_slice %arg7[%dma_start3A_360, %dma_start3A_361] : memref<10000x128xf32, #tpu.memory_space<vmem_shared>> -> memref<16x128xf32, #tpu.memory_space<vmem_shared>>
        %dma_start3A_363 = arith.constant 9984 : i32
        %dma_start3A_364 = arith.constant 0 : i32
        %dma_start3A_365 = tpu.memref_slice %arg7[%dma_start3A_363, %dma_start3A_364] : memref<10000x128xf32, #tpu.memory_space<vmem_shared>> -> memref<16x128xf32, #tpu.memory_space<vmem_shared>>
        %dma_start3A_366 = arith.constant 0 : i32
        %dma_start3A_367 = arith.constant 0 : i32
        %dma_start3A_368 = tpu.memref_slice %arg12[%dma_start3A_355, %dma_start3A_366, %dma_start3A_367] : memref<2x128x128xf32, #tpu.memory_space<vmem>> -> memref<1x16x128xf32, #tpu.memory_space<vmem>>
        %dma_start3A_369 = tpu.memref_squeeze %dma_start3A_368 : memref<1x16x128xf32, #tpu.memory_space<vmem>> -> memref<16x128xf32, #tpu.memory_space<vmem>>
        tpu.enqueue_dma source(%dma_start3A_369 : memref<16x128xf32, #tpu.memory_space<vmem>>) target(%dma_start3A_365 : memref<16x128xf32, #tpu.memory_space<vmem_shared>>) target_semaphore(%arg16 : memref<!tpu.dma_semaphore, #tpu.memory_space<semaphore_mem>>)
      } else {
      }
    }
    %sub3A_43 = arith.constant 0 : i32
    %sub3A_44 = arith.subi %select_n3A, %sub3A_43 : i32
    %sub3A_45 = arith.constant 1 : i32
    %sub3A_46 = arith.constant 1 : i32
    %sub3A_47 = arith.subi %sub3A_45, %sub3A_46 : i32
    %add3A_48 = arith.addi %sub3A_44, %sub3A_47 : i32
    %div3A_49 = arith.constant 1 : i32
    %div3A_50 = arith.divsi %add3A_48, %div3A_49 : i32
    %while3A_51 = arith.constant 1 : i32
    %while3A_52 = arith.constant 0 : i32
    %while3A_53 = arith.constant 0 : i32
    %while3A_54 = arith.subi %div3A_50, %while3A_53 : i32
    %while3A_55 = arith.addi %while3A_53, %while3A_54 : i32
    %while3A_56 = arith.constant 1 : i32
    %while3A_57 = arith.divsi %while3A_54, %while3A_56 : i32
    %while3A_58 = arith.muli %while3A_57, %while3A_56 : i32
    %while3A_59 = arith.addi %while3A_53, %while3A_58 : i32
    %while3A_60 = arith.constant 1 : i32
    scf.for %while3A_341 = %while3A_53 to %while3A_59 step %while3A_60  : i32 {
      %mul3A_342 = arith.muli %while3A_341, %while3A_51 : i32
      %add3A_343 = arith.addi %while3A_52, %mul3A_342 : i32
      %mul3A_344 = arith.constant 16 : i32
      %mul3A_345 = arith.muli %mul3A_344, %add3A_343 : i32
      %add3A_346 = arith.addi %arg1, %mul3A_345 : i32
      %lt3A_347 = arith.constant 78 : i32
      %lt3A_348 = arith.cmpi slt, %add3A_346, %lt3A_347 : i32
      %convert_element_type3A_349 = arith.extui %lt3A_348 : i1 to i32
      %cond3A = arith.constant 0 : i32
      %cond3A_350 = arith.cmpi ne, %convert_element_type3A_349, %cond3A : i32
      scf.if %cond3A_350 {
        %dma_wait3A_355 = arith.constant 0 : i32
        %dma_wait3A_356 = arith.constant 0 : i32
        %dma_wait3A_357 = arith.constant 0 : i32
        %dma_wait3A_358 = tpu.memref_slice %arg12[%dma_wait3A_355, %dma_wait3A_356, %dma_wait3A_357] : memref<2x128x128xf32, #tpu.memory_space<vmem>> -> memref<1x128x128xf32, #tpu.memory_space<vmem>>
        %dma_wait3A_359 = tpu.memref_squeeze %dma_wait3A_358 : memref<1x128x128xf32, #tpu.memory_space<vmem>> -> memref<128x128xf32, #tpu.memory_space<vmem>>
        %dma_wait3A_360 = arith.constant 0 : i32
        %dma_wait3A_361 = arith.constant 0 : i32
        %dma_wait3A_362 = tpu.memref_slice %arg7[%dma_wait3A_360, %dma_wait3A_361] : memref<10000x128xf32, #tpu.memory_space<vmem_shared>> -> memref<128x128xf32, #tpu.memory_space<vmem_shared>>
        %dma_wait3A_363 = arith.constant 0 : i32
        %dma_wait3A_364 = arith.constant 0 : i32
        %dma_wait3A_365 = tpu.memref_slice %arg7[%dma_wait3A_363, %dma_wait3A_364] : memref<10000x128xf32, #tpu.memory_space<vmem_shared>> -> memref<128x128xf32, #tpu.memory_space<vmem_shared>>
        %dma_wait3A_366 = arith.constant 0 : i32
        %dma_wait3A_367 = arith.constant 0 : i32
        %dma_wait3A_368 = tpu.memref_slice %arg12[%dma_wait3A_355, %dma_wait3A_366, %dma_wait3A_367] : memref<2x128x128xf32, #tpu.memory_space<vmem>> -> memref<1x128x128xf32, #tpu.memory_space<vmem>>
        %dma_wait3A_369 = tpu.memref_squeeze %dma_wait3A_368 : memref<1x128x128xf32, #tpu.memory_space<vmem>> -> memref<128x128xf32, #tpu.memory_space<vmem>>
        tpu.wait_dma2 semaphore(%arg16 : memref<!tpu.dma_semaphore, #tpu.memory_space<semaphore_mem>>) src(%dma_wait3A_369 : memref<128x128xf32, #tpu.memory_space<vmem>>) dst(%dma_wait3A_365 : memref<128x128xf32, #tpu.memory_space<vmem_shared>>)
      } else {
      }
      %eq3A = arith.constant 78 : i32
      %eq3A_351 = arith.cmpi eq, %add3A_346, %eq3A : i32
      %convert_element_type3A_352 = arith.extui %eq3A_351 : i1 to i32
      %cond3A_353 = arith.constant 0 : i32
      %cond3A_354 = arith.cmpi ne, %convert_element_type3A_352, %cond3A_353 : i32
      scf.if %cond3A_354 {
        %dma_wait3A_355 = arith.constant 0 : i32
        %dma_wait3A_356 = arith.constant 0 : i32
        %dma_wait3A_357 = arith.constant 0 : i32
        %dma_wait3A_358 = tpu.memref_slice %arg12[%dma_wait3A_355, %dma_wait3A_356, %dma_wait3A_357] : memref<2x128x128xf32, #tpu.memory_space<vmem>> -> memref<1x16x128xf32, #tpu.memory_space<vmem>>
        %dma_wait3A_359 = tpu.memref_squeeze %dma_wait3A_358 : memref<1x16x128xf32, #tpu.memory_space<vmem>> -> memref<16x128xf32, #tpu.memory_space<vmem>>
        %dma_wait3A_360 = arith.constant 0 : i32
        %dma_wait3A_361 = arith.constant 0 : i32
        %dma_wait3A_362 = tpu.memref_slice %arg7[%dma_wait3A_360, %dma_wait3A_361] : memref<10000x128xf32, #tpu.memory_space<vmem_shared>> -> memref<16x128xf32, #tpu.memory_space<vmem_shared>>
        %dma_wait3A_363 = arith.constant 0 : i32
        %dma_wait3A_364 = arith.constant 0 : i32
        %dma_wait3A_365 = tpu.memref_slice %arg7[%dma_wait3A_363, %dma_wait3A_364] : memref<10000x128xf32, #tpu.memory_space<vmem_shared>> -> memref<16x128xf32, #tpu.memory_space<vmem_shared>>
        %dma_wait3A_366 = arith.constant 0 : i32
        %dma_wait3A_367 = arith.constant 0 : i32
        %dma_wait3A_368 = tpu.memref_slice %arg12[%dma_wait3A_355, %dma_wait3A_366, %dma_wait3A_367] : memref<2x128x128xf32, #tpu.memory_space<vmem>> -> memref<1x16x128xf32, #tpu.memory_space<vmem>>
        %dma_wait3A_369 = tpu.memref_squeeze %dma_wait3A_368 : memref<1x16x128xf32, #tpu.memory_space<vmem>> -> memref<16x128xf32, #tpu.memory_space<vmem>>
        tpu.wait_dma2 semaphore(%arg16 : memref<!tpu.dma_semaphore, #tpu.memory_space<semaphore_mem>>) src(%dma_wait3A_369 : memref<16x128xf32, #tpu.memory_space<vmem>>) dst(%dma_wait3A_365 : memref<16x128xf32, #tpu.memory_space<vmem_shared>>)
      } else {
      }
    }
    %while3A_61 = arith.constant 1 : i32
    scf.for %while3A_341 = %while3A_59 to %while3A_55 step %while3A_61  : i32 {
      %mul3A_342 = arith.muli %while3A_341, %while3A_51 : i32
      %add3A_343 = arith.addi %while3A_52, %mul3A_342 : i32
      %mul3A_344 = arith.constant 16 : i32
      %mul3A_345 = arith.muli %mul3A_344, %add3A_343 : i32
      %add3A_346 = arith.addi %arg1, %mul3A_345 : i32
      %lt3A_347 = arith.constant 78 : i32
      %lt3A_348 = arith.cmpi slt, %add3A_346, %lt3A_347 : i32
      %convert_element_type3A_349 = arith.extui %lt3A_348 : i1 to i32
      %cond3A = arith.constant 0 : i32
      %cond3A_350 = arith.cmpi ne, %convert_element_type3A_349, %cond3A : i32
      scf.if %cond3A_350 {
        %dma_wait3A_355 = arith.constant 0 : i32
        %dma_wait3A_356 = arith.constant 0 : i32
        %dma_wait3A_357 = arith.constant 0 : i32
        %dma_wait3A_358 = tpu.memref_slice %arg12[%dma_wait3A_355, %dma_wait3A_356, %dma_wait3A_357] : memref<2x128x128xf32, #tpu.memory_space<vmem>> -> memref<1x128x128xf32, #tpu.memory_space<vmem>>
        %dma_wait3A_359 = tpu.memref_squeeze %dma_wait3A_358 : memref<1x128x128xf32, #tpu.memory_space<vmem>> -> memref<128x128xf32, #tpu.memory_space<vmem>>
        %dma_wait3A_360 = arith.constant 0 : i32
        %dma_wait3A_361 = arith.constant 0 : i32
        %dma_wait3A_362 = tpu.memref_slice %arg7[%dma_wait3A_360, %dma_wait3A_361] : memref<10000x128xf32, #tpu.memory_space<vmem_shared>> -> memref<128x128xf32, #tpu.memory_space<vmem_shared>>
        %dma_wait3A_363 = arith.constant 0 : i32
        %dma_wait3A_364 = arith.constant 0 : i32
        %dma_wait3A_365 = tpu.memref_slice %arg7[%dma_wait3A_363, %dma_wait3A_364] : memref<10000x128xf32, #tpu.memory_space<vmem_shared>> -> memref<128x128xf32, #tpu.memory_space<vmem_shared>>
        %dma_wait3A_366 = arith.constant 0 : i32
        %dma_wait3A_367 = arith.constant 0 : i32
        %dma_wait3A_368 = tpu.memref_slice %arg12[%dma_wait3A_355, %dma_wait3A_366, %dma_wait3A_367] : memref<2x128x128xf32, #tpu.memory_space<vmem>> -> memref<1x128x128xf32, #tpu.memory_space<vmem>>
        %dma_wait3A_369 = tpu.memref_squeeze %dma_wait3A_368 : memref<1x128x128xf32, #tpu.memory_space<vmem>> -> memref<128x128xf32, #tpu.memory_space<vmem>>
        tpu.wait_dma2 semaphore(%arg16 : memref<!tpu.dma_semaphore, #tpu.memory_space<semaphore_mem>>) src(%dma_wait3A_369 : memref<128x128xf32, #tpu.memory_space<vmem>>) dst(%dma_wait3A_365 : memref<128x128xf32, #tpu.memory_space<vmem_shared>>)
      } else {
      }
      %eq3A = arith.constant 78 : i32
      %eq3A_351 = arith.cmpi eq, %add3A_346, %eq3A : i32
      %convert_element_type3A_352 = arith.extui %eq3A_351 : i1 to i32
      %cond3A_353 = arith.constant 0 : i32
      %cond3A_354 = arith.cmpi ne, %convert_element_type3A_352, %cond3A_353 : i32
      scf.if %cond3A_354 {
        %dma_wait3A_355 = arith.constant 0 : i32
        %dma_wait3A_356 = arith.constant 0 : i32
        %dma_wait3A_357 = arith.constant 0 : i32
        %dma_wait3A_358 = tpu.memref_slice %arg12[%dma_wait3A_355, %dma_wait3A_356, %dma_wait3A_357] : memref<2x128x128xf32, #tpu.memory_space<vmem>> -> memref<1x16x128xf32, #tpu.memory_space<vmem>>
        %dma_wait3A_359 = tpu.memref_squeeze %dma_wait3A_358 : memref<1x16x128xf32, #tpu.memory_space<vmem>> -> memref<16x128xf32, #tpu.memory_space<vmem>>
        %dma_wait3A_360 = arith.constant 0 : i32
        %dma_wait3A_361 = arith.constant 0 : i32
        %dma_wait3A_362 = tpu.memref_slice %arg7[%dma_wait3A_360, %dma_wait3A_361] : memref<10000x128xf32, #tpu.memory_space<vmem_shared>> -> memref<16x128xf32, #tpu.memory_space<vmem_shared>>
        %dma_wait3A_363 = arith.constant 0 : i32
        %dma_wait3A_364 = arith.constant 0 : i32
        %dma_wait3A_365 = tpu.memref_slice %arg7[%dma_wait3A_363, %dma_wait3A_364] : memref<10000x128xf32, #tpu.memory_space<vmem_shared>> -> memref<16x128xf32, #tpu.memory_space<vmem_shared>>
        %dma_wait3A_366 = arith.constant 0 : i32
        %dma_wait3A_367 = arith.constant 0 : i32
        %dma_wait3A_368 = tpu.memref_slice %arg12[%dma_wait3A_355, %dma_wait3A_366, %dma_wait3A_367] : memref<2x128x128xf32, #tpu.memory_space<vmem>> -> memref<1x16x128xf32, #tpu.memory_space<vmem>>
        %dma_wait3A_369 = tpu.memref_squeeze %dma_wait3A_368 : memref<1x16x128xf32, #tpu.memory_space<vmem>> -> memref<16x128xf32, #tpu.memory_space<vmem>>
        tpu.wait_dma2 semaphore(%arg16 : memref<!tpu.dma_semaphore, #tpu.memory_space<semaphore_mem>>) src(%dma_wait3A_369 : memref<16x128xf32, #tpu.memory_space<vmem>>) dst(%dma_wait3A_365 : memref<16x128xf32, #tpu.memory_space<vmem_shared>>)
      } else {
      }
    }
    %barrier3A = arith.constant 0 : index
    tpu.barrier barrier_id(%barrier3A)
    %mul3A_62 = arith.constant 78 : i32
    %mul3A_63 = arith.muli %mul3A_62, %add3A : i32
    %min3A = arith.constant 4 : i32
    %min3A_64 = arith.minsi %add3A, %min3A : i32
    %add3A_65 = arith.addi %mul3A_63, %min3A_64 : i32
    %lt3A = arith.constant 4 : i32
    %lt3A_66 = arith.cmpi slt, %add3A, %lt3A : i32
    %convert_element_type3A = arith.extui %lt3A_66 : i1 to i32
    %add3A_67 = arith.constant 78 : i32
    %add3A_68 = arith.addi %add3A_67, %convert_element_type3A : i32
    %add3A_69 = arith.constant 0 : i32
    %add3A_70 = arith.addi %add3A_65, %add3A_69 : i32
    %dma_start3A = arith.constant 0 : i32
    %dma_start3A_71 = arith.constant 0 : i32
    %dma_start3A_72 = arith.constant 0 : i32
    %dma_start3A_73 = arith.constant 0 : i32
    %dma_start3A_74 = tpu.memref_slice %arg8[%dma_start3A, %dma_start3A_72, %dma_start3A_73] : memref<4x1x128xi32, #tpu.memory_space<vmem>> -> memref<1x1x128xi32, #tpu.memory_space<vmem>>
    %dma_start3A_75 = tpu.memref_squeeze %dma_start3A_74 : memref<1x1x128xi32, #tpu.memory_space<vmem>> -> memref<1x128xi32, #tpu.memory_space<vmem>>
    %dma_start3A_76 = arith.constant 0 : i32
    %dma_start3A_77 = arith.constant 0 : i32
    %dma_start3A_78 = tpu.memref_slice %arg3[%add3A_70, %dma_start3A_76, %dma_start3A_77] : memref<2500x1x128xi32, #tpu.memory_space<hbm>> -> memref<1x1x128xi32, #tpu.memory_space<hbm>>
    %dma_start3A_79 = tpu.memref_squeeze %dma_start3A_78 : memref<1x1x128xi32, #tpu.memory_space<hbm>> -> memref<1x128xi32, #tpu.memory_space<hbm>>
    %dma_start3A_80 = tpu.memref_slice %arg15[%dma_start3A_71] : memref<4x!tpu.dma_semaphore, #tpu.memory_space<semaphore_mem>> -> memref<1x!tpu.dma_semaphore, #tpu.memory_space<semaphore_mem>>
    %dma_start3A_81 = tpu.memref_squeeze %dma_start3A_80 : memref<1x!tpu.dma_semaphore, #tpu.memory_space<semaphore_mem>> -> memref<!tpu.dma_semaphore, #tpu.memory_space<semaphore_mem>>
    %dma_start3A_82 = arith.constant 0 : i32
    %dma_start3A_83 = arith.constant 0 : i32
    %dma_start3A_84 = tpu.memref_slice %arg8[%dma_start3A, %dma_start3A_82, %dma_start3A_83] : memref<4x1x128xi32, #tpu.memory_space<vmem>> -> memref<1x1x128xi32, #tpu.memory_space<vmem>>
    %dma_start3A_85 = tpu.memref_squeeze %dma_start3A_84 : memref<1x1x128xi32, #tpu.memory_space<vmem>> -> memref<1x128xi32, #tpu.memory_space<vmem>>
    %dma_start3A_86 = arith.constant 0 : i32
    %dma_start3A_87 = arith.constant 0 : i32
    %dma_start3A_88 = tpu.memref_slice %arg3[%add3A_70, %dma_start3A_86, %dma_start3A_87] : memref<2500x1x128xi32, #tpu.memory_space<hbm>> -> memref<1x1x128xi32, #tpu.memory_space<hbm>>
    %dma_start3A_89 = tpu.memref_squeeze %dma_start3A_88 : memref<1x1x128xi32, #tpu.memory_space<hbm>> -> memref<1x128xi32, #tpu.memory_space<hbm>>
    tpu.enqueue_dma source(%dma_start3A_89 : memref<1x128xi32, #tpu.memory_space<hbm>>) target(%dma_start3A_85 : memref<1x128xi32, #tpu.memory_space<vmem>>) target_semaphore(%dma_start3A_81 : memref<!tpu.dma_semaphore, #tpu.memory_space<semaphore_mem>>)
    %add3A_90 = arith.constant 0 : i32
    %add3A_91 = arith.addi %add3A_65, %add3A_90 : i32
    %dma_start3A_92 = arith.constant 0 : i32
    %dma_start3A_93 = arith.constant 0 : i32
    %dma_start3A_94 = arith.constant 0 : i32
    %dma_start3A_95 = arith.constant 0 : i32
    %dma_start3A_96 = tpu.memref_slice %arg9[%dma_start3A_92, %dma_start3A_94, %dma_start3A_95] : memref<4x1x128xi32, #tpu.memory_space<vmem>> -> memref<1x1x128xi32, #tpu.memory_space<vmem>>
    %dma_start3A_97 = tpu.memref_squeeze %dma_start3A_96 : memref<1x1x128xi32, #tpu.memory_space<vmem>> -> memref<1x128xi32, #tpu.memory_space<vmem>>
    %dma_start3A_98 = arith.constant 0 : i32
    %dma_start3A_99 = arith.constant 0 : i32
    %dma_start3A_100 = tpu.memref_slice %arg4[%add3A_91, %dma_start3A_98, %dma_start3A_99] : memref<2500x1x128xi32, #tpu.memory_space<hbm>> -> memref<1x1x128xi32, #tpu.memory_space<hbm>>
    %dma_start3A_101 = tpu.memref_squeeze %dma_start3A_100 : memref<1x1x128xi32, #tpu.memory_space<hbm>> -> memref<1x128xi32, #tpu.memory_space<hbm>>
    %dma_start3A_102 = tpu.memref_slice %arg15[%dma_start3A_93] : memref<4x!tpu.dma_semaphore, #tpu.memory_space<semaphore_mem>> -> memref<1x!tpu.dma_semaphore, #tpu.memory_space<semaphore_mem>>
    %dma_start3A_103 = tpu.memref_squeeze %dma_start3A_102 : memref<1x!tpu.dma_semaphore, #tpu.memory_space<semaphore_mem>> -> memref<!tpu.dma_semaphore, #tpu.memory_space<semaphore_mem>>
    %dma_start3A_104 = arith.constant 0 : i32
    %dma_start3A_105 = arith.constant 0 : i32
    %dma_start3A_106 = tpu.memref_slice %arg9[%dma_start3A_92, %dma_start3A_104, %dma_start3A_105] : memref<4x1x128xi32, #tpu.memory_space<vmem>> -> memref<1x1x128xi32, #tpu.memory_space<vmem>>
    %dma_start3A_107 = tpu.memref_squeeze %dma_start3A_106 : memref<1x1x128xi32, #tpu.memory_space<vmem>> -> memref<1x128xi32, #tpu.memory_space<vmem>>
    %dma_start3A_108 = arith.constant 0 : i32
    %dma_start3A_109 = arith.constant 0 : i32
    %dma_start3A_110 = tpu.memref_slice %arg4[%add3A_91, %dma_start3A_108, %dma_start3A_109] : memref<2500x1x128xi32, #tpu.memory_space<hbm>> -> memref<1x1x128xi32, #tpu.memory_space<hbm>>
    %dma_start3A_111 = tpu.memref_squeeze %dma_start3A_110 : memref<1x1x128xi32, #tpu.memory_space<hbm>> -> memref<1x128xi32, #tpu.memory_space<hbm>>
    tpu.enqueue_dma source(%dma_start3A_111 : memref<1x128xi32, #tpu.memory_space<hbm>>) target(%dma_start3A_107 : memref<1x128xi32, #tpu.memory_space<vmem>>) target_semaphore(%dma_start3A_103 : memref<!tpu.dma_semaphore, #tpu.memory_space<semaphore_mem>>)
    %add3A_112 = arith.constant 0 : i32
    %add3A_113 = arith.addi %add3A_65, %add3A_112 : i32
    %dma_start3A_114 = arith.constant 0 : i32
    %dma_start3A_115 = arith.constant 0 : i32
    %dma_start3A_116 = arith.constant 0 : i32
    %dma_start3A_117 = arith.constant 0 : i32
    %dma_start3A_118 = tpu.memref_slice %arg10[%dma_start3A_114, %dma_start3A_116, %dma_start3A_117] : memref<4x1x128xf32, #tpu.memory_space<vmem>> -> memref<1x1x128xf32, #tpu.memory_space<vmem>>
    %dma_start3A_119 = tpu.memref_squeeze %dma_start3A_118 : memref<1x1x128xf32, #tpu.memory_space<vmem>> -> memref<1x128xf32, #tpu.memory_space<vmem>>
    %dma_start3A_120 = arith.constant 0 : i32
    %dma_start3A_121 = arith.constant 0 : i32
    %dma_start3A_122 = tpu.memref_slice %arg5[%add3A_113, %dma_start3A_120, %dma_start3A_121] : memref<2500x1x128xf32, #tpu.memory_space<hbm>> -> memref<1x1x128xf32, #tpu.memory_space<hbm>>
    %dma_start3A_123 = tpu.memref_squeeze %dma_start3A_122 : memref<1x1x128xf32, #tpu.memory_space<hbm>> -> memref<1x128xf32, #tpu.memory_space<hbm>>
    %dma_start3A_124 = tpu.memref_slice %arg15[%dma_start3A_115] : memref<4x!tpu.dma_semaphore, #tpu.memory_space<semaphore_mem>> -> memref<1x!tpu.dma_semaphore, #tpu.memory_space<semaphore_mem>>
    %dma_start3A_125 = tpu.memref_squeeze %dma_start3A_124 : memref<1x!tpu.dma_semaphore, #tpu.memory_space<semaphore_mem>> -> memref<!tpu.dma_semaphore, #tpu.memory_space<semaphore_mem>>
    %dma_start3A_126 = arith.constant 0 : i32
    %dma_start3A_127 = arith.constant 0 : i32
    %dma_start3A_128 = tpu.memref_slice %arg10[%dma_start3A_114, %dma_start3A_126, %dma_start3A_127] : memref<4x1x128xf32, #tpu.memory_space<vmem>> -> memref<1x1x128xf32, #tpu.memory_space<vmem>>
    %dma_start3A_129 = tpu.memref_squeeze %dma_start3A_128 : memref<1x1x128xf32, #tpu.memory_space<vmem>> -> memref<1x128xf32, #tpu.memory_space<vmem>>
    %dma_start3A_130 = arith.constant 0 : i32
    %dma_start3A_131 = arith.constant 0 : i32
    %dma_start3A_132 = tpu.memref_slice %arg5[%add3A_113, %dma_start3A_130, %dma_start3A_131] : memref<2500x1x128xf32, #tpu.memory_space<hbm>> -> memref<1x1x128xf32, #tpu.memory_space<hbm>>
    %dma_start3A_133 = tpu.memref_squeeze %dma_start3A_132 : memref<1x1x128xf32, #tpu.memory_space<hbm>> -> memref<1x128xf32, #tpu.memory_space<hbm>>
    tpu.enqueue_dma source(%dma_start3A_133 : memref<1x128xf32, #tpu.memory_space<hbm>>) target(%dma_start3A_129 : memref<1x128xf32, #tpu.memory_space<vmem>>) target_semaphore(%dma_start3A_125 : memref<!tpu.dma_semaphore, #tpu.memory_space<semaphore_mem>>)
    %add3A_134 = arith.constant 1 : i32
    %add3A_135 = arith.addi %add3A_65, %add3A_134 : i32
    %dma_start3A_136 = arith.constant 1 : i32
    %dma_start3A_137 = arith.constant 1 : i32
    %dma_start3A_138 = arith.constant 0 : i32
    %dma_start3A_139 = arith.constant 0 : i32
    %dma_start3A_140 = tpu.memref_slice %arg8[%dma_start3A_136, %dma_start3A_138, %dma_start3A_139] : memref<4x1x128xi32, #tpu.memory_space<vmem>> -> memref<1x1x128xi32, #tpu.memory_space<vmem>>
    %dma_start3A_141 = tpu.memref_squeeze %dma_start3A_140 : memref<1x1x128xi32, #tpu.memory_space<vmem>> -> memref<1x128xi32, #tpu.memory_space<vmem>>
    %dma_start3A_142 = arith.constant 0 : i32
    %dma_start3A_143 = arith.constant 0 : i32
    %dma_start3A_144 = tpu.memref_slice %arg3[%add3A_135, %dma_start3A_142, %dma_start3A_143] : memref<2500x1x128xi32, #tpu.memory_space<hbm>> -> memref<1x1x128xi32, #tpu.memory_space<hbm>>
    %dma_start3A_145 = tpu.memref_squeeze %dma_start3A_144 : memref<1x1x128xi32, #tpu.memory_space<hbm>> -> memref<1x128xi32, #tpu.memory_space<hbm>>
    %dma_start3A_146 = tpu.memref_slice %arg15[%dma_start3A_137] : memref<4x!tpu.dma_semaphore, #tpu.memory_space<semaphore_mem>> -> memref<1x!tpu.dma_semaphore, #tpu.memory_space<semaphore_mem>>
    %dma_start3A_147 = tpu.memref_squeeze %dma_start3A_146 : memref<1x!tpu.dma_semaphore, #tpu.memory_space<semaphore_mem>> -> memref<!tpu.dma_semaphore, #tpu.memory_space<semaphore_mem>>
    %dma_start3A_148 = arith.constant 0 : i32
    %dma_start3A_149 = arith.constant 0 : i32
    %dma_start3A_150 = tpu.memref_slice %arg8[%dma_start3A_136, %dma_start3A_148, %dma_start3A_149] : memref<4x1x128xi32, #tpu.memory_space<vmem>> -> memref<1x1x128xi32, #tpu.memory_space<vmem>>
    %dma_start3A_151 = tpu.memref_squeeze %dma_start3A_150 : memref<1x1x128xi32, #tpu.memory_space<vmem>> -> memref<1x128xi32, #tpu.memory_space<vmem>>
    %dma_start3A_152 = arith.constant 0 : i32
    %dma_start3A_153 = arith.constant 0 : i32
    %dma_start3A_154 = tpu.memref_slice %arg3[%add3A_135, %dma_start3A_152, %dma_start3A_153] : memref<2500x1x128xi32, #tpu.memory_space<hbm>> -> memref<1x1x128xi32, #tpu.memory_space<hbm>>
    %dma_start3A_155 = tpu.memref_squeeze %dma_start3A_154 : memref<1x1x128xi32, #tpu.memory_space<hbm>> -> memref<1x128xi32, #tpu.memory_space<hbm>>
    tpu.enqueue_dma source(%dma_start3A_155 : memref<1x128xi32, #tpu.memory_space<hbm>>) target(%dma_start3A_151 : memref<1x128xi32, #tpu.memory_space<vmem>>) target_semaphore(%dma_start3A_147 : memref<!tpu.dma_semaphore, #tpu.memory_space<semaphore_mem>>)
    %add3A_156 = arith.constant 1 : i32
    %add3A_157 = arith.addi %add3A_65, %add3A_156 : i32
    %dma_start3A_158 = arith.constant 1 : i32
    %dma_start3A_159 = arith.constant 1 : i32
    %dma_start3A_160 = arith.constant 0 : i32
    %dma_start3A_161 = arith.constant 0 : i32
    %dma_start3A_162 = tpu.memref_slice %arg9[%dma_start3A_158, %dma_start3A_160, %dma_start3A_161] : memref<4x1x128xi32, #tpu.memory_space<vmem>> -> memref<1x1x128xi32, #tpu.memory_space<vmem>>
    %dma_start3A_163 = tpu.memref_squeeze %dma_start3A_162 : memref<1x1x128xi32, #tpu.memory_space<vmem>> -> memref<1x128xi32, #tpu.memory_space<vmem>>
    %dma_start3A_164 = arith.constant 0 : i32
    %dma_start3A_165 = arith.constant 0 : i32
    %dma_start3A_166 = tpu.memref_slice %arg4[%add3A_157, %dma_start3A_164, %dma_start3A_165] : memref<2500x1x128xi32, #tpu.memory_space<hbm>> -> memref<1x1x128xi32, #tpu.memory_space<hbm>>
    %dma_start3A_167 = tpu.memref_squeeze %dma_start3A_166 : memref<1x1x128xi32, #tpu.memory_space<hbm>> -> memref<1x128xi32, #tpu.memory_space<hbm>>
    %dma_start3A_168 = tpu.memref_slice %arg15[%dma_start3A_159] : memref<4x!tpu.dma_semaphore, #tpu.memory_space<semaphore_mem>> -> memref<1x!tpu.dma_semaphore, #tpu.memory_space<semaphore_mem>>
    %dma_start3A_169 = tpu.memref_squeeze %dma_start3A_168 : memref<1x!tpu.dma_semaphore, #tpu.memory_space<semaphore_mem>> -> memref<!tpu.dma_semaphore, #tpu.memory_space<semaphore_mem>>
    %dma_start3A_170 = arith.constant 0 : i32
    %dma_start3A_171 = arith.constant 0 : i32
    %dma_start3A_172 = tpu.memref_slice %arg9[%dma_start3A_158, %dma_start3A_170, %dma_start3A_171] : memref<4x1x128xi32, #tpu.memory_space<vmem>> -> memref<1x1x128xi32, #tpu.memory_space<vmem>>
    %dma_start3A_173 = tpu.memref_squeeze %dma_start3A_172 : memref<1x1x128xi32, #tpu.memory_space<vmem>> -> memref<1x128xi32, #tpu.memory_space<vmem>>
    %dma_start3A_174 = arith.constant 0 : i32
    %dma_start3A_175 = arith.constant 0 : i32
    %dma_start3A_176 = tpu.memref_slice %arg4[%add3A_157, %dma_start3A_174, %dma_start3A_175] : memref<2500x1x128xi32, #tpu.memory_space<hbm>> -> memref<1x1x128xi32, #tpu.memory_space<hbm>>
    %dma_start3A_177 = tpu.memref_squeeze %dma_start3A_176 : memref<1x1x128xi32, #tpu.memory_space<hbm>> -> memref<1x128xi32, #tpu.memory_space<hbm>>
    tpu.enqueue_dma source(%dma_start3A_177 : memref<1x128xi32, #tpu.memory_space<hbm>>) target(%dma_start3A_173 : memref<1x128xi32, #tpu.memory_space<vmem>>) target_semaphore(%dma_start3A_169 : memref<!tpu.dma_semaphore, #tpu.memory_space<semaphore_mem>>)
    %add3A_178 = arith.constant 1 : i32
    %add3A_179 = arith.addi %add3A_65, %add3A_178 : i32
    %dma_start3A_180 = arith.constant 1 : i32
    %dma_start3A_181 = arith.constant 1 : i32
    %dma_start3A_182 = arith.constant 0 : i32
    %dma_start3A_183 = arith.constant 0 : i32
    %dma_start3A_184 = tpu.memref_slice %arg10[%dma_start3A_180, %dma_start3A_182, %dma_start3A_183] : memref<4x1x128xf32, #tpu.memory_space<vmem>> -> memref<1x1x128xf32, #tpu.memory_space<vmem>>
    %dma_start3A_185 = tpu.memref_squeeze %dma_start3A_184 : memref<1x1x128xf32, #tpu.memory_space<vmem>> -> memref<1x128xf32, #tpu.memory_space<vmem>>
    %dma_start3A_186 = arith.constant 0 : i32
    %dma_start3A_187 = arith.constant 0 : i32
    %dma_start3A_188 = tpu.memref_slice %arg5[%add3A_179, %dma_start3A_186, %dma_start3A_187] : memref<2500x1x128xf32, #tpu.memory_space<hbm>> -> memref<1x1x128xf32, #tpu.memory_space<hbm>>
    %dma_start3A_189 = tpu.memref_squeeze %dma_start3A_188 : memref<1x1x128xf32, #tpu.memory_space<hbm>> -> memref<1x128xf32, #tpu.memory_space<hbm>>
    %dma_start3A_190 = tpu.memref_slice %arg15[%dma_start3A_181] : memref<4x!tpu.dma_semaphore, #tpu.memory_space<semaphore_mem>> -> memref<1x!tpu.dma_semaphore, #tpu.memory_space<semaphore_mem>>
    %dma_start3A_191 = tpu.memref_squeeze %dma_start3A_190 : memref<1x!tpu.dma_semaphore, #tpu.memory_space<semaphore_mem>> -> memref<!tpu.dma_semaphore, #tpu.memory_space<semaphore_mem>>
    %dma_start3A_192 = arith.constant 0 : i32
    %dma_start3A_193 = arith.constant 0 : i32
    %dma_start3A_194 = tpu.memref_slice %arg10[%dma_start3A_180, %dma_start3A_192, %dma_start3A_193] : memref<4x1x128xf32, #tpu.memory_space<vmem>> -> memref<1x1x128xf32, #tpu.memory_space<vmem>>
    %dma_start3A_195 = tpu.memref_squeeze %dma_start3A_194 : memref<1x1x128xf32, #tpu.memory_space<vmem>> -> memref<1x128xf32, #tpu.memory_space<vmem>>
    %dma_start3A_196 = arith.constant 0 : i32
    %dma_start3A_197 = arith.constant 0 : i32
    %dma_start3A_198 = tpu.memref_slice %arg5[%add3A_179, %dma_start3A_196, %dma_start3A_197] : memref<2500x1x128xf32, #tpu.memory_space<hbm>> -> memref<1x1x128xf32, #tpu.memory_space<hbm>>
    %dma_start3A_199 = tpu.memref_squeeze %dma_start3A_198 : memref<1x1x128xf32, #tpu.memory_space<hbm>> -> memref<1x128xf32, #tpu.memory_space<hbm>>
    tpu.enqueue_dma source(%dma_start3A_199 : memref<1x128xf32, #tpu.memory_space<hbm>>) target(%dma_start3A_195 : memref<1x128xf32, #tpu.memory_space<vmem>>) target_semaphore(%dma_start3A_191 : memref<!tpu.dma_semaphore, #tpu.memory_space<semaphore_mem>>)
    %dma_wait3A = arith.constant 0 : i32
    %dma_wait3A_200 = arith.constant 0 : i32
    %dma_wait3A_201 = arith.constant 0 : i32
    %dma_wait3A_202 = arith.constant 0 : i32
    %dma_wait3A_203 = arith.constant 0 : i32
    %dma_wait3A_204 = tpu.memref_slice %arg8[%dma_wait3A_200, %dma_wait3A_202, %dma_wait3A_203] : memref<4x1x128xi32, #tpu.memory_space<vmem>> -> memref<1x1x128xi32, #tpu.memory_space<vmem>>
    %dma_wait3A_205 = tpu.memref_squeeze %dma_wait3A_204 : memref<1x1x128xi32, #tpu.memory_space<vmem>> -> memref<1x128xi32, #tpu.memory_space<vmem>>
    %dma_wait3A_206 = arith.constant 0 : i32
    %dma_wait3A_207 = arith.constant 0 : i32
    %dma_wait3A_208 = tpu.memref_slice %arg3[%dma_wait3A, %dma_wait3A_206, %dma_wait3A_207] : memref<2500x1x128xi32, #tpu.memory_space<hbm>> -> memref<1x1x128xi32, #tpu.memory_space<hbm>>
    %dma_wait3A_209 = tpu.memref_squeeze %dma_wait3A_208 : memref<1x1x128xi32, #tpu.memory_space<hbm>> -> memref<1x128xi32, #tpu.memory_space<hbm>>
    %dma_wait3A_210 = tpu.memref_slice %arg15[%dma_wait3A_201] : memref<4x!tpu.dma_semaphore, #tpu.memory_space<semaphore_mem>> -> memref<1x!tpu.dma_semaphore, #tpu.memory_space<semaphore_mem>>
    %dma_wait3A_211 = tpu.memref_squeeze %dma_wait3A_210 : memref<1x!tpu.dma_semaphore, #tpu.memory_space<semaphore_mem>> -> memref<!tpu.dma_semaphore, #tpu.memory_space<semaphore_mem>>
    %dma_wait3A_212 = arith.constant 0 : i32
    %dma_wait3A_213 = arith.constant 0 : i32
    %dma_wait3A_214 = tpu.memref_slice %arg8[%dma_wait3A_200, %dma_wait3A_212, %dma_wait3A_213] : memref<4x1x128xi32, #tpu.memory_space<vmem>> -> memref<1x1x128xi32, #tpu.memory_space<vmem>>
    %dma_wait3A_215 = tpu.memref_squeeze %dma_wait3A_214 : memref<1x1x128xi32, #tpu.memory_space<vmem>> -> memref<1x128xi32, #tpu.memory_space<vmem>>
    %dma_wait3A_216 = arith.constant 0 : i32
    %dma_wait3A_217 = arith.constant 0 : i32
    %dma_wait3A_218 = tpu.memref_slice %arg3[%dma_wait3A, %dma_wait3A_216, %dma_wait3A_217] : memref<2500x1x128xi32, #tpu.memory_space<hbm>> -> memref<1x1x128xi32, #tpu.memory_space<hbm>>
    %dma_wait3A_219 = tpu.memref_squeeze %dma_wait3A_218 : memref<1x1x128xi32, #tpu.memory_space<hbm>> -> memref<1x128xi32, #tpu.memory_space<hbm>>
    tpu.wait_dma2 semaphore(%dma_wait3A_211 : memref<!tpu.dma_semaphore, #tpu.memory_space<semaphore_mem>>) src(%dma_wait3A_219 : memref<1x128xi32, #tpu.memory_space<hbm>>) dst(%dma_wait3A_215 : memref<1x128xi32, #tpu.memory_space<vmem>>)
    %dma_wait3A_220 = arith.constant 0 : i32
    %dma_wait3A_221 = arith.constant 0 : i32
    %dma_wait3A_222 = arith.constant 0 : i32
    %dma_wait3A_223 = arith.constant 0 : i32
    %dma_wait3A_224 = arith.constant 0 : i32
    %dma_wait3A_225 = tpu.memref_slice %arg9[%dma_wait3A_221, %dma_wait3A_223, %dma_wait3A_224] : memref<4x1x128xi32, #tpu.memory_space<vmem>> -> memref<1x1x128xi32, #tpu.memory_space<vmem>>
    %dma_wait3A_226 = tpu.memref_squeeze %dma_wait3A_225 : memref<1x1x128xi32, #tpu.memory_space<vmem>> -> memref<1x128xi32, #tpu.memory_space<vmem>>
    %dma_wait3A_227 = arith.constant 0 : i32
    %dma_wait3A_228 = arith.constant 0 : i32
    %dma_wait3A_229 = tpu.memref_slice %arg3[%dma_wait3A_220, %dma_wait3A_227, %dma_wait3A_228] : memref<2500x1x128xi32, #tpu.memory_space<hbm>> -> memref<1x1x128xi32, #tpu.memory_space<hbm>>
    %dma_wait3A_230 = tpu.memref_squeeze %dma_wait3A_229 : memref<1x1x128xi32, #tpu.memory_space<hbm>> -> memref<1x128xi32, #tpu.memory_space<hbm>>
    %dma_wait3A_231 = tpu.memref_slice %arg15[%dma_wait3A_222] : memref<4x!tpu.dma_semaphore, #tpu.memory_space<semaphore_mem>> -> memref<1x!tpu.dma_semaphore, #tpu.memory_space<semaphore_mem>>
    %dma_wait3A_232 = tpu.memref_squeeze %dma_wait3A_231 : memref<1x!tpu.dma_semaphore, #tpu.memory_space<semaphore_mem>> -> memref<!tpu.dma_semaphore, #tpu.memory_space<semaphore_mem>>
    %dma_wait3A_233 = arith.constant 0 : i32
    %dma_wait3A_234 = arith.constant 0 : i32
    %dma_wait3A_235 = tpu.memref_slice %arg9[%dma_wait3A_221, %dma_wait3A_233, %dma_wait3A_234] : memref<4x1x128xi32, #tpu.memory_space<vmem>> -> memref<1x1x128xi32, #tpu.memory_space<vmem>>
    %dma_wait3A_236 = tpu.memref_squeeze %dma_wait3A_235 : memref<1x1x128xi32, #tpu.memory_space<vmem>> -> memref<1x128xi32, #tpu.memory_space<vmem>>
    %dma_wait3A_237 = arith.constant 0 : i32
    %dma_wait3A_238 = arith.constant 0 : i32
    %dma_wait3A_239 = tpu.memref_slice %arg3[%dma_wait3A_220, %dma_wait3A_237, %dma_wait3A_238] : memref<2500x1x128xi32, #tpu.memory_space<hbm>> -> memref<1x1x128xi32, #tpu.memory_space<hbm>>
    %dma_wait3A_240 = tpu.memref_squeeze %dma_wait3A_239 : memref<1x1x128xi32, #tpu.memory_space<hbm>> -> memref<1x128xi32, #tpu.memory_space<hbm>>
    tpu.wait_dma2 semaphore(%dma_wait3A_232 : memref<!tpu.dma_semaphore, #tpu.memory_space<semaphore_mem>>) src(%dma_wait3A_240 : memref<1x128xi32, #tpu.memory_space<hbm>>) dst(%dma_wait3A_236 : memref<1x128xi32, #tpu.memory_space<vmem>>)
    %dma_wait3A_241 = arith.constant 0 : i32
    %dma_wait3A_242 = arith.constant 0 : i32
    %dma_wait3A_243 = arith.constant 0 : i32
    %dma_wait3A_244 = arith.constant 0 : i32
    %dma_wait3A_245 = arith.constant 0 : i32
    %dma_wait3A_246 = tpu.memref_slice %arg10[%dma_wait3A_242, %dma_wait3A_244, %dma_wait3A_245] : memref<4x1x128xf32, #tpu.memory_space<vmem>> -> memref<1x1x128xf32, #tpu.memory_space<vmem>>
    %dma_wait3A_247 = tpu.memref_squeeze %dma_wait3A_246 : memref<1x1x128xf32, #tpu.memory_space<vmem>> -> memref<1x128xf32, #tpu.memory_space<vmem>>
    %dma_wait3A_248 = arith.constant 0 : i32
    %dma_wait3A_249 = arith.constant 0 : i32
    %dma_wait3A_250 = tpu.memref_slice %arg3[%dma_wait3A_241, %dma_wait3A_248, %dma_wait3A_249] : memref<2500x1x128xi32, #tpu.memory_space<hbm>> -> memref<1x1x128xi32, #tpu.memory_space<hbm>>
    %dma_wait3A_251 = tpu.memref_squeeze %dma_wait3A_250 : memref<1x1x128xi32, #tpu.memory_space<hbm>> -> memref<1x128xi32, #tpu.memory_space<hbm>>
    %dma_wait3A_252 = tpu.memref_slice %arg15[%dma_wait3A_243] : memref<4x!tpu.dma_semaphore, #tpu.memory_space<semaphore_mem>> -> memref<1x!tpu.dma_semaphore, #tpu.memory_space<semaphore_mem>>
    %dma_wait3A_253 = tpu.memref_squeeze %dma_wait3A_252 : memref<1x!tpu.dma_semaphore, #tpu.memory_space<semaphore_mem>> -> memref<!tpu.dma_semaphore, #tpu.memory_space<semaphore_mem>>
    %dma_wait3A_254 = arith.constant 0 : i32
    %dma_wait3A_255 = arith.constant 0 : i32
    %dma_wait3A_256 = tpu.memref_slice %arg10[%dma_wait3A_242, %dma_wait3A_254, %dma_wait3A_255] : memref<4x1x128xf32, #tpu.memory_space<vmem>> -> memref<1x1x128xf32, #tpu.memory_space<vmem>>
    %dma_wait3A_257 = tpu.memref_squeeze %dma_wait3A_256 : memref<1x1x128xf32, #tpu.memory_space<vmem>> -> memref<1x128xf32, #tpu.memory_space<vmem>>
    %dma_wait3A_258 = arith.constant 0 : i32
    %dma_wait3A_259 = arith.constant 0 : i32
    %dma_wait3A_260 = tpu.memref_slice %arg3[%dma_wait3A_241, %dma_wait3A_258, %dma_wait3A_259] : memref<2500x1x128xi32, #tpu.memory_space<hbm>> -> memref<1x1x128xi32, #tpu.memory_space<hbm>>
    %dma_wait3A_261 = tpu.memref_squeeze %dma_wait3A_260 : memref<1x1x128xi32, #tpu.memory_space<hbm>> -> memref<1x128xi32, #tpu.memory_space<hbm>>
    tpu.wait_dma2 semaphore(%dma_wait3A_253 : memref<!tpu.dma_semaphore, #tpu.memory_space<semaphore_mem>>) src(%dma_wait3A_261 : memref<1x128xi32, #tpu.memory_space<hbm>>) dst(%dma_wait3A_257 : memref<1x128xf32, #tpu.memory_space<vmem>>)
    %dma_start3A_262 = arith.constant 0 : i32
    %dma_start3A_263 = arith.constant 0 : i32
    %dma_start3A_264 = arith.constant 0 : i32
    %dma_start3A_265 = arith.constant 0 : i32
    %dma_start3A_266 = arith.constant 0 : i32
    %dma_start3A_267 = arith.constant 0 : i32
    %dma_start3A_268 = tpu.memref_slice %arg11[%dma_start3A_264, %dma_start3A_266, %dma_start3A_267] : memref<2x128x64xi32, #tpu.memory_space<vmem>> -> memref<1x128x64xi32, #tpu.memory_space<vmem>>
    %dma_start3A_269 = tpu.memref_squeeze %dma_start3A_268 : memref<1x128x64xi32, #tpu.memory_space<vmem>> -> memref<128x64xi32, #tpu.memory_space<vmem>>
    %dma_start3A_270 = arith.constant 0 : i32
    %dma_start3A_271 = tpu.memref_slice %arg8[%dma_start3A_262, %dma_start3A_263, %dma_start3A_270] : memref<4x1x128xi32, #tpu.memory_space<vmem>> -> memref<1x1x128xi32, #tpu.memory_space<vmem>>
    %dma_start3A_272 = tpu.memref_squeeze %dma_start3A_271 : memref<1x1x128xi32, #tpu.memory_space<vmem>> -> memref<128xi32, #tpu.memory_space<vmem>>
    %dma_start3A_273 = arith.constant 0 : i32
    %dma_start3A_274 = arith.constant 0 : i32
    %dma_start3A_275 = tpu.memref_slice %arg2[%dma_start3A_273, %dma_start3A_274] : memref<20000x64xi32, #tpu.memory_space<hbm>> -> memref<20000x64xi32, #tpu.memory_space<hbm>>
    %dma_start3A_276 = tpu.memref_slice %arg13[%dma_start3A_265] : memref<2x!tpu.dma_semaphore, #tpu.memory_space<semaphore_mem>> -> memref<1x!tpu.dma_semaphore, #tpu.memory_space<semaphore_mem>>
    %dma_start3A_277 = tpu.memref_squeeze %dma_start3A_276 : memref<1x!tpu.dma_semaphore, #tpu.memory_space<semaphore_mem>> -> memref<!tpu.dma_semaphore, #tpu.memory_space<semaphore_mem>>
    tpu.enqueue_indirect_dma source(%dma_start3A_275 : memref<20000x64xi32, #tpu.memory_space<hbm>>) target(%dma_start3A_269 : memref<128x64xi32, #tpu.memory_space<vmem>>) offsets(%dma_start3A_272 : memref<128xi32, #tpu.memory_space<vmem>>) semaphore(%dma_start3A_277 : memref<!tpu.dma_semaphore, #tpu.memory_space<semaphore_mem>>)
    %sub3A_278 = arith.constant 0 : i32
    %sub3A_279 = arith.subi %add3A_68, %sub3A_278 : i32
    %sub3A_280 = arith.constant 1 : i32
    %sub3A_281 = arith.constant 1 : i32
    %sub3A_282 = arith.subi %sub3A_280, %sub3A_281 : i32
    %add3A_283 = arith.addi %sub3A_279, %sub3A_282 : i32
    %div3A_284 = arith.constant 1 : i32
    %div3A_285 = arith.divsi %add3A_283, %div3A_284 : i32
    %while3A_286 = arith.constant 1 : i32
    %while3A_287 = arith.constant 0 : i32
    %while3A_288 = arith.constant 0 : i32
    %while3A_289 = arith.subi %div3A_285, %while3A_288 : i32
    %while3A_290 = arith.addi %while3A_288, %while3A_289 : i32
    %while3A_291 = arith.constant 1 : i32
    %while3A_292 = arith.divsi %while3A_289, %while3A_291 : i32
    %while3A_293 = arith.muli %while3A_292, %while3A_291 : i32
    %while3A_294 = arith.addi %while3A_288, %while3A_293 : i32
    %while3A_295 = arith.constant 1 : i32
    scf.for %while3A_341 = %while3A_288 to %while3A_294 step %while3A_295  : i32 {
      %mul3A_342 = arith.muli %while3A_341, %while3A_286 : i32
      %add3A_343 = arith.addi %while3A_287, %mul3A_342 : i32
      %rem3A_344 = arith.constant 2 : i32
      %rem3A_345 = arith.remsi %add3A_343, %rem3A_344 : i32
      %add3A_346 = arith.constant 1 : i32
      %add3A_347 = arith.addi %add3A_343, %add3A_346 : i32
      %rem3A_348 = arith.constant 2 : i32
      %rem3A_349 = arith.remsi %add3A_347, %rem3A_348 : i32
      %ge3A = arith.constant 2 : i32
      %ge3A_350 = arith.cmpi sge, %add3A_343, %ge3A : i32
      %convert_element_type3A_351 = arith.extui %ge3A_350 : i1 to i32
      %cond3A = arith.constant 0 : i32
      %cond3A_352 = arith.cmpi ne, %convert_element_type3A_351, %cond3A : i32
      scf.if %cond3A_352 {
        %dma_wait3A_398 = arith.constant 0 : i32
        %dma_wait3A_399 = arith.constant 0 : i32
        %dma_wait3A_400 = arith.constant 0 : i32
        %dma_wait3A_401 = tpu.memref_slice %arg12[%rem3A_345, %dma_wait3A_399, %dma_wait3A_400] : memref<2x128x128xf32, #tpu.memory_space<vmem>> -> memref<1x128x128xf32, #tpu.memory_space<vmem>>
        %dma_wait3A_402 = tpu.memref_squeeze %dma_wait3A_401 : memref<1x128x128xf32, #tpu.memory_space<vmem>> -> memref<128x128xf32, #tpu.memory_space<vmem>>
        %dma_wait3A_403 = arith.constant 0 : i32
        %dma_wait3A_404 = arith.constant 0 : i32
        %dma_wait3A_405 = tpu.memref_slice %arg6[%dma_wait3A_398, %dma_wait3A_403, %dma_wait3A_404] : memref<2x10000x128xf32, #tpu.memory_space<hbm>> -> memref<1x128x128xf32, #tpu.memory_space<hbm>>
        %dma_wait3A_406 = tpu.memref_squeeze %dma_wait3A_405 : memref<1x128x128xf32, #tpu.memory_space<hbm>> -> memref<128x128xf32, #tpu.memory_space<hbm>>
        %dma_wait3A_407 = tpu.memref_slice %arg14[%rem3A_345] : memref<2x!tpu.dma_semaphore, #tpu.memory_space<semaphore_mem>> -> memref<1x!tpu.dma_semaphore, #tpu.memory_space<semaphore_mem>>
        %dma_wait3A_408 = tpu.memref_squeeze %dma_wait3A_407 : memref<1x!tpu.dma_semaphore, #tpu.memory_space<semaphore_mem>> -> memref<!tpu.dma_semaphore, #tpu.memory_space<semaphore_mem>>
        %dma_wait3A_409 = arith.constant 0 : i32
        %dma_wait3A_410 = arith.constant 0 : i32
        %dma_wait3A_411 = tpu.memref_slice %arg12[%rem3A_345, %dma_wait3A_409, %dma_wait3A_410] : memref<2x128x128xf32, #tpu.memory_space<vmem>> -> memref<1x128x128xf32, #tpu.memory_space<vmem>>
        %dma_wait3A_412 = tpu.memref_squeeze %dma_wait3A_411 : memref<1x128x128xf32, #tpu.memory_space<vmem>> -> memref<128x128xf32, #tpu.memory_space<vmem>>
        %dma_wait3A_413 = arith.constant 0 : i32
        %dma_wait3A_414 = arith.constant 0 : i32
        %dma_wait3A_415 = tpu.memref_slice %arg6[%dma_wait3A_398, %dma_wait3A_413, %dma_wait3A_414] : memref<2x10000x128xf32, #tpu.memory_space<hbm>> -> memref<1x128x128xf32, #tpu.memory_space<hbm>>
        %dma_wait3A_416 = tpu.memref_squeeze %dma_wait3A_415 : memref<1x128x128xf32, #tpu.memory_space<hbm>> -> memref<128x128xf32, #tpu.memory_space<hbm>>
        tpu.wait_dma2 semaphore(%dma_wait3A_408 : memref<!tpu.dma_semaphore, #tpu.memory_space<semaphore_mem>>) src(%dma_wait3A_416 : memref<128x128xf32, #tpu.memory_space<hbm>>) dst(%dma_wait3A_412 : memref<128x128xf32, #tpu.memory_space<vmem>>)
      } else {
      }
      %add3A_353 = arith.constant 2 : i32
      %add3A_354 = arith.addi %add3A_343, %add3A_353 : i32
      %lt3A_355 = arith.cmpi slt, %add3A_354, %add3A_68 : i32
      %convert_element_type3A_356 = arith.extui %lt3A_355 : i1 to i32
      %cond3A_357 = arith.constant 0 : i32
      %cond3A_358 = arith.cmpi ne, %convert_element_type3A_356, %cond3A_357 : i32
      scf.if %cond3A_358 {
        %add3A_398 = arith.constant 2 : i32
        %add3A_399 = arith.addi %add3A_343, %add3A_398 : i32
        %rem3A_400 = arith.constant 4 : i32
        %rem3A_401 = arith.remsi %add3A_399, %rem3A_400 : i32
        %add3A_402 = arith.addi %add3A_65, %add3A_343 : i32
        %add3A_403 = arith.constant 2 : i32
        %add3A_404 = arith.addi %add3A_402, %add3A_403 : i32
        %dma_start3A_405 = arith.constant 0 : i32
        %dma_start3A_406 = arith.constant 0 : i32
        %dma_start3A_407 = tpu.memref_slice %arg8[%rem3A_401, %dma_start3A_405, %dma_start3A_406] : memref<4x1x128xi32, #tpu.memory_space<vmem>> -> memref<1x1x128xi32, #tpu.memory_space<vmem>>
        %dma_start3A_408 = tpu.memref_squeeze %dma_start3A_407 : memref<1x1x128xi32, #tpu.memory_space<vmem>> -> memref<1x128xi32, #tpu.memory_space<vmem>>
        %dma_start3A_409 = arith.constant 0 : i32
        %dma_start3A_410 = arith.constant 0 : i32
        %dma_start3A_411 = tpu.memref_slice %arg3[%add3A_404, %dma_start3A_409, %dma_start3A_410] : memref<2500x1x128xi32, #tpu.memory_space<hbm>> -> memref<1x1x128xi32, #tpu.memory_space<hbm>>
        %dma_start3A_412 = tpu.memref_squeeze %dma_start3A_411 : memref<1x1x128xi32, #tpu.memory_space<hbm>> -> memref<1x128xi32, #tpu.memory_space<hbm>>
        %dma_start3A_413 = tpu.memref_slice %arg15[%rem3A_401] : memref<4x!tpu.dma_semaphore, #tpu.memory_space<semaphore_mem>> -> memref<1x!tpu.dma_semaphore, #tpu.memory_space<semaphore_mem>>
        %dma_start3A_414 = tpu.memref_squeeze %dma_start3A_413 : memref<1x!tpu.dma_semaphore, #tpu.memory_space<semaphore_mem>> -> memref<!tpu.dma_semaphore, #tpu.memory_space<semaphore_mem>>
        %dma_start3A_415 = arith.constant 0 : i32
        %dma_start3A_416 = arith.constant 0 : i32
        %dma_start3A_417 = tpu.memref_slice %arg8[%rem3A_401, %dma_start3A_415, %dma_start3A_416] : memref<4x1x128xi32, #tpu.memory_space<vmem>> -> memref<1x1x128xi32, #tpu.memory_space<vmem>>
        %dma_start3A_418 = tpu.memref_squeeze %dma_start3A_417 : memref<1x1x128xi32, #tpu.memory_space<vmem>> -> memref<1x128xi32, #tpu.memory_space<vmem>>
        %dma_start3A_419 = arith.constant 0 : i32
        %dma_start3A_420 = arith.constant 0 : i32
        %dma_start3A_421 = tpu.memref_slice %arg3[%add3A_404, %dma_start3A_419, %dma_start3A_420] : memref<2500x1x128xi32, #tpu.memory_space<hbm>> -> memref<1x1x128xi32, #tpu.memory_space<hbm>>
        %dma_start3A_422 = tpu.memref_squeeze %dma_start3A_421 : memref<1x1x128xi32, #tpu.memory_space<hbm>> -> memref<1x128xi32, #tpu.memory_space<hbm>>
        tpu.enqueue_dma source(%dma_start3A_422 : memref<1x128xi32, #tpu.memory_space<hbm>>) target(%dma_start3A_418 : memref<1x128xi32, #tpu.memory_space<vmem>>) target_semaphore(%dma_start3A_414 : memref<!tpu.dma_semaphore, #tpu.memory_space<semaphore_mem>>)
        %add3A_423 = arith.addi %add3A_65, %add3A_343 : i32
        %add3A_424 = arith.constant 2 : i32
        %add3A_425 = arith.addi %add3A_423, %add3A_424 : i32
        %dma_start3A_426 = arith.constant 0 : i32
        %dma_start3A_427 = arith.constant 0 : i32
        %dma_start3A_428 = tpu.memref_slice %arg9[%rem3A_401, %dma_start3A_426, %dma_start3A_427] : memref<4x1x128xi32, #tpu.memory_space<vmem>> -> memref<1x1x128xi32, #tpu.memory_space<vmem>>
        %dma_start3A_429 = tpu.memref_squeeze %dma_start3A_428 : memref<1x1x128xi32, #tpu.memory_space<vmem>> -> memref<1x128xi32, #tpu.memory_space<vmem>>
        %dma_start3A_430 = arith.constant 0 : i32
        %dma_start3A_431 = arith.constant 0 : i32
        %dma_start3A_432 = tpu.memref_slice %arg4[%add3A_425, %dma_start3A_430, %dma_start3A_431] : memref<2500x1x128xi32, #tpu.memory_space<hbm>> -> memref<1x1x128xi32, #tpu.memory_space<hbm>>
        %dma_start3A_433 = tpu.memref_squeeze %dma_start3A_432 : memref<1x1x128xi32, #tpu.memory_space<hbm>> -> memref<1x128xi32, #tpu.memory_space<hbm>>
        %dma_start3A_434 = tpu.memref_slice %arg15[%rem3A_401] : memref<4x!tpu.dma_semaphore, #tpu.memory_space<semaphore_mem>> -> memref<1x!tpu.dma_semaphore, #tpu.memory_space<semaphore_mem>>
        %dma_start3A_435 = tpu.memref_squeeze %dma_start3A_434 : memref<1x!tpu.dma_semaphore, #tpu.memory_space<semaphore_mem>> -> memref<!tpu.dma_semaphore, #tpu.memory_space<semaphore_mem>>
        %dma_start3A_436 = arith.constant 0 : i32
        %dma_start3A_437 = arith.constant 0 : i32
        %dma_start3A_438 = tpu.memref_slice %arg9[%rem3A_401, %dma_start3A_436, %dma_start3A_437] : memref<4x1x128xi32, #tpu.memory_space<vmem>> -> memref<1x1x128xi32, #tpu.memory_space<vmem>>
        %dma_start3A_439 = tpu.memref_squeeze %dma_start3A_438 : memref<1x1x128xi32, #tpu.memory_space<vmem>> -> memref<1x128xi32, #tpu.memory_space<vmem>>
        %dma_start3A_440 = arith.constant 0 : i32
        %dma_start3A_441 = arith.constant 0 : i32
        %dma_start3A_442 = tpu.memref_slice %arg4[%add3A_425, %dma_start3A_440, %dma_start3A_441] : memref<2500x1x128xi32, #tpu.memory_space<hbm>> -> memref<1x1x128xi32, #tpu.memory_space<hbm>>
        %dma_start3A_443 = tpu.memref_squeeze %dma_start3A_442 : memref<1x1x128xi32, #tpu.memory_space<hbm>> -> memref<1x128xi32, #tpu.memory_space<hbm>>
        tpu.enqueue_dma source(%dma_start3A_443 : memref<1x128xi32, #tpu.memory_space<hbm>>) target(%dma_start3A_439 : memref<1x128xi32, #tpu.memory_space<vmem>>) target_semaphore(%dma_start3A_435 : memref<!tpu.dma_semaphore, #tpu.memory_space<semaphore_mem>>)
        %add3A_444 = arith.addi %add3A_65, %add3A_343 : i32
        %add3A_445 = arith.constant 2 : i32
        %add3A_446 = arith.addi %add3A_444, %add3A_445 : i32
        %dma_start3A_447 = arith.constant 0 : i32
        %dma_start3A_448 = arith.constant 0 : i32
        %dma_start3A_449 = tpu.memref_slice %arg10[%rem3A_401, %dma_start3A_447, %dma_start3A_448] : memref<4x1x128xf32, #tpu.memory_space<vmem>> -> memref<1x1x128xf32, #tpu.memory_space<vmem>>
        %dma_start3A_450 = tpu.memref_squeeze %dma_start3A_449 : memref<1x1x128xf32, #tpu.memory_space<vmem>> -> memref<1x128xf32, #tpu.memory_space<vmem>>
        %dma_start3A_451 = arith.constant 0 : i32
        %dma_start3A_452 = arith.constant 0 : i32
        %dma_start3A_453 = tpu.memref_slice %arg5[%add3A_446, %dma_start3A_451, %dma_start3A_452] : memref<2500x1x128xf32, #tpu.memory_space<hbm>> -> memref<1x1x128xf32, #tpu.memory_space<hbm>>
        %dma_start3A_454 = tpu.memref_squeeze %dma_start3A_453 : memref<1x1x128xf32, #tpu.memory_space<hbm>> -> memref<1x128xf32, #tpu.memory_space<hbm>>
        %dma_start3A_455 = tpu.memref_slice %arg15[%rem3A_401] : memref<4x!tpu.dma_semaphore, #tpu.memory_space<semaphore_mem>> -> memref<1x!tpu.dma_semaphore, #tpu.memory_space<semaphore_mem>>
        %dma_start3A_456 = tpu.memref_squeeze %dma_start3A_455 : memref<1x!tpu.dma_semaphore, #tpu.memory_space<semaphore_mem>> -> memref<!tpu.dma_semaphore, #tpu.memory_space<semaphore_mem>>
        %dma_start3A_457 = arith.constant 0 : i32
        %dma_start3A_458 = arith.constant 0 : i32
        %dma_start3A_459 = tpu.memref_slice %arg10[%rem3A_401, %dma_start3A_457, %dma_start3A_458] : memref<4x1x128xf32, #tpu.memory_space<vmem>> -> memref<1x1x128xf32, #tpu.memory_space<vmem>>
        %dma_start3A_460 = tpu.memref_squeeze %dma_start3A_459 : memref<1x1x128xf32, #tpu.memory_space<vmem>> -> memref<1x128xf32, #tpu.memory_space<vmem>>
        %dma_start3A_461 = arith.constant 0 : i32
        %dma_start3A_462 = arith.constant 0 : i32
        %dma_start3A_463 = tpu.memref_slice %arg5[%add3A_446, %dma_start3A_461, %dma_start3A_462] : memref<2500x1x128xf32, #tpu.memory_space<hbm>> -> memref<1x1x128xf32, #tpu.memory_space<hbm>>
        %dma_start3A_464 = tpu.memref_squeeze %dma_start3A_463 : memref<1x1x128xf32, #tpu.memory_space<hbm>> -> memref<1x128xf32, #tpu.memory_space<hbm>>
        tpu.enqueue_dma source(%dma_start3A_464 : memref<1x128xf32, #tpu.memory_space<hbm>>) target(%dma_start3A_460 : memref<1x128xf32, #tpu.memory_space<vmem>>) target_semaphore(%dma_start3A_456 : memref<!tpu.dma_semaphore, #tpu.memory_space<semaphore_mem>>)
      } else {
      }
      %add3A_359 = arith.constant 1 : i32
      %add3A_360 = arith.addi %add3A_343, %add3A_359 : i32
      %lt3A_361 = arith.cmpi slt, %add3A_360, %add3A_68 : i32
      %convert_element_type3A_362 = arith.extui %lt3A_361 : i1 to i32
      %cond3A_363 = arith.constant 0 : i32
      %cond3A_364 = arith.cmpi ne, %convert_element_type3A_362, %cond3A_363 : i32
      scf.if %cond3A_364 {
        %add3A_398 = arith.constant 1 : i32
        %add3A_399 = arith.addi %add3A_343, %add3A_398 : i32
        %rem3A_400 = arith.constant 4 : i32
        %rem3A_401 = arith.remsi %add3A_399, %rem3A_400 : i32
        %dma_wait3A_402 = arith.constant 0 : i32
        %dma_wait3A_403 = arith.constant 0 : i32
        %dma_wait3A_404 = arith.constant 0 : i32
        %dma_wait3A_405 = tpu.memref_slice %arg8[%rem3A_401, %dma_wait3A_403, %dma_wait3A_404] : memref<4x1x128xi32, #tpu.memory_space<vmem>> -> memref<1x1x128xi32, #tpu.memory_space<vmem>>
        %dma_wait3A_406 = tpu.memref_squeeze %dma_wait3A_405 : memref<1x1x128xi32, #tpu.memory_space<vmem>> -> memref<1x128xi32, #tpu.memory_space<vmem>>
        %dma_wait3A_407 = arith.constant 0 : i32
        %dma_wait3A_408 = arith.constant 0 : i32
        %dma_wait3A_409 = tpu.memref_slice %arg3[%dma_wait3A_402, %dma_wait3A_407, %dma_wait3A_408] : memref<2500x1x128xi32, #tpu.memory_space<hbm>> -> memref<1x1x128xi32, #tpu.memory_space<hbm>>
        %dma_wait3A_410 = tpu.memref_squeeze %dma_wait3A_409 : memref<1x1x128xi32, #tpu.memory_space<hbm>> -> memref<1x128xi32, #tpu.memory_space<hbm>>
        %dma_wait3A_411 = tpu.memref_slice %arg15[%rem3A_401] : memref<4x!tpu.dma_semaphore, #tpu.memory_space<semaphore_mem>> -> memref<1x!tpu.dma_semaphore, #tpu.memory_space<semaphore_mem>>
        %dma_wait3A_412 = tpu.memref_squeeze %dma_wait3A_411 : memref<1x!tpu.dma_semaphore, #tpu.memory_space<semaphore_mem>> -> memref<!tpu.dma_semaphore, #tpu.memory_space<semaphore_mem>>
        %dma_wait3A_413 = arith.constant 0 : i32
        %dma_wait3A_414 = arith.constant 0 : i32
        %dma_wait3A_415 = tpu.memref_slice %arg8[%rem3A_401, %dma_wait3A_413, %dma_wait3A_414] : memref<4x1x128xi32, #tpu.memory_space<vmem>> -> memref<1x1x128xi32, #tpu.memory_space<vmem>>
        %dma_wait3A_416 = tpu.memref_squeeze %dma_wait3A_415 : memref<1x1x128xi32, #tpu.memory_space<vmem>> -> memref<1x128xi32, #tpu.memory_space<vmem>>
        %dma_wait3A_417 = arith.constant 0 : i32
        %dma_wait3A_418 = arith.constant 0 : i32
        %dma_wait3A_419 = tpu.memref_slice %arg3[%dma_wait3A_402, %dma_wait3A_417, %dma_wait3A_418] : memref<2500x1x128xi32, #tpu.memory_space<hbm>> -> memref<1x1x128xi32, #tpu.memory_space<hbm>>
        %dma_wait3A_420 = tpu.memref_squeeze %dma_wait3A_419 : memref<1x1x128xi32, #tpu.memory_space<hbm>> -> memref<1x128xi32, #tpu.memory_space<hbm>>
        tpu.wait_dma2 semaphore(%dma_wait3A_412 : memref<!tpu.dma_semaphore, #tpu.memory_space<semaphore_mem>>) src(%dma_wait3A_420 : memref<1x128xi32, #tpu.memory_space<hbm>>) dst(%dma_wait3A_416 : memref<1x128xi32, #tpu.memory_space<vmem>>)
        %dma_wait3A_421 = arith.constant 0 : i32
        %dma_wait3A_422 = arith.constant 0 : i32
        %dma_wait3A_423 = arith.constant 0 : i32
        %dma_wait3A_424 = tpu.memref_slice %arg9[%rem3A_401, %dma_wait3A_422, %dma_wait3A_423] : memref<4x1x128xi32, #tpu.memory_space<vmem>> -> memref<1x1x128xi32, #tpu.memory_space<vmem>>
        %dma_wait3A_425 = tpu.memref_squeeze %dma_wait3A_424 : memref<1x1x128xi32, #tpu.memory_space<vmem>> -> memref<1x128xi32, #tpu.memory_space<vmem>>
        %dma_wait3A_426 = arith.constant 0 : i32
        %dma_wait3A_427 = arith.constant 0 : i32
        %dma_wait3A_428 = tpu.memref_slice %arg3[%dma_wait3A_421, %dma_wait3A_426, %dma_wait3A_427] : memref<2500x1x128xi32, #tpu.memory_space<hbm>> -> memref<1x1x128xi32, #tpu.memory_space<hbm>>
        %dma_wait3A_429 = tpu.memref_squeeze %dma_wait3A_428 : memref<1x1x128xi32, #tpu.memory_space<hbm>> -> memref<1x128xi32, #tpu.memory_space<hbm>>
        %dma_wait3A_430 = tpu.memref_slice %arg15[%rem3A_401] : memref<4x!tpu.dma_semaphore, #tpu.memory_space<semaphore_mem>> -> memref<1x!tpu.dma_semaphore, #tpu.memory_space<semaphore_mem>>
        %dma_wait3A_431 = tpu.memref_squeeze %dma_wait3A_430 : memref<1x!tpu.dma_semaphore, #tpu.memory_space<semaphore_mem>> -> memref<!tpu.dma_semaphore, #tpu.memory_space<semaphore_mem>>
        %dma_wait3A_432 = arith.constant 0 : i32
        %dma_wait3A_433 = arith.constant 0 : i32
        %dma_wait3A_434 = tpu.memref_slice %arg9[%rem3A_401, %dma_wait3A_432, %dma_wait3A_433] : memref<4x1x128xi32, #tpu.memory_space<vmem>> -> memref<1x1x128xi32, #tpu.memory_space<vmem>>
        %dma_wait3A_435 = tpu.memref_squeeze %dma_wait3A_434 : memref<1x1x128xi32, #tpu.memory_space<vmem>> -> memref<1x128xi32, #tpu.memory_space<vmem>>
        %dma_wait3A_436 = arith.constant 0 : i32
        %dma_wait3A_437 = arith.constant 0 : i32
        %dma_wait3A_438 = tpu.memref_slice %arg3[%dma_wait3A_421, %dma_wait3A_436, %dma_wait3A_437] : memref<2500x1x128xi32, #tpu.memory_space<hbm>> -> memref<1x1x128xi32, #tpu.memory_space<hbm>>
        %dma_wait3A_439 = tpu.memref_squeeze %dma_wait3A_438 : memref<1x1x128xi32, #tpu.memory_space<hbm>> -> memref<1x128xi32, #tpu.memory_space<hbm>>
        tpu.wait_dma2 semaphore(%dma_wait3A_431 : memref<!tpu.dma_semaphore, #tpu.memory_space<semaphore_mem>>) src(%dma_wait3A_439 : memref<1x128xi32, #tpu.memory_space<hbm>>) dst(%dma_wait3A_435 : memref<1x128xi32, #tpu.memory_space<vmem>>)
        %dma_wait3A_440 = arith.constant 0 : i32
        %dma_wait3A_441 = arith.constant 0 : i32
        %dma_wait3A_442 = arith.constant 0 : i32
        %dma_wait3A_443 = tpu.memref_slice %arg10[%rem3A_401, %dma_wait3A_441, %dma_wait3A_442] : memref<4x1x128xf32, #tpu.memory_space<vmem>> -> memref<1x1x128xf32, #tpu.memory_space<vmem>>
        %dma_wait3A_444 = tpu.memref_squeeze %dma_wait3A_443 : memref<1x1x128xf32, #tpu.memory_space<vmem>> -> memref<1x128xf32, #tpu.memory_space<vmem>>
        %dma_wait3A_445 = arith.constant 0 : i32
        %dma_wait3A_446 = arith.constant 0 : i32
        %dma_wait3A_447 = tpu.memref_slice %arg3[%dma_wait3A_440, %dma_wait3A_445, %dma_wait3A_446] : memref<2500x1x128xi32, #tpu.memory_space<hbm>> -> memref<1x1x128xi32, #tpu.memory_space<hbm>>
        %dma_wait3A_448 = tpu.memref_squeeze %dma_wait3A_447 : memref<1x1x128xi32, #tpu.memory_space<hbm>> -> memref<1x128xi32, #tpu.memory_space<hbm>>
        %dma_wait3A_449 = tpu.memref_slice %arg15[%rem3A_401] : memref<4x!tpu.dma_semaphore, #tpu.memory_space<semaphore_mem>> -> memref<1x!tpu.dma_semaphore, #tpu.memory_space<semaphore_mem>>
        %dma_wait3A_450 = tpu.memref_squeeze %dma_wait3A_449 : memref<1x!tpu.dma_semaphore, #tpu.memory_space<semaphore_mem>> -> memref<!tpu.dma_semaphore, #tpu.memory_space<semaphore_mem>>
        %dma_wait3A_451 = arith.constant 0 : i32
        %dma_wait3A_452 = arith.constant 0 : i32
        %dma_wait3A_453 = tpu.memref_slice %arg10[%rem3A_401, %dma_wait3A_451, %dma_wait3A_452] : memref<4x1x128xf32, #tpu.memory_space<vmem>> -> memref<1x1x128xf32, #tpu.memory_space<vmem>>
        %dma_wait3A_454 = tpu.memref_squeeze %dma_wait3A_453 : memref<1x1x128xf32, #tpu.memory_space<vmem>> -> memref<1x128xf32, #tpu.memory_space<vmem>>
        %dma_wait3A_455 = arith.constant 0 : i32
        %dma_wait3A_456 = arith.constant 0 : i32
        %dma_wait3A_457 = tpu.memref_slice %arg3[%dma_wait3A_440, %dma_wait3A_455, %dma_wait3A_456] : memref<2500x1x128xi32, #tpu.memory_space<hbm>> -> memref<1x1x128xi32, #tpu.memory_space<hbm>>
        %dma_wait3A_458 = tpu.memref_squeeze %dma_wait3A_457 : memref<1x1x128xi32, #tpu.memory_space<hbm>> -> memref<1x128xi32, #tpu.memory_space<hbm>>
        tpu.wait_dma2 semaphore(%dma_wait3A_450 : memref<!tpu.dma_semaphore, #tpu.memory_space<semaphore_mem>>) src(%dma_wait3A_458 : memref<1x128xi32, #tpu.memory_space<hbm>>) dst(%dma_wait3A_454 : memref<1x128xf32, #tpu.memory_space<vmem>>)
        %dma_start3A_459 = arith.constant 0 : i32
        %dma_start3A_460 = arith.constant 0 : i32
        %dma_start3A_461 = arith.constant 0 : i32
        %dma_start3A_462 = tpu.memref_slice %arg11[%rem3A_349, %dma_start3A_460, %dma_start3A_461] : memref<2x128x64xi32, #tpu.memory_space<vmem>> -> memref<1x128x64xi32, #tpu.memory_space<vmem>>
        %dma_start3A_463 = tpu.memref_squeeze %dma_start3A_462 : memref<1x128x64xi32, #tpu.memory_space<vmem>> -> memref<128x64xi32, #tpu.memory_space<vmem>>
        %dma_start3A_464 = arith.constant 0 : i32
        %dma_start3A_465 = tpu.memref_slice %arg8[%rem3A_401, %dma_start3A_459, %dma_start3A_464] : memref<4x1x128xi32, #tpu.memory_space<vmem>> -> memref<1x1x128xi32, #tpu.memory_space<vmem>>
        %dma_start3A_466 = tpu.memref_squeeze %dma_start3A_465 : memref<1x1x128xi32, #tpu.memory_space<vmem>> -> memref<128xi32, #tpu.memory_space<vmem>>
        %dma_start3A_467 = arith.constant 0 : i32
        %dma_start3A_468 = arith.constant 0 : i32
        %dma_start3A_469 = tpu.memref_slice %arg2[%dma_start3A_467, %dma_start3A_468] : memref<20000x64xi32, #tpu.memory_space<hbm>> -> memref<20000x64xi32, #tpu.memory_space<hbm>>
        %dma_start3A_470 = tpu.memref_slice %arg13[%rem3A_349] : memref<2x!tpu.dma_semaphore, #tpu.memory_space<semaphore_mem>> -> memref<1x!tpu.dma_semaphore, #tpu.memory_space<semaphore_mem>>
        %dma_start3A_471 = tpu.memref_squeeze %dma_start3A_470 : memref<1x!tpu.dma_semaphore, #tpu.memory_space<semaphore_mem>> -> memref<!tpu.dma_semaphore, #tpu.memory_space<semaphore_mem>>
        tpu.enqueue_indirect_dma source(%dma_start3A_469 : memref<20000x64xi32, #tpu.memory_space<hbm>>) target(%dma_start3A_463 : memref<128x64xi32, #tpu.memory_space<vmem>>) offsets(%dma_start3A_466 : memref<128xi32, #tpu.memory_space<vmem>>) semaphore(%dma_start3A_471 : memref<!tpu.dma_semaphore, #tpu.memory_space<semaphore_mem>>)
      } else {
      }
      %dma_wait3A_365 = arith.constant 0 : i32
      %dma_wait3A_366 = arith.constant 0 : i32
      %dma_wait3A_367 = tpu.memref_slice %arg11[%rem3A_345, %dma_wait3A_365, %dma_wait3A_366] : memref<2x128x64xi32, #tpu.memory_space<vmem>> -> memref<1x128x64xi32, #tpu.memory_space<vmem>>
      %dma_wait3A_368 = tpu.memref_squeeze %dma_wait3A_367 : memref<1x128x64xi32, #tpu.memory_space<vmem>> -> memref<128x64xi32, #tpu.memory_space<vmem>>
      %dma_wait3A_369 = arith.constant 0 : i32
      %dma_wait3A_370 = arith.constant 0 : i32
      %dma_wait3A_371 = tpu.memref_slice %arg2[%dma_wait3A_369, %dma_wait3A_370] : memref<20000x64xi32, #tpu.memory_space<hbm>> -> memref<128x64xi32, #tpu.memory_space<hbm>>
      %dma_wait3A_372 = tpu.memref_slice %arg13[%rem3A_345] : memref<2x!tpu.dma_semaphore, #tpu.memory_space<semaphore_mem>> -> memref<1x!tpu.dma_semaphore, #tpu.memory_space<semaphore_mem>>
      %dma_wait3A_373 = tpu.memref_squeeze %dma_wait3A_372 : memref<1x!tpu.dma_semaphore, #tpu.memory_space<semaphore_mem>> -> memref<!tpu.dma_semaphore, #tpu.memory_space<semaphore_mem>>
      %dma_wait3A_374 = arith.constant 0 : i32
      %dma_wait3A_375 = arith.constant 0 : i32
      %dma_wait3A_376 = tpu.memref_slice %arg11[%rem3A_345, %dma_wait3A_374, %dma_wait3A_375] : memref<2x128x64xi32, #tpu.memory_space<vmem>> -> memref<1x128x64xi32, #tpu.memory_space<vmem>>
      %dma_wait3A_377 = tpu.memref_squeeze %dma_wait3A_376 : memref<1x128x64xi32, #tpu.memory_space<vmem>> -> memref<128x64xi32, #tpu.memory_space<vmem>>
      %dma_wait3A_378 = arith.constant 0 : i32
      %dma_wait3A_379 = arith.constant 0 : i32
      %dma_wait3A_380 = tpu.memref_slice %arg2[%dma_wait3A_378, %dma_wait3A_379] : memref<20000x64xi32, #tpu.memory_space<hbm>> -> memref<128x64xi32, #tpu.memory_space<hbm>>
      tpu.wait_dma2 semaphore(%dma_wait3A_373 : memref<!tpu.dma_semaphore, #tpu.memory_space<semaphore_mem>>) src(%dma_wait3A_380 : memref<128x64xi32, #tpu.memory_space<hbm>>) dst(%dma_wait3A_377 : memref<128x64xi32, #tpu.memory_space<vmem>>)
      %rem3A_381 = arith.constant 4 : i32
      %rem3A_382 = arith.remsi %add3A_343, %rem3A_381 : i32
      %parallel_loop3A = arith.constant 0 : i32
      %parallel_loop3A_383 = arith.constant 128 : i32
      %parallel_loop3A_384 = arith.constant 1 : i32
      scf.for %parallel_loop3A_398 = %parallel_loop3A to %parallel_loop3A_383 step %parallel_loop3A_384  : i32 {
        %parallel_loop3A_399 = vector.broadcast %rem3A_382 : i32 to vector<16xi32>
        %parallel_loop3A_400 = arith.constant 0 : i32
        %parallel_loop3A_401 = vector.broadcast %parallel_loop3A_400 : i32 to vector<16xi32>
        %parallel_loop3A_402 = vector.broadcast %parallel_loop3A_398 : i32 to vector<16xi32>
        %parallel_loop3A_403 = tpu.vector_load_idx %arg10[%parallel_loop3A_399, %parallel_loop3A_401, %parallel_loop3A_402] : memref<4x1x128xf32, #tpu.memory_space<vmem>>[vector<16xi32>, vector<16xi32>, vector<16xi32>], vector<16xf32>,
        %parallel_loop3A_404 = arith.index_cast %rem3A_345 : i32 to index
        %parallel_loop3A_405 = arith.index_cast %parallel_loop3A_398 : i32 to index
        %parallel_loop3A_406 = arith.constant 0 : index
        %parallel_loop3A_407 = tpu.vector_load %arg11[%parallel_loop3A_404, %parallel_loop3A_405, %parallel_loop3A_406] {strides = array<i32>} : memref<2x128x64xi32, #tpu.memory_space<vmem>>, vector<16xi32>,
        %parallel_loop3A_408 = arith.constant 16 : i32
        %parallel_loop3A_409 = vector.broadcast %parallel_loop3A_408 : i32 to vector<16xi32>
        %parallel_loop3A_410 = arith.shli %parallel_loop3A_407, %parallel_loop3A_409 : vector<16xi32>
        %parallel_loop3A_411 = vector.bitcast %parallel_loop3A_410 : vector<16xi32> to vector<16xf32>
        %parallel_loop3A_412 = arith.constant -65536 : i32
        %parallel_loop3A_413 = vector.broadcast %parallel_loop3A_412 : i32 to vector<16xi32>
        %parallel_loop3A_414 = arith.andi %parallel_loop3A_407, %parallel_loop3A_413 : vector<16xi32>
        %parallel_loop3A_415 = vector.bitcast %parallel_loop3A_414 : vector<16xi32> to vector<16xf32>
        %parallel_loop3A_416 = arith.mulf %parallel_loop3A_411, %parallel_loop3A_403 : vector<16xf32>
        %parallel_loop3A_417 = arith.index_cast %rem3A_345 : i32 to index
        %parallel_loop3A_418 = arith.index_cast %parallel_loop3A_398 : i32 to index
        %parallel_loop3A_419 = arith.constant 0 : index
        %parallel_loop3A_420 = tpu.vector_load %arg12[%parallel_loop3A_417, %parallel_loop3A_418, %parallel_loop3A_419] {strides = array<i32>} : memref<2x128x128xf32, #tpu.memory_space<vmem>>, vector<16xf32>,
        tpu.vector_store %arg12[%parallel_loop3A_417, %parallel_loop3A_418, %parallel_loop3A_419], %parallel_loop3A_416 {strides = array<i32>} : memref<2x128x128xf32, #tpu.memory_space<vmem>>, vector<16xf32>,
        %parallel_loop3A_421 = arith.mulf %parallel_loop3A_415, %parallel_loop3A_403 : vector<16xf32>
        %parallel_loop3A_422 = arith.index_cast %rem3A_345 : i32 to index
        %parallel_loop3A_423 = arith.index_cast %parallel_loop3A_398 : i32 to index
        %parallel_loop3A_424 = arith.constant 64 : index
        %parallel_loop3A_425 = tpu.vector_load %arg12[%parallel_loop3A_422, %parallel_loop3A_423, %parallel_loop3A_424] {strides = array<i32>} : memref<2x128x128xf32, #tpu.memory_space<vmem>>, vector<16xf32>,
        tpu.vector_store %arg12[%parallel_loop3A_422, %parallel_loop3A_423, %parallel_loop3A_424], %parallel_loop3A_421 {strides = array<i32>} : memref<2x128x128xf32, #tpu.memory_space<vmem>>, vector<16xf32>,
        %parallel_loop3A_426 = arith.index_cast %rem3A_345 : i32 to index
        %parallel_loop3A_427 = arith.index_cast %parallel_loop3A_398 : i32 to index
        %parallel_loop3A_428 = arith.constant 16 : index
        %parallel_loop3A_429 = tpu.vector_load %arg11[%parallel_loop3A_426, %parallel_loop3A_427, %parallel_loop3A_428] {strides = array<i32>} : memref<2x128x64xi32, #tpu.memory_space<vmem>>, vector<16xi32>,
        %parallel_loop3A_430 = arith.constant 16 : i32
        %parallel_loop3A_431 = vector.broadcast %parallel_loop3A_430 : i32 to vector<16xi32>
        %parallel_loop3A_432 = arith.shli %parallel_loop3A_429, %parallel_loop3A_431 : vector<16xi32>
        %parallel_loop3A_433 = vector.bitcast %parallel_loop3A_432 : vector<16xi32> to vector<16xf32>
        %parallel_loop3A_434 = arith.constant -65536 : i32
        %parallel_loop3A_435 = vector.broadcast %parallel_loop3A_434 : i32 to vector<16xi32>
        %parallel_loop3A_436 = arith.andi %parallel_loop3A_429, %parallel_loop3A_435 : vector<16xi32>
        %parallel_loop3A_437 = vector.bitcast %parallel_loop3A_436 : vector<16xi32> to vector<16xf32>
        %parallel_loop3A_438 = arith.mulf %parallel_loop3A_433, %parallel_loop3A_403 : vector<16xf32>
        %parallel_loop3A_439 = arith.index_cast %rem3A_345 : i32 to index
        %parallel_loop3A_440 = arith.index_cast %parallel_loop3A_398 : i32 to index
        %parallel_loop3A_441 = arith.constant 16 : index
        %parallel_loop3A_442 = tpu.vector_load %arg12[%parallel_loop3A_439, %parallel_loop3A_440, %parallel_loop3A_441] {strides = array<i32>} : memref<2x128x128xf32, #tpu.memory_space<vmem>>, vector<16xf32>,
        tpu.vector_store %arg12[%parallel_loop3A_439, %parallel_loop3A_440, %parallel_loop3A_441], %parallel_loop3A_438 {strides = array<i32>} : memref<2x128x128xf32, #tpu.memory_space<vmem>>, vector<16xf32>,
        %parallel_loop3A_443 = arith.mulf %parallel_loop3A_437, %parallel_loop3A_403 : vector<16xf32>
        %parallel_loop3A_444 = arith.index_cast %rem3A_345 : i32 to index
        %parallel_loop3A_445 = arith.index_cast %parallel_loop3A_398 : i32 to index
        %parallel_loop3A_446 = arith.constant 80 : index
        %parallel_loop3A_447 = tpu.vector_load %arg12[%parallel_loop3A_444, %parallel_loop3A_445, %parallel_loop3A_446] {strides = array<i32>} : memref<2x128x128xf32, #tpu.memory_space<vmem>>, vector<16xf32>,
        tpu.vector_store %arg12[%parallel_loop3A_444, %parallel_loop3A_445, %parallel_loop3A_446], %parallel_loop3A_443 {strides = array<i32>} : memref<2x128x128xf32, #tpu.memory_space<vmem>>, vector<16xf32>,
        %parallel_loop3A_448 = arith.index_cast %rem3A_345 : i32 to index
        %parallel_loop3A_449 = arith.index_cast %parallel_loop3A_398 : i32 to index
        %parallel_loop3A_450 = arith.constant 32 : index
        %parallel_loop3A_451 = tpu.vector_load %arg11[%parallel_loop3A_448, %parallel_loop3A_449, %parallel_loop3A_450] {strides = array<i32>} : memref<2x128x64xi32, #tpu.memory_space<vmem>>, vector<16xi32>,
        %parallel_loop3A_452 = arith.constant 16 : i32
        %parallel_loop3A_453 = vector.broadcast %parallel_loop3A_452 : i32 to vector<16xi32>
        %parallel_loop3A_454 = arith.shli %parallel_loop3A_451, %parallel_loop3A_453 : vector<16xi32>
        %parallel_loop3A_455 = vector.bitcast %parallel_loop3A_454 : vector<16xi32> to vector<16xf32>
        %parallel_loop3A_456 = arith.constant -65536 : i32
        %parallel_loop3A_457 = vector.broadcast %parallel_loop3A_456 : i32 to vector<16xi32>
        %parallel_loop3A_458 = arith.andi %parallel_loop3A_451, %parallel_loop3A_457 : vector<16xi32>
        %parallel_loop3A_459 = vector.bitcast %parallel_loop3A_458 : vector<16xi32> to vector<16xf32>
        %parallel_loop3A_460 = arith.mulf %parallel_loop3A_455, %parallel_loop3A_403 : vector<16xf32>
        %parallel_loop3A_461 = arith.index_cast %rem3A_345 : i32 to index
        %parallel_loop3A_462 = arith.index_cast %parallel_loop3A_398 : i32 to index
        %parallel_loop3A_463 = arith.constant 32 : index
        %parallel_loop3A_464 = tpu.vector_load %arg12[%parallel_loop3A_461, %parallel_loop3A_462, %parallel_loop3A_463] {strides = array<i32>} : memref<2x128x128xf32, #tpu.memory_space<vmem>>, vector<16xf32>,
        tpu.vector_store %arg12[%parallel_loop3A_461, %parallel_loop3A_462, %parallel_loop3A_463], %parallel_loop3A_460 {strides = array<i32>} : memref<2x128x128xf32, #tpu.memory_space<vmem>>, vector<16xf32>,
        %parallel_loop3A_465 = arith.mulf %parallel_loop3A_459, %parallel_loop3A_403 : vector<16xf32>
        %parallel_loop3A_466 = arith.index_cast %rem3A_345 : i32 to index
        %parallel_loop3A_467 = arith.index_cast %parallel_loop3A_398 : i32 to index
        %parallel_loop3A_468 = arith.constant 96 : index
        %parallel_loop3A_469 = tpu.vector_load %arg12[%parallel_loop3A_466, %parallel_loop3A_467, %parallel_loop3A_468] {strides = array<i32>} : memref<2x128x128xf32, #tpu.memory_space<vmem>>, vector<16xf32>,
        tpu.vector_store %arg12[%parallel_loop3A_466, %parallel_loop3A_467, %parallel_loop3A_468], %parallel_loop3A_465 {strides = array<i32>} : memref<2x128x128xf32, #tpu.memory_space<vmem>>, vector<16xf32>,
        %parallel_loop3A_470 = arith.index_cast %rem3A_345 : i32 to index
        %parallel_loop3A_471 = arith.index_cast %parallel_loop3A_398 : i32 to index
        %parallel_loop3A_472 = arith.constant 48 : index
        %parallel_loop3A_473 = tpu.vector_load %arg11[%parallel_loop3A_470, %parallel_loop3A_471, %parallel_loop3A_472] {strides = array<i32>} : memref<2x128x64xi32, #tpu.memory_space<vmem>>, vector<16xi32>,
        %parallel_loop3A_474 = arith.constant 16 : i32
        %parallel_loop3A_475 = vector.broadcast %parallel_loop3A_474 : i32 to vector<16xi32>
        %parallel_loop3A_476 = arith.shli %parallel_loop3A_473, %parallel_loop3A_475 : vector<16xi32>
        %parallel_loop3A_477 = vector.bitcast %parallel_loop3A_476 : vector<16xi32> to vector<16xf32>
        %parallel_loop3A_478 = arith.constant -65536 : i32
        %parallel_loop3A_479 = vector.broadcast %parallel_loop3A_478 : i32 to vector<16xi32>
        %parallel_loop3A_480 = arith.andi %parallel_loop3A_473, %parallel_loop3A_479 : vector<16xi32>
        %parallel_loop3A_481 = vector.bitcast %parallel_loop3A_480 : vector<16xi32> to vector<16xf32>
        %parallel_loop3A_482 = arith.mulf %parallel_loop3A_477, %parallel_loop3A_403 : vector<16xf32>
        %parallel_loop3A_483 = arith.index_cast %rem3A_345 : i32 to index
        %parallel_loop3A_484 = arith.index_cast %parallel_loop3A_398 : i32 to index
        %parallel_loop3A_485 = arith.constant 48 : index
        %parallel_loop3A_486 = tpu.vector_load %arg12[%parallel_loop3A_483, %parallel_loop3A_484, %parallel_loop3A_485] {strides = array<i32>} : memref<2x128x128xf32, #tpu.memory_space<vmem>>, vector<16xf32>,
        tpu.vector_store %arg12[%parallel_loop3A_483, %parallel_loop3A_484, %parallel_loop3A_485], %parallel_loop3A_482 {strides = array<i32>} : memref<2x128x128xf32, #tpu.memory_space<vmem>>, vector<16xf32>,
        %parallel_loop3A_487 = arith.mulf %parallel_loop3A_481, %parallel_loop3A_403 : vector<16xf32>
        %parallel_loop3A_488 = arith.index_cast %rem3A_345 : i32 to index
        %parallel_loop3A_489 = arith.index_cast %parallel_loop3A_398 : i32 to index
        %parallel_loop3A_490 = arith.constant 112 : index
        %parallel_loop3A_491 = tpu.vector_load %arg12[%parallel_loop3A_488, %parallel_loop3A_489, %parallel_loop3A_490] {strides = array<i32>} : memref<2x128x128xf32, #tpu.memory_space<vmem>>, vector<16xf32>,
        tpu.vector_store %arg12[%parallel_loop3A_488, %parallel_loop3A_489, %parallel_loop3A_490], %parallel_loop3A_487 {strides = array<i32>} : memref<2x128x128xf32, #tpu.memory_space<vmem>>, vector<16xf32>,
      } {sc.loop_unroll_factor = 4 : i64, sc.parallel_access}
      %dma_start3A_385 = arith.constant 0 : i32
      %dma_start3A_386 = arith.constant 0 : i32
      %dma_start3A_387 = arith.constant 0 : i32
      %dma_start3A_388 = tpu.memref_slice %arg12[%rem3A_345, %dma_start3A_386, %dma_start3A_387] : memref<2x128x128xf32, #tpu.memory_space<vmem>> -> memref<1x128x128xf32, #tpu.memory_space<vmem>>
      %dma_start3A_389 = tpu.memref_squeeze %dma_start3A_388 : memref<1x128x128xf32, #tpu.memory_space<vmem>> -> memref<128x128xf32, #tpu.memory_space<vmem>>
      %dma_start3A_390 = arith.constant 0 : i32
      %dma_start3A_391 = tpu.memref_slice %arg9[%rem3A_382, %dma_start3A_385, %dma_start3A_390] : memref<4x1x128xi32, #tpu.memory_space<vmem>> -> memref<1x1x128xi32, #tpu.memory_space<vmem>>
      %dma_start3A_392 = tpu.memref_squeeze %dma_start3A_391 : memref<1x1x128xi32, #tpu.memory_space<vmem>> -> memref<128xi32, #tpu.memory_space<vmem>>
      %dma_start3A_393 = arith.constant 0 : i32
      %dma_start3A_394 = arith.constant 0 : i32
      %dma_start3A_395 = tpu.memref_slice %arg7[%dma_start3A_393, %dma_start3A_394] : memref<10000x128xf32, #tpu.memory_space<vmem_shared>> -> memref<10000x128xf32, #tpu.memory_space<vmem_shared>>
      %dma_start3A_396 = tpu.memref_slice %arg14[%rem3A_345] : memref<2x!tpu.dma_semaphore, #tpu.memory_space<semaphore_mem>> -> memref<1x!tpu.dma_semaphore, #tpu.memory_space<semaphore_mem>>
      %dma_start3A_397 = tpu.memref_squeeze %dma_start3A_396 : memref<1x!tpu.dma_semaphore, #tpu.memory_space<semaphore_mem>> -> memref<!tpu.dma_semaphore, #tpu.memory_space<semaphore_mem>>
      tpu.enqueue_indirect_dma source(%dma_start3A_389 : memref<128x128xf32, #tpu.memory_space<vmem>>) target(%dma_start3A_395 : memref<10000x128xf32, #tpu.memory_space<vmem_shared>>) offsets(%dma_start3A_392 : memref<128xi32, #tpu.memory_space<vmem>>) semaphore(%dma_start3A_397 : memref<!tpu.dma_semaphore, #tpu.memory_space<semaphore_mem>>) {add = true}
    }
    %while3A_296 = arith.constant 1 : i32
    scf.for %while3A_341 = %while3A_294 to %while3A_290 step %while3A_296  : i32 {
      %mul3A_342 = arith.muli %while3A_341, %while3A_286 : i32
      %add3A_343 = arith.addi %while3A_287, %mul3A_342 : i32
      %rem3A_344 = arith.constant 2 : i32
      %rem3A_345 = arith.remsi %add3A_343, %rem3A_344 : i32
      %add3A_346 = arith.constant 1 : i32
      %add3A_347 = arith.addi %add3A_343, %add3A_346 : i32
      %rem3A_348 = arith.constant 2 : i32
      %rem3A_349 = arith.remsi %add3A_347, %rem3A_348 : i32
      %ge3A = arith.constant 2 : i32
      %ge3A_350 = arith.cmpi sge, %add3A_343, %ge3A : i32
      %convert_element_type3A_351 = arith.extui %ge3A_350 : i1 to i32
      %cond3A = arith.constant 0 : i32
      %cond3A_352 = arith.cmpi ne, %convert_element_type3A_351, %cond3A : i32
      scf.if %cond3A_352 {
        %dma_wait3A_398 = arith.constant 0 : i32
        %dma_wait3A_399 = arith.constant 0 : i32
        %dma_wait3A_400 = arith.constant 0 : i32
        %dma_wait3A_401 = tpu.memref_slice %arg12[%rem3A_345, %dma_wait3A_399, %dma_wait3A_400] : memref<2x128x128xf32, #tpu.memory_space<vmem>> -> memref<1x128x128xf32, #tpu.memory_space<vmem>>
        %dma_wait3A_402 = tpu.memref_squeeze %dma_wait3A_401 : memref<1x128x128xf32, #tpu.memory_space<vmem>> -> memref<128x128xf32, #tpu.memory_space<vmem>>
        %dma_wait3A_403 = arith.constant 0 : i32
        %dma_wait3A_404 = arith.constant 0 : i32
        %dma_wait3A_405 = tpu.memref_slice %arg6[%dma_wait3A_398, %dma_wait3A_403, %dma_wait3A_404] : memref<2x10000x128xf32, #tpu.memory_space<hbm>> -> memref<1x128x128xf32, #tpu.memory_space<hbm>>
        %dma_wait3A_406 = tpu.memref_squeeze %dma_wait3A_405 : memref<1x128x128xf32, #tpu.memory_space<hbm>> -> memref<128x128xf32, #tpu.memory_space<hbm>>
        %dma_wait3A_407 = tpu.memref_slice %arg14[%rem3A_345] : memref<2x!tpu.dma_semaphore, #tpu.memory_space<semaphore_mem>> -> memref<1x!tpu.dma_semaphore, #tpu.memory_space<semaphore_mem>>
        %dma_wait3A_408 = tpu.memref_squeeze %dma_wait3A_407 : memref<1x!tpu.dma_semaphore, #tpu.memory_space<semaphore_mem>> -> memref<!tpu.dma_semaphore, #tpu.memory_space<semaphore_mem>>
        %dma_wait3A_409 = arith.constant 0 : i32
        %dma_wait3A_410 = arith.constant 0 : i32
        %dma_wait3A_411 = tpu.memref_slice %arg12[%rem3A_345, %dma_wait3A_409, %dma_wait3A_410] : memref<2x128x128xf32, #tpu.memory_space<vmem>> -> memref<1x128x128xf32, #tpu.memory_space<vmem>>
        %dma_wait3A_412 = tpu.memref_squeeze %dma_wait3A_411 : memref<1x128x128xf32, #tpu.memory_space<vmem>> -> memref<128x128xf32, #tpu.memory_space<vmem>>
        %dma_wait3A_413 = arith.constant 0 : i32
        %dma_wait3A_414 = arith.constant 0 : i32
        %dma_wait3A_415 = tpu.memref_slice %arg6[%dma_wait3A_398, %dma_wait3A_413, %dma_wait3A_414] : memref<2x10000x128xf32, #tpu.memory_space<hbm>> -> memref<1x128x128xf32, #tpu.memory_space<hbm>>
        %dma_wait3A_416 = tpu.memref_squeeze %dma_wait3A_415 : memref<1x128x128xf32, #tpu.memory_space<hbm>> -> memref<128x128xf32, #tpu.memory_space<hbm>>
        tpu.wait_dma2 semaphore(%dma_wait3A_408 : memref<!tpu.dma_semaphore, #tpu.memory_space<semaphore_mem>>) src(%dma_wait3A_416 : memref<128x128xf32, #tpu.memory_space<hbm>>) dst(%dma_wait3A_412 : memref<128x128xf32, #tpu.memory_space<vmem>>)
      } else {
      }
      %add3A_353 = arith.constant 2 : i32
      %add3A_354 = arith.addi %add3A_343, %add3A_353 : i32
      %lt3A_355 = arith.cmpi slt, %add3A_354, %add3A_68 : i32
      %convert_element_type3A_356 = arith.extui %lt3A_355 : i1 to i32
      %cond3A_357 = arith.constant 0 : i32
      %cond3A_358 = arith.cmpi ne, %convert_element_type3A_356, %cond3A_357 : i32
      scf.if %cond3A_358 {
        %add3A_398 = arith.constant 2 : i32
        %add3A_399 = arith.addi %add3A_343, %add3A_398 : i32
        %rem3A_400 = arith.constant 4 : i32
        %rem3A_401 = arith.remsi %add3A_399, %rem3A_400 : i32
        %add3A_402 = arith.addi %add3A_65, %add3A_343 : i32
        %add3A_403 = arith.constant 2 : i32
        %add3A_404 = arith.addi %add3A_402, %add3A_403 : i32
        %dma_start3A_405 = arith.constant 0 : i32
        %dma_start3A_406 = arith.constant 0 : i32
        %dma_start3A_407 = tpu.memref_slice %arg8[%rem3A_401, %dma_start3A_405, %dma_start3A_406] : memref<4x1x128xi32, #tpu.memory_space<vmem>> -> memref<1x1x128xi32, #tpu.memory_space<vmem>>
        %dma_start3A_408 = tpu.memref_squeeze %dma_start3A_407 : memref<1x1x128xi32, #tpu.memory_space<vmem>> -> memref<1x128xi32, #tpu.memory_space<vmem>>
        %dma_start3A_409 = arith.constant 0 : i32
        %dma_start3A_410 = arith.constant 0 : i32
        %dma_start3A_411 = tpu.memref_slice %arg3[%add3A_404, %dma_start3A_409, %dma_start3A_410] : memref<2500x1x128xi32, #tpu.memory_space<hbm>> -> memref<1x1x128xi32, #tpu.memory_space<hbm>>
        %dma_start3A_412 = tpu.memref_squeeze %dma_start3A_411 : memref<1x1x128xi32, #tpu.memory_space<hbm>> -> memref<1x128xi32, #tpu.memory_space<hbm>>
        %dma_start3A_413 = tpu.memref_slice %arg15[%rem3A_401] : memref<4x!tpu.dma_semaphore, #tpu.memory_space<semaphore_mem>> -> memref<1x!tpu.dma_semaphore, #tpu.memory_space<semaphore_mem>>
        %dma_start3A_414 = tpu.memref_squeeze %dma_start3A_413 : memref<1x!tpu.dma_semaphore, #tpu.memory_space<semaphore_mem>> -> memref<!tpu.dma_semaphore, #tpu.memory_space<semaphore_mem>>
        %dma_start3A_415 = arith.constant 0 : i32
        %dma_start3A_416 = arith.constant 0 : i32
        %dma_start3A_417 = tpu.memref_slice %arg8[%rem3A_401, %dma_start3A_415, %dma_start3A_416] : memref<4x1x128xi32, #tpu.memory_space<vmem>> -> memref<1x1x128xi32, #tpu.memory_space<vmem>>
        %dma_start3A_418 = tpu.memref_squeeze %dma_start3A_417 : memref<1x1x128xi32, #tpu.memory_space<vmem>> -> memref<1x128xi32, #tpu.memory_space<vmem>>
        %dma_start3A_419 = arith.constant 0 : i32
        %dma_start3A_420 = arith.constant 0 : i32
        %dma_start3A_421 = tpu.memref_slice %arg3[%add3A_404, %dma_start3A_419, %dma_start3A_420] : memref<2500x1x128xi32, #tpu.memory_space<hbm>> -> memref<1x1x128xi32, #tpu.memory_space<hbm>>
        %dma_start3A_422 = tpu.memref_squeeze %dma_start3A_421 : memref<1x1x128xi32, #tpu.memory_space<hbm>> -> memref<1x128xi32, #tpu.memory_space<hbm>>
        tpu.enqueue_dma source(%dma_start3A_422 : memref<1x128xi32, #tpu.memory_space<hbm>>) target(%dma_start3A_418 : memref<1x128xi32, #tpu.memory_space<vmem>>) target_semaphore(%dma_start3A_414 : memref<!tpu.dma_semaphore, #tpu.memory_space<semaphore_mem>>)
        %add3A_423 = arith.addi %add3A_65, %add3A_343 : i32
        %add3A_424 = arith.constant 2 : i32
        %add3A_425 = arith.addi %add3A_423, %add3A_424 : i32
        %dma_start3A_426 = arith.constant 0 : i32
        %dma_start3A_427 = arith.constant 0 : i32
        %dma_start3A_428 = tpu.memref_slice %arg9[%rem3A_401, %dma_start3A_426, %dma_start3A_427] : memref<4x1x128xi32, #tpu.memory_space<vmem>> -> memref<1x1x128xi32, #tpu.memory_space<vmem>>
        %dma_start3A_429 = tpu.memref_squeeze %dma_start3A_428 : memref<1x1x128xi32, #tpu.memory_space<vmem>> -> memref<1x128xi32, #tpu.memory_space<vmem>>
        %dma_start3A_430 = arith.constant 0 : i32
        %dma_start3A_431 = arith.constant 0 : i32
        %dma_start3A_432 = tpu.memref_slice %arg4[%add3A_425, %dma_start3A_430, %dma_start3A_431] : memref<2500x1x128xi32, #tpu.memory_space<hbm>> -> memref<1x1x128xi32, #tpu.memory_space<hbm>>
        %dma_start3A_433 = tpu.memref_squeeze %dma_start3A_432 : memref<1x1x128xi32, #tpu.memory_space<hbm>> -> memref<1x128xi32, #tpu.memory_space<hbm>>
        %dma_start3A_434 = tpu.memref_slice %arg15[%rem3A_401] : memref<4x!tpu.dma_semaphore, #tpu.memory_space<semaphore_mem>> -> memref<1x!tpu.dma_semaphore, #tpu.memory_space<semaphore_mem>>
        %dma_start3A_435 = tpu.memref_squeeze %dma_start3A_434 : memref<1x!tpu.dma_semaphore, #tpu.memory_space<semaphore_mem>> -> memref<!tpu.dma_semaphore, #tpu.memory_space<semaphore_mem>>
        %dma_start3A_436 = arith.constant 0 : i32
        %dma_start3A_437 = arith.constant 0 : i32
        %dma_start3A_438 = tpu.memref_slice %arg9[%rem3A_401, %dma_start3A_436, %dma_start3A_437] : memref<4x1x128xi32, #tpu.memory_space<vmem>> -> memref<1x1x128xi32, #tpu.memory_space<vmem>>
        %dma_start3A_439 = tpu.memref_squeeze %dma_start3A_438 : memref<1x1x128xi32, #tpu.memory_space<vmem>> -> memref<1x128xi32, #tpu.memory_space<vmem>>
        %dma_start3A_440 = arith.constant 0 : i32
        %dma_start3A_441 = arith.constant 0 : i32
        %dma_start3A_442 = tpu.memref_slice %arg4[%add3A_425, %dma_start3A_440, %dma_start3A_441] : memref<2500x1x128xi32, #tpu.memory_space<hbm>> -> memref<1x1x128xi32, #tpu.memory_space<hbm>>
        %dma_start3A_443 = tpu.memref_squeeze %dma_start3A_442 : memref<1x1x128xi32, #tpu.memory_space<hbm>> -> memref<1x128xi32, #tpu.memory_space<hbm>>
        tpu.enqueue_dma source(%dma_start3A_443 : memref<1x128xi32, #tpu.memory_space<hbm>>) target(%dma_start3A_439 : memref<1x128xi32, #tpu.memory_space<vmem>>) target_semaphore(%dma_start3A_435 : memref<!tpu.dma_semaphore, #tpu.memory_space<semaphore_mem>>)
        %add3A_444 = arith.addi %add3A_65, %add3A_343 : i32
        %add3A_445 = arith.constant 2 : i32
        %add3A_446 = arith.addi %add3A_444, %add3A_445 : i32
        %dma_start3A_447 = arith.constant 0 : i32
        %dma_start3A_448 = arith.constant 0 : i32
        %dma_start3A_449 = tpu.memref_slice %arg10[%rem3A_401, %dma_start3A_447, %dma_start3A_448] : memref<4x1x128xf32, #tpu.memory_space<vmem>> -> memref<1x1x128xf32, #tpu.memory_space<vmem>>
        %dma_start3A_450 = tpu.memref_squeeze %dma_start3A_449 : memref<1x1x128xf32, #tpu.memory_space<vmem>> -> memref<1x128xf32, #tpu.memory_space<vmem>>
        %dma_start3A_451 = arith.constant 0 : i32
        %dma_start3A_452 = arith.constant 0 : i32
        %dma_start3A_453 = tpu.memref_slice %arg5[%add3A_446, %dma_start3A_451, %dma_start3A_452] : memref<2500x1x128xf32, #tpu.memory_space<hbm>> -> memref<1x1x128xf32, #tpu.memory_space<hbm>>
        %dma_start3A_454 = tpu.memref_squeeze %dma_start3A_453 : memref<1x1x128xf32, #tpu.memory_space<hbm>> -> memref<1x128xf32, #tpu.memory_space<hbm>>
        %dma_start3A_455 = tpu.memref_slice %arg15[%rem3A_401] : memref<4x!tpu.dma_semaphore, #tpu.memory_space<semaphore_mem>> -> memref<1x!tpu.dma_semaphore, #tpu.memory_space<semaphore_mem>>
        %dma_start3A_456 = tpu.memref_squeeze %dma_start3A_455 : memref<1x!tpu.dma_semaphore, #tpu.memory_space<semaphore_mem>> -> memref<!tpu.dma_semaphore, #tpu.memory_space<semaphore_mem>>
        %dma_start3A_457 = arith.constant 0 : i32
        %dma_start3A_458 = arith.constant 0 : i32
        %dma_start3A_459 = tpu.memref_slice %arg10[%rem3A_401, %dma_start3A_457, %dma_start3A_458] : memref<4x1x128xf32, #tpu.memory_space<vmem>> -> memref<1x1x128xf32, #tpu.memory_space<vmem>>
        %dma_start3A_460 = tpu.memref_squeeze %dma_start3A_459 : memref<1x1x128xf32, #tpu.memory_space<vmem>> -> memref<1x128xf32, #tpu.memory_space<vmem>>
        %dma_start3A_461 = arith.constant 0 : i32
        %dma_start3A_462 = arith.constant 0 : i32
        %dma_start3A_463 = tpu.memref_slice %arg5[%add3A_446, %dma_start3A_461, %dma_start3A_462] : memref<2500x1x128xf32, #tpu.memory_space<hbm>> -> memref<1x1x128xf32, #tpu.memory_space<hbm>>
        %dma_start3A_464 = tpu.memref_squeeze %dma_start3A_463 : memref<1x1x128xf32, #tpu.memory_space<hbm>> -> memref<1x128xf32, #tpu.memory_space<hbm>>
        tpu.enqueue_dma source(%dma_start3A_464 : memref<1x128xf32, #tpu.memory_space<hbm>>) target(%dma_start3A_460 : memref<1x128xf32, #tpu.memory_space<vmem>>) target_semaphore(%dma_start3A_456 : memref<!tpu.dma_semaphore, #tpu.memory_space<semaphore_mem>>)
      } else {
      }
      %add3A_359 = arith.constant 1 : i32
      %add3A_360 = arith.addi %add3A_343, %add3A_359 : i32
      %lt3A_361 = arith.cmpi slt, %add3A_360, %add3A_68 : i32
      %convert_element_type3A_362 = arith.extui %lt3A_361 : i1 to i32
      %cond3A_363 = arith.constant 0 : i32
      %cond3A_364 = arith.cmpi ne, %convert_element_type3A_362, %cond3A_363 : i32
      scf.if %cond3A_364 {
        %add3A_398 = arith.constant 1 : i32
        %add3A_399 = arith.addi %add3A_343, %add3A_398 : i32
        %rem3A_400 = arith.constant 4 : i32
        %rem3A_401 = arith.remsi %add3A_399, %rem3A_400 : i32
        %dma_wait3A_402 = arith.constant 0 : i32
        %dma_wait3A_403 = arith.constant 0 : i32
        %dma_wait3A_404 = arith.constant 0 : i32
        %dma_wait3A_405 = tpu.memref_slice %arg8[%rem3A_401, %dma_wait3A_403, %dma_wait3A_404] : memref<4x1x128xi32, #tpu.memory_space<vmem>> -> memref<1x1x128xi32, #tpu.memory_space<vmem>>
        %dma_wait3A_406 = tpu.memref_squeeze %dma_wait3A_405 : memref<1x1x128xi32, #tpu.memory_space<vmem>> -> memref<1x128xi32, #tpu.memory_space<vmem>>
        %dma_wait3A_407 = arith.constant 0 : i32
        %dma_wait3A_408 = arith.constant 0 : i32
        %dma_wait3A_409 = tpu.memref_slice %arg3[%dma_wait3A_402, %dma_wait3A_407, %dma_wait3A_408] : memref<2500x1x128xi32, #tpu.memory_space<hbm>> -> memref<1x1x128xi32, #tpu.memory_space<hbm>>
        %dma_wait3A_410 = tpu.memref_squeeze %dma_wait3A_409 : memref<1x1x128xi32, #tpu.memory_space<hbm>> -> memref<1x128xi32, #tpu.memory_space<hbm>>
        %dma_wait3A_411 = tpu.memref_slice %arg15[%rem3A_401] : memref<4x!tpu.dma_semaphore, #tpu.memory_space<semaphore_mem>> -> memref<1x!tpu.dma_semaphore, #tpu.memory_space<semaphore_mem>>
        %dma_wait3A_412 = tpu.memref_squeeze %dma_wait3A_411 : memref<1x!tpu.dma_semaphore, #tpu.memory_space<semaphore_mem>> -> memref<!tpu.dma_semaphore, #tpu.memory_space<semaphore_mem>>
        %dma_wait3A_413 = arith.constant 0 : i32
        %dma_wait3A_414 = arith.constant 0 : i32
        %dma_wait3A_415 = tpu.memref_slice %arg8[%rem3A_401, %dma_wait3A_413, %dma_wait3A_414] : memref<4x1x128xi32, #tpu.memory_space<vmem>> -> memref<1x1x128xi32, #tpu.memory_space<vmem>>
        %dma_wait3A_416 = tpu.memref_squeeze %dma_wait3A_415 : memref<1x1x128xi32, #tpu.memory_space<vmem>> -> memref<1x128xi32, #tpu.memory_space<vmem>>
        %dma_wait3A_417 = arith.constant 0 : i32
        %dma_wait3A_418 = arith.constant 0 : i32
        %dma_wait3A_419 = tpu.memref_slice %arg3[%dma_wait3A_402, %dma_wait3A_417, %dma_wait3A_418] : memref<2500x1x128xi32, #tpu.memory_space<hbm>> -> memref<1x1x128xi32, #tpu.memory_space<hbm>>
        %dma_wait3A_420 = tpu.memref_squeeze %dma_wait3A_419 : memref<1x1x128xi32, #tpu.memory_space<hbm>> -> memref<1x128xi32, #tpu.memory_space<hbm>>
        tpu.wait_dma2 semaphore(%dma_wait3A_412 : memref<!tpu.dma_semaphore, #tpu.memory_space<semaphore_mem>>) src(%dma_wait3A_420 : memref<1x128xi32, #tpu.memory_space<hbm>>) dst(%dma_wait3A_416 : memref<1x128xi32, #tpu.memory_space<vmem>>)
        %dma_wait3A_421 = arith.constant 0 : i32
        %dma_wait3A_422 = arith.constant 0 : i32
        %dma_wait3A_423 = arith.constant 0 : i32
        %dma_wait3A_424 = tpu.memref_slice %arg9[%rem3A_401, %dma_wait3A_422, %dma_wait3A_423] : memref<4x1x128xi32, #tpu.memory_space<vmem>> -> memref<1x1x128xi32, #tpu.memory_space<vmem>>
        %dma_wait3A_425 = tpu.memref_squeeze %dma_wait3A_424 : memref<1x1x128xi32, #tpu.memory_space<vmem>> -> memref<1x128xi32, #tpu.memory_space<vmem>>
        %dma_wait3A_426 = arith.constant 0 : i32
        %dma_wait3A_427 = arith.constant 0 : i32
        %dma_wait3A_428 = tpu.memref_slice %arg3[%dma_wait3A_421, %dma_wait3A_426, %dma_wait3A_427] : memref<2500x1x128xi32, #tpu.memory_space<hbm>> -> memref<1x1x128xi32, #tpu.memory_space<hbm>>
        %dma_wait3A_429 = tpu.memref_squeeze %dma_wait3A_428 : memref<1x1x128xi32, #tpu.memory_space<hbm>> -> memref<1x128xi32, #tpu.memory_space<hbm>>
        %dma_wait3A_430 = tpu.memref_slice %arg15[%rem3A_401] : memref<4x!tpu.dma_semaphore, #tpu.memory_space<semaphore_mem>> -> memref<1x!tpu.dma_semaphore, #tpu.memory_space<semaphore_mem>>
        %dma_wait3A_431 = tpu.memref_squeeze %dma_wait3A_430 : memref<1x!tpu.dma_semaphore, #tpu.memory_space<semaphore_mem>> -> memref<!tpu.dma_semaphore, #tpu.memory_space<semaphore_mem>>
        %dma_wait3A_432 = arith.constant 0 : i32
        %dma_wait3A_433 = arith.constant 0 : i32
        %dma_wait3A_434 = tpu.memref_slice %arg9[%rem3A_401, %dma_wait3A_432, %dma_wait3A_433] : memref<4x1x128xi32, #tpu.memory_space<vmem>> -> memref<1x1x128xi32, #tpu.memory_space<vmem>>
        %dma_wait3A_435 = tpu.memref_squeeze %dma_wait3A_434 : memref<1x1x128xi32, #tpu.memory_space<vmem>> -> memref<1x128xi32, #tpu.memory_space<vmem>>
        %dma_wait3A_436 = arith.constant 0 : i32
        %dma_wait3A_437 = arith.constant 0 : i32
        %dma_wait3A_438 = tpu.memref_slice %arg3[%dma_wait3A_421, %dma_wait3A_436, %dma_wait3A_437] : memref<2500x1x128xi32, #tpu.memory_space<hbm>> -> memref<1x1x128xi32, #tpu.memory_space<hbm>>
        %dma_wait3A_439 = tpu.memref_squeeze %dma_wait3A_438 : memref<1x1x128xi32, #tpu.memory_space<hbm>> -> memref<1x128xi32, #tpu.memory_space<hbm>>
        tpu.wait_dma2 semaphore(%dma_wait3A_431 : memref<!tpu.dma_semaphore, #tpu.memory_space<semaphore_mem>>) src(%dma_wait3A_439 : memref<1x128xi32, #tpu.memory_space<hbm>>) dst(%dma_wait3A_435 : memref<1x128xi32, #tpu.memory_space<vmem>>)
        %dma_wait3A_440 = arith.constant 0 : i32
        %dma_wait3A_441 = arith.constant 0 : i32
        %dma_wait3A_442 = arith.constant 0 : i32
        %dma_wait3A_443 = tpu.memref_slice %arg10[%rem3A_401, %dma_wait3A_441, %dma_wait3A_442] : memref<4x1x128xf32, #tpu.memory_space<vmem>> -> memref<1x1x128xf32, #tpu.memory_space<vmem>>
        %dma_wait3A_444 = tpu.memref_squeeze %dma_wait3A_443 : memref<1x1x128xf32, #tpu.memory_space<vmem>> -> memref<1x128xf32, #tpu.memory_space<vmem>>
        %dma_wait3A_445 = arith.constant 0 : i32
        %dma_wait3A_446 = arith.constant 0 : i32
        %dma_wait3A_447 = tpu.memref_slice %arg3[%dma_wait3A_440, %dma_wait3A_445, %dma_wait3A_446] : memref<2500x1x128xi32, #tpu.memory_space<hbm>> -> memref<1x1x128xi32, #tpu.memory_space<hbm>>
        %dma_wait3A_448 = tpu.memref_squeeze %dma_wait3A_447 : memref<1x1x128xi32, #tpu.memory_space<hbm>> -> memref<1x128xi32, #tpu.memory_space<hbm>>
        %dma_wait3A_449 = tpu.memref_slice %arg15[%rem3A_401] : memref<4x!tpu.dma_semaphore, #tpu.memory_space<semaphore_mem>> -> memref<1x!tpu.dma_semaphore, #tpu.memory_space<semaphore_mem>>
        %dma_wait3A_450 = tpu.memref_squeeze %dma_wait3A_449 : memref<1x!tpu.dma_semaphore, #tpu.memory_space<semaphore_mem>> -> memref<!tpu.dma_semaphore, #tpu.memory_space<semaphore_mem>>
        %dma_wait3A_451 = arith.constant 0 : i32
        %dma_wait3A_452 = arith.constant 0 : i32
        %dma_wait3A_453 = tpu.memref_slice %arg10[%rem3A_401, %dma_wait3A_451, %dma_wait3A_452] : memref<4x1x128xf32, #tpu.memory_space<vmem>> -> memref<1x1x128xf32, #tpu.memory_space<vmem>>
        %dma_wait3A_454 = tpu.memref_squeeze %dma_wait3A_453 : memref<1x1x128xf32, #tpu.memory_space<vmem>> -> memref<1x128xf32, #tpu.memory_space<vmem>>
        %dma_wait3A_455 = arith.constant 0 : i32
        %dma_wait3A_456 = arith.constant 0 : i32
        %dma_wait3A_457 = tpu.memref_slice %arg3[%dma_wait3A_440, %dma_wait3A_455, %dma_wait3A_456] : memref<2500x1x128xi32, #tpu.memory_space<hbm>> -> memref<1x1x128xi32, #tpu.memory_space<hbm>>
        %dma_wait3A_458 = tpu.memref_squeeze %dma_wait3A_457 : memref<1x1x128xi32, #tpu.memory_space<hbm>> -> memref<1x128xi32, #tpu.memory_space<hbm>>
        tpu.wait_dma2 semaphore(%dma_wait3A_450 : memref<!tpu.dma_semaphore, #tpu.memory_space<semaphore_mem>>) src(%dma_wait3A_458 : memref<1x128xi32, #tpu.memory_space<hbm>>) dst(%dma_wait3A_454 : memref<1x128xf32, #tpu.memory_space<vmem>>)
        %dma_start3A_459 = arith.constant 0 : i32
        %dma_start3A_460 = arith.constant 0 : i32
        %dma_start3A_461 = arith.constant 0 : i32
        %dma_start3A_462 = tpu.memref_slice %arg11[%rem3A_349, %dma_start3A_460, %dma_start3A_461] : memref<2x128x64xi32, #tpu.memory_space<vmem>> -> memref<1x128x64xi32, #tpu.memory_space<vmem>>
        %dma_start3A_463 = tpu.memref_squeeze %dma_start3A_462 : memref<1x128x64xi32, #tpu.memory_space<vmem>> -> memref<128x64xi32, #tpu.memory_space<vmem>>
        %dma_start3A_464 = arith.constant 0 : i32
        %dma_start3A_465 = tpu.memref_slice %arg8[%rem3A_401, %dma_start3A_459, %dma_start3A_464] : memref<4x1x128xi32, #tpu.memory_space<vmem>> -> memref<1x1x128xi32, #tpu.memory_space<vmem>>
        %dma_start3A_466 = tpu.memref_squeeze %dma_start3A_465 : memref<1x1x128xi32, #tpu.memory_space<vmem>> -> memref<128xi32, #tpu.memory_space<vmem>>
        %dma_start3A_467 = arith.constant 0 : i32
        %dma_start3A_468 = arith.constant 0 : i32
        %dma_start3A_469 = tpu.memref_slice %arg2[%dma_start3A_467, %dma_start3A_468] : memref<20000x64xi32, #tpu.memory_space<hbm>> -> memref<20000x64xi32, #tpu.memory_space<hbm>>
        %dma_start3A_470 = tpu.memref_slice %arg13[%rem3A_349] : memref<2x!tpu.dma_semaphore, #tpu.memory_space<semaphore_mem>> -> memref<1x!tpu.dma_semaphore, #tpu.memory_space<semaphore_mem>>
        %dma_start3A_471 = tpu.memref_squeeze %dma_start3A_470 : memref<1x!tpu.dma_semaphore, #tpu.memory_space<semaphore_mem>> -> memref<!tpu.dma_semaphore, #tpu.memory_space<semaphore_mem>>
        tpu.enqueue_indirect_dma source(%dma_start3A_469 : memref<20000x64xi32, #tpu.memory_space<hbm>>) target(%dma_start3A_463 : memref<128x64xi32, #tpu.memory_space<vmem>>) offsets(%dma_start3A_466 : memref<128xi32, #tpu.memory_space<vmem>>) semaphore(%dma_start3A_471 : memref<!tpu.dma_semaphore, #tpu.memory_space<semaphore_mem>>)
      } else {
      }
      %dma_wait3A_365 = arith.constant 0 : i32
      %dma_wait3A_366 = arith.constant 0 : i32
      %dma_wait3A_367 = tpu.memref_slice %arg11[%rem3A_345, %dma_wait3A_365, %dma_wait3A_366] : memref<2x128x64xi32, #tpu.memory_space<vmem>> -> memref<1x128x64xi32, #tpu.memory_space<vmem>>
      %dma_wait3A_368 = tpu.memref_squeeze %dma_wait3A_367 : memref<1x128x64xi32, #tpu.memory_space<vmem>> -> memref<128x64xi32, #tpu.memory_space<vmem>>
      %dma_wait3A_369 = arith.constant 0 : i32
      %dma_wait3A_370 = arith.constant 0 : i32
      %dma_wait3A_371 = tpu.memref_slice %arg2[%dma_wait3A_369, %dma_wait3A_370] : memref<20000x64xi32, #tpu.memory_space<hbm>> -> memref<128x64xi32, #tpu.memory_space<hbm>>
      %dma_wait3A_372 = tpu.memref_slice %arg13[%rem3A_345] : memref<2x!tpu.dma_semaphore, #tpu.memory_space<semaphore_mem>> -> memref<1x!tpu.dma_semaphore, #tpu.memory_space<semaphore_mem>>
      %dma_wait3A_373 = tpu.memref_squeeze %dma_wait3A_372 : memref<1x!tpu.dma_semaphore, #tpu.memory_space<semaphore_mem>> -> memref<!tpu.dma_semaphore, #tpu.memory_space<semaphore_mem>>
      %dma_wait3A_374 = arith.constant 0 : i32
      %dma_wait3A_375 = arith.constant 0 : i32
      %dma_wait3A_376 = tpu.memref_slice %arg11[%rem3A_345, %dma_wait3A_374, %dma_wait3A_375] : memref<2x128x64xi32, #tpu.memory_space<vmem>> -> memref<1x128x64xi32, #tpu.memory_space<vmem>>
      %dma_wait3A_377 = tpu.memref_squeeze %dma_wait3A_376 : memref<1x128x64xi32, #tpu.memory_space<vmem>> -> memref<128x64xi32, #tpu.memory_space<vmem>>
      %dma_wait3A_378 = arith.constant 0 : i32
      %dma_wait3A_379 = arith.constant 0 : i32
      %dma_wait3A_380 = tpu.memref_slice %arg2[%dma_wait3A_378, %dma_wait3A_379] : memref<20000x64xi32, #tpu.memory_space<hbm>> -> memref<128x64xi32, #tpu.memory_space<hbm>>
      tpu.wait_dma2 semaphore(%dma_wait3A_373 : memref<!tpu.dma_semaphore, #tpu.memory_space<semaphore_mem>>) src(%dma_wait3A_380 : memref<128x64xi32, #tpu.memory_space<hbm>>) dst(%dma_wait3A_377 : memref<128x64xi32, #tpu.memory_space<vmem>>)
      %rem3A_381 = arith.constant 4 : i32
      %rem3A_382 = arith.remsi %add3A_343, %rem3A_381 : i32
      %parallel_loop3A = arith.constant 0 : i32
      %parallel_loop3A_383 = arith.constant 128 : i32
      %parallel_loop3A_384 = arith.constant 1 : i32
      scf.for %parallel_loop3A_398 = %parallel_loop3A to %parallel_loop3A_383 step %parallel_loop3A_384  : i32 {
        %parallel_loop3A_399 = vector.broadcast %rem3A_382 : i32 to vector<16xi32>
        %parallel_loop3A_400 = arith.constant 0 : i32
        %parallel_loop3A_401 = vector.broadcast %parallel_loop3A_400 : i32 to vector<16xi32>
        %parallel_loop3A_402 = vector.broadcast %parallel_loop3A_398 : i32 to vector<16xi32>
        %parallel_loop3A_403 = tpu.vector_load_idx %arg10[%parallel_loop3A_399, %parallel_loop3A_401, %parallel_loop3A_402] : memref<4x1x128xf32, #tpu.memory_space<vmem>>[vector<16xi32>, vector<16xi32>, vector<16xi32>], vector<16xf32>,
        %parallel_loop3A_404 = arith.index_cast %rem3A_345 : i32 to index
        %parallel_loop3A_405 = arith.index_cast %parallel_loop3A_398 : i32 to index
        %parallel_loop3A_406 = arith.constant 0 : index
        %parallel_loop3A_407 = tpu.vector_load %arg11[%parallel_loop3A_404, %parallel_loop3A_405, %parallel_loop3A_406] {strides = array<i32>} : memref<2x128x64xi32, #tpu.memory_space<vmem>>, vector<16xi32>,
        %parallel_loop3A_408 = arith.constant 16 : i32
        %parallel_loop3A_409 = vector.broadcast %parallel_loop3A_408 : i32 to vector<16xi32>
        %parallel_loop3A_410 = arith.shli %parallel_loop3A_407, %parallel_loop3A_409 : vector<16xi32>
        %parallel_loop3A_411 = vector.bitcast %parallel_loop3A_410 : vector<16xi32> to vector<16xf32>
        %parallel_loop3A_412 = arith.constant -65536 : i32
        %parallel_loop3A_413 = vector.broadcast %parallel_loop3A_412 : i32 to vector<16xi32>
        %parallel_loop3A_414 = arith.andi %parallel_loop3A_407, %parallel_loop3A_413 : vector<16xi32>
        %parallel_loop3A_415 = vector.bitcast %parallel_loop3A_414 : vector<16xi32> to vector<16xf32>
        %parallel_loop3A_416 = arith.mulf %parallel_loop3A_411, %parallel_loop3A_403 : vector<16xf32>
        %parallel_loop3A_417 = arith.index_cast %rem3A_345 : i32 to index
        %parallel_loop3A_418 = arith.index_cast %parallel_loop3A_398 : i32 to index
        %parallel_loop3A_419 = arith.constant 0 : index
        %parallel_loop3A_420 = tpu.vector_load %arg12[%parallel_loop3A_417, %parallel_loop3A_418, %parallel_loop3A_419] {strides = array<i32>} : memref<2x128x128xf32, #tpu.memory_space<vmem>>, vector<16xf32>,
        tpu.vector_store %arg12[%parallel_loop3A_417, %parallel_loop3A_418, %parallel_loop3A_419], %parallel_loop3A_416 {strides = array<i32>} : memref<2x128x128xf32, #tpu.memory_space<vmem>>, vector<16xf32>,
        %parallel_loop3A_421 = arith.mulf %parallel_loop3A_415, %parallel_loop3A_403 : vector<16xf32>
        %parallel_loop3A_422 = arith.index_cast %rem3A_345 : i32 to index
        %parallel_loop3A_423 = arith.index_cast %parallel_loop3A_398 : i32 to index
        %parallel_loop3A_424 = arith.constant 64 : index
        %parallel_loop3A_425 = tpu.vector_load %arg12[%parallel_loop3A_422, %parallel_loop3A_423, %parallel_loop3A_424] {strides = array<i32>} : memref<2x128x128xf32, #tpu.memory_space<vmem>>, vector<16xf32>,
        tpu.vector_store %arg12[%parallel_loop3A_422, %parallel_loop3A_423, %parallel_loop3A_424], %parallel_loop3A_421 {strides = array<i32>} : memref<2x128x128xf32, #tpu.memory_space<vmem>>, vector<16xf32>,
        %parallel_loop3A_426 = arith.index_cast %rem3A_345 : i32 to index
        %parallel_loop3A_427 = arith.index_cast %parallel_loop3A_398 : i32 to index
        %parallel_loop3A_428 = arith.constant 16 : index
        %parallel_loop3A_429 = tpu.vector_load %arg11[%parallel_loop3A_426, %parallel_loop3A_427, %parallel_loop3A_428] {strides = array<i32>} : memref<2x128x64xi32, #tpu.memory_space<vmem>>, vector<16xi32>,
        %parallel_loop3A_430 = arith.constant 16 : i32
        %parallel_loop3A_431 = vector.broadcast %parallel_loop3A_430 : i32 to vector<16xi32>
        %parallel_loop3A_432 = arith.shli %parallel_loop3A_429, %parallel_loop3A_431 : vector<16xi32>
        %parallel_loop3A_433 = vector.bitcast %parallel_loop3A_432 : vector<16xi32> to vector<16xf32>
        %parallel_loop3A_434 = arith.constant -65536 : i32
        %parallel_loop3A_435 = vector.broadcast %parallel_loop3A_434 : i32 to vector<16xi32>
        %parallel_loop3A_436 = arith.andi %parallel_loop3A_429, %parallel_loop3A_435 : vector<16xi32>
        %parallel_loop3A_437 = vector.bitcast %parallel_loop3A_436 : vector<16xi32> to vector<16xf32>
        %parallel_loop3A_438 = arith.mulf %parallel_loop3A_433, %parallel_loop3A_403 : vector<16xf32>
        %parallel_loop3A_439 = arith.index_cast %rem3A_345 : i32 to index
        %parallel_loop3A_440 = arith.index_cast %parallel_loop3A_398 : i32 to index
        %parallel_loop3A_441 = arith.constant 16 : index
        %parallel_loop3A_442 = tpu.vector_load %arg12[%parallel_loop3A_439, %parallel_loop3A_440, %parallel_loop3A_441] {strides = array<i32>} : memref<2x128x128xf32, #tpu.memory_space<vmem>>, vector<16xf32>,
        tpu.vector_store %arg12[%parallel_loop3A_439, %parallel_loop3A_440, %parallel_loop3A_441], %parallel_loop3A_438 {strides = array<i32>} : memref<2x128x128xf32, #tpu.memory_space<vmem>>, vector<16xf32>,
        %parallel_loop3A_443 = arith.mulf %parallel_loop3A_437, %parallel_loop3A_403 : vector<16xf32>
        %parallel_loop3A_444 = arith.index_cast %rem3A_345 : i32 to index
        %parallel_loop3A_445 = arith.index_cast %parallel_loop3A_398 : i32 to index
        %parallel_loop3A_446 = arith.constant 80 : index
        %parallel_loop3A_447 = tpu.vector_load %arg12[%parallel_loop3A_444, %parallel_loop3A_445, %parallel_loop3A_446] {strides = array<i32>} : memref<2x128x128xf32, #tpu.memory_space<vmem>>, vector<16xf32>,
        tpu.vector_store %arg12[%parallel_loop3A_444, %parallel_loop3A_445, %parallel_loop3A_446], %parallel_loop3A_443 {strides = array<i32>} : memref<2x128x128xf32, #tpu.memory_space<vmem>>, vector<16xf32>,
        %parallel_loop3A_448 = arith.index_cast %rem3A_345 : i32 to index
        %parallel_loop3A_449 = arith.index_cast %parallel_loop3A_398 : i32 to index
        %parallel_loop3A_450 = arith.constant 32 : index
        %parallel_loop3A_451 = tpu.vector_load %arg11[%parallel_loop3A_448, %parallel_loop3A_449, %parallel_loop3A_450] {strides = array<i32>} : memref<2x128x64xi32, #tpu.memory_space<vmem>>, vector<16xi32>,
        %parallel_loop3A_452 = arith.constant 16 : i32
        %parallel_loop3A_453 = vector.broadcast %parallel_loop3A_452 : i32 to vector<16xi32>
        %parallel_loop3A_454 = arith.shli %parallel_loop3A_451, %parallel_loop3A_453 : vector<16xi32>
        %parallel_loop3A_455 = vector.bitcast %parallel_loop3A_454 : vector<16xi32> to vector<16xf32>
        %parallel_loop3A_456 = arith.constant -65536 : i32
        %parallel_loop3A_457 = vector.broadcast %parallel_loop3A_456 : i32 to vector<16xi32>
        %parallel_loop3A_458 = arith.andi %parallel_loop3A_451, %parallel_loop3A_457 : vector<16xi32>
        %parallel_loop3A_459 = vector.bitcast %parallel_loop3A_458 : vector<16xi32> to vector<16xf32>
        %parallel_loop3A_460 = arith.mulf %parallel_loop3A_455, %parallel_loop3A_403 : vector<16xf32>
        %parallel_loop3A_461 = arith.index_cast %rem3A_345 : i32 to index
        %parallel_loop3A_462 = arith.index_cast %parallel_loop3A_398 : i32 to index
        %parallel_loop3A_463 = arith.constant 32 : index
        %parallel_loop3A_464 = tpu.vector_load %arg12[%parallel_loop3A_461, %parallel_loop3A_462, %parallel_loop3A_463] {strides = array<i32>} : memref<2x128x128xf32, #tpu.memory_space<vmem>>, vector<16xf32>,
        tpu.vector_store %arg12[%parallel_loop3A_461, %parallel_loop3A_462, %parallel_loop3A_463], %parallel_loop3A_460 {strides = array<i32>} : memref<2x128x128xf32, #tpu.memory_space<vmem>>, vector<16xf32>,
        %parallel_loop3A_465 = arith.mulf %parallel_loop3A_459, %parallel_loop3A_403 : vector<16xf32>
        %parallel_loop3A_466 = arith.index_cast %rem3A_345 : i32 to index
        %parallel_loop3A_467 = arith.index_cast %parallel_loop3A_398 : i32 to index
        %parallel_loop3A_468 = arith.constant 96 : index
        %parallel_loop3A_469 = tpu.vector_load %arg12[%parallel_loop3A_466, %parallel_loop3A_467, %parallel_loop3A_468] {strides = array<i32>} : memref<2x128x128xf32, #tpu.memory_space<vmem>>, vector<16xf32>,
        tpu.vector_store %arg12[%parallel_loop3A_466, %parallel_loop3A_467, %parallel_loop3A_468], %parallel_loop3A_465 {strides = array<i32>} : memref<2x128x128xf32, #tpu.memory_space<vmem>>, vector<16xf32>,
        %parallel_loop3A_470 = arith.index_cast %rem3A_345 : i32 to index
        %parallel_loop3A_471 = arith.index_cast %parallel_loop3A_398 : i32 to index
        %parallel_loop3A_472 = arith.constant 48 : index
        %parallel_loop3A_473 = tpu.vector_load %arg11[%parallel_loop3A_470, %parallel_loop3A_471, %parallel_loop3A_472] {strides = array<i32>} : memref<2x128x64xi32, #tpu.memory_space<vmem>>, vector<16xi32>,
        %parallel_loop3A_474 = arith.constant 16 : i32
        %parallel_loop3A_475 = vector.broadcast %parallel_loop3A_474 : i32 to vector<16xi32>
        %parallel_loop3A_476 = arith.shli %parallel_loop3A_473, %parallel_loop3A_475 : vector<16xi32>
        %parallel_loop3A_477 = vector.bitcast %parallel_loop3A_476 : vector<16xi32> to vector<16xf32>
        %parallel_loop3A_478 = arith.constant -65536 : i32
        %parallel_loop3A_479 = vector.broadcast %parallel_loop3A_478 : i32 to vector<16xi32>
        %parallel_loop3A_480 = arith.andi %parallel_loop3A_473, %parallel_loop3A_479 : vector<16xi32>
        %parallel_loop3A_481 = vector.bitcast %parallel_loop3A_480 : vector<16xi32> to vector<16xf32>
        %parallel_loop3A_482 = arith.mulf %parallel_loop3A_477, %parallel_loop3A_403 : vector<16xf32>
        %parallel_loop3A_483 = arith.index_cast %rem3A_345 : i32 to index
        %parallel_loop3A_484 = arith.index_cast %parallel_loop3A_398 : i32 to index
        %parallel_loop3A_485 = arith.constant 48 : index
        %parallel_loop3A_486 = tpu.vector_load %arg12[%parallel_loop3A_483, %parallel_loop3A_484, %parallel_loop3A_485] {strides = array<i32>} : memref<2x128x128xf32, #tpu.memory_space<vmem>>, vector<16xf32>,
        tpu.vector_store %arg12[%parallel_loop3A_483, %parallel_loop3A_484, %parallel_loop3A_485], %parallel_loop3A_482 {strides = array<i32>} : memref<2x128x128xf32, #tpu.memory_space<vmem>>, vector<16xf32>,
        %parallel_loop3A_487 = arith.mulf %parallel_loop3A_481, %parallel_loop3A_403 : vector<16xf32>
        %parallel_loop3A_488 = arith.index_cast %rem3A_345 : i32 to index
        %parallel_loop3A_489 = arith.index_cast %parallel_loop3A_398 : i32 to index
        %parallel_loop3A_490 = arith.constant 112 : index
        %parallel_loop3A_491 = tpu.vector_load %arg12[%parallel_loop3A_488, %parallel_loop3A_489, %parallel_loop3A_490] {strides = array<i32>} : memref<2x128x128xf32, #tpu.memory_space<vmem>>, vector<16xf32>,
        tpu.vector_store %arg12[%parallel_loop3A_488, %parallel_loop3A_489, %parallel_loop3A_490], %parallel_loop3A_487 {strides = array<i32>} : memref<2x128x128xf32, #tpu.memory_space<vmem>>, vector<16xf32>,
      } {sc.loop_unroll_factor = 4 : i64, sc.parallel_access}
      %dma_start3A_385 = arith.constant 0 : i32
      %dma_start3A_386 = arith.constant 0 : i32
      %dma_start3A_387 = arith.constant 0 : i32
      %dma_start3A_388 = tpu.memref_slice %arg12[%rem3A_345, %dma_start3A_386, %dma_start3A_387] : memref<2x128x128xf32, #tpu.memory_space<vmem>> -> memref<1x128x128xf32, #tpu.memory_space<vmem>>
      %dma_start3A_389 = tpu.memref_squeeze %dma_start3A_388 : memref<1x128x128xf32, #tpu.memory_space<vmem>> -> memref<128x128xf32, #tpu.memory_space<vmem>>
      %dma_start3A_390 = arith.constant 0 : i32
      %dma_start3A_391 = tpu.memref_slice %arg9[%rem3A_382, %dma_start3A_385, %dma_start3A_390] : memref<4x1x128xi32, #tpu.memory_space<vmem>> -> memref<1x1x128xi32, #tpu.memory_space<vmem>>
      %dma_start3A_392 = tpu.memref_squeeze %dma_start3A_391 : memref<1x1x128xi32, #tpu.memory_space<vmem>> -> memref<128xi32, #tpu.memory_space<vmem>>
      %dma_start3A_393 = arith.constant 0 : i32
      %dma_start3A_394 = arith.constant 0 : i32
      %dma_start3A_395 = tpu.memref_slice %arg7[%dma_start3A_393, %dma_start3A_394] : memref<10000x128xf32, #tpu.memory_space<vmem_shared>> -> memref<10000x128xf32, #tpu.memory_space<vmem_shared>>
      %dma_start3A_396 = tpu.memref_slice %arg14[%rem3A_345] : memref<2x!tpu.dma_semaphore, #tpu.memory_space<semaphore_mem>> -> memref<1x!tpu.dma_semaphore, #tpu.memory_space<semaphore_mem>>
      %dma_start3A_397 = tpu.memref_squeeze %dma_start3A_396 : memref<1x!tpu.dma_semaphore, #tpu.memory_space<semaphore_mem>> -> memref<!tpu.dma_semaphore, #tpu.memory_space<semaphore_mem>>
      tpu.enqueue_indirect_dma source(%dma_start3A_389 : memref<128x128xf32, #tpu.memory_space<vmem>>) target(%dma_start3A_395 : memref<10000x128xf32, #tpu.memory_space<vmem_shared>>) offsets(%dma_start3A_392 : memref<128xi32, #tpu.memory_space<vmem>>) semaphore(%dma_start3A_397 : memref<!tpu.dma_semaphore, #tpu.memory_space<semaphore_mem>>) {add = true}
    }
    %scan3A_297 = arith.constant 0 : i32
    %scan3A_298 = arith.constant 2 : i32
    %scan3A_299 = arith.addi %scan3A_297, %scan3A_298 : i32
    %scan3A_300 = arith.constant 1 : i32
    scf.for %scan3A_341 = %scan3A_297 to %scan3A_299 step %scan3A_300  : i32 {
      %mul3A_342 = arith.constant 1 : i32
      %mul3A_343 = arith.muli %scan3A_341, %mul3A_342 : i32
      %add3A_344 = arith.constant 0 : i32
      %add3A_345 = arith.addi %add3A_344, %mul3A_343 : i32
      %sub3A_346 = arith.constant 1 : i32
      %sub3A_347 = arith.subi %add3A_68, %sub3A_346 : i32
      %sub3A_348 = arith.subi %sub3A_347, %add3A_345 : i32
      %rem3A_349 = arith.constant 2 : i32
      %rem3A_350 = arith.remsi %sub3A_348, %rem3A_349 : i32
      %dma_wait3A_351 = arith.constant 0 : i32
      %dma_wait3A_352 = arith.constant 0 : i32
      %dma_wait3A_353 = arith.constant 0 : i32
      %dma_wait3A_354 = tpu.memref_slice %arg12[%rem3A_350, %dma_wait3A_352, %dma_wait3A_353] : memref<2x128x128xf32, #tpu.memory_space<vmem>> -> memref<1x128x128xf32, #tpu.memory_space<vmem>>
      %dma_wait3A_355 = tpu.memref_squeeze %dma_wait3A_354 : memref<1x128x128xf32, #tpu.memory_space<vmem>> -> memref<128x128xf32, #tpu.memory_space<vmem>>
      %dma_wait3A_356 = arith.constant 0 : i32
      %dma_wait3A_357 = arith.constant 0 : i32
      %dma_wait3A_358 = tpu.memref_slice %arg6[%dma_wait3A_351, %dma_wait3A_356, %dma_wait3A_357] : memref<2x10000x128xf32, #tpu.memory_space<hbm>> -> memref<1x128x128xf32, #tpu.memory_space<hbm>>
      %dma_wait3A_359 = tpu.memref_squeeze %dma_wait3A_358 : memref<1x128x128xf32, #tpu.memory_space<hbm>> -> memref<128x128xf32, #tpu.memory_space<hbm>>
      %dma_wait3A_360 = tpu.memref_slice %arg14[%rem3A_350] : memref<2x!tpu.dma_semaphore, #tpu.memory_space<semaphore_mem>> -> memref<1x!tpu.dma_semaphore, #tpu.memory_space<semaphore_mem>>
      %dma_wait3A_361 = tpu.memref_squeeze %dma_wait3A_360 : memref<1x!tpu.dma_semaphore, #tpu.memory_space<semaphore_mem>> -> memref<!tpu.dma_semaphore, #tpu.memory_space<semaphore_mem>>
      %dma_wait3A_362 = arith.constant 0 : i32
      %dma_wait3A_363 = arith.constant 0 : i32
      %dma_wait3A_364 = tpu.memref_slice %arg12[%rem3A_350, %dma_wait3A_362, %dma_wait3A_363] : memref<2x128x128xf32, #tpu.memory_space<vmem>> -> memref<1x128x128xf32, #tpu.memory_space<vmem>>
      %dma_wait3A_365 = tpu.memref_squeeze %dma_wait3A_364 : memref<1x128x128xf32, #tpu.memory_space<vmem>> -> memref<128x128xf32, #tpu.memory_space<vmem>>
      %dma_wait3A_366 = arith.constant 0 : i32
      %dma_wait3A_367 = arith.constant 0 : i32
      %dma_wait3A_368 = tpu.memref_slice %arg6[%dma_wait3A_351, %dma_wait3A_366, %dma_wait3A_367] : memref<2x10000x128xf32, #tpu.memory_space<hbm>> -> memref<1x128x128xf32, #tpu.memory_space<hbm>>
      %dma_wait3A_369 = tpu.memref_squeeze %dma_wait3A_368 : memref<1x128x128xf32, #tpu.memory_space<hbm>> -> memref<128x128xf32, #tpu.memory_space<hbm>>
      tpu.wait_dma2 semaphore(%dma_wait3A_361 : memref<!tpu.dma_semaphore, #tpu.memory_space<semaphore_mem>>) src(%dma_wait3A_369 : memref<128x128xf32, #tpu.memory_space<hbm>>) dst(%dma_wait3A_365 : memref<128x128xf32, #tpu.memory_space<vmem>>)
    }
    %scan3A_301 = arith.constant 2 : i32
    %barrier3A_302 = arith.constant 0 : index
    tpu.barrier barrier_id(%barrier3A_302)
    %sub3A_303 = arith.constant 0 : i32
    %sub3A_304 = arith.subi %select_n3A, %sub3A_303 : i32
    %sub3A_305 = arith.constant 1 : i32
    %sub3A_306 = arith.constant 1 : i32
    %sub3A_307 = arith.subi %sub3A_305, %sub3A_306 : i32
    %add3A_308 = arith.addi %sub3A_304, %sub3A_307 : i32
    %div3A_309 = arith.constant 1 : i32
    %div3A_310 = arith.divsi %add3A_308, %div3A_309 : i32
    %while3A_311 = arith.constant 1 : i32
    %while3A_312 = arith.constant 0 : i32
    %while3A_313 = arith.constant 0 : i32
    %while3A_314 = arith.subi %div3A_310, %while3A_313 : i32
    %while3A_315 = arith.addi %while3A_313, %while3A_314 : i32
    %while3A_316 = arith.constant 1 : i32
    %while3A_317 = arith.divsi %while3A_314, %while3A_316 : i32
    %while3A_318 = arith.muli %while3A_317, %while3A_316 : i32
    %while3A_319 = arith.addi %while3A_313, %while3A_318 : i32
    %while3A_320 = arith.constant 1 : i32
    scf.for %while3A_341 = %while3A_313 to %while3A_319 step %while3A_320  : i32 {
      %mul3A_342 = arith.muli %while3A_341, %while3A_311 : i32
      %add3A_343 = arith.addi %while3A_312, %mul3A_342 : i32
      %mul3A_344 = arith.constant 16 : i32
      %mul3A_345 = arith.muli %mul3A_344, %add3A_343 : i32
      %add3A_346 = arith.addi %arg1, %mul3A_345 : i32
      %lt3A_347 = arith.constant 78 : i32
      %lt3A_348 = arith.cmpi slt, %add3A_346, %lt3A_347 : i32
      %convert_element_type3A_349 = arith.extui %lt3A_348 : i1 to i32
      %cond3A = arith.constant 0 : i32
      %cond3A_350 = arith.cmpi ne, %convert_element_type3A_349, %cond3A : i32
      scf.if %cond3A_350 {
        %mul3A_355 = arith.constant 128 : i32
        %mul3A_356 = arith.muli %add3A_346, %mul3A_355 : i32
        %mul3A_357 = arith.constant 128 : i32
        %mul3A_358 = arith.muli %add3A_346, %mul3A_357 : i32
        %dma_start3A_359 = arith.constant 0 : i32
        %dma_start3A_360 = tpu.memref_slice %arg6[%arg0, %mul3A_358, %dma_start3A_359] : memref<2x10000x128xf32, #tpu.memory_space<hbm>> -> memref<1x128x128xf32, #tpu.memory_space<hbm>>
        %dma_start3A_361 = tpu.memref_squeeze %dma_start3A_360 : memref<1x128x128xf32, #tpu.memory_space<hbm>> -> memref<128x128xf32, #tpu.memory_space<hbm>>
        %dma_start3A_362 = arith.constant 0 : i32
        %dma_start3A_363 = tpu.memref_slice %arg7[%mul3A_356, %dma_start3A_362] : memref<10000x128xf32, #tpu.memory_space<vmem_shared>> -> memref<128x128xf32, #tpu.memory_space<vmem_shared>>
        tpu.enqueue_dma source(%dma_start3A_363 : memref<128x128xf32, #tpu.memory_space<vmem_shared>>) target(%dma_start3A_361 : memref<128x128xf32, #tpu.memory_space<hbm>>) target_semaphore(%arg16 : memref<!tpu.dma_semaphore, #tpu.memory_space<semaphore_mem>>)
      } else {
      }
      %eq3A = arith.constant 78 : i32
      %eq3A_351 = arith.cmpi eq, %add3A_346, %eq3A : i32
      %convert_element_type3A_352 = arith.extui %eq3A_351 : i1 to i32
      %cond3A_353 = arith.constant 0 : i32
      %cond3A_354 = arith.cmpi ne, %convert_element_type3A_352, %cond3A_353 : i32
      scf.if %cond3A_354 {
        %dma_start3A_355 = arith.constant 9984 : i32
        %dma_start3A_356 = arith.constant 0 : i32
        %dma_start3A_357 = tpu.memref_slice %arg6[%arg0, %dma_start3A_355, %dma_start3A_356] : memref<2x10000x128xf32, #tpu.memory_space<hbm>> -> memref<1x16x128xf32, #tpu.memory_space<hbm>>
        %dma_start3A_358 = tpu.memref_squeeze %dma_start3A_357 : memref<1x16x128xf32, #tpu.memory_space<hbm>> -> memref<16x128xf32, #tpu.memory_space<hbm>>
        %dma_start3A_359 = arith.constant 9984 : i32
        %dma_start3A_360 = arith.constant 0 : i32
        %dma_start3A_361 = tpu.memref_slice %arg7[%dma_start3A_359, %dma_start3A_360] : memref<10000x128xf32, #tpu.memory_space<vmem_shared>> -> memref<16x128xf32, #tpu.memory_space<vmem_shared>>
        tpu.enqueue_dma source(%dma_start3A_361 : memref<16x128xf32, #tpu.memory_space<vmem_shared>>) target(%dma_start3A_358 : memref<16x128xf32, #tpu.memory_space<hbm>>) target_semaphore(%arg16 : memref<!tpu.dma_semaphore, #tpu.memory_space<semaphore_mem>>)
      } else {
      }
    }
    %while3A_321 = arith.constant 1 : i32
    scf.for %while3A_341 = %while3A_319 to %while3A_315 step %while3A_321  : i32 {
      %mul3A_342 = arith.muli %while3A_341, %while3A_311 : i32
      %add3A_343 = arith.addi %while3A_312, %mul3A_342 : i32
      %mul3A_344 = arith.constant 16 : i32
      %mul3A_345 = arith.muli %mul3A_344, %add3A_343 : i32
      %add3A_346 = arith.addi %arg1, %mul3A_345 : i32
      %lt3A_347 = arith.constant 78 : i32
      %lt3A_348 = arith.cmpi slt, %add3A_346, %lt3A_347 : i32
      %convert_element_type3A_349 = arith.extui %lt3A_348 : i1 to i32
      %cond3A = arith.constant 0 : i32
      %cond3A_350 = arith.cmpi ne, %convert_element_type3A_349, %cond3A : i32
      scf.if %cond3A_350 {
        %mul3A_355 = arith.constant 128 : i32
        %mul3A_356 = arith.muli %add3A_346, %mul3A_355 : i32
        %mul3A_357 = arith.constant 128 : i32
        %mul3A_358 = arith.muli %add3A_346, %mul3A_357 : i32
        %dma_start3A_359 = arith.constant 0 : i32
        %dma_start3A_360 = tpu.memref_slice %arg6[%arg0, %mul3A_358, %dma_start3A_359] : memref<2x10000x128xf32, #tpu.memory_space<hbm>> -> memref<1x128x128xf32, #tpu.memory_space<hbm>>
        %dma_start3A_361 = tpu.memref_squeeze %dma_start3A_360 : memref<1x128x128xf32, #tpu.memory_space<hbm>> -> memref<128x128xf32, #tpu.memory_space<hbm>>
        %dma_start3A_362 = arith.constant 0 : i32
        %dma_start3A_363 = tpu.memref_slice %arg7[%mul3A_356, %dma_start3A_362] : memref<10000x128xf32, #tpu.memory_space<vmem_shared>> -> memref<128x128xf32, #tpu.memory_space<vmem_shared>>
        tpu.enqueue_dma source(%dma_start3A_363 : memref<128x128xf32, #tpu.memory_space<vmem_shared>>) target(%dma_start3A_361 : memref<128x128xf32, #tpu.memory_space<hbm>>) target_semaphore(%arg16 : memref<!tpu.dma_semaphore, #tpu.memory_space<semaphore_mem>>)
      } else {
      }
      %eq3A = arith.constant 78 : i32
      %eq3A_351 = arith.cmpi eq, %add3A_346, %eq3A : i32
      %convert_element_type3A_352 = arith.extui %eq3A_351 : i1 to i32
      %cond3A_353 = arith.constant 0 : i32
      %cond3A_354 = arith.cmpi ne, %convert_element_type3A_352, %cond3A_353 : i32
      scf.if %cond3A_354 {
        %dma_start3A_355 = arith.constant 9984 : i32
        %dma_start3A_356 = arith.constant 0 : i32
        %dma_start3A_357 = tpu.memref_slice %arg6[%arg0, %dma_start3A_355, %dma_start3A_356] : memref<2x10000x128xf32, #tpu.memory_space<hbm>> -> memref<1x16x128xf32, #tpu.memory_space<hbm>>
        %dma_start3A_358 = tpu.memref_squeeze %dma_start3A_357 : memref<1x16x128xf32, #tpu.memory_space<hbm>> -> memref<16x128xf32, #tpu.memory_space<hbm>>
        %dma_start3A_359 = arith.constant 9984 : i32
        %dma_start3A_360 = arith.constant 0 : i32
        %dma_start3A_361 = tpu.memref_slice %arg7[%dma_start3A_359, %dma_start3A_360] : memref<10000x128xf32, #tpu.memory_space<vmem_shared>> -> memref<16x128xf32, #tpu.memory_space<vmem_shared>>
        tpu.enqueue_dma source(%dma_start3A_361 : memref<16x128xf32, #tpu.memory_space<vmem_shared>>) target(%dma_start3A_358 : memref<16x128xf32, #tpu.memory_space<hbm>>) target_semaphore(%arg16 : memref<!tpu.dma_semaphore, #tpu.memory_space<semaphore_mem>>)
      } else {
      }
    }
    %sub3A_322 = arith.constant 0 : i32
    %sub3A_323 = arith.subi %select_n3A, %sub3A_322 : i32
    %sub3A_324 = arith.constant 1 : i32
    %sub3A_325 = arith.constant 1 : i32
    %sub3A_326 = arith.subi %sub3A_324, %sub3A_325 : i32
    %add3A_327 = arith.addi %sub3A_323, %sub3A_326 : i32
    %div3A_328 = arith.constant 1 : i32
    %div3A_329 = arith.divsi %add3A_327, %div3A_328 : i32
    %while3A_330 = arith.constant 1 : i32
    %while3A_331 = arith.constant 0 : i32
    %while3A_332 = arith.constant 0 : i32
    %while3A_333 = arith.subi %div3A_329, %while3A_332 : i32
    %while3A_334 = arith.addi %while3A_332, %while3A_333 : i32
    %while3A_335 = arith.constant 1 : i32
    %while3A_336 = arith.divsi %while3A_333, %while3A_335 : i32
    %while3A_337 = arith.muli %while3A_336, %while3A_335 : i32
    %while3A_338 = arith.addi %while3A_332, %while3A_337 : i32
    %while3A_339 = arith.constant 1 : i32
    scf.for %while3A_341 = %while3A_332 to %while3A_338 step %while3A_339  : i32 {
      %mul3A_342 = arith.muli %while3A_341, %while3A_330 : i32
      %add3A_343 = arith.addi %while3A_331, %mul3A_342 : i32
      %mul3A_344 = arith.constant 16 : i32
      %mul3A_345 = arith.muli %mul3A_344, %add3A_343 : i32
      %add3A_346 = arith.addi %arg1, %mul3A_345 : i32
      %lt3A_347 = arith.constant 78 : i32
      %lt3A_348 = arith.cmpi slt, %add3A_346, %lt3A_347 : i32
      %convert_element_type3A_349 = arith.extui %lt3A_348 : i1 to i32
      %cond3A = arith.constant 0 : i32
      %cond3A_350 = arith.cmpi ne, %convert_element_type3A_349, %cond3A : i32
      scf.if %cond3A_350 {
        %dma_wait3A_355 = arith.constant 0 : i32
        %dma_wait3A_356 = arith.constant 0 : i32
        %dma_wait3A_357 = tpu.memref_slice %arg6[%arg0, %dma_wait3A_355, %dma_wait3A_356] : memref<2x10000x128xf32, #tpu.memory_space<hbm>> -> memref<1x128x128xf32, #tpu.memory_space<hbm>>
        %dma_wait3A_358 = tpu.memref_squeeze %dma_wait3A_357 : memref<1x128x128xf32, #tpu.memory_space<hbm>> -> memref<128x128xf32, #tpu.memory_space<hbm>>
        %dma_wait3A_359 = arith.constant 0 : i32
        %dma_wait3A_360 = arith.constant 0 : i32
        %dma_wait3A_361 = tpu.memref_slice %arg7[%dma_wait3A_359, %dma_wait3A_360] : memref<10000x128xf32, #tpu.memory_space<vmem_shared>> -> memref<128x128xf32, #tpu.memory_space<vmem_shared>>
        tpu.wait_dma2 semaphore(%arg16 : memref<!tpu.dma_semaphore, #tpu.memory_space<semaphore_mem>>) src(%dma_wait3A_361 : memref<128x128xf32, #tpu.memory_space<vmem_shared>>) dst(%dma_wait3A_358 : memref<128x128xf32, #tpu.memory_space<hbm>>)
      } else {
      }
      %eq3A = arith.constant 78 : i32
      %eq3A_351 = arith.cmpi eq, %add3A_346, %eq3A : i32
      %convert_element_type3A_352 = arith.extui %eq3A_351 : i1 to i32
      %cond3A_353 = arith.constant 0 : i32
      %cond3A_354 = arith.cmpi ne, %convert_element_type3A_352, %cond3A_353 : i32
      scf.if %cond3A_354 {
        %dma_wait3A_355 = arith.constant 0 : i32
        %dma_wait3A_356 = arith.constant 0 : i32
        %dma_wait3A_357 = tpu.memref_slice %arg6[%arg0, %dma_wait3A_355, %dma_wait3A_356] : memref<2x10000x128xf32, #tpu.memory_space<hbm>> -> memref<1x16x128xf32, #tpu.memory_space<hbm>>
        %dma_wait3A_358 = tpu.memref_squeeze %dma_wait3A_357 : memref<1x16x128xf32, #tpu.memory_space<hbm>> -> memref<16x128xf32, #tpu.memory_space<hbm>>
        %dma_wait3A_359 = arith.constant 0 : i32
        %dma_wait3A_360 = arith.constant 0 : i32
        %dma_wait3A_361 = tpu.memref_slice %arg7[%dma_wait3A_359, %dma_wait3A_360] : memref<10000x128xf32, #tpu.memory_space<vmem_shared>> -> memref<16x128xf32, #tpu.memory_space<vmem_shared>>
        tpu.wait_dma2 semaphore(%arg16 : memref<!tpu.dma_semaphore, #tpu.memory_space<semaphore_mem>>) src(%dma_wait3A_361 : memref<16x128xf32, #tpu.memory_space<vmem_shared>>) dst(%dma_wait3A_358 : memref<16x128xf32, #tpu.memory_space<hbm>>)
      } else {
      }
    }
    %while3A_340 = arith.constant 1 : i32
    scf.for %while3A_341 = %while3A_338 to %while3A_334 step %while3A_340  : i32 {
      %mul3A_342 = arith.muli %while3A_341, %while3A_330 : i32
      %add3A_343 = arith.addi %while3A_331, %mul3A_342 : i32
      %mul3A_344 = arith.constant 16 : i32
      %mul3A_345 = arith.muli %mul3A_344, %add3A_343 : i32
      %add3A_346 = arith.addi %arg1, %mul3A_345 : i32
      %lt3A_347 = arith.constant 78 : i32
      %lt3A_348 = arith.cmpi slt, %add3A_346, %lt3A_347 : i32
      %convert_element_type3A_349 = arith.extui %lt3A_348 : i1 to i32
      %cond3A = arith.constant 0 : i32
      %cond3A_350 = arith.cmpi ne, %convert_element_type3A_349, %cond3A : i32
      scf.if %cond3A_350 {
        %dma_wait3A_355 = arith.constant 0 : i32
        %dma_wait3A_356 = arith.constant 0 : i32
        %dma_wait3A_357 = tpu.memref_slice %arg6[%arg0, %dma_wait3A_355, %dma_wait3A_356] : memref<2x10000x128xf32, #tpu.memory_space<hbm>> -> memref<1x128x128xf32, #tpu.memory_space<hbm>>
        %dma_wait3A_358 = tpu.memref_squeeze %dma_wait3A_357 : memref<1x128x128xf32, #tpu.memory_space<hbm>> -> memref<128x128xf32, #tpu.memory_space<hbm>>
        %dma_wait3A_359 = arith.constant 0 : i32
        %dma_wait3A_360 = arith.constant 0 : i32
        %dma_wait3A_361 = tpu.memref_slice %arg7[%dma_wait3A_359, %dma_wait3A_360] : memref<10000x128xf32, #tpu.memory_space<vmem_shared>> -> memref<128x128xf32, #tpu.memory_space<vmem_shared>>
        tpu.wait_dma2 semaphore(%arg16 : memref<!tpu.dma_semaphore, #tpu.memory_space<semaphore_mem>>) src(%dma_wait3A_361 : memref<128x128xf32, #tpu.memory_space<vmem_shared>>) dst(%dma_wait3A_358 : memref<128x128xf32, #tpu.memory_space<hbm>>)
      } else {
      }
      %eq3A = arith.constant 78 : i32
      %eq3A_351 = arith.cmpi eq, %add3A_346, %eq3A : i32
      %convert_element_type3A_352 = arith.extui %eq3A_351 : i1 to i32
      %cond3A_353 = arith.constant 0 : i32
      %cond3A_354 = arith.cmpi ne, %convert_element_type3A_352, %cond3A_353 : i32
      scf.if %cond3A_354 {
        %dma_wait3A_355 = arith.constant 0 : i32
        %dma_wait3A_356 = arith.constant 0 : i32
        %dma_wait3A_357 = tpu.memref_slice %arg6[%arg0, %dma_wait3A_355, %dma_wait3A_356] : memref<2x10000x128xf32, #tpu.memory_space<hbm>> -> memref<1x16x128xf32, #tpu.memory_space<hbm>>
        %dma_wait3A_358 = tpu.memref_squeeze %dma_wait3A_357 : memref<1x16x128xf32, #tpu.memory_space<hbm>> -> memref<16x128xf32, #tpu.memory_space<hbm>>
        %dma_wait3A_359 = arith.constant 0 : i32
        %dma_wait3A_360 = arith.constant 0 : i32
        %dma_wait3A_361 = tpu.memref_slice %arg7[%dma_wait3A_359, %dma_wait3A_360] : memref<10000x128xf32, #tpu.memory_space<vmem_shared>> -> memref<16x128xf32, #tpu.memory_space<vmem_shared>>
        tpu.wait_dma2 semaphore(%arg16 : memref<!tpu.dma_semaphore, #tpu.memory_space<semaphore_mem>>) src(%dma_wait3A_361 : memref<16x128xf32, #tpu.memory_space<vmem_shared>>) dst(%dma_wait3A_358 : memref<16x128xf32, #tpu.memory_space<hbm>>)
      } else {
      }
    }
    return
  }
}

module attributes {stable_mosaic.version = 14 : i64} {
  func.func @_msg_body(%arg0: i32, %arg1: i32, %arg2: memref<2000x128xf32, #tpu.memory_space<vmem>>, %arg3: memref<1x128x128xf32, #tpu.memory_space<vmem>>, %arg4: memref<1x1x128xf32, #tpu.memory_space<vmem>>, %arg5: memref<1x128x128xf32, #tpu.memory_space<vmem>>, %arg6: memref<1x1x128xf32, #tpu.memory_space<vmem>>, %arg7: memref<2000x64xi32, #tpu.memory_space<vmem>>) attributes {dimension_semantics = [#tpu.dimension_semantics<arbitrary>, #tpu.dimension_semantics<arbitrary>], iteration_bounds = array<i64: 2, 5>, scalar_prefetch = 0 : i64, scratch_operands = 0 : i64, tpu.core_type = #tpu.core_type<tc>, window_params = [{transform_indices = @transform_0, window_bounds = array<i64: 2000, 128>}, {transform_indices = @transform_1, window_bounds = array<i64: 1, 128, 128>}, {transform_indices = @transform_2, window_bounds = array<i64: 1, 1, 128>}, {transform_indices = @transform_3, window_bounds = array<i64: 1, 128, 128>}, {transform_indices = @transform_4, window_bounds = array<i64: 1, 1, 128>}, {transform_indices = @transform_5, window_bounds = array<i64: 2000, 64>}]} {
    %get3A = arith.constant 0 : index
    %get3A_0 = arith.constant 0 : index
    %get3A_1 = vector.load %arg2[%get3A, %get3A_0] : memref<2000x128xf32, #tpu.memory_space<vmem>>, vector<2000x128xf32>
    %get3A_2 = arith.constant 0 : index
    %get3A_3 = arith.constant 0 : index
    %get3A_4 = arith.constant 0 : index
    %get3A_5 = vector.load %arg3[%get3A_2, %get3A_3, %get3A_4] : memref<1x128x128xf32, #tpu.memory_space<vmem>>, vector<1x128x128xf32>
    %get3A_6 = vector.shape_cast %get3A_5 : vector<1x128x128xf32> to vector<128x128xf32>
    %dot_general3A = arith.constant dense<0.000000e+00> : vector<2000x128xf32>
    %dot_general3A_7 = tpu.matmul %get3A_1, %get3A_6, %dot_general3A {dimension_numbers = #tpu.dot_dimension_numbers<[1], [0], [0], [1], [0, 0, 1, 1], [], []>, transpose_lhs_hint = false} : vector<2000x128xf32>, vector<128x128xf32>, vector<2000x128xf32> -> vector<2000x128xf32>
    %get3A_8 = arith.constant 0 : index
    %get3A_9 = arith.constant 0 : index
    %get3A_10 = arith.constant 0 : index
    %get3A_11 = vector.load %arg4[%get3A_8, %get3A_9, %get3A_10] : memref<1x1x128xf32, #tpu.memory_space<vmem>>, vector<1x1x128xf32>
    %get3A_12 = vector.shape_cast %get3A_11 : vector<1x1x128xf32> to vector<1x128xf32>
    %add3A = vector.broadcast %get3A_12 : vector<1x128xf32> to vector<2000x128xf32>
    %add3A_13 = arith.addf %dot_general3A_7, %add3A : vector<2000x128xf32>
    %max3A = arith.constant 0.000000e+00 : f32
    %max3A_14 = vector.broadcast %max3A : f32 to vector<2000x128xf32>
    %max3A_15 = arith.maximumf %add3A_13, %max3A_14 : vector<2000x128xf32>
    %get3A_16 = arith.constant 0 : index
    %get3A_17 = arith.constant 0 : index
    %get3A_18 = arith.constant 0 : index
    %get3A_19 = vector.load %arg5[%get3A_16, %get3A_17, %get3A_18] : memref<1x128x128xf32, #tpu.memory_space<vmem>>, vector<1x128x128xf32>
    %get3A_20 = vector.shape_cast %get3A_19 : vector<1x128x128xf32> to vector<128x128xf32>
    %dot_general3A_21 = arith.constant dense<0.000000e+00> : vector<2000x128xf32>
    %dot_general3A_22 = tpu.matmul %max3A_15, %get3A_20, %dot_general3A_21 {dimension_numbers = #tpu.dot_dimension_numbers<[1], [0], [0], [1], [0, 0, 1, 1], [], []>, transpose_lhs_hint = false} : vector<2000x128xf32>, vector<128x128xf32>, vector<2000x128xf32> -> vector<2000x128xf32>
    %get3A_23 = arith.constant 0 : index
    %get3A_24 = arith.constant 0 : index
    %get3A_25 = arith.constant 0 : index
    %get3A_26 = vector.load %arg6[%get3A_23, %get3A_24, %get3A_25] : memref<1x1x128xf32, #tpu.memory_space<vmem>>, vector<1x1x128xf32>
    %get3A_27 = vector.shape_cast %get3A_26 : vector<1x1x128xf32> to vector<1x128xf32>
    %add3A_28 = vector.broadcast %get3A_27 : vector<1x128xf32> to vector<2000x128xf32>
    %add3A_29 = arith.addf %dot_general3A_22, %add3A_28 : vector<2000x128xf32>
    %max3A_30 = arith.constant 0.000000e+00 : f32
    %max3A_31 = vector.broadcast %max3A_30 : f32 to vector<2000x128xf32>
    %max3A_32 = arith.maximumf %add3A_29, %max3A_31 : vector<2000x128xf32>
    %bitcast_convert_type3A = tpu.bitcast %max3A_32 : vector<2000x128xf32> -> vector<2000x128xi32>
    %add3A_33 = arith.constant 32767 : i32
    %add3A_34 = vector.broadcast %add3A_33 : i32 to vector<2000x128xi32>
    %add3A_35 = arith.addi %bitcast_convert_type3A, %add3A_34 : vector<2000x128xi32>
    %shift_right_logical3A = arith.constant 16 : i32
    %shift_right_logical3A_36 = vector.broadcast %shift_right_logical3A : i32 to vector<2000x128xi32>
    %shift_right_logical3A_37 = arith.shrui %bitcast_convert_type3A, %shift_right_logical3A_36 : vector<2000x128xi32>
    %and3A = arith.constant 1 : i32
    %and3A_38 = vector.broadcast %and3A : i32 to vector<2000x128xi32>
    %and3A_39 = arith.andi %shift_right_logical3A_37, %and3A_38 : vector<2000x128xi32>
    %add3A_40 = arith.addi %add3A_35, %and3A_39 : vector<2000x128xi32>
    %shift_right_logical3A_41 = arith.constant 16 : i32
    %shift_right_logical3A_42 = vector.broadcast %shift_right_logical3A_41 : i32 to vector<2000x128xi32>
    %shift_right_logical3A_43 = arith.shrui %add3A_40, %shift_right_logical3A_42 : vector<2000x128xi32>
    %slice3A = vector.extract_strided_slice %shift_right_logical3A_43 {offsets = [0, 0], sizes = [2000, 64], strides = [1, 1]} : vector<2000x128xi32> to vector<2000x64xi32>
    %slice3A_44 = vector.extract_strided_slice %shift_right_logical3A_43 {offsets = [0, 64], sizes = [2000, 64], strides = [1, 1]} : vector<2000x128xi32> to vector<2000x64xi32>
    %shift_left3A = arith.constant 16 : i32
    %shift_left3A_45 = vector.broadcast %shift_left3A : i32 to vector<2000x64xi32>
    %shift_left3A_46 = arith.shli %slice3A_44, %shift_left3A_45 : vector<2000x64xi32>
    %or3A = arith.ori %slice3A, %shift_left3A_46 : vector<2000x64xi32>
    %swap3A = arith.constant 0 : index
    %swap3A_47 = arith.constant 0 : index
    %swap3A_48 = vector.load %arg7[%swap3A, %swap3A_47] : memref<2000x64xi32, #tpu.memory_space<vmem>>, vector<2000x64xi32>
    tpu.vector_store %arg7[%swap3A, %swap3A_47], %or3A {strides = array<i32>} : memref<2000x64xi32, #tpu.memory_space<vmem>>, vector<2000x64xi32>,
    return
  }
  func.func @transform_0(%arg0: i32, %arg1: i32) -> (i32, i32) {
    %c0_i32 = arith.constant 0 : i32
    %c0_i32_0 = arith.constant 0 : i32
    return %arg1, %c0_i32 : i32, i32
  }
  func.func @transform_1(%arg0: i32, %arg1: i32) -> (i32, i32, i32) {
    %c0_i32 = arith.constant 0 : i32
    %c0_i32_0 = arith.constant 0 : i32
    %c0_i32_1 = arith.constant 0 : i32
    return %arg0, %c0_i32, %c0_i32_0 : i32, i32, i32
  }
  func.func @transform_2(%arg0: i32, %arg1: i32) -> (i32, i32, i32) {
    %c0_i32 = arith.constant 0 : i32
    %c0_i32_0 = arith.constant 0 : i32
    %c0_i32_1 = arith.constant 0 : i32
    return %arg0, %c0_i32, %c0_i32_0 : i32, i32, i32
  }
  func.func @transform_3(%arg0: i32, %arg1: i32) -> (i32, i32, i32) {
    %c0_i32 = arith.constant 0 : i32
    %c0_i32_0 = arith.constant 0 : i32
    %c0_i32_1 = arith.constant 0 : i32
    return %arg0, %c0_i32, %c0_i32_0 : i32, i32, i32
  }
  func.func @transform_4(%arg0: i32, %arg1: i32) -> (i32, i32, i32) {
    %c0_i32 = arith.constant 0 : i32
    %c0_i32_0 = arith.constant 0 : i32
    %c0_i32_1 = arith.constant 0 : i32
    return %arg0, %c0_i32, %c0_i32_0 : i32, i32, i32
  }
  func.func @transform_5(%arg0: i32, %arg1: i32) -> (i32, i32) {
    %mul3A = arith.constant 5 : i32
    %mul3A_0 = arith.muli %arg0, %mul3A : i32
    %add3A = arith.addi %mul3A_0, %arg1 : i32
    %c0_i32 = arith.constant 0 : i32
    %c0_i32_1 = arith.constant 0 : i32
    return %add3A, %c0_i32 : i32, i32
  }
}

module attributes {stable_mosaic.version = 14 : i64} {
  func.func @_upd_body(%arg0: i32, %arg1: memref<2000x128xf32, #tpu.memory_space<vmem>>, %arg2: memref<1x2000x128xf32, #tpu.memory_space<vmem>>, %arg3: memref<1x2000x128xf32, #tpu.memory_space<vmem>>, %arg4: memref<128x128xf32, #tpu.memory_space<vmem>>, %arg5: memref<128x128xf32, #tpu.memory_space<vmem>>, %arg6: memref<1x128xf32, #tpu.memory_space<vmem>>, %arg7: memref<128x128xf32, #tpu.memory_space<vmem>>, %arg8: memref<1x128xf32, #tpu.memory_space<vmem>>, %arg9: memref<2000x128xf32, #tpu.memory_space<vmem>>) attributes {dimension_semantics = [#tpu.dimension_semantics<arbitrary>], iteration_bounds = array<i64: 5>, scalar_prefetch = 0 : i64, scratch_operands = 0 : i64, tpu.core_type = #tpu.core_type<tc>, window_params = [{transform_indices = @transform_0, window_bounds = array<i64: 2000, 128>}, {transform_indices = @transform_1, window_bounds = array<i64: 1, 2000, 128>}, {transform_indices = @transform_2, window_bounds = array<i64: 1, 2000, 128>}, {pipeline_mode = #tpu.pipeline_mode<synchronous>, transform_indices = @transform_3, window_bounds = array<i64: 128, 128>}, {pipeline_mode = #tpu.pipeline_mode<synchronous>, transform_indices = @transform_4, window_bounds = array<i64: 128, 128>}, {pipeline_mode = #tpu.pipeline_mode<synchronous>, transform_indices = @transform_5, window_bounds = array<i64: 1, 128>}, {pipeline_mode = #tpu.pipeline_mode<synchronous>, transform_indices = @transform_6, window_bounds = array<i64: 128, 128>}, {pipeline_mode = #tpu.pipeline_mode<synchronous>, transform_indices = @transform_7, window_bounds = array<i64: 1, 128>}, {transform_indices = @transform_8, window_bounds = array<i64: 2000, 128>}]} {
    %get3A = arith.constant 0 : index
    %get3A_0 = arith.constant 0 : index
    %get3A_1 = arith.constant 0 : index
    %get3A_2 = vector.load %arg2[%get3A, %get3A_0, %get3A_1] : memref<1x2000x128xf32, #tpu.memory_space<vmem>>, vector<1x2000x128xf32>
    %get3A_3 = vector.shape_cast %get3A_2 : vector<1x2000x128xf32> to vector<2000x128xf32>
    %get3A_4 = arith.constant 0 : index
    %get3A_5 = arith.constant 0 : index
    %get3A_6 = arith.constant 0 : index
    %get3A_7 = vector.load %arg3[%get3A_4, %get3A_5, %get3A_6] : memref<1x2000x128xf32, #tpu.memory_space<vmem>>, vector<1x2000x128xf32>
    %get3A_8 = vector.shape_cast %get3A_7 : vector<1x2000x128xf32> to vector<2000x128xf32>
    %add3A = arith.addf %get3A_3, %get3A_8 : vector<2000x128xf32>
    %get3A_9 = arith.constant 0 : index
    %get3A_10 = arith.constant 0 : index
    %get3A_11 = vector.load %arg1[%get3A_9, %get3A_10] : memref<2000x128xf32, #tpu.memory_space<vmem>>, vector<2000x128xf32>
    %get3A_12 = arith.constant 0 : index
    %get3A_13 = arith.constant 0 : index
    %get3A_14 = vector.load %arg4[%get3A_12, %get3A_13] : memref<128x128xf32, #tpu.memory_space<vmem>>, vector<128x128xf32>
    %dot_general3A = arith.constant dense<0.000000e+00> : vector<2000x128xf32>
    %dot_general3A_15 = tpu.matmul %get3A_11, %get3A_14, %dot_general3A {dimension_numbers = #tpu.dot_dimension_numbers<[1], [0], [0], [1], [0, 0, 1, 1], [], []>, transpose_lhs_hint = false} : vector<2000x128xf32>, vector<128x128xf32>, vector<2000x128xf32> -> vector<2000x128xf32>
    %get3A_16 = arith.constant 0 : index
    %get3A_17 = arith.constant 0 : index
    %get3A_18 = vector.load %arg5[%get3A_16, %get3A_17] : memref<128x128xf32, #tpu.memory_space<vmem>>, vector<128x128xf32>
    %dot_general3A_19 = arith.constant dense<0.000000e+00> : vector<2000x128xf32>
    %dot_general3A_20 = tpu.matmul %add3A, %get3A_18, %dot_general3A_19 {dimension_numbers = #tpu.dot_dimension_numbers<[1], [0], [0], [1], [0, 0, 1, 1], [], []>, transpose_lhs_hint = false} : vector<2000x128xf32>, vector<128x128xf32>, vector<2000x128xf32> -> vector<2000x128xf32>
    %add3A_21 = arith.addf %dot_general3A_15, %dot_general3A_20 : vector<2000x128xf32>
    %get3A_22 = arith.constant 0 : index
    %get3A_23 = arith.constant 0 : index
    %get3A_24 = vector.load %arg6[%get3A_22, %get3A_23] : memref<1x128xf32, #tpu.memory_space<vmem>>, vector<1x128xf32>
    %add3A_25 = vector.broadcast %get3A_24 : vector<1x128xf32> to vector<2000x128xf32>
    %add3A_26 = arith.addf %add3A_21, %add3A_25 : vector<2000x128xf32>
    %max3A = arith.constant 0.000000e+00 : f32
    %max3A_27 = vector.broadcast %max3A : f32 to vector<2000x128xf32>
    %max3A_28 = arith.maximumf %add3A_26, %max3A_27 : vector<2000x128xf32>
    %get3A_29 = arith.constant 0 : index
    %get3A_30 = arith.constant 0 : index
    %get3A_31 = vector.load %arg7[%get3A_29, %get3A_30] : memref<128x128xf32, #tpu.memory_space<vmem>>, vector<128x128xf32>
    %dot_general3A_32 = arith.constant dense<0.000000e+00> : vector<2000x128xf32>
    %dot_general3A_33 = tpu.matmul %max3A_28, %get3A_31, %dot_general3A_32 {dimension_numbers = #tpu.dot_dimension_numbers<[1], [0], [0], [1], [0, 0, 1, 1], [], []>, transpose_lhs_hint = false} : vector<2000x128xf32>, vector<128x128xf32>, vector<2000x128xf32> -> vector<2000x128xf32>
    %get3A_34 = arith.constant 0 : index
    %get3A_35 = arith.constant 0 : index
    %get3A_36 = vector.load %arg8[%get3A_34, %get3A_35] : memref<1x128xf32, #tpu.memory_space<vmem>>, vector<1x128xf32>
    %add3A_37 = vector.broadcast %get3A_36 : vector<1x128xf32> to vector<2000x128xf32>
    %add3A_38 = arith.addf %dot_general3A_33, %add3A_37 : vector<2000x128xf32>
    %max3A_39 = arith.constant 0.000000e+00 : f32
    %max3A_40 = vector.broadcast %max3A_39 : f32 to vector<2000x128xf32>
    %max3A_41 = arith.maximumf %add3A_38, %max3A_40 : vector<2000x128xf32>
    %swap3A = arith.constant 0 : index
    %swap3A_42 = arith.constant 0 : index
    %swap3A_43 = vector.load %arg9[%swap3A, %swap3A_42] : memref<2000x128xf32, #tpu.memory_space<vmem>>, vector<2000x128xf32>
    tpu.vector_store %arg9[%swap3A, %swap3A_42], %max3A_41 {strides = array<i32>} : memref<2000x128xf32, #tpu.memory_space<vmem>>, vector<2000x128xf32>,
    return
  }
  func.func @transform_0(%arg0: i32) -> (i32, i32) {
    %c0_i32 = arith.constant 0 : i32
    %c0_i32_0 = arith.constant 0 : i32
    return %arg0, %c0_i32 : i32, i32
  }
  func.func @transform_1(%arg0: i32) -> (i32, i32, i32) {
    %c0_i32 = arith.constant 0 : i32
    %c0_i32_0 = arith.constant 0 : i32
    %c0_i32_1 = arith.constant 0 : i32
    return %c0_i32, %arg0, %c0_i32_0 : i32, i32, i32
  }
  func.func @transform_2(%arg0: i32) -> (i32, i32, i32) {
    %c1_i32 = arith.constant 1 : i32
    %c0_i32 = arith.constant 0 : i32
    %c0_i32_0 = arith.constant 0 : i32
    return %c1_i32, %arg0, %c0_i32 : i32, i32, i32
  }
  func.func @transform_3(%arg0: i32) -> (i32, i32) {
    %c0_i32 = arith.constant 0 : i32
    %c0_i32_0 = arith.constant 0 : i32
    %c0_i32_1 = arith.constant 0 : i32
    return %c0_i32, %c0_i32_0 : i32, i32
  }
  func.func @transform_4(%arg0: i32) -> (i32, i32) {
    %c0_i32 = arith.constant 0 : i32
    %c0_i32_0 = arith.constant 0 : i32
    %c0_i32_1 = arith.constant 0 : i32
    return %c0_i32, %c0_i32_0 : i32, i32
  }
  func.func @transform_5(%arg0: i32) -> (i32, i32) {
    %c0_i32 = arith.constant 0 : i32
    %c0_i32_0 = arith.constant 0 : i32
    %c0_i32_1 = arith.constant 0 : i32
    return %c0_i32, %c0_i32_0 : i32, i32
  }
  func.func @transform_6(%arg0: i32) -> (i32, i32) {
    %c0_i32 = arith.constant 0 : i32
    %c0_i32_0 = arith.constant 0 : i32
    %c0_i32_1 = arith.constant 0 : i32
    return %c0_i32, %c0_i32_0 : i32, i32
  }
  func.func @transform_7(%arg0: i32) -> (i32, i32) {
    %c0_i32 = arith.constant 0 : i32
    %c0_i32_0 = arith.constant 0 : i32
    %c0_i32_1 = arith.constant 0 : i32
    return %c0_i32, %c0_i32_0 : i32, i32
  }
  func.func @transform_8(%arg0: i32) -> (i32, i32) {
    %c0_i32 = arith.constant 0 : i32
    %c0_i32_0 = arith.constant 0 : i32
    return %arg0, %c0_i32 : i32, i32
  }
}

</mosaic_0001>

<sc_bundles>
// kernel: kernel.11.cloned.1.call-start
scs
__scs_entry_jumppad:
0x0: {  	(pc) =	sbr.rel $0x88, $3  }
0x1: {  	(tag) =	ssettag $0x0;
	lr =	simm.s32 $0x1  }
0x2: {  	[smem:$0x3F81] =	sst lr;
	_ =	strace $0xD0000000  }
0x3: {  	_ = 	snop  }
0x4: {  	_ = 	snop  }
0x5: {  	_ = 	snop  }
0x6: {  	_ = 	snop  }
0x7: {  	_ = 	snop  }
__scs_overlays_trampoline_lowered:
0x8: {  	[smem:$0x3F90] =	sst s0  }
0x9: {  	[smem:$0x3F91] =	sst s1  }
0xa: {  	[smem:$0x3F92] =	sst s2  }
0xb: {  	[smem:$0x3F93] =	sst s3  }
0xc: {  	[smem:$0x3F94] =	sst s4  }
0xd: {  	[smem:$0x3F95] =	sst s5  }
0xe: {  	[smem:$0x3F96] =	sst s6  }
0xf: {  	[smem:$0x3F97] =	sst s7  }
0x10: {  	[smem:$0x3F98] =	sst s8  }
0x11: {  	[smem:$0x3F99] =	sst s9;
	s0 =	simm.s32 @!p0 $0x0  }
0x12: {  	s1 =	sld [smem:$0x3F7F];
	s0 =	simm.s32 @p0 $0x1  }
0x13: {  	[smem:$0x3F9A] =	sst s0;
	s0 =	simm.s32 @!p1 $0x0  }
0x14: {  	s2 =	sld [smem:$0x3F7E];
	s0 =	simm.s32 @p1 $0x1  }
0x15: {  	[smem:$0x3F9B] =	sst s0;
	s0 =	simm.s32 @!p2 $0x0  }
0x16: {  	s3 =	sld [smem:$0x3FDB];
	s0 =	simm.s32 @p2 $0x1  }
0x17: {  	s4 =	simm.s32 $0x1BF5;
	[smem:$0x3F9D] =	sst s0  }
0x18: {  	s0 =	sld [smem:$0x3F80];
	_ =	swait.ge [sflag:s4], $0x0  }
0x19: {  	s7 =	sld [smem:$0x3F81]  }
0x1a: {  	s8 =	sadd.s32 $0xFFFFE003, lr  }
0x1b: {  	s9 =	sadd.s32 $0xFFFFFEF7, lr;
	s5 =	simm.s32 $0xFFFFFFFF;
	p2 =	slt.u32 s8, $0xFFFFF086  }
0x1c: {  	p1 =	slt.u32 s9, $0xF7A;
	s5 =	simm.s32 @!p2 $0x0  }
0x1d: {  	s5 =	simm.s32 @p1 $0x1;
	p0 =	seq.s32 s7, s2  }
0x1e: {  	s7 =	smul.u32 @!p0 $0xF7A, s2;
	p2 =	seq.s32 @!p0 s5, $0x0  }
0x1f: {  	s9 =	smul.u32 $0xF7A, s1;
	s8 =	simm.s32 @!p0 $0x1BF5;
	p2 =	por !p2, p0  }
0x20: {  	[sflag:s8] =	ssyncset.s32 @!p0 $0xFFFFF086;
	s6 =	sadd.s32 @!p0 s3, s7;
	s7 =	simm.s32 @!p0 $0x108  }
0x21: {  	s3 =	sadd.s32 s3, s9;
	s6 =	sadd.s32 @!p0 $0x88, s6;
	s7 =	simm.s32 @p2 $0x1082  }
0x22: {  	[simem:s7], [sflag:s8] =	dma.local @!p0 [hbm:s6], $0xF7A  }
0x23: {  	s9 =	sor.u32 $0xD0000000, s2;
	s6 =	simm.s32 $0x108;
	_ =	swait.ge @!p0 [sflag:s8], $0x0  }
0x24: {  	s3 =	sadd.s32 $0x88, s3;
	s6 =	simm.s32 @!p1 $0x1082;
	[sflag:s4] =	ssyncset.s32 $0xFFFFF086  }
0x25: {  	[simem:s6], [sflag:s4] =	dma.local [hbm:s3], $0xF7A  }
0x26: {  	[smem:$0x3F81] =	sst s1;
	(tag) =	ssettag s2;
	_ =	strace s9  }
0x27: {  	s1 =	sld [smem:$0x3F91]  }
0x28: {  	s2 =	sld [smem:$0x3F92]  }
0x29: {  	s4 =	sld [smem:$0x3F94]  }
0x2a: {  	p0 =	seq.s32 s5, $0x0;
	s5 =	sld [smem:$0x3F95]  }
0x2b: {  	s6 =	sld [smem:$0x3F96]  }
0x2c: {  	s7 =	sld [smem:$0x3F97]  }
0x2d: {  	s3 =	simm.s32 $0x108;
	s8 =	sld [smem:$0x3F98]  }
0x2e: {  	s3 =	simm.s32 @!p0 $0x1082;
	s9 =	sld [smem:$0x3F99]  }
0x2f: {  	lr =	sadd.s32 s0, s3;
	s0 =	sld [smem:$0x3F90]  }
0x30: {  	s3 =	sld [smem:$0x3F93]  }
0x31: {  	[smem:$0x3F9C] =	sst s10  }
0x32: {  	s10 =	sld [smem:$0x3F9A];
	_ =	sdelay $0x3  }
0x33: {  	p0 =	seq.s32 s10, $0x1;
	s10 =	sld [smem:$0x3F9C];
	_ =	sdelay $0x3  }
0x34: {  	[smem:$0x3F9C] =	sst s10  }
0x35: {  	s10 =	sld [smem:$0x3F9B];
	_ =	sdelay $0x3  }
0x36: {  	p1 =	seq.s32 s10, $0x1;
	s10 =	sld [smem:$0x3F9C];
	_ =	sdelay $0x3  }
0x37: {  	[smem:$0x3F9C] =	sst s10  }
0x38: {  	s10 =	sld [smem:$0x3F9D]  }
0x39: {  	_ = 	snop;
	(pc) =	sbr.ind lr, $3  }
0x3a: {  	_ = 	snop  }
0x3b: {  	_ = 	snop  }
0x3c: {  	p2 =	seq.s32 s10, $0x1;
	s10 =	sld [smem:$0x3F9C]  }
0x3d: {  	_ =	shalt  }
0x3e: {  	_ =	shalt  }
0x3f: {  	_ =	shalt  }
0x40: {  	_ =	shalt  }
0x41: {  	_ =	shalt  }
0x42: {  	_ =	shalt  }
0x43: {  	_ =	shalt  }
0x44: {  	_ =	shalt  }
0x45: {  	_ =	shalt  }
0x46: {  	_ =	shalt  }
0x47: {  	_ =	shalt  }
0x48: {  	_ =	shalt  }
0x49: {  	_ =	shalt  }
0x4a: {  	_ =	shalt  }
0x4b: {  	_ =	shalt  }
0x4c: {  	_ =	shalt  }
0x4d: {  	_ =	shalt  }
0x4e: {  	_ =	shalt  }
0x4f: {  	_ =	shalt  }
0x50: {  	_ =	shalt  }
0x51: {  	_ =	shalt  }
0x52: {  	_ =	shalt  }
0x53: {  	_ =	shalt  }
0x54: {  	_ =	shalt  }
0x55: {  	_ =	shalt  }
0x56: {  	_ =	shalt  }
0x57: {  	_ =	shalt  }
0x58: {  	_ =	shalt  }
0x59: {  	_ =	shalt  }
0x5a: {  	_ =	shalt  }
0x5b: {  	_ =	shalt  }
0x5c: {  	_ =	shalt  }
0x5d: {  	_ =	shalt  }
0x5e: {  	_ =	shalt  }
0x5f: {  	_ =	shalt  }
0x60: {  	_ =	shalt  }
0x61: {  	_ =	shalt  }
0x62: {  	_ =	shalt  }
0x63: {  	_ =	shalt  }
0x64: {  	_ =	shalt  }
0x65: {  	_ =	shalt  }
0x66: {  	_ =	shalt  }
0x67: {  	_ =	shalt  }
0x68: {  	_ =	shalt  }
0x69: {  	_ =	shalt  }
0x6a: {  	_ =	shalt  }
0x6b: {  	_ =	shalt  }
0x6c: {  	_ =	shalt  }
0x6d: {  	_ =	shalt  }
0x6e: {  	_ =	shalt  }
0x6f: {  	_ =	shalt  }
0x70: {  	_ =	shalt  }
0x71: {  	_ =	shalt  }
0x72: {  	_ =	shalt  }
0x73: {  	_ =	shalt  }
0x74: {  	_ =	shalt  }
0x75: {  	_ =	shalt  }
0x76: {  	_ =	shalt  }
0x77: {  	_ =	shalt  }
0x78: {  	_ =	shalt  }
0x79: {  	_ =	shalt  }
0x7a: {  	_ =	shalt  }
0x7b: {  	_ =	shalt  }
0x7c: {  	_ =	shalt  }
0x7d: {  	_ =	shalt  }
0x7e: {  	_ =	shalt  }
0x7f: {  	_ =	shalt  }
0x80: {  	_ =	shalt  }
0x81: {  	_ =	shalt  }
0x82: {  	_ =	shalt  }
0x83: {  	_ =	shalt  }
0x84: {  	_ =	shalt  }
0x85: {  	_ =	shalt  }
0x86: {  	_ =	shalt  }
0x87: {  	_ =	shalt  }
.Lfunc_end0:
.L_simem_size_0:
called_computation.1_lowered:
.L_overlay_start_0:
0x88: {  	s2 =	sld [smem:$0x3FD9]  }
0x89: {  	s3 =	sld [smem:$0x3FFE];
	_ =	sdelay $0x1  }
0x8a: {  	s1 =	srdreg.scid  }
0x8b: {  	s0 =	sand.u32 $0x1, s1  }
0x8c: {  	s14 =	sshll.u32 s0, $0xA;
	s2 =	sadd.s32 s3, s2  }
0x8d: {  	s2 =	sadd.s32 s2, s14  }
0x8e: {  	[smem:$0x3FA8] =	sst s2  }
0x8f: {  	_ = 	snop  }
0x90: {  	s2 =	sld [smem:$0x3FD0]  }
0x91: {  	s15 =	sld [smem:$0x3FC4]  }
0x92: {  	s4 =	sld [smem:$0x3FC3]  }
0x93: {  	s6 =	simm.s32 $0xB;
	s7 =	simm.s32 $0x10;
	s5 =	sld [smem:$0x3FC2]  }
0x94: {  	[smem:s7], [sflag:s6] =	dma.local [hbm:s2], $0x1  }
0x95: {  	_ =	swait.eq [sflag:s6], $0x1  }
0x96: {  	[sflag:s6] =	ssyncset.done $0x0  }
0x97: {  	[sflag:s6] =	ssyncadd.s32 $0xFFFFFFFF  }
0x98: {  	s16 =	sld [smem:$0x11];
	(tm) =	ssettm $0x1  }
0x99: {  	s17 =	sld [smem:$0x3FFB];
	_ =	sdelay $0x3  }
0x9a: {  	_ =	strace s17  }
0x9b: {  	s6 =	sld [smem:$0x3FFC];
	_ =	sdelay $0x3  }
0x9c: {  	_ =	strace s6  }
0x9d: {  	s6 =	sld [smem:$0x3FFD];
	_ =	sdelay $0x3  }
0x9e: {  	_ =	strace s6  }
0x9f: {  	_ =	strace $0x8FFFFFFF  }
0xa0: {  	s18 =	sld [smem:$0x3FDB];
	_ =	sdelay $0x1  }
0xa1: {  	s19 =	simm.s32 $_scs_section_size  }
0xa2: {  	s8 =	simm.s32 $_size__tile_overlayer_lowered;
	s9 =	simm.s32 $_tile_overlayer_lowered  }
0xa3: {  	s22 =	simm.s32 $0x1BFF;
	s21 =	sshll.u32 s9, $0x1;
	s6 =	sadd.s32 s19, s18  }
0xa4: {  	s10 =	simm.s32 $0x0;
	s20 =	sshll.u32 s8, $0x1;
	s8 =	sadd.s32 s21, s6  }
0xa5: {  	[timem:s10], [sflag:s22] =	dma.local [hbm:s8], s20  }
0xa6: {  	_ =	swait.ge [sflag:s22], s20  }
0xa7: {  	s7 =	ssub.s32 $0x0, s20;
	[sflag:s22] =	ssyncset.done $0x0  }
0xa8: {  	[sflag:s22] =	ssyncadd.s32 s7;
	_ =	sdelay $0x1  }
0xa9: {  	s23 =	simm.s32 $0x1B8B  }
0xaa: {  	_ =	swait.ge [sflag:s23], $0x1  }
0xab: {  	[sflag:s23] =	ssyncset.done $0x0  }
0xac: {  	s25 =	simm.s32 $0x1B8E;
	s24 =	sld [smem:$0x3FFE];
	[sflag:s23] =	ssyncadd.s32 $0xFFFFFFFF  }
0xad: {  	s26 =	simm.s32 $execute0_lowered;
	[smem:$0x3FD2] =	sst s25  }
0xae: {  	s8 =	sshll.u32 s26, $0x1;
	_ =	strace $0x80000046;
	[dreg:$0x1] =	wrdreg $0xFFFFFFFF  }
0xaf: {  	s28 =	simm.s32 $_size_execute0_lowered;
	s6 =	sadd.s32 s6, s8;
	[dreg:$0x0] =	wrdreg $0x0  }
0xb0: {  	s8 =	sshll.u32 s28, $0x1;
	[dreg:$0x2] =	wrdreg s6  }
0xb1: {  	[dreg:$0x3] =	wrdreg s8  }
0xb2: {  	[dreg:$0x4] =	wrdreg $0xC0  }
0xb3: {  	_ =	task [dreg:s10], $0x5FFFF  }
0xb4: {  	[dreg:$0x1] =	wrdreg $0xFFFFFFFF  }
0xb5: {  	[dreg:$0x0] =	wrdreg $0x60  }
0xb6: {  	[dreg:$0x2] =	wrdreg s16  }
0xb7: {  	[dreg:$0x3] =	wrdreg s4  }
0xb8: {  	[dreg:$0x4] =	wrdreg s15  }
0xb9: {  	[dreg:$0x5] =	wrdreg s5  }
0xba: {  	[dreg:$0x6] =	wrdreg s24  }
0xbb: {  	[dreg:$0x7] =	wrdreg $0x0  }
0xbc: {  	[dreg:$0x8] =	wrdreg $0xA  }
0xbd: {  	_ =	task.clear_ibuf [dreg:s10], $0x9FFFF;
	_ =	strace $0x90000046  }
0xbe: {  	s29 =	simm.s32 $0xA;
	_ =	strace $0x80000048  }
0xbf: {  	_ =	swait.ge [sflag:s29], $0x1  }
0xc0: {  	[sflag:s29] =	ssyncadd.s32 $0xFFFFFFFF  }
0xc1: {  	_ =	strace $0x90000048  }
0xc2: {  	_ =	sfence  }
0xc3: {  	s30 =	sld [smem:$0x0];
	_ =	sdelay $0x2  }
0xc4: {  	s31 =	sshll.u32 s1, $0xD;
	s1 =	sshrl.u32 s1, $0x2  }
0xc5: {  	s3 =	sand.u32 $0x4000, s31;
	s1 =	sadd.s32 s1, s30  }
0xc6: {  	s0 =	sor.u32 s3, s0;
	s1 =	sshll.u32 s1, $0x11  }
0xc7: {  	s0 =	sor.u32 s1, s0  }
0xc8: {  	s0 =	sadd.s32 $0x8F2B, s0  }
0xc9: {  	[sflag:s0] =	ssyncadd.remote.s32 $0x1  }
0xca: {  	_ =	sfence.sel $0xFFFF  }
0xcb: {  	[dreg:$0x0] =	wrdreg $0xFFFFFFFF;
	(pc) =	sbr.abs _section_cstart, $3  }
0xcc: {  	[dreg:$0x1] =	wrdreg $0xFFFFFFFF  }
0xcd: {  	_ =	task.clear_ibuf [dreg:s10], $0x2FFFF;
	_ =	strace $0x9FFFFFFF  }
0xce: {  	(tm) =	ssettm $0x7FFFFFFF  }
0xcf: {  	_ =	shalt  }
tec
execute0_lowered:
.L_overlay_start_1:
0x0: {  	(tag) =	ssettag $0x1  }
0x1: {  	s1 =	rddreg [dreg:$0x0]  }
0x2: {  	s2 =	rddreg [dreg:$0x1]  }
0x3: {  	s3 =	rddreg [dreg:$0x2]  }
0x4: {  	s4 =	rddreg [dreg:$0x3]  }
0x5: {  	s0 =	rddreg [dreg:$0x4]  }
0x6: {  	s6 =	rddreg [dreg:$0x5]  }
0x7: {  	s7 =	simm.s32 $0x0;
	s8 =	srdreg.scid;
	s5 =	stileid.u32  }
0x8: {  	s31 =	simm.s32 $0x5;
	s30 =	simm.s32 $0x0;
	[smem:$0x7FF] =	sst s7  }
0x9: {  	s8 =	sand.u32 $0x1, s8;
	s9 =	sshll.u32 s5, $0x1;
	s0 =	sadd.s32 $0x4600, s0  }
0xa: {  	s13 =	ssub.s32 $0x5E, s5;
	p0 =	slt.u32 s5, $0x2;
	s15 =	sshll.u32 s5, $0xE  }
0xb: {  	s9 =	sor.u32 s8, s9;
	s10 =	ssub.s32 $0x2, s8;
	s8 =	smul.u32 $0x138800, s8  }
0xc: {  	_ =	strace $0x80000047;
	s16 =	sshrl.u32 s13, $0x4;
	s11 =	smul.u32 $0x4E, s9  }
0xd: {  	s12 =	sshrl.u32 s10, $0x1;
	s9 =	smin.u32 s9, $0x4;
	[dreg:$0x7] =	wrdreg s16  }
0xe: {  	s12 =	ssub.s32 s10, s12;
	s10 =	simm.s32 $0x4F;
	s9 =	sadd.s32 s9, s11  }
0xf: {  	s28 =	sshrl.u32 s8, $0x3;
	s12 =	smax.u32 s12, $0x1;
	s21 =	sshll.u32 s9, $0x4  }
0x10: {  	s8 =	sadd.s32 s15, s8;
	[dreg:$0xe] =	wrdreg s12;
	s14 =	sadd.s32 s2, s21  }
0x11: {  	s11 =	sadd.s32 $0x138000, s6;
	s22 =	sadd.s32 s3, s21;
	[dreg:$0x8] =	wrdreg s14  }
0x12: {  	s10 =	simm.s32 @!p0 $0x4E;
	s13 =	sadd.s32 s4, s21;
	[dreg:$0x9] =	wrdreg s22  }
0x13: {  	s8 =	sshrl.u32 s8, $0x3;
	s23 =	sadd.s32 $0x10, s21;
	[dreg:$0xa] =	wrdreg s13  }
0x14: {  	s24 =	sadd.s32 s2, s23;
	s25 =	sadd.s32 s3, s23;
	s26 =	sadd.s32 s4, s23  }
0x15: {  	s13 =	simm.s32 $0x2;
	s14 =	sadd.s32 s0, s28;
	[dreg:$0xb] =	wrdreg s24  }
0x16: {  	s22 =	sadd.s32 s15, s6;
	s0 =	sadd.s32 s8, s0;
	[dreg:$0xc] =	wrdreg s25  }
0x17: {  	[dreg:$0xd] =	wrdreg s26;
	s13 =	simm.s32 @!p0 $0x1;
	s18 =	sadd.s32 $0x27000, s14  }
0x18: {  	[dreg:$0xf] =	wrdreg s0;
	s26 =	simm.s32 $0x13C80;
	s29 =	sand.u32 $0x1, s13  }
0x19: {  	v0 =	vimm.f32 $0.0e+00;
	s0 =	simm.s32 $0x80;
	s21 =	sadd.s32 $0x2, s13;
	s20 =	sadd.s32 $0x3, s29  }
.LBB2_1:
0x1a: {  	s8 =	simm.s32 $0x0;
	s12 =	simm.s32 $0x200  }
.LBB2_2:
0x1b: {  	p0 =	sne.s32 s12, $0xFE00;
	[tilespmem:s8+$0x17EF0] =	vst v0  }
0x1c: {  	[tilespmem:s8+$0x17E80] =	vst v0  }
0x1d: {  	[tilespmem:s8+$0x17E90] =	vst v0  }
.Ltmp0:
0x1e: {  	[tilespmem:s8+$0x17EA0] =	vst v0;
	(pc) =	sbr.rel @p0 .LBB2_2-.Ltmp0, $4  }
0x1f: {  	[tilespmem:s8+$0x17EB0] =	vst v0  }
0x20: {  	[tilespmem:s8+$0x17EC0] =	vst v0  }
0x21: {  	[tilespmem:s8+$0x17ED0] =	vst v0  }
0x22: {  	[tilespmem:s8+$0x17EE0] =	vst v0;
	s8 =	sshra.s32 s12, $0x2;
	s12 =	sadd.s32 $0x200, s12  }
0x23: {  	[tilespmem:s8+$0x17EF0] =	vst v0  }
0x24: {  	[tilespmem:s8+$0x17E80] =	vst v0  }
0x25: {  	[tilespmem:s8+$0x17E90] =	vst v0;
	s28 =	sadd.s32 $0xFFFFFFFF, s16  }
0x26: {  	[tilespmem:s8+$0x17EA0] =	vst v0;
	p6 =	sne.s32 s28, $0x0  }
.Ltmp1:
0x27: {  	[tilespmem:s8+$0x17EB0] =	vst v0;
	(pc) =	sbr.rel @!p6 .LBB2_8-.Ltmp1, $4  }
0x28: {  	[tilespmem:s8+$0x17EC0] =	vst v0  }
0x29: {  	[tilespmem:s8+$0x17ED0] =	vst v0;
	p1 =	sgt.u32 s5, $0x4D  }
0x2a: {  	s29 =	sadd.s32 $0x10, s5;
	[tilespmem:s8+$0x17EE0] =	vst v0;
	p2 =	por $0x0, $0x0;
	s8 =	smov.u32 s22  }
0x2b: {  	s14 =	stileid.u32;
	p5 =	por $0x0, $0x0;
	p4 =	por p1, p1  }
0x2c: {  	s13 =	sadd.s32 $0xFFFFFFFF, s28  }
0x2d: {  	p2 =	por p6, p6;
	p3 =	por p1, p1;
	p6 =	sne.s32 s13, $0x0  }
.Ltmp2:
0x2e: {  	p4 =	sne.s32 @p3 s5, $0x4E;
	(pc) =	sbr.rel @!p6 .LBB2_5-.Ltmp2, $4  }
0x2f: {  	s15 =	sadd.s32 $0x10, s29;
	p5 =	por $0x1, $0x1;
	p4 =	por p4, !p3  }
0x30: {  	s12 =	smov.u32 s22;
	s14 =	smov.u32 s29;
	s8 =	simm.s32 @!p4 $0x17E80  }
0x31: {  	[spmem:s11] =	stream.linear.scatter @!p4 [tilespmem:s8], [sflag:$0x9], $0x800, $0x38;
	[tilespmem:$0x1FE80] =	vst v63  }
0x32: {  	s16 =	simm.s32 @!p3 $0x17E80;
	p4 =	sgt.u32 s29, $0x4D;
	s8 =	sadd.s32 $0x40000, s22  }
.LBB2_6:
0x33: {  	[spmem:s12] =	stream.linear.scatter @!p3 [tilespmem:s16], [sflag:$0x9], $0x4000, $0x38;
	[tilespmem:$0x1FE80] =	vst v63  }
0x34: {  	s13 =	sadd.s32 $0xFFFFFFFF, s13  }
0x35: {  	s12 =	smov.u32 s8;
	p3 =	por p4, p4;
	p0 =	sne.s32 s13, $0x0  }
.Ltmp3:
0x36: {  	p4 =	sgt.u32 s15, $0x4D;
	p6 =	sne.s32 @p3 s14, $0x4E;
	(pc) =	sbr.rel @p0 .LBB2_6-.Ltmp3, $4  }
0x37: {  	s14 =	smov.u32 s15;
	p6 =	por p6, !p3  }
0x38: {  	s16 =	simm.s32 @!p6 $0x17E80  }
0x39: {  	[spmem:s11] =	stream.linear.scatter @!p6 [tilespmem:s16], [sflag:$0x9], $0x800, $0x38;
	[tilespmem:$0x1FE80] =	vst v63  }
0x3a: {  	s8 =	sadd.s32 $0x40000, s8;
	s15 =	sadd.s32 $0x10, s15;
	s16 =	simm.s32 @!p3 $0x17E80  }
0x3b: {  	p6 =	por p2, p2;
	p2 =	por $0x0, $0x0  }
.LBB2_8:
0x3c: {  	p0 =	por p3, !p5  }
0x3d: {  	[spmem:s12] =	stream.linear.scatter @!p0 [tilespmem:s16], [sflag:$0x9], $0x4000, $0x38;
	[tilespmem:$0x1FE80] =	vst v63  }
0x3e: {  	p0 =	por p4, p4  }
0x3f: {  	p3 =	sne.s32 @p0 s14, $0x4E  }
0x40: {  	p3 =	por p3, !p0  }
0x41: {  	s12 =	simm.s32 @!p3 $0x17E80  }
0x42: {  	[spmem:s11] =	stream.linear.scatter @!p3 [tilespmem:s12], [sflag:$0x9], $0x800, $0x38;
	[tilespmem:$0x1FE80] =	vst v63  }
.Ltmp4:
0x43: {  	_ = 	snop;
	(pc) =	sbr.rel @!p6 .LBB2_9-.Ltmp4, $4  }
0x44: {  	s12 =	simm.s32 @!p0 $0x17E80  }
0x45: {  	[spmem:s8] =	stream.linear.scatter @!p0 [tilespmem:s12], [sflag:$0x9], $0x4000, $0x38;
	[tilespmem:$0x1FE80] =	vst v63  }
0x46: {  	p0 =	sne.s32 @p1 s5, $0x4E  }
0x47: {  	p3 =	por p0, !p1  }
0x48: {  	s8 =	sadd.s32 $0xFFFFFFFF, s28  }
0x49: {  	s13 =	simm.s32 @!p3 $0x9;
	p0 =	sne.s32 s8, $0x0  }
.Ltmp5:
0x4a: {  	_ =	swait.ge @!p3 [sflag:s13], $0x800;
	(pc) =	sbr.rel @!p0 .LBB2_12-.Ltmp5, $4  }
0x4b: {  	s12 =	sadd.s32 $0x10, s5;
	p4 =	por p1, p1;
	[sflag:s13] =	ssyncset.done @!p3 $0x0  }
0x4c: {  	p1 =	sgt.u32 s12, $0x4D;
	[sflag:s13] =	ssyncadd.s32 @!p3 $0xFFFFF800;
	s13 =	simm.s32 @!p4 $0x9  }
0x4d: {  	p2 =	sne.s32 @p1 s12, $0x4E;
	_ =	swait.ge @!p4 [sflag:s13], $0x4000  }
0x4e: {  	p3 =	por p2, !p1;
	p2 =	por $0x1, $0x1;
	[sflag:s13] =	ssyncset.done @!p4 $0x0  }
.LBB2_11:
0x4f: {  	s8 =	sadd.s32 $0xFFFFFFFF, s8  }
0x50: {  	s14 =	simm.s32 @!p3 $0x9;
	[sflag:s13] =	ssyncadd.s32 @!p4 $0xFFFFC000;
	p5 =	sne.s32 s8, $0x0  }
.Ltmp6:
0x51: {  	_ =	swait.ge @!p3 [sflag:s14], $0x800;
	(pc) =	sbr.rel @p5 .LBB2_11-.Ltmp6, $4  }
0x52: {  	s12 =	sadd.s32 $0x10, s12;
	p4 =	por p1, p1;
	[sflag:s14] =	ssyncset.done @!p3 $0x0  }
0x53: {  	p1 =	sgt.u32 s12, $0x4D;
	s13 =	simm.s32 @!p4 $0x9;
	[sflag:s14] =	ssyncadd.s32 @!p3 $0xFFFFF800  }
0x54: {  	p0 =	sne.s32 @p1 s12, $0x4E;
	_ =	swait.ge @!p4 [sflag:s13], $0x4000  }
0x55: {  	p3 =	por p0, !p1;
	[sflag:s13] =	ssyncset.done @!p4 $0x0  }
.LBB2_12:
0x56: {  	p0 =	por p4, !p2  }
0x57: {  	s8 =	simm.s32 @!p3 $0x9;
	[sflag:s13] =	ssyncadd.s32 @!p0 $0xFFFFC000  }
0x58: {  	_ =	swait.ge @!p3 [sflag:s8], $0x800  }
0x59: {  	p0 =	por p1, p1;
	[sflag:s8] =	ssyncset.done @!p3 $0x0  }
0x5a: {  	[sflag:s8] =	ssyncadd.s32 @!p3 $0xFFFFF800;
	s8 =	simm.s32 @!p0 $0x9  }
0x5b: {  	_ =	swait.ge @!p0 [sflag:s8], $0x4000  }
0x5c: {  	[sflag:s8] =	ssyncset.done @!p0 $0x0  }
0x5d: {  	[sflag:s8] =	ssyncadd.s32 @!p0 $0xFFFFC000  }
0x5e: {  	[bflag:$0x0] =	sbarrier.arrive $0xFFFF  }
0x5f: {  	s12 =	simm.s32 $0x13880;
	s23 =	rddreg [dreg:$0x8]  }
0x60: {  	[tilespmem:s12], [sflag:$0x5] =	stream.linear.gather [hbm4b:s23+s30], $0x80, $0x38;
	[tilespmem:$0x1FE80] =	vst v63  }
0x61: {  	s25 =	simm.s32 $0x13A80;
	s24 =	rddreg [dreg:$0x9]  }
0x62: {  	[tilespmem:s25], [sflag:$0x5] =	stream.linear.gather [hbm4b:s24+s30], $0x80, $0x38;
	[tilespmem:$0x1FE80] =	vst v63  }
0x63: {  	s14 =	rddreg [dreg:$0xa]  }
0x64: {  	[tilespmem:s26], [sflag:$0x5] =	stream.linear.gather [hbm4b:s14+s30], $0x80, $0x38;
	[tilespmem:$0x1FE80] =	vst v63  }
0x65: {  	s16 =	simm.s32 $0x13900;
	s15 =	rddreg [dreg:$0xb]  }
0x66: {  	[tilespmem:s16], [sflag:$0x6] =	stream.linear.gather [hbm4b:s15+s30], $0x80, $0x38;
	[tilespmem:$0x1FE80] =	vst v63  }
0x67: {  	s19 =	simm.s32 $0x13B00;
	s17 =	rddreg [dreg:$0xc]  }
0x68: {  	[tilespmem:s19], [sflag:$0x6] =	stream.linear.gather [hbm4b:s17+s30], $0x80, $0x38;
	[tilespmem:$0x1FE80] =	vst v63  }
0x69: {  	s23 =	rddreg [dreg:$0xd];
	s24 =	simm.s32 $0x13D00  }
0x6a: {  	[tilespmem:s24], [sflag:$0x6] =	stream.linear.gather [hbm4b:s23+s30], $0x80, $0x38;
	[tilespmem:$0x1FE80] =	vst v63  }
0x6b: {  	_ =	swait.ge [sflag:s31], $0x80  }
0x6c: {  	[sflag:s31] =	ssyncset.done $0x0  }
0x6d: {  	[sflag:s31] =	ssyncadd.s32 $0xFFFFFF80  }
0x6e: {  	_ =	swait.ge [sflag:s31], $0x80  }
0x6f: {  	[sflag:s31] =	ssyncset.done $0x0  }
0x70: {  	[sflag:s31] =	ssyncadd.s32 $0xFFFFFF80  }
0x71: {  	_ =	swait.ge [sflag:s31], $0x80  }
0x72: {  	[sflag:s31] =	ssyncset.done $0x0  }
0x73: {  	s25 =	simm.s32 $0x13E80;
	[sflag:s31] =	ssyncadd.s32 $0xFFFFFF80  }
0x74: {  	[tilespmem:s25], [sflag:$0x1] =	stream.indirect.gather [hbm4b:s1+s0], $0x40, s12, s0, $0xb8;
	[tilespmem:$0x1FE80] =	vst v63  }
0x75: {  	p1 =	por $0x0, $0x0;
	s12 =	simm.s32 $0x0  }
.LBB2_13:
0x76: {  	s8 =	smov.u32 s12  }
0x77: {  	s25 =	sand.u32 $0x1, s12;
	p0 =	slt.u32 s12, $0x2;
	s12 =	sadd.s32 $0x2, s12  }
0x78: {  	s13 =	sadd.s32 @!p0 $0x3, s25;
	p2 =	sge.u32 s12, s10  }
0x79: {  	_ =	swait.ge @!p0 [sflag:s13], $0x4000;
	s14 =	sadd.s32 @!p2 s9, s8  }
0x7a: {  	[sflag:s13] =	ssyncset.done @!p0 $0x0;
	s14 =	sshll.u32 @!p2 s14, $0x4  }
0x7b: {  	s12 =	sand.u32 @!p2 $0x3, s12;
	[sflag:s13] =	ssyncadd.s32 @!p0 $0xFFFFC000;
	s13 =	sand.u32 @!p2 $0x1FFFFFF0, s14  }
0x7c: {  	s17 =	simm.s32 @!p2 $0x0;
	s15 =	sshll.u32 @!p2 s12, $0x7;
	s13 =	sadd.s32 @!p2 $0x20, s13  }
0x7d: {  	s14 =	sadd.s32 @!p2 $0x5, s12;
	s12 =	sadd.s32 @!p2 $0x13880, s15;
	s16 =	sadd.s32 @!p2 s2, s13  }
0x7e: {  	[tilespmem:s12], [sflag:s14] =	stream.linear.gather @!p2 [hbm4b:s16+s17], $0x80, $0x38;
	[tilespmem:$0x1FE80] =	vst v63  }
0x7f: {  	s12 =	sadd.s32 @!p2 $0x13A80, s15;
	s16 =	sadd.s32 @!p2 s3, s13  }
0x80: {  	[tilespmem:s12], [sflag:s14] =	stream.linear.gather @!p2 [hbm4b:s16+s17], $0x80, $0x38;
	[tilespmem:$0x1FE80] =	vst v63  }
0x81: {  	s15 =	sadd.s32 @!p2 $0x13C80, s15;
	s13 =	sadd.s32 @!p2 s4, s13;
	s12 =	sadd.s32 $0x1, s8  }
0x82: {  	[tilespmem:s15], [sflag:s14] =	stream.linear.gather @!p2 [hbm4b:s13+s17], $0x80, $0x38;
	[tilespmem:$0x1FE80] =	vst v63  }
0x83: {  	p2 =	sge.u32 s12, s10  }
0x84: {  	s13 =	sand.u32 @!p2 $0x3, s12  }
0x85: {  	s14 =	sadd.s32 @!p2 $0x5, s13  }
0x86: {  	_ =	swait.ge @!p2 [sflag:s14], $0x80  }
0x87: {  	[sflag:s14] =	ssyncset.done @!p2 $0x0  }
0x88: {  	[sflag:s14] =	ssyncadd.s32 @!p2 $0xFFFFFF80  }
0x89: {  	_ =	swait.ge @!p2 [sflag:s14], $0x80  }
0x8a: {  	[sflag:s14] =	ssyncset.done @!p2 $0x0  }
0x8b: {  	s24 =	simm.s32 $0x3;
	[sflag:s14] =	ssyncadd.s32 @!p2 $0xFFFFFF80  }
0x8c: {  	s8 =	sand.u32 $0x3, s8;
	s13 =	sshll.u32 @!p2 s13, $0x7;
	_ =	swait.ge @!p2 [sflag:s14], $0x80  }
0x8d: {  	s15 =	sand.u32 $0x1, s12;
	s16 =	sadd.s32 @!p2 $0x13880, s13;
	[sflag:s14] =	ssyncset.done @!p2 $0x0  }
0x8e: {  	v1 =	vmov s24;
	s13 =	sshll.u32 s8, $0x7;
	[sflag:s14] =	ssyncadd.s32 @!p2 $0xFFFFFF80;
	s14 =	sshll.u32 @!p2 s15, $0xD  }
0x8f: {  	v1 =	vand.u32 $0x7F, v1;
	v2 =	vmov s13;
	s8 =	sadd.s32 @!p2 $0x13E80, s14;
	s14 =	sadd.s32 @!p2 $0x1, s15;
	s15 =	simm.s32 @!p2 $0x80  }
0x90: {  	v1 =	vor.u32 v2, v1;
	[tilespmem:s8], [sflag:s14] =	stream.indirect.gather @!p2 [hbm4b:s1+s15], $0x40, s16, s15, $0xb8;
	[tilespmem:$0x1FE80] =	vst v63  }
0x91: {  	v1 =	vbroadcast v1, $0x0;
	s16 =	simm.s32 $0x1  }
0x92: {  	s17 =	sadd.s32 $0x1, s25;
	s14 =	simm.s32 $0x1;
	v3 =	vmov s16  }
0x93: {  	s19 =	simm.s32 $0x2;
	s14 =	simm.s32 @!p1 $0x0;
	_ =	swait.ge [sflag:s17], $0x2000;
	v3 =	vand.u32 $0x7D, v3  }
0x94: {  	v4 =	vmov s19;
	s23 =	sshll.u32 s14, $0xD;
	[sflag:s17] =	ssyncset.done $0x0;
	v3 =	vor.u32 v2, v3  }
0x95: {  	v4 =	vand.u32 $0x7E, v4;
	s8 =	sadd.s32 $0x13F00, s23;
	[sflag:s17] =	ssyncadd.s32 $0xFFFFE000;
	v3 =	vbroadcast v3, $0x0  }
0x96: {  	v5 =	vmov s30;
	v4 =	vor.u32 v2, v4;
	v6 =	vld [tilespmem:s8+$0x40]  }
0x97: {  	v5 =	vand.u32 $0x7C, v5;
	v4 =	vbroadcast v4, $0x0;
	v9 =	vld.idx.msk [tilespmem:v1+s26+$0x0], $0xffff  }
0x98: {  	v1 =	vor.u32 v2, v5  }
0x99: {  	v1 =	vbroadcast v1, $0x0  }
0x9a: {  	v5 =	vld [tilespmem:s8+$0xFFFFFFC0]  }
0x9b: {  	v7 =	vld.idx.msk [tilespmem:v3+s26+$0x0], $0xffff;
	v3 =	vshll.u32 v6, $0x10  }
0x9c: {  	s14 =	sshll.u32 s14, $0xE;
	v10 =	vld [tilespmem:s8+$0x0];
	v6 =	vand.u32 $0xFFFF0000, v6;
	v3 =	vmul.f32 v3, v9  }
0x9d: {  	s14 =	sadd.s32 $0x17F80, s14;
	v8 =	vld.idx.msk [tilespmem:v4+s26+$0x0], $0xffff;
	v4 =	vmul.f32 v6, v9  }
0x9e: {  	v11 =	vld [tilespmem:s8+$0xFFFFFF80];
	[tilespmem:s14+$0x80] =	vst v3  }
0x9f: {  	v6 =	vld.idx.msk [tilespmem:v1+s26+$0x0], $0xffff;
	v1 =	vshll.u32 v5, $0x10;
	[tilespmem:s14+$0xC0] =	vst v4  }
0xa0: {  	v3 =	vand.u32 $0xFFFF0000, v5;
	v4 =	vld [tilespmem:s8+$0x50];
	v1 =	vmul.f32 v1, v7  }
0xa1: {  	v5 =	vshll.u32 v10, $0x10;
	v3 =	vmul.f32 v3, v7  }
0xa2: {  	v10 =	vand.u32 $0xFFFF0000, v10;
	v5 =	vmul.f32 v5, v8;
	[tilespmem:s14+$0xFFFFFF80] =	vst v1  }
0xa3: {  	v10 =	vmul.f32 v10, v8;
	v1 =	vshll.u32 v11, $0x10;
	[tilespmem:s14+$0xFFFFFFC0] =	vst v3  }
0xa4: {  	[tilespmem:s14+$0x0] =	vst v5;
	v3 =	vand.u32 $0xFFFF0000, v11;
	v1 =	vmul.f32 v1, v6;
	v11 =	vld [tilespmem:s8+$0xFFFFFFD0]  }
0xa5: {  	[tilespmem:s14+$0x40] =	vst v10;
	v3 =	vmul.f32 v3, v6;
	v5 =	vshll.u32 v4, $0x10  }
0xa6: {  	s24 =	simm.s32 $0x4;
	v4 =	vand.u32 $0xFFFF0000, v4;
	[tilespmem:s14+$0xFFFFFF00] =	vst v1;
	v1 =	vld [tilespmem:s8+$0x10];
	v5 =	vmul.f32 v5, v9  }
0xa7: {  	s16 =	simm.s32 $0x5;
	v10 =	vmov s24;
	[tilespmem:s14+$0xFFFFFF40] =	vst v3;
	v3 =	vmul.f32 v4, v9  }
0xa8: {  	v4 =	vand.u32 $0x7C, v10;
	v10 =	vmov s16;
	v12 =	vld [tilespmem:s8+$0xFFFFFF90];
	[tilespmem:s14+$0x90] =	vst v5  }
0xa9: {  	v4 =	vor.u32 v2, v4;
	v5 =	vand.u32 $0x7D, v10;
	[tilespmem:s14+$0xD0] =	vst v3;
	v10 =	vshll.u32 v11, $0x10  }
0xaa: {  	v3 =	vbroadcast v4, $0x0;
	v4 =	vand.u32 $0xFFFF0000, v11;
	v11 =	vld [tilespmem:s8+$0x60];
	v10 =	vmul.f32 v10, v7  }
0xab: {  	v5 =	vor.u32 v2, v5;
	v4 =	vmul.f32 v4, v7;
	v13 =	vshll.u32 v1, $0x10  }
0xac: {  	s17 =	simm.s32 $0x7;
	v5 =	vbroadcast v5, $0x0;
	v1 =	vand.u32 $0xFFFF0000, v1;
	[tilespmem:s14+$0xFFFFFF90] =	vst v10;
	v10 =	vmul.f32 v13, v8  }
0xad: {  	v1 =	vmul.f32 v1, v8;
	v13 =	vshll.u32 v12, $0x10;
	[tilespmem:s14+$0xFFFFFFD0] =	vst v4;
	v4 =	vmov s17  }
0xae: {  	v12 =	vand.u32 $0xFFFF0000, v12;
	v13 =	vmul.f32 v13, v6;
	v14 =	vld [tilespmem:s8+$0xFFFFFFE0];
	v4 =	vand.u32 $0x7F, v4;
	[tilespmem:s14+$0x10] =	vst v10  }
0xaf: {  	v10 =	vmul.f32 v12, v6;
	[tilespmem:s14+$0x50] =	vst v1;
	v1 =	vor.u32 v2, v4;
	v4 =	vshll.u32 v11, $0x10  }
0xb0: {  	v11 =	vand.u32 $0xFFFF0000, v11;
	[tilespmem:s14+$0xFFFFFF10] =	vst v13;
	v12 =	vld [tilespmem:s8+$0x20];
	v13 =	vbroadcast v1, $0x0;
	v4 =	vmul.f32 v4, v9  }
0xb1: {  	s19 =	simm.s32 $0x6;
	v1 =	vld.idx.msk [tilespmem:v3+s26+$0x0], $0xffff;
	v3 =	vmul.f32 v11, v9;
	[tilespmem:s14+$0xFFFFFF50] =	vst v10  }
0xb2: {  	v10 =	vmov s19;
	v11 =	vld [tilespmem:s8+$0xFFFFFFA0];
	[tilespmem:s14+$0xA0] =	vst v4  }
0xb3: {  	v10 =	vand.u32 $0x7E, v10;
	v4 =	vld.idx.msk [tilespmem:v5+s26+$0x0], $0xffff;
	[tilespmem:s14+$0xE0] =	vst v3;
	v5 =	vshll.u32 v14, $0x10  }
0xb4: {  	s24 =	sadd.s32 $0x100, s8;
	v3 =	vor.u32 v2, v10;
	v10 =	vand.u32 $0xFFFF0000, v14;
	v14 =	vld [tilespmem:s8+$0x70];
	v5 =	vmul.f32 v5, v7  }
0xb5: {  	v16 =	vld [tilespmem:s24+$0x40];
	v3 =	vbroadcast v3, $0x0;
	v10 =	vmul.f32 v10, v7;
	v15 =	vshll.u32 v12, $0x10  }
0xb6: {  	v12 =	vand.u32 $0xFFFF0000, v12;
	[tilespmem:s14+$0xFFFFFFA0] =	vst v5;
	v15 =	vmul.f32 v15, v8;
	v5 =	vld.idx.msk [tilespmem:v13+s26+$0x0], $0xffff  }
0xb7: {  	v12 =	vmul.f32 v12, v8;
	[tilespmem:s14+$0xFFFFFFE0] =	vst v10;
	v10 =	vld [tilespmem:s24+$0xFFFFFF80];
	v13 =	vshll.u32 v11, $0x10  }
0xb8: {  	v11 =	vand.u32 $0xFFFF0000, v11;
	v13 =	vmul.f32 v13, v6;
	[tilespmem:s14+$0x20] =	vst v15;
	v15 =	vld [tilespmem:s24+$0xFFFFFFC0]  }
0xb9: {  	v11 =	vmul.f32 v11, v6;
	[tilespmem:s14+$0x60] =	vst v12;
	v12 =	vld [tilespmem:s24+$0x0];
	v17 =	vand.u32 $0xFFFF0000, v14  }
0xba: {  	v18 =	vshll.u32 v16, $0x10;
	v17 =	vmul.f32 v17, v9;
	[tilespmem:s14+$0xFFFFFF20] =	vst v13;
	v13 =	vshll.u32 v14, $0x10;
	v14 =	vld [tilespmem:s8+$0xFFFFFFF0]  }
0xbb: {  	s23 =	simm.s32 $0x8;
	v3 =	vld.idx.msk [tilespmem:v3+s26+$0x0], $0xffff;
	[tilespmem:s14+$0xFFFFFF60] =	vst v11;
	v11 =	vand.u32 $0xFFFF0000, v16;
	v16 =	vmul.f32 v18, v5  }
0xbc: {  	v19 =	vmov s23;
	s16 =	sadd.s32 $0x200, s14;
	v9 =	vmul.f32 v13, v9;
	v18 =	vld [tilespmem:s8+$0x30];
	[tilespmem:s14+$0xF0] =	vst v17;
	v11 =	vmul.f32 v11, v5  }
0xbd: {  	v13 =	vand.u32 $0x7C, v19;
	v17 =	vshll.u32 v10, $0x10;
	v19 =	vld [tilespmem:s8+$0xFFFFFFB0];
	v20 =	vshll.u32 v15, $0x10;
	[tilespmem:s16+$0x80] =	vst v16  }
0xbe: {  	v10 =	vand.u32 $0xFFFF0000, v10;
	v15 =	vand.u32 $0xFFFF0000, v15;
	[tilespmem:s16+$0xC0] =	vst v11;
	v20 =	vmul.f32 v20, v4  }
0xbf: {  	v17 =	vmul.f32 v17, v1;
	v16 =	vshll.u32 v12, $0x10;
	[tilespmem:s14+$0xB0] =	vst v9;
	v11 =	vmul.f32 v15, v4;
	v15 =	vld [tilespmem:s24+$0x50]  }
0xc0: {  	v10 =	vmul.f32 v10, v1;
	v9 =	vand.u32 $0xFFFF0000, v12;
	v16 =	vmul.f32 v16, v3;
	[tilespmem:s16+$0xFFFFFF80] =	vst v20  }
0xc1: {  	v12 =	vshll.u32 v14, $0x10;
	v9 =	vmul.f32 v9, v3;
	v14 =	vand.u32 $0xFFFF0000, v14;
	[tilespmem:s16+$0xFFFFFFC0] =	vst v11  }
0xc2: {  	v20 =	vshll.u32 v18, $0x10;
	v11 =	vshll.u32 v19, $0x10;
	v19 =	vand.u32 $0xFFFF0000, v19;
	[tilespmem:s16+$0x0] =	vst v16  }
0xc3: {  	v18 =	vand.u32 $0xFFFF0000, v18;
	v12 =	vmul.f32 v12, v7;
	v14 =	vmul.f32 v14, v7;
	v21 =	vld [tilespmem:s24+$0xFFFFFFD0];
	[tilespmem:s16+$0x40] =	vst v9  }
0xc4: {  	[tilespmem:s16+$0xFFFFFF00] =	vst v17;
	v9 =	vmul.f32 v20, v8;
	v8 =	vmul.f32 v18, v8;
	v17 =	vld [tilespmem:s24+$0x10];
	v18 =	vshll.u32 v15, $0x10  }
0xc5: {  	s15 =	simm.s32 $0x9;
	[tilespmem:s16+$0xFFFFFF40] =	vst v10;
	v7 =	vmul.f32 v11, v6;
	v10 =	vand.u32 $0xFFFF0000, v15;
	v11 =	vmul.f32 v18, v5  }
0xc6: {  	s17 =	simm.s32 $0xA;
	v16 =	vmov s15;
	v6 =	vmul.f32 v19, v6;
	[tilespmem:s14+$0xFFFFFFB0] =	vst v12;
	v10 =	vmul.f32 v10, v5  }
0xc7: {  	v12 =	vor.u32 v2, v13;
	v16 =	vand.u32 $0x7D, v16;
	v15 =	vmov s17;
	v18 =	vld [tilespmem:s24+$0xFFFFFF90];
	[tilespmem:s16+$0x90] =	vst v11  }
0xc8: {  	v13 =	vshll.u32 v21, $0x10;
	v11 =	vand.u32 $0xFFFF0000, v21;
	[tilespmem:s16+$0xD0] =	vst v10;
	v10 =	vbroadcast v12, $0x0  }
0xc9: {  	v19 =	vmul.f32 v13, v4;
	v12 =	vmul.f32 v11, v4;
	v11 =	vshll.u32 v17, $0x10  }
0xca: {  	[tilespmem:s14+$0xFFFFFFF0] =	vst v14;
	v14 =	vor.u32 v2, v16;
	v13 =	vld [tilespmem:s24+$0x60];
	v16 =	vand.u32 $0xFFFF0000, v17;
	v17 =	vmul.f32 v11, v3  }
0xcb: {  	s19 =	simm.s32 $0xB;
	v15 =	vand.u32 $0x7E, v15;
	v11 =	vbroadcast v14, $0x0;
	v16 =	vmul.f32 v16, v3;
	[tilespmem:s16+$0xFFFFFF90] =	vst v19  }
0xcc: {  	v14 =	vshll.u32 v18, $0x10;
	[tilespmem:s16+$0xFFFFFFD0] =	vst v12;
	v12 =	vor.u32 v2, v15;
	v15 =	vmov s19  }
0xcd: {  	v19 =	vmul.f32 v14, v1;
	[tilespmem:s16+$0x10] =	vst v17;
	v12 =	vbroadcast v12, $0x0;
	v17 =	vand.u32 $0xFFFF0000, v18;
	v14 =	vld [tilespmem:s24+$0xFFFFFFE0]  }
0xce: {  	s23 =	sshll.u32 s25, $0xE;
	s8 =	simm.s32 $0xC;
	v15 =	vand.u32 $0x7F, v15;
	[tilespmem:s16+$0x50] =	vst v16;
	v16 =	vmul.f32 v17, v1  }
0xcf: {  	s15 =	sadd.s32 $0x17E80, s23;
	s17 =	smov.u32 s16;
	s19 =	smov.u32 s24;
	v17 =	vor.u32 v2, v15;
	v15 =	vld [tilespmem:s24+$0x20];
	[tilespmem:s16+$0xFFFFFF10] =	vst v19;
	v18 =	vshll.u32 v13, $0x10  }
.LBB2_14:
0xd0: {  	p2 =	slt.u32 s8, $0x7C;
	v10 =	vld.idx.msk [tilespmem:v10+s26+$0x0], $0xffff;
	v17 =	vbroadcast v17, $0x0;
	[tilespmem:s16+$0xFFFFFF50] =	vst v16;
	v13 =	vand.u32 $0xFFFF0000, v13;
	v16 =	vmul.f32 v18, v5  }
0xd1: {  	v18 =	vld [tilespmem:s24+$0xFFFFFFA0];
	v13 =	vmul.f32 v13, v5;
	[tilespmem:s14+$0x30] =	vst v9  }
0xd2: {  	v9 =	vld.idx.msk [tilespmem:v11+s26+$0x0], $0xffff;
	v11 =	vshll.u32 v14, $0x10;
	v14 =	vand.u32 $0xFFFF0000, v14;
	[tilespmem:s16+$0xA0] =	vst v16  }
0xd3: {  	v12 =	vld.idx.msk [tilespmem:v12+s26+$0x0], $0xffff;
	v11 =	vmul.f32 v11, v4;
	v14 =	vmul.f32 v14, v4;
	[tilespmem:s16+$0xE0] =	vst v13  }
0xd4: {  	s24 =	sadd.s32 $0x100, s24;
	v13 =	vshll.u32 v15, $0x10;
	v15 =	vand.u32 $0xFFFF0000, v15;
	v16 =	vld [tilespmem:s19+$0x70];
	[tilespmem:s14+$0x70] =	vst v8  }
0xd5: {  	v8 =	vld [tilespmem:s24+$0x40];
	[tilespmem:s16+$0xFFFFFFA0] =	vst v11;
	v11 =	vmul.f32 v13, v3;
	v13 =	vmul.f32 v15, v3  }
0xd6: {  	v15 =	vld.idx.msk [tilespmem:v17+s26+$0x0], $0xffff;
	v17 =	vshll.u32 v18, $0x10;
	v18 =	vand.u32 $0xFFFF0000, v18;
	[tilespmem:s16+$0xFFFFFFE0] =	vst v14  }
0xd7: {  	v14 =	vld [tilespmem:s24+$0xFFFFFF80];
	v17 =	vmul.f32 v17, v1;
	v18 =	vmul.f32 v18, v1;
	[tilespmem:s16+$0x20] =	vst v11  }
0xd8: {  	v11 =	vld [tilespmem:s24+$0xFFFFFFC0];
	[tilespmem:s16+$0x60] =	vst v13  }
0xd9: {  	v13 =	vld [tilespmem:s24+$0x0];
	[tilespmem:s16+$0xFFFFFF20] =	vst v17;
	v17 =	vshll.u32 v16, $0x10;
	v16 =	vand.u32 $0xFFFF0000, v16  }
0xda: {  	v19 =	vmov s8;
	[tilespmem:s16+$0xFFFFFF60] =	vst v18;
	v18 =	vld [tilespmem:s19+$0xFFFFFFF0];
	v17 =	vmul.f32 v17, v5;
	v22 =	vmul.f32 v16, v5  }
0xdb: {  	v16 =	vand.u32 $0x7C, v19;
	v19 =	vshll.u32 v8, $0x10;
	v20 =	vld [tilespmem:s19+$0x30];
	[tilespmem:s14+$0xFFFFFF30] =	vst v7  }
0xdc: {  	v8 =	vand.u32 $0xFFFF0000, v8;
	v19 =	vmul.f32 v19, v15;
	v5 =	vmovc v15;
	v7 =	vshll.u32 v14, $0x10;
	v21 =	vld [tilespmem:s19+$0xFFFFFFB0];
	[tilespmem:s16+$0xF0] =	vst v22;
	s19 =	smov.u32 s24  }
0xdd: {  	v14 =	vand.u32 $0xFFFF0000, v14;
	v8 =	vmul.f32 v8, v5;
	s16 =	sadd.s32 $0x200, s16;
	v15 =	vshll.u32 v11, $0x10;
	[tilespmem:s17+$0xB0] =	vst v17  }
0xde: {  	v11 =	vand.u32 $0xFFFF0000, v11;
	v17 =	vshll.u32 v13, $0x10;
	v13 =	vand.u32 $0xFFFF0000, v13;
	[tilespmem:s16+$0x80] =	vst v19  }
0xdf: {  	v15 =	vmul.f32 v15, v9;
	v11 =	vmul.f32 v11, v9;
	[tilespmem:s16+$0xC0] =	vst v8;
	v8 =	vshll.u32 v18, $0x10  }
0xe0: {  	v17 =	vmul.f32 v17, v12;
	v13 =	vmul.f32 v13, v12;
	v18 =	vand.u32 $0xFFFF0000, v18;
	v19 =	vld [tilespmem:s24+$0x50];
	[tilespmem:s14+$0xFFFFFF70] =	vst v6;
	s14 =	smov.u32 s17;
	s17 =	smov.u32 s16  }
0xe1: {  	v14 =	vmul.f32 v14, v10;
	v6 =	vmul.f32 v7, v10;
	v7 =	vshll.u32 v20, $0x10;
	[tilespmem:s16+$0xFFFFFF80] =	vst v15  }
0xe2: {  	s23 =	sadd.s32 $0x1, s8;
	v20 =	vand.u32 $0xFFFF0000, v20;
	v15 =	vand.u32 $0xFFFF0000, v21;
	[tilespmem:s16+$0xFFFFFFC0] =	vst v11;
	v11 =	vshll.u32 v21, $0x10  }
0xe3: {  	v18 =	vmul.f32 v18, v4;
	v21 =	vmov s23;
	s23 =	sadd.s32 $0x2, s8;
	v22 =	vld [tilespmem:s24+$0xFFFFFFD0];
	[tilespmem:s16+$0x0] =	vst v17;
	v17 =	vmul.f32 v8, v4;
	v4 =	vmovc v9  }
0xe4: {  	v23 =	vmov s23;
	v9 =	vmul.f32 v7, v3;
	v8 =	vmul.f32 v20, v3;
	v3 =	vmovc v12;
	[tilespmem:s16+$0x40] =	vst v13  }
0xe5: {  	v7 =	vmul.f32 v11, v1;
	[tilespmem:s16+$0xFFFFFF00] =	vst v6;
	v12 =	vld [tilespmem:s24+$0x10];
	v13 =	vshll.u32 v19, $0x10;
	v6 =	vmul.f32 v15, v1;
	v1 =	vmovc v10  }
0xe6: {  	v10 =	vor.u32 v2, v16;
	v11 =	vand.u32 $0xFFFF0000, v19;
	[tilespmem:s16+$0xFFFFFF40] =	vst v14;
	v13 =	vmul.f32 v13, v5  }
0xe7: {  	v15 =	vand.u32 $0x7E, v23;
	v14 =	vand.u32 $0x7D, v21;
	v11 =	vmul.f32 v11, v5;
	v16 =	vld [tilespmem:s24+$0xFFFFFF90];
	[tilespmem:s14+$0xFFFFFFB0] =	vst v17  }
0xe8: {  	v10 =	vbroadcast v10, $0x0;
	v17 =	vshll.u32 v22, $0x10;
	v19 =	vand.u32 $0xFFFF0000, v22;
	[tilespmem:s16+$0x90] =	vst v13  }
0xe9: {  	v13 =	vor.u32 v2, v14;
	v14 =	vmul.f32 v17, v4;
	v17 =	vmul.f32 v19, v4;
	[tilespmem:s16+$0xD0] =	vst v11  }
0xea: {  	v11 =	vbroadcast v13, $0x0;
	v19 =	vshll.u32 v12, $0x10;
	v12 =	vand.u32 $0xFFFF0000, v12;
	v13 =	vld [tilespmem:s24+$0x60];
	[tilespmem:s14+$0xFFFFFFF0] =	vst v18  }
.Ltmp7:
0xeb: {  	v15 =	vor.u32 v2, v15;
	[tilespmem:s16+$0xFFFFFF90] =	vst v14;
	v18 =	vmul.f32 v19, v3;
	v19 =	vmul.f32 v12, v3;
	(pc) =	sbr.rel @p2 .LBB2_14-.Ltmp7, $4  }
0xec: {  	s23 =	sadd.s32 $0x3, s8;
	v12 =	vbroadcast v15, $0x0;
	v14 =	vshll.u32 v16, $0x10;
	v15 =	vand.u32 $0xFFFF0000, v16;
	[tilespmem:s16+$0xFFFFFFD0] =	vst v17  }
0xed: {  	v17 =	vmov s23;
	v20 =	vmul.f32 v14, v1;
	v16 =	vmul.f32 v15, v1;
	v14 =	vld [tilespmem:s24+$0xFFFFFFE0];
	[tilespmem:s16+$0x10] =	vst v18  }
0xee: {  	v15 =	vand.u32 $0x7F, v17;
	[tilespmem:s16+$0x50] =	vst v19  }
0xef: {  	s8 =	sadd.s32 $0x4, s8;
	v17 =	vor.u32 v2, v15;
	[tilespmem:s16+$0xFFFFFF10] =	vst v20;
	v15 =	vld [tilespmem:s24+$0x20];
	v18 =	vshll.u32 v13, $0x10  }
0xf0: {  	[tilespmem:s16+$0xFFFFFF50] =	vst v16  }
0xf1: {  	[tilespmem:s14+$0x30] =	vst v9  }
0xf2: {  	v2 =	vand.u32 $0xFFFF0000, v13;
	v43 =	vmul.f32 v18, v5;
	v44 =	vbroadcast v17, $0x0;
	[tilespmem:s14+$0x70] =	vst v8  }
0xf3: {  	[tilespmem:s14+$0xFFFFFF30] =	vst v7;
	v45 =	vld [tilespmem:s24+$0xFFFFFFA0];
	v2 =	vmul.f32 v2, v5  }
0xf4: {  	s8 =	sadd.s32 $0x100, s24;
	v7 =	vld.idx.msk [tilespmem:v12+s26+$0x0], $0xffff;
	v46 =	vshll.u32 v14, $0x10;
	[tilespmem:s16+$0xA0] =	vst v43  }
0xf5: {  	v59 =	vld [tilespmem:s8+$0x0];
	v47 =	vand.u32 $0xFFFF0000, v14;
	v9 =	vmul.f32 v46, v4;
	[tilespmem:s16+$0xE0] =	vst v2  }
0xf6: {  	[tilespmem:s14+$0xFFFFFF70] =	vst v6;
	v2 =	vmul.f32 v47, v4;
	v48 =	vshll.u32 v15, $0x10;
	v49 =	vld [tilespmem:s19+$0x70]  }
0xf7: {  	v52 =	vld [tilespmem:s8+$0x40];
	v50 =	vand.u32 $0xFFFF0000, v15;
	[tilespmem:s16+$0xFFFFFFA0] =	vst v9;
	v51 =	vmul.f32 v48, v3  }
0xf8: {  	v8 =	vmul.f32 v50, v3;
	[tilespmem:s16+$0xFFFFFFE0] =	vst v2;
	v53 =	vshll.u32 v45, $0x10;
	v16 =	vld.idx.msk [tilespmem:v44+s26+$0x0], $0xffff  }
0xf9: {  	v55 =	vld [tilespmem:s8+$0xFFFFFFC0];
	v2 =	vand.u32 $0xFFFF0000, v45;
	v15 =	vmul.f32 v53, v1;
	[tilespmem:s16+$0x20] =	vst v51  }
0xfa: {  	v20 =	vand.u32 $0xFFFF0000, v59;
	v54 =	vmul.f32 v2, v1;
	[tilespmem:s16+$0x60] =	vst v8;
	v2 =	vld.idx.msk [tilespmem:v11+s26+$0x0], $0xffff  }
0xfb: {  	v6 =	vmul.f32 v20, v7;
	[tilespmem:s16+$0xFFFFFF20] =	vst v15;
	v56 =	vand.u32 $0xFFFF0000, v49  }
0xfc: {  	s23 =	sadd.s32 $0x200, s16;
	v61 =	vshll.u32 v52, $0x10;
	[tilespmem:s16+$0xFFFFFF60] =	vst v54;
	v58 =	vmul.f32 v56, v5  }
0xfd: {  	v63 =	vld [tilespmem:s8+$0xFFFFFF80];
	v62 =	vand.u32 $0xFFFF0000, v52;
	v57 =	vshll.u32 v49, $0x10;
	[tilespmem:s23+$0x40] =	vst v6;
	v11 =	vmul.f32 v61, v16  }
0xfe: {  	v15 =	vshll.u32 v55, $0x10;
	v60 =	vmul.f32 v57, v5;
	v5 =	vld.idx.msk [tilespmem:v10+s26+$0x0], $0xffff;
	v12 =	vmul.f32 v62, v16;
	[tilespmem:s16+$0xF0] =	vst v58  }
0xff: {  	v17 =	vld [tilespmem:s19+$0xFFFFFFF0];
	v8 =	vand.u32 $0xFFFF0000, v55;
	v10 =	vmul.f32 v15, v2;
	[tilespmem:s23+$0x80] =	vst v11  }
0x100: {  	v8 =	vmul.f32 v8, v2;
	[tilespmem:s23+$0xC0] =	vst v12  }
0x101: {  	v18 =	vshll.u32 v59, $0x10;
	v19 =	vld [tilespmem:s8+$0x50];
	[tilespmem:s23+$0xFFFFFF80] =	vst v10  }
0x102: {  	v21 =	vshll.u32 v63, $0x10;
	v12 =	vmul.f32 v18, v7;
	[tilespmem:s23+$0xFFFFFFC0] =	vst v8  }
0x103: {  	v22 =	vand.u32 $0xFFFF0000, v63;
	[tilespmem:s17+$0xB0] =	vst v60;
	v23 =	vmul.f32 v21, v5;
	v24 =	vld [tilespmem:s8+$0xFFFFFFD0]  }
0x104: {  	v25 =	vshll.u32 v17, $0x10;
	[tilespmem:s23+$0x0] =	vst v12;
	v8 =	vmul.f32 v22, v5  }
0x105: {  	v26 =	vmul.f32 v25, v4;
	v11 =	vand.u32 $0xFFFF0000, v17;
	v27 =	vld [tilespmem:s8+$0x10];
	[tilespmem:s23+$0xFFFFFF00] =	vst v23  }
0x106: {  	v31 =	vmul.f32 v11, v4;
	[tilespmem:s23+$0xFFFFFF40] =	vst v8;
	v28 =	vshll.u32 v19, $0x10  }
0x107: {  	[tilespmem:s17+$0xFFFFFFB0] =	vst v26;
	v30 =	vld [tilespmem:s8+$0xFFFFFF90];
	v29 =	vand.u32 $0xFFFF0000, v19;
	v12 =	vmul.f32 v28, v16  }
0x108: {  	[tilespmem:s17+$0xFFFFFFF0] =	vst v31;
	v8 =	vmul.f32 v29, v16;
	v32 =	vshll.u32 v24, $0x10  }
0x109: {  	v33 =	vld [tilespmem:s19+$0x30];
	v10 =	vand.u32 $0xFFFF0000, v24;
	v6 =	vmul.f32 v32, v2;
	[tilespmem:s23+$0x90] =	vst v12  }
0x10a: {  	v34 =	vmul.f32 v10, v2;
	v35 =	vshll.u32 v27, $0x10;
	[tilespmem:s23+$0xD0] =	vst v8  }
0x10b: {  	v36 =	vand.u32 $0xFFFF0000, v27;
	v37 =	vmul.f32 v35, v7;
	v12 =	vld [tilespmem:s8+$0x60];
	[tilespmem:s23+$0xFFFFFF90] =	vst v6  }
0x10c: {  	v4 =	vmul.f32 v36, v7;
	v38 =	vshll.u32 v30, $0x10;
	[tilespmem:s23+$0xFFFFFFD0] =	vst v34  }
0x10d: {  	v39 =	vand.u32 $0xFFFF0000, v30;
	v9 =	vmul.f32 v38, v5;
	v40 =	vld [tilespmem:s8+$0xFFFFFFE0];
	[tilespmem:s23+$0x10] =	vst v37  }
0x10e: {  	v41 =	vshll.u32 v33, $0x10;
	v8 =	vmul.f32 v39, v5;
	[tilespmem:s23+$0x50] =	vst v4  }
0x10f: {  	v42 =	vmul.f32 v41, v3;
	v11 =	vand.u32 $0xFFFF0000, v33;
	v43 =	vld [tilespmem:s8+$0x20];
	[tilespmem:s23+$0xFFFFFF10] =	vst v9  }
0x110: {  	v3 =	vmul.f32 v11, v3;
	[tilespmem:s23+$0xFFFFFF50] =	vst v8;
	v44 =	vshll.u32 v12, $0x10  }
0x111: {  	[tilespmem:s17+$0x30] =	vst v42;
	v46 =	vld [tilespmem:s8+$0xFFFFFFA0];
	v45 =	vand.u32 $0xFFFF0000, v12;
	v9 =	vmul.f32 v44, v16  }
0x112: {  	[tilespmem:s17+$0x70] =	vst v3;
	v8 =	vmul.f32 v45, v16;
	v47 =	vshll.u32 v40, $0x10  }
0x113: {  	v48 =	vld [tilespmem:s19+$0xFFFFFFB0];
	v10 =	vand.u32 $0xFFFF0000, v40;
	v4 =	vmul.f32 v47, v2;
	[tilespmem:s23+$0xA0] =	vst v9  }
0x114: {  	v49 =	vmul.f32 v10, v2;
	v50 =	vshll.u32 v43, $0x10;
	[tilespmem:s23+$0xE0] =	vst v8  }
0x115: {  	v3 =	vand.u32 $0xFFFF0000, v43;
	v52 =	vmul.f32 v50, v7;
	v51 =	vld [tilespmem:s8+$0x70];
	[tilespmem:s23+$0xFFFFFFA0] =	vst v4  }
0x116: {  	v3 =	vmul.f32 v3, v7;
	v53 =	vshll.u32 v46, $0x10;
	[tilespmem:s23+$0xFFFFFFE0] =	vst v49  }
0x117: {  	v54 =	vand.u32 $0xFFFF0000, v46;
	v6 =	vmul.f32 v53, v5;
	[tilespmem:s23+$0x20] =	vst v52;
	v55 =	vld [tilespmem:s8+$0xFFFFFFF0]  }
0x118: {  	v56 =	vshll.u32 v48, $0x10;
	v8 =	vmul.f32 v54, v5;
	[tilespmem:s23+$0x60] =	vst v3  }
0x119: {  	v59 =	vand.u32 $0xFFFF0000, v48;
	v3 =	vmul.f32 v56, v1;
	v58 =	vld [tilespmem:s8+$0x30];
	[tilespmem:s23+$0xFFFFFF20] =	vst v6  }
0x11a: {  	v1 =	vmul.f32 v59, v1;
	[tilespmem:s23+$0xFFFFFF60] =	vst v8;
	v57 =	vand.u32 $0xFFFF0000, v51  }
0x11b: {  	[tilespmem:s17+$0xFFFFFF30] =	vst v3;
	v3 =	vld [tilespmem:s8+$0xFFFFFFB0];
	v11 =	vshll.u32 v51, $0x10;
	v6 =	vmul.f32 v57, v16  }
0x11c: {  	[tilespmem:s17+$0xFFFFFF70] =	vst v1;
	v60 =	vmul.f32 v11, v16;
	v61 =	vshll.u32 v55, $0x10  }
0x11d: {  	v4 =	vand.u32 $0xFFFF0000, v55;
	[tilespmem:s23+$0xF0] =	vst v6;
	v6 =	vmul.f32 v61, v2  }
0x11e: {  	v1 =	vshll.u32 v58, $0x10;
	[tilespmem:s23+$0xB0] =	vst v60;
	v2 =	vmul.f32 v4, v2  }
0x11f: {  	v62 =	vand.u32 $0xFFFF0000, v58;
	v1 =	vmul.f32 v1, v7;
	[tilespmem:s23+$0xFFFFFFB0] =	vst v6  }
0x120: {  	p0 =	sne.s32 s12, s10;
	v4 =	vmul.f32 v62, v7;
	v63 =	vshll.u32 v3, $0x10;
	[tilespmem:s23+$0xFFFFFFF0] =	vst v2  }
.Ltmp8:
0x121: {  	v2 =	vand.u32 $0xFFFF0000, v3;
	v3 =	vmul.f32 v63, v5;
	[tilespmem:s23+$0x30] =	vst v1;
	(pc) =	sbr.rel @p0 .LBB2_13-.Ltmp8, $4  }
0x122: {  	[tilespmem:s23+$0x70] =	vst v4;
	v1 =	vmul.f32 v2, v5  }
0x123: {  	[tilespmem:s23+$0xFFFFFF30] =	vst v3  }
0x124: {  	s25 =	sadd.s32 $0x3, s25;
	p1 =	por !p1, !p1;
	s24 =	sadd.s32 $0x13A80, s13;
	[tilespmem:s23+$0xFFFFFF70] =	vst v1  }
0x125: {  	[spmem:s6] =	stream.indirect.scatter.add.f32 [tilespmem:s15], [sflag:s25], $0x80, s24, s0, $0xb8;
	[tilespmem:$0x1FE80] =	vst v63  }
0x126: {  	_ =	swait.ge [sflag:s20], $0x4000  }
0x127: {  	[sflag:s20] =	ssyncset.done $0x0  }
0x128: {  	p1 =	sgt.u32 s5, $0x4D;
	[sflag:s20] =	ssyncadd.s32 $0xFFFFC000  }
0x129: {  	p0 =	sne.s32 @p1 s5, $0x4E;
	_ =	swait.ge [sflag:s21], $0x4000  }
0x12a: {  	s12 =	sshll.u32 @!p1 s5, $0x6;
	p2 =	por p0, !p1;
	[sflag:s21] =	ssyncset.done $0x0  }
0x12b: {  	s8 =	sshll.u32 @!p2 s5, $0x6;
	s14 =	sshrl.u32 @!p2 s11, $0x3;
	[sflag:s21] =	ssyncadd.s32 $0xFFFFC000  }
.Ltmp9:
0x12c: {  	s8 =	sor.u32 @!p2 $0x1C09, s8;
	[bflag:$0x0] =	sbarrier.arrive $0xFFFF;
	(pc) =	sbr.rel @!p6 .LBB2_18-.Ltmp9, $4  }
0x12d: {  	[hbm:s18], [sflag:s8] =	dma.local @!p2 [spmem:s14], $0x100  }
0x12e: {  	s13 =	sshrl.u32 @!p1 s22, $0x3;
	s12 =	sor.u32 @!p1 $0x1C09, s12;
	s14 =	rddreg [dreg:$0xf]  }
0x12f: {  	[hbm:s14], [sflag:s12] =	dma.local @!p1 [spmem:s13], $0x800  }
0x130: {  	s8 =	smov.u32 s22;
	s12 =	smov.u32 s14  }
.LBB2_17:
0x131: {  	p0 =	sgt.u32 s29, $0x4D;
	s28 =	sadd.s32 $0xFFFFFFFF, s28;
	s8 =	sadd.s32 $0x40000, s8  }
0x132: {  	p4 =	sne.s32 @p0 s29, $0x4E;
	s29 =	sadd.s32 $0x10, s29;
	p3 =	sne.s32 s28, $0x0  }
.Ltmp10:
0x133: {  	s12 =	sadd.s32 $0x8000, s12;
	p4 =	por p4, !p0;
	(pc) =	sbr.rel @p3 .LBB2_17-.Ltmp10, $4  }
0x134: {  	s14 =	sshll.u32 @!p0 s5, $0x6;
	s15 =	sshrl.u32 @!p0 s8, $0x3;
	s13 =	sshll.u32 @!p4 s5, $0x6  }
0x135: {  	s14 =	sor.u32 @!p0 $0x1C09, s14;
	s16 =	sshrl.u32 @!p4 s11, $0x3;
	s13 =	sor.u32 @!p4 $0x1C09, s13  }
0x136: {  	[hbm:s18], [sflag:s13] =	dma.local @!p4 [spmem:s16], $0x100  }
0x137: {  	[hbm:s12], [sflag:s14] =	dma.local @!p0 [spmem:s15], $0x800  }
.LBB2_18:
0x138: {  	s16 =	rddreg [dreg:$0x7]  }
0x139: {  	s8 =	sadd.s32 $0xFFFFFFFF, s16  }
0x13a: {  	p3 =	sne.s32 s8, $0x0  }
.Ltmp11:
0x13b: {  	_ = 	snop;
	(pc) =	sbr.rel @!p3 .LBB2_19-.Ltmp11, $2  }
0x13c: {  	_ =	sdelay $0x2  }
0x13d: {  	p0 =	por $0x0, $0x0  }
0x13e: {  	s8 =	sadd.s32 $0xFFFFFFFF, s8  }
0x13f: {  	s13 =	simm.s32 @!p2 $0x9;
	p4 =	sne.s32 s8, $0x0  }
.Ltmp12:
0x140: {  	_ =	swait.ge @!p2 [sflag:s13], $0x100;
	(pc) =	sbr.rel @!p4 .LBB2_22-.Ltmp12, $4  }
0x141: {  	s12 =	sadd.s32 $0x10, s5;
	p3 =	por p1, p1;
	[sflag:s13] =	ssyncset.done @!p2 $0x0  }
0x142: {  	p1 =	sgt.u32 s12, $0x4D;
	[sflag:s13] =	ssyncadd.s32 @!p2 $0xFFFFFF00;
	s13 =	simm.s32 @!p3 $0x9  }
0x143: {  	p0 =	sne.s32 @p1 s12, $0x4E;
	_ =	swait.ge @!p3 [sflag:s13], $0x800  }
0x144: {  	p2 =	por p0, !p1;
	p0 =	por $0x1, $0x1;
	[sflag:s13] =	ssyncset.done @!p3 $0x0  }
.LBB2_21:
0x145: {  	s8 =	sadd.s32 $0xFFFFFFFF, s8  }
0x146: {  	s14 =	simm.s32 @!p2 $0x9;
	[sflag:s13] =	ssyncadd.s32 @!p3 $0xFFFFF800;
	p4 =	sne.s32 s8, $0x0  }
.Ltmp13:
0x147: {  	_ =	swait.ge @!p2 [sflag:s14], $0x100;
	(pc) =	sbr.rel @p4 .LBB2_21-.Ltmp13, $4  }
0x148: {  	s12 =	sadd.s32 $0x10, s12;
	p3 =	por p1, p1;
	[sflag:s14] =	ssyncset.done @!p2 $0x0  }
0x149: {  	p1 =	sgt.u32 s12, $0x4D;
	s13 =	simm.s32 @!p3 $0x9;
	[sflag:s14] =	ssyncadd.s32 @!p2 $0xFFFFFF00  }
0x14a: {  	p2 =	sne.s32 @p1 s12, $0x4E;
	_ =	swait.ge @!p3 [sflag:s13], $0x800  }
0x14b: {  	p2 =	por p2, !p1;
	[sflag:s13] =	ssyncset.done @!p3 $0x0  }
.LBB2_22:
0x14c: {  	p0 =	por p3, !p0  }
0x14d: {  	s8 =	simm.s32 @!p2 $0x9;
	[sflag:s13] =	ssyncadd.s32 @!p0 $0xFFFFF800  }
0x14e: {  	_ =	swait.ge @!p2 [sflag:s8], $0x100  }
0x14f: {  	p0 =	por p1, p1;
	[sflag:s8] =	ssyncset.done @!p2 $0x0  }
0x150: {  	[sflag:s8] =	ssyncadd.s32 @!p2 $0xFFFFFF00;
	s8 =	simm.s32 @!p0 $0x9  }
0x151: {  	_ =	swait.ge @!p0 [sflag:s8], $0x800  }
0x152: {  	s7 =	sadd.s32 $0x1, s7;
	s12 =	rddreg [dreg:$0xe]  }
0x153: {  	p1 =	sne.s32 s7, s12  }
.Ltmp14:
0x154: {  	_ = 	snop;
	(pc) =	sbr.rel @p1 .LBB2_1-.Ltmp14, $4  }
.Ltmp15:
0x155: {  	_ = 	snop;
	(pc) =	sbr.rel @!p1 .LBB2_23-.Ltmp15, $4  }
0x156: {  	_ = 	snop  }
0x157: {  	[sflag:s8] =	ssyncset.done @!p0 $0x0  }
0x158: {  	[sflag:s8] =	ssyncadd.s32 @!p0 $0xFFFFF800  }
0x159: {  	_ = 	snop  }
.LBB2_9:
.Ltmp16:
0x15a: {  	(pc) =	sbr.rel .LBB2_12-.Ltmp16, $2  }
0x15b: {  	_ =	sdelay $0x2  }
0x15c: {  	_ = 	snop  }
.LBB2_19:
.Ltmp17:
0x15d: {  	(pc) =	sbr.rel .LBB2_22-.Ltmp17, $2  }
0x15e: {  	_ =	sdelay $0x2  }
0x15f: {  	_ = 	snop  }
.LBB2_5:
.Ltmp18:
0x160: {  	(pc) =	sbr.rel .LBB2_8-.Ltmp18, $3  }
0x161: {  	_ =	sdelay $0x1  }
0x162: {  	s12 =	smov.u32 s22  }
0x163: {  	s14 =	smov.u32 s29;
	p6 =	por p2, p2;
	p2 =	por $0x0, $0x0  }
.LBB2_23:
0x164: {  	_ =	sfence.sel $0x180000  }
0x165: {  	[bflag:$0x0] =	sbarrier.arrive $0xFFFF  }
0x166: {  	_ =	strace $0x90000047  }
0x167: {  	[bflag:$0x2] =	sbarrier.arrive $0xFFFF  }
0x168: {  	p0 =	sne.s32 s5, $0x0;
	s0 =	rddreg [dreg:$0x6]  }
0x169: {  	s0 =	sadd.s32 @!p0 $0x100000, s0  }
0x16a: {  	[sflag:s0] =	ssyncadd.tile.s32 @!p0 $0x1;
	_ =	shalt  }
.Lfunc_end2:
_tile_overlayer_lowered:
.L_overlay_start_2:
0x16b: {  	(tag) =	ssettag $0x2  }
0x16c: {  	s0 =	rddreg [dreg:$0x0];
	s2 =	stileid.u32  }
0x16d: {  	s1 =	rddreg [dreg:$0x1];
	p0 =	sne.s32 s2, $0x0  }
0x16e: {  	s3 =	rddreg [dreg:$0x2];
	[bflag:$0x3] =	sbarrier.arrive $0xFFFF;
	s2 =	simm.s32 @!p0 $0x1C0A  }
0x16f: {  	[timem:s3], [sflag:s2] =	dma.local @!p0 [hbm:s0], s1  }
0x170: {  	s0 =	simm.s32 @!p0 $0xA  }
0x171: {  	_ =	swait.ge @!p0 [sflag:s0], s1  }
0x172: {  	s1 =	ssub.s32 @!p0 $0x0, s1;
	[sflag:s0] =	ssyncset.done @!p0 $0x0  }
0x173: {  	[sflag:s0] =	ssyncadd.s32 @!p0 s1  }
0x174: {  	[bflag:$0x3] =	sbarrier.arrive $0xFFFF  }
0x175: {  	_ =	shalt  }

// kernel: kernel.8.cloned.1.call-start
scs
__scs_entry_jumppad:
0x0: {  	(pc) =	sbr.rel $0x88, $3  }
0x1: {  	(tag) =	ssettag $0x0;
	lr =	simm.s32 $0x1  }
0x2: {  	[smem:$0x3F81] =	sst lr;
	_ =	strace $0xD0000000  }
0x3: {  	_ = 	snop  }
0x4: {  	_ = 	snop  }
0x5: {  	_ = 	snop  }
0x6: {  	_ = 	snop  }
0x7: {  	_ = 	snop  }
__scs_overlays_trampoline_lowered:
0x8: {  	[smem:$0x3F90] =	sst s0  }
0x9: {  	[smem:$0x3F91] =	sst s1  }
0xa: {  	[smem:$0x3F92] =	sst s2  }
0xb: {  	[smem:$0x3F93] =	sst s3  }
0xc: {  	[smem:$0x3F94] =	sst s4  }
0xd: {  	[smem:$0x3F95] =	sst s5  }
0xe: {  	[smem:$0x3F96] =	sst s6  }
0xf: {  	[smem:$0x3F97] =	sst s7  }
0x10: {  	[smem:$0x3F98] =	sst s8  }
0x11: {  	[smem:$0x3F99] =	sst s9;
	s0 =	simm.s32 @!p0 $0x0  }
0x12: {  	s1 =	sld [smem:$0x3F7F];
	s0 =	simm.s32 @p0 $0x1  }
0x13: {  	[smem:$0x3F9A] =	sst s0;
	s0 =	simm.s32 @!p1 $0x0  }
0x14: {  	s2 =	sld [smem:$0x3F7E];
	s0 =	simm.s32 @p1 $0x1  }
0x15: {  	[smem:$0x3F9B] =	sst s0;
	s0 =	simm.s32 @!p2 $0x0  }
0x16: {  	s3 =	sld [smem:$0x3FDB];
	s0 =	simm.s32 @p2 $0x1  }
0x17: {  	s4 =	simm.s32 $0x1BF5;
	[smem:$0x3F9D] =	sst s0  }
0x18: {  	s0 =	sld [smem:$0x3F80];
	_ =	swait.ge [sflag:s4], $0x0  }
0x19: {  	s7 =	sld [smem:$0x3F81]  }
0x1a: {  	s8 =	sadd.s32 $0xFFFFE003, lr  }
0x1b: {  	s9 =	sadd.s32 $0xFFFFFEF7, lr;
	s5 =	simm.s32 $0xFFFFFFFF;
	p2 =	slt.u32 s8, $0xFFFFF086  }
0x1c: {  	p1 =	slt.u32 s9, $0xF7A;
	s5 =	simm.s32 @!p2 $0x0  }
0x1d: {  	s5 =	simm.s32 @p1 $0x1;
	p0 =	seq.s32 s7, s2  }
0x1e: {  	s7 =	smul.u32 @!p0 $0xF7A, s2;
	p2 =	seq.s32 @!p0 s5, $0x0  }
0x1f: {  	s9 =	smul.u32 $0xF7A, s1;
	s8 =	simm.s32 @!p0 $0x1BF5;
	p2 =	por !p2, p0  }
0x20: {  	[sflag:s8] =	ssyncset.s32 @!p0 $0xFFFFF086;
	s6 =	sadd.s32 @!p0 s3, s7;
	s7 =	simm.s32 @!p0 $0x108  }
0x21: {  	s3 =	sadd.s32 s3, s9;
	s6 =	sadd.s32 @!p0 $0x88, s6;
	s7 =	simm.s32 @p2 $0x1082  }
0x22: {  	[simem:s7], [sflag:s8] =	dma.local @!p0 [hbm:s6], $0xF7A  }
0x23: {  	s9 =	sor.u32 $0xD0000000, s2;
	s6 =	simm.s32 $0x108;
	_ =	swait.ge @!p0 [sflag:s8], $0x0  }
0x24: {  	s3 =	sadd.s32 $0x88, s3;
	s6 =	simm.s32 @!p1 $0x1082;
	[sflag:s4] =	ssyncset.s32 $0xFFFFF086  }
0x25: {  	[simem:s6], [sflag:s4] =	dma.local [hbm:s3], $0xF7A  }
0x26: {  	[smem:$0x3F81] =	sst s1;
	(tag) =	ssettag s2;
	_ =	strace s9  }
0x27: {  	s1 =	sld [smem:$0x3F91]  }
0x28: {  	s2 =	sld [smem:$0x3F92]  }
0x29: {  	s4 =	sld [smem:$0x3F94]  }
0x2a: {  	p0 =	seq.s32 s5, $0x0;
	s5 =	sld [smem:$0x3F95]  }
0x2b: {  	s6 =	sld [smem:$0x3F96]  }
0x2c: {  	s7 =	sld [smem:$0x3F97]  }
0x2d: {  	s3 =	simm.s32 $0x108;
	s8 =	sld [smem:$0x3F98]  }
0x2e: {  	s3 =	simm.s32 @!p0 $0x1082;
	s9 =	sld [smem:$0x3F99]  }
0x2f: {  	lr =	sadd.s32 s0, s3;
	s0 =	sld [smem:$0x3F90]  }
0x30: {  	s3 =	sld [smem:$0x3F93]  }
0x31: {  	[smem:$0x3F9C] =	sst s10  }
0x32: {  	s10 =	sld [smem:$0x3F9A];
	_ =	sdelay $0x3  }
0x33: {  	p0 =	seq.s32 s10, $0x1;
	s10 =	sld [smem:$0x3F9C];
	_ =	sdelay $0x3  }
0x34: {  	[smem:$0x3F9C] =	sst s10  }
0x35: {  	s10 =	sld [smem:$0x3F9B];
	_ =	sdelay $0x3  }
0x36: {  	p1 =	seq.s32 s10, $0x1;
	s10 =	sld [smem:$0x3F9C];
	_ =	sdelay $0x3  }
0x37: {  	[smem:$0x3F9C] =	sst s10  }
0x38: {  	s10 =	sld [smem:$0x3F9D]  }
0x39: {  	_ = 	snop;
	(pc) =	sbr.ind lr, $3  }
0x3a: {  	_ = 	snop  }
0x3b: {  	_ = 	snop  }
0x3c: {  	p2 =	seq.s32 s10, $0x1;
	s10 =	sld [smem:$0x3F9C]  }
0x3d: {  	_ =	shalt  }
0x3e: {  	_ =	shalt  }
0x3f: {  	_ =	shalt  }
0x40: {  	_ =	shalt  }
0x41: {  	_ =	shalt  }
0x42: {  	_ =	shalt  }
0x43: {  	_ =	shalt  }
0x44: {  	_ =	shalt  }
0x45: {  	_ =	shalt  }
0x46: {  	_ =	shalt  }
0x47: {  	_ =	shalt  }
0x48: {  	_ =	shalt  }
0x49: {  	_ =	shalt  }
0x4a: {  	_ =	shalt  }
0x4b: {  	_ =	shalt  }
0x4c: {  	_ =	shalt  }
0x4d: {  	_ =	shalt  }
0x4e: {  	_ =	shalt  }
0x4f: {  	_ =	shalt  }
0x50: {  	_ =	shalt  }
0x51: {  	_ =	shalt  }
0x52: {  	_ =	shalt  }
0x53: {  	_ =	shalt  }
0x54: {  	_ =	shalt  }
0x55: {  	_ =	shalt  }
0x56: {  	_ =	shalt  }
0x57: {  	_ =	shalt  }
0x58: {  	_ =	shalt  }
0x59: {  	_ =	shalt  }
0x5a: {  	_ =	shalt  }
0x5b: {  	_ =	shalt  }
0x5c: {  	_ =	shalt  }
0x5d: {  	_ =	shalt  }
0x5e: {  	_ =	shalt  }
0x5f: {  	_ =	shalt  }
0x60: {  	_ =	shalt  }
0x61: {  	_ =	shalt  }
0x62: {  	_ =	shalt  }
0x63: {  	_ =	shalt  }
0x64: {  	_ =	shalt  }
0x65: {  	_ =	shalt  }
0x66: {  	_ =	shalt  }
0x67: {  	_ =	shalt  }
0x68: {  	_ =	shalt  }
0x69: {  	_ =	shalt  }
0x6a: {  	_ =	shalt  }
0x6b: {  	_ =	shalt  }
0x6c: {  	_ =	shalt  }
0x6d: {  	_ =	shalt  }
0x6e: {  	_ =	shalt  }
0x6f: {  	_ =	shalt  }
0x70: {  	_ =	shalt  }
0x71: {  	_ =	shalt  }
0x72: {  	_ =	shalt  }
0x73: {  	_ =	shalt  }
0x74: {  	_ =	shalt  }
0x75: {  	_ =	shalt  }
0x76: {  	_ =	shalt  }
0x77: {  	_ =	shalt  }
0x78: {  	_ =	shalt  }
0x79: {  	_ =	shalt  }
0x7a: {  	_ =	shalt  }
0x7b: {  	_ =	shalt  }
0x7c: {  	_ =	shalt  }
0x7d: {  	_ =	shalt  }
0x7e: {  	_ =	shalt  }
0x7f: {  	_ =	shalt  }
0x80: {  	_ =	shalt  }
0x81: {  	_ =	shalt  }
0x82: {  	_ =	shalt  }
0x83: {  	_ =	shalt  }
0x84: {  	_ =	shalt  }
0x85: {  	_ =	shalt  }
0x86: {  	_ =	shalt  }
0x87: {  	_ =	shalt  }
.Lfunc_end0:
.L_simem_size_0:
called_computation_lowered:
.L_overlay_start_0:
0x88: {  	s2 =	sld [smem:$0x3FD9]  }
0x89: {  	s3 =	sld [smem:$0x3FFE];
	_ =	sdelay $0x1  }
0x8a: {  	s1 =	srdreg.scid  }
0x8b: {  	s0 =	sand.u32 $0x1, s1  }
0x8c: {  	s15 =	sshll.u32 s0, $0xA;
	s2 =	sadd.s32 s3, s2  }
0x8d: {  	s2 =	sadd.s32 s2, s15  }
0x8e: {  	[smem:$0x3FA8] =	sst s2  }
0x8f: {  	_ = 	snop  }
0x90: {  	s4 =	sld [smem:$0x3FD0]  }
0x91: {  	s2 =	sld [smem:$0x3FC7]  }
0x92: {  	s5 =	sld [smem:$0x3FC6]  }
0x93: {  	s6 =	simm.s32 $0xB;
	s7 =	simm.s32 $0x10;
	s16 =	sld [smem:$0x3FC5]  }
0x94: {  	[smem:s7], [sflag:s6] =	dma.local [hbm:s4], $0x1  }
0x95: {  	_ =	swait.eq [sflag:s6], $0x1  }
0x96: {  	[sflag:s6] =	ssyncset.done $0x0  }
0x97: {  	[sflag:s6] =	ssyncadd.s32 $0xFFFFFFFF  }
0x98: {  	s17 =	sld [smem:$0x10];
	(tm) =	ssettm $0x1  }
0x99: {  	s18 =	sld [smem:$0x3FFB];
	_ =	sdelay $0x3  }
0x9a: {  	_ =	strace s18  }
0x9b: {  	s4 =	sld [smem:$0x3FFC];
	_ =	sdelay $0x3  }
0x9c: {  	_ =	strace s4  }
0x9d: {  	s4 =	sld [smem:$0x3FFD];
	_ =	sdelay $0x3  }
0x9e: {  	_ =	strace s4  }
0x9f: {  	_ =	strace $0x8FFFFFFF  }
0xa0: {  	s19 =	sld [smem:$0x3FDB];
	_ =	sdelay $0x1  }
0xa1: {  	s20 =	simm.s32 $_scs_section_size  }
0xa2: {  	s8 =	simm.s32 $_size__tile_overlayer_lowered;
	s9 =	simm.s32 $_tile_overlayer_lowered  }
0xa3: {  	s10 =	simm.s32 $0x1BFF;
	s21 =	sshll.u32 s9, $0x1;
	s7 =	sadd.s32 s20, s19  }
0xa4: {  	s22 =	simm.s32 $0x0;
	s8 =	sshll.u32 s8, $0x1;
	s9 =	sadd.s32 s21, s7  }
0xa5: {  	[timem:s22], [sflag:s10] =	dma.local [hbm:s9], s8  }
0xa6: {  	_ =	swait.ge [sflag:s10], s8  }
0xa7: {  	s8 =	ssub.s32 $0x0, s8;
	[sflag:s10] =	ssyncset.done $0x0  }
0xa8: {  	[sflag:s10] =	ssyncadd.s32 s8;
	_ =	sdelay $0x1  }
0xa9: {  	s23 =	simm.s32 $0x1B8B  }
0xaa: {  	_ =	swait.ge [sflag:s23], $0x1  }
0xab: {  	[sflag:s23] =	ssyncset.done $0x0  }
0xac: {  	[sflag:s23] =	ssyncadd.s32 $0xFFFFFFFF  }
0xad: {  	s8 =	sld [smem:$0x0]  }
0xae: {  	s9 =	sand.u32 $0xFFFFFFFE, s1  }
0xaf: {  	p0 =	sne.s32 s1, s9  }
0xb0: {  	s9 =	sshll.u32 @p0 s9, $0xE  }
0xb1: {  	s9 =	sadd.s32 @p0 $0x11B8D, s9;
	s10 =	sshll.u32 @p0 s8, $0x11  }
0xb2: {  	s9 =	sor.u32 @p0 s10, s9  }
0xb3: {  	[sflag:s9] =	ssyncadd.remote.s32 @p0 $0x1;
	_ =	sdelay $0x1  }
0xb4: {  	s9 =	simm.s32 @p0 $0x1B8D  }
0xb5: {  	_ =	swait.eq @p0 [sflag:s9], $0x1  }
0xb6: {  	[sflag:s9] =	ssyncadd.s32 @p0 $0xFFFFFFFF  }
0xb7: {  	s10 =	sshll.u32 @!p0 s1, $0xE  }
0xb8: {  	s10 =	sor.u32 @!p0 $0x4000, s10;
	s9 =	simm.s32 @!p0 $0x1B8D  }
0xb9: {  	s8 =	sshll.u32 @!p0 s8, $0x11;
	s10 =	sadd.s32 @!p0 $0x11B8D, s10;
	_ =	swait.eq @!p0 [sflag:s9], $0x1  }
0xba: {  	s8 =	sor.u32 @!p0 s8, s10;
	[sflag:s9] =	ssyncadd.s32 @!p0 $0xFFFFFFFF  }
0xbb: {  	s25 =	simm.s32 $0x1B8E;
	s24 =	sld [smem:$0x3FFE];
	[sflag:s8] =	ssyncadd.remote.s32 @!p0 $0x1  }
0xbc: {  	s26 =	simm.s32 $execute0_lowered;
	[smem:$0x3FD2] =	sst s25  }
0xbd: {  	s9 =	sshll.u32 s26, $0x1;
	_ =	strace $0x80000049;
	[dreg:$0x1] =	wrdreg $0xFFFFFFFF  }
0xbe: {  	s28 =	simm.s32 $_size_execute0_lowered;
	s7 =	sadd.s32 s7, s9;
	[dreg:$0x0] =	wrdreg $0x0  }
0xbf: {  	s9 =	sshll.u32 s28, $0x1;
	[dreg:$0x2] =	wrdreg s7  }
0xc0: {  	[dreg:$0x3] =	wrdreg s9  }
0xc1: {  	[dreg:$0x4] =	wrdreg $0xC0  }
0xc2: {  	_ =	task [dreg:s22], $0x5FFFF  }
0xc3: {  	[dreg:$0x1] =	wrdreg $0xFFFFFFFF  }
0xc4: {  	[dreg:$0x0] =	wrdreg $0x60  }
0xc5: {  	[dreg:$0x2] =	wrdreg s17  }
0xc6: {  	[dreg:$0x3] =	wrdreg s5  }
0xc7: {  	[dreg:$0x4] =	wrdreg s2  }
0xc8: {  	[dreg:$0x5] =	wrdreg s16  }
0xc9: {  	[dreg:$0x6] =	wrdreg s24  }
0xca: {  	[dreg:$0x7] =	wrdreg $0x0  }
0xcb: {  	[dreg:$0x8] =	wrdreg $0x9  }
0xcc: {  	_ =	task.clear_ibuf [dreg:s22], $0x9FFFF;
	_ =	strace $0x90000049  }
0xcd: {  	s29 =	simm.s32 $0x9;
	_ =	strace $0x8000004B  }
0xce: {  	_ =	swait.ge [sflag:s29], $0x1  }
0xcf: {  	[sflag:s29] =	ssyncadd.s32 $0xFFFFFFFF  }
0xd0: {  	_ =	strace $0x9000004B  }
0xd1: {  	_ =	sfence  }
0xd2: {  	s30 =	sld [smem:$0x0];
	_ =	sdelay $0x2  }
0xd3: {  	s31 =	sshll.u32 s1, $0xD;
	s1 =	sshrl.u32 s1, $0x2  }
0xd4: {  	s3 =	sand.u32 $0x4000, s31;
	s1 =	sadd.s32 s1, s30  }
0xd5: {  	s0 =	sor.u32 s3, s0;
	s1 =	sshll.u32 s1, $0x11  }
0xd6: {  	s0 =	sor.u32 s1, s0  }
0xd7: {  	s0 =	sadd.s32 $0x8F2B, s0  }
0xd8: {  	[sflag:s0] =	ssyncadd.remote.s32 $0x1  }
0xd9: {  	_ =	sfence.sel $0xFFFF  }
0xda: {  	[dreg:$0x0] =	wrdreg $0xFFFFFFFF;
	(pc) =	sbr.abs _section_cstart, $3  }
0xdb: {  	[dreg:$0x1] =	wrdreg $0xFFFFFFFF  }
0xdc: {  	_ =	task.clear_ibuf [dreg:s22], $0x2FFFF;
	_ =	strace $0x9FFFFFFF  }
0xdd: {  	(tm) =	ssettm $0x7FFFFFFF  }
tec
execute0_lowered:
.L_overlay_start_1:
0x0: {  	(tag) =	ssettag $0x1  }
0x1: {  	s1 =	rddreg [dreg:$0x0]  }
0x2: {  	s2 =	rddreg [dreg:$0x1]  }
0x3: {  	s3 =	rddreg [dreg:$0x2]  }
0x4: {  	s4 =	rddreg [dreg:$0x3]  }
0x5: {  	s0 =	rddreg [dreg:$0x4]  }
0x6: {  	s6 =	rddreg [dreg:$0x5]  }
0x7: {  	s7 =	simm.s32 $0x0;
	s8 =	srdreg.scid;
	s5 =	stileid.u32  }
0x8: {  	s31 =	simm.s32 $0x5;
	s30 =	simm.s32 $0x0;
	[smem:$0x7FF] =	sst s7  }
0x9: {  	s8 =	sand.u32 $0x1, s8;
	s9 =	sshll.u32 s5, $0x1;
	s0 =	sadd.s32 $0x52800, s0  }
0xa: {  	s13 =	ssub.s32 $0x5E, s5;
	p0 =	slt.u32 s5, $0x2;
	s15 =	sshll.u32 s5, $0xE  }
0xb: {  	s9 =	sor.u32 s8, s9;
	s10 =	ssub.s32 $0x2, s8;
	s8 =	smul.u32 $0x138800, s8  }
0xc: {  	_ =	strace $0x8000004A;
	s16 =	sshrl.u32 s13, $0x4;
	s11 =	smul.u32 $0x4E, s9  }
0xd: {  	s12 =	sshrl.u32 s10, $0x1;
	s9 =	smin.u32 s9, $0x4;
	[dreg:$0x7] =	wrdreg s16  }
0xe: {  	s12 =	ssub.s32 s10, s12;
	s10 =	simm.s32 $0x4F;
	s9 =	sadd.s32 s9, s11  }
0xf: {  	s28 =	sshrl.u32 s8, $0x3;
	s12 =	smax.u32 s12, $0x1;
	s21 =	sshll.u32 s9, $0x4  }
0x10: {  	s8 =	sadd.s32 s15, s8;
	[dreg:$0xe] =	wrdreg s12;
	s14 =	sadd.s32 s2, s21  }
0x11: {  	s11 =	sadd.s32 $0x138000, s6;
	s22 =	sadd.s32 s3, s21;
	[dreg:$0x8] =	wrdreg s14  }
0x12: {  	s10 =	simm.s32 @!p0 $0x4E;
	s13 =	sadd.s32 s4, s21;
	[dreg:$0x9] =	wrdreg s22  }
0x13: {  	s8 =	sshrl.u32 s8, $0x3;
	s23 =	sadd.s32 $0x10, s21;
	[dreg:$0xa] =	wrdreg s13  }
0x14: {  	s24 =	sadd.s32 s2, s23;
	s25 =	sadd.s32 s3, s23;
	s26 =	sadd.s32 s4, s23  }
0x15: {  	s13 =	simm.s32 $0x2;
	s14 =	sadd.s32 s0, s28;
	[dreg:$0xb] =	wrdreg s24  }
0x16: {  	s22 =	sadd.s32 s15, s6;
	s0 =	sadd.s32 s8, s0;
	[dreg:$0xc] =	wrdreg s25  }
0x17: {  	[dreg:$0xd] =	wrdreg s26;
	s13 =	simm.s32 @!p0 $0x1;
	s18 =	sadd.s32 $0x27000, s14  }
0x18: {  	[dreg:$0xf] =	wrdreg s0;
	s26 =	simm.s32 $0x13C80;
	s29 =	sand.u32 $0x1, s13  }
0x19: {  	v0 =	vimm.f32 $0.0e+00;
	s0 =	simm.s32 $0x80;
	s21 =	sadd.s32 $0x2, s13;
	s20 =	sadd.s32 $0x3, s29  }
.LBB2_1:
0x1a: {  	s8 =	simm.s32 $0x0;
	s12 =	simm.s32 $0x200  }
.LBB2_2:
0x1b: {  	p0 =	sne.s32 s12, $0xFE00;
	[tilespmem:s8+$0x17EF0] =	vst v0  }
0x1c: {  	[tilespmem:s8+$0x17E80] =	vst v0  }
0x1d: {  	[tilespmem:s8+$0x17E90] =	vst v0  }
.Ltmp0:
0x1e: {  	[tilespmem:s8+$0x17EA0] =	vst v0;
	(pc) =	sbr.rel @p0 .LBB2_2-.Ltmp0, $4  }
0x1f: {  	[tilespmem:s8+$0x17EB0] =	vst v0  }
0x20: {  	[tilespmem:s8+$0x17EC0] =	vst v0  }
0x21: {  	[tilespmem:s8+$0x17ED0] =	vst v0  }
0x22: {  	[tilespmem:s8+$0x17EE0] =	vst v0;
	s8 =	sshra.s32 s12, $0x2;
	s12 =	sadd.s32 $0x200, s12  }
0x23: {  	[tilespmem:s8+$0x17EF0] =	vst v0  }
0x24: {  	[tilespmem:s8+$0x17E80] =	vst v0  }
0x25: {  	[tilespmem:s8+$0x17E90] =	vst v0;
	s28 =	sadd.s32 $0xFFFFFFFF, s16  }
0x26: {  	[tilespmem:s8+$0x17EA0] =	vst v0;
	p6 =	sne.s32 s28, $0x0  }
.Ltmp1:
0x27: {  	[tilespmem:s8+$0x17EB0] =	vst v0;
	(pc) =	sbr.rel @!p6 .LBB2_8-.Ltmp1, $4  }
0x28: {  	[tilespmem:s8+$0x17EC0] =	vst v0  }
0x29: {  	[tilespmem:s8+$0x17ED0] =	vst v0;
	p1 =	sgt.u32 s5, $0x4D  }
0x2a: {  	s29 =	sadd.s32 $0x10, s5;
	[tilespmem:s8+$0x17EE0] =	vst v0;
	p2 =	por $0x0, $0x0;
	s8 =	smov.u32 s22  }
0x2b: {  	s14 =	stileid.u32;
	p5 =	por $0x0, $0x0;
	p4 =	por p1, p1  }
0x2c: {  	s13 =	sadd.s32 $0xFFFFFFFF, s28  }
0x2d: {  	p2 =	por p6, p6;
	p3 =	por p1, p1;
	p6 =	sne.s32 s13, $0x0  }
.Ltmp2:
0x2e: {  	p4 =	sne.s32 @p3 s5, $0x4E;
	(pc) =	sbr.rel @!p6 .LBB2_5-.Ltmp2, $4  }
0x2f: {  	s15 =	sadd.s32 $0x10, s29;
	p5 =	por $0x1, $0x1;
	p4 =	por p4, !p3  }
0x30: {  	s12 =	smov.u32 s22;
	s14 =	smov.u32 s29;
	s8 =	simm.s32 @!p4 $0x17E80  }
0x31: {  	[spmem:s11] =	stream.linear.scatter @!p4 [tilespmem:s8], [sflag:$0x9], $0x800, $0x38;
	[tilespmem:$0x1FE80] =	vst v63  }
0x32: {  	s16 =	simm.s32 @!p3 $0x17E80;
	p4 =	sgt.u32 s29, $0x4D;
	s8 =	sadd.s32 $0x40000, s22  }
.LBB2_6:
0x33: {  	[spmem:s12] =	stream.linear.scatter @!p3 [tilespmem:s16], [sflag:$0x9], $0x4000, $0x38;
	[tilespmem:$0x1FE80] =	vst v63  }
0x34: {  	s13 =	sadd.s32 $0xFFFFFFFF, s13  }
0x35: {  	s12 =	smov.u32 s8;
	p3 =	por p4, p4;
	p0 =	sne.s32 s13, $0x0  }
.Ltmp3:
0x36: {  	p4 =	sgt.u32 s15, $0x4D;
	p6 =	sne.s32 @p3 s14, $0x4E;
	(pc) =	sbr.rel @p0 .LBB2_6-.Ltmp3, $4  }
0x37: {  	s14 =	smov.u32 s15;
	p6 =	por p6, !p3  }
0x38: {  	s16 =	simm.s32 @!p6 $0x17E80  }
0x39: {  	[spmem:s11] =	stream.linear.scatter @!p6 [tilespmem:s16], [sflag:$0x9], $0x800, $0x38;
	[tilespmem:$0x1FE80] =	vst v63  }
0x3a: {  	s8 =	sadd.s32 $0x40000, s8;
	s15 =	sadd.s32 $0x10, s15;
	s16 =	simm.s32 @!p3 $0x17E80  }
0x3b: {  	p6 =	por p2, p2;
	p2 =	por $0x0, $0x0  }
.LBB2_8:
0x3c: {  	p0 =	por p3, !p5  }
0x3d: {  	[spmem:s12] =	stream.linear.scatter @!p0 [tilespmem:s16], [sflag:$0x9], $0x4000, $0x38;
	[tilespmem:$0x1FE80] =	vst v63  }
0x3e: {  	p0 =	por p4, p4  }
0x3f: {  	p3 =	sne.s32 @p0 s14, $0x4E  }
0x40: {  	p3 =	por p3, !p0  }
0x41: {  	s12 =	simm.s32 @!p3 $0x17E80  }
0x42: {  	[spmem:s11] =	stream.linear.scatter @!p3 [tilespmem:s12], [sflag:$0x9], $0x800, $0x38;
	[tilespmem:$0x1FE80] =	vst v63  }
.Ltmp4:
0x43: {  	_ = 	snop;
	(pc) =	sbr.rel @!p6 .LBB2_9-.Ltmp4, $4  }
0x44: {  	s12 =	simm.s32 @!p0 $0x17E80  }
0x45: {  	[spmem:s8] =	stream.linear.scatter @!p0 [tilespmem:s12], [sflag:$0x9], $0x4000, $0x38;
	[tilespmem:$0x1FE80] =	vst v63  }
0x46: {  	p0 =	sne.s32 @p1 s5, $0x4E  }
0x47: {  	p3 =	por p0, !p1  }
0x48: {  	s8 =	sadd.s32 $0xFFFFFFFF, s28  }
0x49: {  	s13 =	simm.s32 @!p3 $0x9;
	p0 =	sne.s32 s8, $0x0  }
.Ltmp5:
0x4a: {  	_ =	swait.ge @!p3 [sflag:s13], $0x800;
	(pc) =	sbr.rel @!p0 .LBB2_12-.Ltmp5, $4  }
0x4b: {  	s12 =	sadd.s32 $0x10, s5;
	p4 =	por p1, p1;
	[sflag:s13] =	ssyncset.done @!p3 $0x0  }
0x4c: {  	p1 =	sgt.u32 s12, $0x4D;
	[sflag:s13] =	ssyncadd.s32 @!p3 $0xFFFFF800;
	s13 =	simm.s32 @!p4 $0x9  }
0x4d: {  	p2 =	sne.s32 @p1 s12, $0x4E;
	_ =	swait.ge @!p4 [sflag:s13], $0x4000  }
0x4e: {  	p3 =	por p2, !p1;
	p2 =	por $0x1, $0x1;
	[sflag:s13] =	ssyncset.done @!p4 $0x0  }
.LBB2_11:
0x4f: {  	s8 =	sadd.s32 $0xFFFFFFFF, s8  }
0x50: {  	s14 =	simm.s32 @!p3 $0x9;
	[sflag:s13] =	ssyncadd.s32 @!p4 $0xFFFFC000;
	p5 =	sne.s32 s8, $0x0  }
.Ltmp6:
0x51: {  	_ =	swait.ge @!p3 [sflag:s14], $0x800;
	(pc) =	sbr.rel @p5 .LBB2_11-.Ltmp6, $4  }
0x52: {  	s12 =	sadd.s32 $0x10, s12;
	p4 =	por p1, p1;
	[sflag:s14] =	ssyncset.done @!p3 $0x0  }
0x53: {  	p1 =	sgt.u32 s12, $0x4D;
	s13 =	simm.s32 @!p4 $0x9;
	[sflag:s14] =	ssyncadd.s32 @!p3 $0xFFFFF800  }
0x54: {  	p0 =	sne.s32 @p1 s12, $0x4E;
	_ =	swait.ge @!p4 [sflag:s13], $0x4000  }
0x55: {  	p3 =	por p0, !p1;
	[sflag:s13] =	ssyncset.done @!p4 $0x0  }
.LBB2_12:
0x56: {  	p0 =	por p4, !p2  }
0x57: {  	s8 =	simm.s32 @!p3 $0x9;
	[sflag:s13] =	ssyncadd.s32 @!p0 $0xFFFFC000  }
0x58: {  	_ =	swait.ge @!p3 [sflag:s8], $0x800  }
0x59: {  	p0 =	por p1, p1;
	[sflag:s8] =	ssyncset.done @!p3 $0x0  }
0x5a: {  	[sflag:s8] =	ssyncadd.s32 @!p3 $0xFFFFF800;
	s8 =	simm.s32 @!p0 $0x9  }
0x5b: {  	_ =	swait.ge @!p0 [sflag:s8], $0x4000  }
0x5c: {  	[sflag:s8] =	ssyncset.done @!p0 $0x0  }
0x5d: {  	[sflag:s8] =	ssyncadd.s32 @!p0 $0xFFFFC000  }
0x5e: {  	[bflag:$0x0] =	sbarrier.arrive $0xFFFF  }
0x5f: {  	s12 =	simm.s32 $0x13880;
	s23 =	rddreg [dreg:$0x8]  }
0x60: {  	[tilespmem:s12], [sflag:$0x5] =	stream.linear.gather [hbm4b:s23+s30], $0x80, $0x38;
	[tilespmem:$0x1FE80] =	vst v63  }
0x61: {  	s25 =	simm.s32 $0x13A80;
	s24 =	rddreg [dreg:$0x9]  }
0x62: {  	[tilespmem:s25], [sflag:$0x5] =	stream.linear.gather [hbm4b:s24+s30], $0x80, $0x38;
	[tilespmem:$0x1FE80] =	vst v63  }
0x63: {  	s14 =	rddreg [dreg:$0xa]  }
0x64: {  	[tilespmem:s26], [sflag:$0x5] =	stream.linear.gather [hbm4b:s14+s30], $0x80, $0x38;
	[tilespmem:$0x1FE80] =	vst v63  }
0x65: {  	s16 =	simm.s32 $0x13900;
	s15 =	rddreg [dreg:$0xb]  }
0x66: {  	[tilespmem:s16], [sflag:$0x6] =	stream.linear.gather [hbm4b:s15+s30], $0x80, $0x38;
	[tilespmem:$0x1FE80] =	vst v63  }
0x67: {  	s19 =	simm.s32 $0x13B00;
	s17 =	rddreg [dreg:$0xc]  }
0x68: {  	[tilespmem:s19], [sflag:$0x6] =	stream.linear.gather [hbm4b:s17+s30], $0x80, $0x38;
	[tilespmem:$0x1FE80] =	vst v63  }
0x69: {  	s23 =	rddreg [dreg:$0xd];
	s24 =	simm.s32 $0x13D00  }
0x6a: {  	[tilespmem:s24], [sflag:$0x6] =	stream.linear.gather [hbm4b:s23+s30], $0x80, $0x38;
	[tilespmem:$0x1FE80] =	vst v63  }
0x6b: {  	_ =	swait.ge [sflag:s31], $0x80  }
0x6c: {  	[sflag:s31] =	ssyncset.done $0x0  }
0x6d: {  	[sflag:s31] =	ssyncadd.s32 $0xFFFFFF80  }
0x6e: {  	_ =	swait.ge [sflag:s31], $0x80  }
0x6f: {  	[sflag:s31] =	ssyncset.done $0x0  }
0x70: {  	[sflag:s31] =	ssyncadd.s32 $0xFFFFFF80  }
0x71: {  	_ =	swait.ge [sflag:s31], $0x80  }
0x72: {  	[sflag:s31] =	ssyncset.done $0x0  }
0x73: {  	s25 =	simm.s32 $0x13E80;
	[sflag:s31] =	ssyncadd.s32 $0xFFFFFF80  }
0x74: {  	[tilespmem:s25], [sflag:$0x1] =	stream.indirect.gather [hbm4b:s1+s0], $0x40, s12, s0, $0xb8;
	[tilespmem:$0x1FE80] =	vst v63  }
0x75: {  	p1 =	por $0x0, $0x0;
	s12 =	simm.s32 $0x0  }
.LBB2_13:
0x76: {  	s8 =	smov.u32 s12  }
0x77: {  	s25 =	sand.u32 $0x1, s12;
	p0 =	slt.u32 s12, $0x2;
	s12 =	sadd.s32 $0x2, s12  }
0x78: {  	s13 =	sadd.s32 @!p0 $0x3, s25;
	p2 =	sge.u32 s12, s10  }
0x79: {  	_ =	swait.ge @!p0 [sflag:s13], $0x4000;
	s14 =	sadd.s32 @!p2 s9, s8  }
0x7a: {  	[sflag:s13] =	ssyncset.done @!p0 $0x0;
	s14 =	sshll.u32 @!p2 s14, $0x4  }
0x7b: {  	s12 =	sand.u32 @!p2 $0x3, s12;
	[sflag:s13] =	ssyncadd.s32 @!p0 $0xFFFFC000;
	s13 =	sand.u32 @!p2 $0x1FFFFFF0, s14  }
0x7c: {  	s17 =	simm.s32 @!p2 $0x0;
	s15 =	sshll.u32 @!p2 s12, $0x7;
	s13 =	sadd.s32 @!p2 $0x20, s13  }
0x7d: {  	s14 =	sadd.s32 @!p2 $0x5, s12;
	s12 =	sadd.s32 @!p2 $0x13880, s15;
	s16 =	sadd.s32 @!p2 s2, s13  }
0x7e: {  	[tilespmem:s12], [sflag:s14] =	stream.linear.gather @!p2 [hbm4b:s16+s17], $0x80, $0x38;
	[tilespmem:$0x1FE80] =	vst v63  }
0x7f: {  	s12 =	sadd.s32 @!p2 $0x13A80, s15;
	s16 =	sadd.s32 @!p2 s3, s13  }
0x80: {  	[tilespmem:s12], [sflag:s14] =	stream.linear.gather @!p2 [hbm4b:s16+s17], $0x80, $0x38;
	[tilespmem:$0x1FE80] =	vst v63  }
0x81: {  	s15 =	sadd.s32 @!p2 $0x13C80, s15;
	s13 =	sadd.s32 @!p2 s4, s13;
	s12 =	sadd.s32 $0x1, s8  }
0x82: {  	[tilespmem:s15], [sflag:s14] =	stream.linear.gather @!p2 [hbm4b:s13+s17], $0x80, $0x38;
	[tilespmem:$0x1FE80] =	vst v63  }
0x83: {  	p2 =	sge.u32 s12, s10  }
0x84: {  	s13 =	sand.u32 @!p2 $0x3, s12  }
0x85: {  	s14 =	sadd.s32 @!p2 $0x5, s13  }
0x86: {  	_ =	swait.ge @!p2 [sflag:s14], $0x80  }
0x87: {  	[sflag:s14] =	ssyncset.done @!p2 $0x0  }
0x88: {  	[sflag:s14] =	ssyncadd.s32 @!p2 $0xFFFFFF80  }
0x89: {  	_ =	swait.ge @!p2 [sflag:s14], $0x80  }
0x8a: {  	[sflag:s14] =	ssyncset.done @!p2 $0x0  }
0x8b: {  	s24 =	simm.s32 $0x3;
	[sflag:s14] =	ssyncadd.s32 @!p2 $0xFFFFFF80  }
0x8c: {  	s8 =	sand.u32 $0x3, s8;
	s13 =	sshll.u32 @!p2 s13, $0x7;
	_ =	swait.ge @!p2 [sflag:s14], $0x80  }
0x8d: {  	s15 =	sand.u32 $0x1, s12;
	s16 =	sadd.s32 @!p2 $0x13880, s13;
	[sflag:s14] =	ssyncset.done @!p2 $0x0  }
0x8e: {  	v1 =	vmov s24;
	s13 =	sshll.u32 s8, $0x7;
	[sflag:s14] =	ssyncadd.s32 @!p2 $0xFFFFFF80;
	s14 =	sshll.u32 @!p2 s15, $0xD  }
0x8f: {  	v1 =	vand.u32 $0x7F, v1;
	v2 =	vmov s13;
	s8 =	sadd.s32 @!p2 $0x13E80, s14;
	s14 =	sadd.s32 @!p2 $0x1, s15;
	s15 =	simm.s32 @!p2 $0x80  }
0x90: {  	v1 =	vor.u32 v2, v1;
	[tilespmem:s8], [sflag:s14] =	stream.indirect.gather @!p2 [hbm4b:s1+s15], $0x40, s16, s15, $0xb8;
	[tilespmem:$0x1FE80] =	vst v63  }
0x91: {  	v1 =	vbroadcast v1, $0x0;
	s16 =	simm.s32 $0x1  }
0x92: {  	s17 =	sadd.s32 $0x1, s25;
	s14 =	simm.s32 $0x1;
	v3 =	vmov s16  }
0x93: {  	s19 =	simm.s32 $0x2;
	s14 =	simm.s32 @!p1 $0x0;
	_ =	swait.ge [sflag:s17], $0x2000;
	v3 =	vand.u32 $0x7D, v3  }
0x94: {  	v4 =	vmov s19;
	s23 =	sshll.u32 s14, $0xD;
	[sflag:s17] =	ssyncset.done $0x0;
	v3 =	vor.u32 v2, v3  }
0x95: {  	v4 =	vand.u32 $0x7E, v4;
	s8 =	sadd.s32 $0x13F00, s23;
	[sflag:s17] =	ssyncadd.s32 $0xFFFFE000;
	v3 =	vbroadcast v3, $0x0  }
0x96: {  	v5 =	vmov s30;
	v4 =	vor.u32 v2, v4;
	v6 =	vld [tilespmem:s8+$0x40]  }
0x97: {  	v5 =	vand.u32 $0x7C, v5;
	v4 =	vbroadcast v4, $0x0;
	v9 =	vld.idx.msk [tilespmem:v1+s26+$0x0], $0xffff  }
0x98: {  	v1 =	vor.u32 v2, v5  }
0x99: {  	v1 =	vbroadcast v1, $0x0  }
0x9a: {  	v5 =	vld [tilespmem:s8+$0xFFFFFFC0]  }
0x9b: {  	v7 =	vld.idx.msk [tilespmem:v3+s26+$0x0], $0xffff;
	v3 =	vshll.u32 v6, $0x10  }
0x9c: {  	s14 =	sshll.u32 s14, $0xE;
	v10 =	vld [tilespmem:s8+$0x0];
	v6 =	vand.u32 $0xFFFF0000, v6;
	v3 =	vmul.f32 v3, v9  }
0x9d: {  	s14 =	sadd.s32 $0x17F80, s14;
	v8 =	vld.idx.msk [tilespmem:v4+s26+$0x0], $0xffff;
	v4 =	vmul.f32 v6, v9  }
0x9e: {  	v11 =	vld [tilespmem:s8+$0xFFFFFF80];
	[tilespmem:s14+$0x80] =	vst v3  }
0x9f: {  	v6 =	vld.idx.msk [tilespmem:v1+s26+$0x0], $0xffff;
	v1 =	vshll.u32 v5, $0x10;
	[tilespmem:s14+$0xC0] =	vst v4  }
0xa0: {  	v3 =	vand.u32 $0xFFFF0000, v5;
	v4 =	vld [tilespmem:s8+$0x50];
	v1 =	vmul.f32 v1, v7  }
0xa1: {  	v5 =	vshll.u32 v10, $0x10;
	v3 =	vmul.f32 v3, v7  }
0xa2: {  	v10 =	vand.u32 $0xFFFF0000, v10;
	v5 =	vmul.f32 v5, v8;
	[tilespmem:s14+$0xFFFFFF80] =	vst v1  }
0xa3: {  	v10 =	vmul.f32 v10, v8;
	v1 =	vshll.u32 v11, $0x10;
	[tilespmem:s14+$0xFFFFFFC0] =	vst v3  }
0xa4: {  	[tilespmem:s14+$0x0] =	vst v5;
	v3 =	vand.u32 $0xFFFF0000, v11;
	v1 =	vmul.f32 v1, v6;
	v11 =	vld [tilespmem:s8+$0xFFFFFFD0]  }
0xa5: {  	[tilespmem:s14+$0x40] =	vst v10;
	v3 =	vmul.f32 v3, v6;
	v5 =	vshll.u32 v4, $0x10  }
0xa6: {  	s24 =	simm.s32 $0x4;
	v4 =	vand.u32 $0xFFFF0000, v4;
	[tilespmem:s14+$0xFFFFFF00] =	vst v1;
	v1 =	vld [tilespmem:s8+$0x10];
	v5 =	vmul.f32 v5, v9  }
0xa7: {  	s16 =	simm.s32 $0x5;
	v10 =	vmov s24;
	[tilespmem:s14+$0xFFFFFF40] =	vst v3;
	v3 =	vmul.f32 v4, v9  }
0xa8: {  	v4 =	vand.u32 $0x7C, v10;
	v10 =	vmov s16;
	v12 =	vld [tilespmem:s8+$0xFFFFFF90];
	[tilespmem:s14+$0x90] =	vst v5  }
0xa9: {  	v4 =	vor.u32 v2, v4;
	v5 =	vand.u32 $0x7D, v10;
	[tilespmem:s14+$0xD0] =	vst v3;
	v10 =	vshll.u32 v11, $0x10  }
0xaa: {  	v3 =	vbroadcast v4, $0x0;
	v4 =	vand.u32 $0xFFFF0000, v11;
	v11 =	vld [tilespmem:s8+$0x60];
	v10 =	vmul.f32 v10, v7  }
0xab: {  	v5 =	vor.u32 v2, v5;
	v4 =	vmul.f32 v4, v7;
	v13 =	vshll.u32 v1, $0x10  }
0xac: {  	s17 =	simm.s32 $0x7;
	v5 =	vbroadcast v5, $0x0;
	v1 =	vand.u32 $0xFFFF0000, v1;
	[tilespmem:s14+$0xFFFFFF90] =	vst v10;
	v10 =	vmul.f32 v13, v8  }
0xad: {  	v1 =	vmul.f32 v1, v8;
	v13 =	vshll.u32 v12, $0x10;
	[tilespmem:s14+$0xFFFFFFD0] =	vst v4;
	v4 =	vmov s17  }
0xae: {  	v12 =	vand.u32 $0xFFFF0000, v12;
	v13 =	vmul.f32 v13, v6;
	v14 =	vld [tilespmem:s8+$0xFFFFFFE0];
	v4 =	vand.u32 $0x7F, v4;
	[tilespmem:s14+$0x10] =	vst v10  }
0xaf: {  	v10 =	vmul.f32 v12, v6;
	[tilespmem:s14+$0x50] =	vst v1;
	v1 =	vor.u32 v2, v4;
	v4 =	vshll.u32 v11, $0x10  }
0xb0: {  	v11 =	vand.u32 $0xFFFF0000, v11;
	[tilespmem:s14+$0xFFFFFF10] =	vst v13;
	v12 =	vld [tilespmem:s8+$0x20];
	v13 =	vbroadcast v1, $0x0;
	v4 =	vmul.f32 v4, v9  }
0xb1: {  	s19 =	simm.s32 $0x6;
	v1 =	vld.idx.msk [tilespmem:v3+s26+$0x0], $0xffff;
	v3 =	vmul.f32 v11, v9;
	[tilespmem:s14+$0xFFFFFF50] =	vst v10  }
0xb2: {  	v10 =	vmov s19;
	v11 =	vld [tilespmem:s8+$0xFFFFFFA0];
	[tilespmem:s14+$0xA0] =	vst v4  }
0xb3: {  	v10 =	vand.u32 $0x7E, v10;
	v4 =	vld.idx.msk [tilespmem:v5+s26+$0x0], $0xffff;
	[tilespmem:s14+$0xE0] =	vst v3;
	v5 =	vshll.u32 v14, $0x10  }
0xb4: {  	s24 =	sadd.s32 $0x100, s8;
	v3 =	vor.u32 v2, v10;
	v10 =	vand.u32 $0xFFFF0000, v14;
	v14 =	vld [tilespmem:s8+$0x70];
	v5 =	vmul.f32 v5, v7  }
0xb5: {  	v16 =	vld [tilespmem:s24+$0x40];
	v3 =	vbroadcast v3, $0x0;
	v10 =	vmul.f32 v10, v7;
	v15 =	vshll.u32 v12, $0x10  }
0xb6: {  	v12 =	vand.u32 $0xFFFF0000, v12;
	[tilespmem:s14+$0xFFFFFFA0] =	vst v5;
	v15 =	vmul.f32 v15, v8;
	v5 =	vld.idx.msk [tilespmem:v13+s26+$0x0], $0xffff  }
0xb7: {  	v12 =	vmul.f32 v12, v8;
	[tilespmem:s14+$0xFFFFFFE0] =	vst v10;
	v10 =	vld [tilespmem:s24+$0xFFFFFF80];
	v13 =	vshll.u32 v11, $0x10  }
0xb8: {  	v11 =	vand.u32 $0xFFFF0000, v11;
	v13 =	vmul.f32 v13, v6;
	[tilespmem:s14+$0x20] =	vst v15;
	v15 =	vld [tilespmem:s24+$0xFFFFFFC0]  }
0xb9: {  	v11 =	vmul.f32 v11, v6;
	[tilespmem:s14+$0x60] =	vst v12;
	v12 =	vld [tilespmem:s24+$0x0];
	v17 =	vand.u32 $0xFFFF0000, v14  }
0xba: {  	v18 =	vshll.u32 v16, $0x10;
	v17 =	vmul.f32 v17, v9;
	[tilespmem:s14+$0xFFFFFF20] =	vst v13;
	v13 =	vshll.u32 v14, $0x10;
	v14 =	vld [tilespmem:s8+$0xFFFFFFF0]  }
0xbb: {  	s23 =	simm.s32 $0x8;
	v3 =	vld.idx.msk [tilespmem:v3+s26+$0x0], $0xffff;
	[tilespmem:s14+$0xFFFFFF60] =	vst v11;
	v11 =	vand.u32 $0xFFFF0000, v16;
	v16 =	vmul.f32 v18, v5  }
0xbc: {  	v19 =	vmov s23;
	s16 =	sadd.s32 $0x200, s14;
	v9 =	vmul.f32 v13, v9;
	v18 =	vld [tilespmem:s8+$0x30];
	[tilespmem:s14+$0xF0] =	vst v17;
	v11 =	vmul.f32 v11, v5  }
0xbd: {  	v13 =	vand.u32 $0x7C, v19;
	v17 =	vshll.u32 v10, $0x10;
	v19 =	vld [tilespmem:s8+$0xFFFFFFB0];
	v20 =	vshll.u32 v15, $0x10;
	[tilespmem:s16+$0x80] =	vst v16  }
0xbe: {  	v10 =	vand.u32 $0xFFFF0000, v10;
	v15 =	vand.u32 $0xFFFF0000, v15;
	[tilespmem:s16+$0xC0] =	vst v11;
	v20 =	vmul.f32 v20, v4  }
0xbf: {  	v17 =	vmul.f32 v17, v1;
	v16 =	vshll.u32 v12, $0x10;
	[tilespmem:s14+$0xB0] =	vst v9;
	v11 =	vmul.f32 v15, v4;
	v15 =	vld [tilespmem:s24+$0x50]  }
0xc0: {  	v10 =	vmul.f32 v10, v1;
	v9 =	vand.u32 $0xFFFF0000, v12;
	v16 =	vmul.f32 v16, v3;
	[tilespmem:s16+$0xFFFFFF80] =	vst v20  }
0xc1: {  	v12 =	vshll.u32 v14, $0x10;
	v9 =	vmul.f32 v9, v3;
	v14 =	vand.u32 $0xFFFF0000, v14;
	[tilespmem:s16+$0xFFFFFFC0] =	vst v11  }
0xc2: {  	v20 =	vshll.u32 v18, $0x10;
	v11 =	vshll.u32 v19, $0x10;
	v19 =	vand.u32 $0xFFFF0000, v19;
	[tilespmem:s16+$0x0] =	vst v16  }
0xc3: {  	v18 =	vand.u32 $0xFFFF0000, v18;
	v12 =	vmul.f32 v12, v7;
	v14 =	vmul.f32 v14, v7;
	v21 =	vld [tilespmem:s24+$0xFFFFFFD0];
	[tilespmem:s16+$0x40] =	vst v9  }
0xc4: {  	[tilespmem:s16+$0xFFFFFF00] =	vst v17;
	v9 =	vmul.f32 v20, v8;
	v8 =	vmul.f32 v18, v8;
	v17 =	vld [tilespmem:s24+$0x10];
	v18 =	vshll.u32 v15, $0x10  }
0xc5: {  	s15 =	simm.s32 $0x9;
	[tilespmem:s16+$0xFFFFFF40] =	vst v10;
	v7 =	vmul.f32 v11, v6;
	v10 =	vand.u32 $0xFFFF0000, v15;
	v11 =	vmul.f32 v18, v5  }
0xc6: {  	s17 =	simm.s32 $0xA;
	v16 =	vmov s15;
	v6 =	vmul.f32 v19, v6;
	[tilespmem:s14+$0xFFFFFFB0] =	vst v12;
	v10 =	vmul.f32 v10, v5  }
0xc7: {  	v12 =	vor.u32 v2, v13;
	v16 =	vand.u32 $0x7D, v16;
	v15 =	vmov s17;
	v18 =	vld [tilespmem:s24+$0xFFFFFF90];
	[tilespmem:s16+$0x90] =	vst v11  }
0xc8: {  	v13 =	vshll.u32 v21, $0x10;
	v11 =	vand.u32 $0xFFFF0000, v21;
	[tilespmem:s16+$0xD0] =	vst v10;
	v10 =	vbroadcast v12, $0x0  }
0xc9: {  	v19 =	vmul.f32 v13, v4;
	v12 =	vmul.f32 v11, v4;
	v11 =	vshll.u32 v17, $0x10  }
0xca: {  	[tilespmem:s14+$0xFFFFFFF0] =	vst v14;
	v14 =	vor.u32 v2, v16;
	v13 =	vld [tilespmem:s24+$0x60];
	v16 =	vand.u32 $0xFFFF0000, v17;
	v17 =	vmul.f32 v11, v3  }
0xcb: {  	s19 =	simm.s32 $0xB;
	v15 =	vand.u32 $0x7E, v15;
	v11 =	vbroadcast v14, $0x0;
	v16 =	vmul.f32 v16, v3;
	[tilespmem:s16+$0xFFFFFF90] =	vst v19  }
0xcc: {  	v14 =	vshll.u32 v18, $0x10;
	[tilespmem:s16+$0xFFFFFFD0] =	vst v12;
	v12 =	vor.u32 v2, v15;
	v15 =	vmov s19  }
0xcd: {  	v19 =	vmul.f32 v14, v1;
	[tilespmem:s16+$0x10] =	vst v17;
	v12 =	vbroadcast v12, $0x0;
	v17 =	vand.u32 $0xFFFF0000, v18;
	v14 =	vld [tilespmem:s24+$0xFFFFFFE0]  }
0xce: {  	s23 =	sshll.u32 s25, $0xE;
	s8 =	simm.s32 $0xC;
	v15 =	vand.u32 $0x7F, v15;
	[tilespmem:s16+$0x50] =	vst v16;
	v16 =	vmul.f32 v17, v1  }
0xcf: {  	s15 =	sadd.s32 $0x17E80, s23;
	s17 =	smov.u32 s16;
	s19 =	smov.u32 s24;
	v17 =	vor.u32 v2, v15;
	v15 =	vld [tilespmem:s24+$0x20];
	[tilespmem:s16+$0xFFFFFF10] =	vst v19;
	v18 =	vshll.u32 v13, $0x10  }
.LBB2_14:
0xd0: {  	p2 =	slt.u32 s8, $0x7C;
	v10 =	vld.idx.msk [tilespmem:v10+s26+$0x0], $0xffff;
	v17 =	vbroadcast v17, $0x0;
	[tilespmem:s16+$0xFFFFFF50] =	vst v16;
	v13 =	vand.u32 $0xFFFF0000, v13;
	v16 =	vmul.f32 v18, v5  }
0xd1: {  	v18 =	vld [tilespmem:s24+$0xFFFFFFA0];
	v13 =	vmul.f32 v13, v5;
	[tilespmem:s14+$0x30] =	vst v9  }
0xd2: {  	v9 =	vld.idx.msk [tilespmem:v11+s26+$0x0], $0xffff;
	v11 =	vshll.u32 v14, $0x10;
	v14 =	vand.u32 $0xFFFF0000, v14;
	[tilespmem:s16+$0xA0] =	vst v16  }
0xd3: {  	v12 =	vld.idx.msk [tilespmem:v12+s26+$0x0], $0xffff;
	v11 =	vmul.f32 v11, v4;
	v14 =	vmul.f32 v14, v4;
	[tilespmem:s16+$0xE0] =	vst v13  }
0xd4: {  	s24 =	sadd.s32 $0x100, s24;
	v13 =	vshll.u32 v15, $0x10;
	v15 =	vand.u32 $0xFFFF0000, v15;
	v16 =	vld [tilespmem:s19+$0x70];
	[tilespmem:s14+$0x70] =	vst v8  }
0xd5: {  	v8 =	vld [tilespmem:s24+$0x40];
	[tilespmem:s16+$0xFFFFFFA0] =	vst v11;
	v11 =	vmul.f32 v13, v3;
	v13 =	vmul.f32 v15, v3  }
0xd6: {  	v15 =	vld.idx.msk [tilespmem:v17+s26+$0x0], $0xffff;
	v17 =	vshll.u32 v18, $0x10;
	v18 =	vand.u32 $0xFFFF0000, v18;
	[tilespmem:s16+$0xFFFFFFE0] =	vst v14  }
0xd7: {  	v14 =	vld [tilespmem:s24+$0xFFFFFF80];
	v17 =	vmul.f32 v17, v1;
	v18 =	vmul.f32 v18, v1;
	[tilespmem:s16+$0x20] =	vst v11  }
0xd8: {  	v11 =	vld [tilespmem:s24+$0xFFFFFFC0];
	[tilespmem:s16+$0x60] =	vst v13  }
0xd9: {  	v13 =	vld [tilespmem:s24+$0x0];
	[tilespmem:s16+$0xFFFFFF20] =	vst v17;
	v17 =	vshll.u32 v16, $0x10;
	v16 =	vand.u32 $0xFFFF0000, v16  }
0xda: {  	v19 =	vmov s8;
	[tilespmem:s16+$0xFFFFFF60] =	vst v18;
	v18 =	vld [tilespmem:s19+$0xFFFFFFF0];
	v17 =	vmul.f32 v17, v5;
	v22 =	vmul.f32 v16, v5  }
0xdb: {  	v16 =	vand.u32 $0x7C, v19;
	v19 =	vshll.u32 v8, $0x10;
	v20 =	vld [tilespmem:s19+$0x30];
	[tilespmem:s14+$0xFFFFFF30] =	vst v7  }
0xdc: {  	v8 =	vand.u32 $0xFFFF0000, v8;
	v19 =	vmul.f32 v19, v15;
	v5 =	vmovc v15;
	v7 =	vshll.u32 v14, $0x10;
	v21 =	vld [tilespmem:s19+$0xFFFFFFB0];
	[tilespmem:s16+$0xF0] =	vst v22;
	s19 =	smov.u32 s24  }
0xdd: {  	v14 =	vand.u32 $0xFFFF0000, v14;
	v8 =	vmul.f32 v8, v5;
	s16 =	sadd.s32 $0x200, s16;
	v15 =	vshll.u32 v11, $0x10;
	[tilespmem:s17+$0xB0] =	vst v17  }
0xde: {  	v11 =	vand.u32 $0xFFFF0000, v11;
	v17 =	vshll.u32 v13, $0x10;
	v13 =	vand.u32 $0xFFFF0000, v13;
	[tilespmem:s16+$0x80] =	vst v19  }
0xdf: {  	v15 =	vmul.f32 v15, v9;
	v11 =	vmul.f32 v11, v9;
	[tilespmem:s16+$0xC0] =	vst v8;
	v8 =	vshll.u32 v18, $0x10  }
0xe0: {  	v17 =	vmul.f32 v17, v12;
	v13 =	vmul.f32 v13, v12;
	v18 =	vand.u32 $0xFFFF0000, v18;
	v19 =	vld [tilespmem:s24+$0x50];
	[tilespmem:s14+$0xFFFFFF70] =	vst v6;
	s14 =	smov.u32 s17;
	s17 =	smov.u32 s16  }
0xe1: {  	v14 =	vmul.f32 v14, v10;
	v6 =	vmul.f32 v7, v10;
	v7 =	vshll.u32 v20, $0x10;
	[tilespmem:s16+$0xFFFFFF80] =	vst v15  }
0xe2: {  	s23 =	sadd.s32 $0x1, s8;
	v20 =	vand.u32 $0xFFFF0000, v20;
	v15 =	vand.u32 $0xFFFF0000, v21;
	[tilespmem:s16+$0xFFFFFFC0] =	vst v11;
	v11 =	vshll.u32 v21, $0x10  }
0xe3: {  	v18 =	vmul.f32 v18, v4;
	v21 =	vmov s23;
	s23 =	sadd.s32 $0x2, s8;
	v22 =	vld [tilespmem:s24+$0xFFFFFFD0];
	[tilespmem:s16+$0x0] =	vst v17;
	v17 =	vmul.f32 v8, v4;
	v4 =	vmovc v9  }
0xe4: {  	v23 =	vmov s23;
	v9 =	vmul.f32 v7, v3;
	v8 =	vmul.f32 v20, v3;
	v3 =	vmovc v12;
	[tilespmem:s16+$0x40] =	vst v13  }
0xe5: {  	v7 =	vmul.f32 v11, v1;
	[tilespmem:s16+$0xFFFFFF00] =	vst v6;
	v12 =	vld [tilespmem:s24+$0x10];
	v13 =	vshll.u32 v19, $0x10;
	v6 =	vmul.f32 v15, v1;
	v1 =	vmovc v10  }
0xe6: {  	v10 =	vor.u32 v2, v16;
	v11 =	vand.u32 $0xFFFF0000, v19;
	[tilespmem:s16+$0xFFFFFF40] =	vst v14;
	v13 =	vmul.f32 v13, v5  }
0xe7: {  	v15 =	vand.u32 $0x7E, v23;
	v14 =	vand.u32 $0x7D, v21;
	v11 =	vmul.f32 v11, v5;
	v16 =	vld [tilespmem:s24+$0xFFFFFF90];
	[tilespmem:s14+$0xFFFFFFB0] =	vst v17  }
0xe8: {  	v10 =	vbroadcast v10, $0x0;
	v17 =	vshll.u32 v22, $0x10;
	v19 =	vand.u32 $0xFFFF0000, v22;
	[tilespmem:s16+$0x90] =	vst v13  }
0xe9: {  	v13 =	vor.u32 v2, v14;
	v14 =	vmul.f32 v17, v4;
	v17 =	vmul.f32 v19, v4;
	[tilespmem:s16+$0xD0] =	vst v11  }
0xea: {  	v11 =	vbroadcast v13, $0x0;
	v19 =	vshll.u32 v12, $0x10;
	v12 =	vand.u32 $0xFFFF0000, v12;
	v13 =	vld [tilespmem:s24+$0x60];
	[tilespmem:s14+$0xFFFFFFF0] =	vst v18  }
.Ltmp7:
0xeb: {  	v15 =	vor.u32 v2, v15;
	[tilespmem:s16+$0xFFFFFF90] =	vst v14;
	v18 =	vmul.f32 v19, v3;
	v19 =	vmul.f32 v12, v3;
	(pc) =	sbr.rel @p2 .LBB2_14-.Ltmp7, $4  }
0xec: {  	s23 =	sadd.s32 $0x3, s8;
	v12 =	vbroadcast v15, $0x0;
	v14 =	vshll.u32 v16, $0x10;
	v15 =	vand.u32 $0xFFFF0000, v16;
	[tilespmem:s16+$0xFFFFFFD0] =	vst v17  }
0xed: {  	v17 =	vmov s23;
	v20 =	vmul.f32 v14, v1;
	v16 =	vmul.f32 v15, v1;
	v14 =	vld [tilespmem:s24+$0xFFFFFFE0];
	[tilespmem:s16+$0x10] =	vst v18  }
0xee: {  	v15 =	vand.u32 $0x7F, v17;
	[tilespmem:s16+$0x50] =	vst v19  }
0xef: {  	s8 =	sadd.s32 $0x4, s8;
	v17 =	vor.u32 v2, v15;
	[tilespmem:s16+$0xFFFFFF10] =	vst v20;
	v15 =	vld [tilespmem:s24+$0x20];
	v18 =	vshll.u32 v13, $0x10  }
0xf0: {  	[tilespmem:s16+$0xFFFFFF50] =	vst v16  }
0xf1: {  	[tilespmem:s14+$0x30] =	vst v9  }
0xf2: {  	v2 =	vand.u32 $0xFFFF0000, v13;
	v43 =	vmul.f32 v18, v5;
	v44 =	vbroadcast v17, $0x0;
	[tilespmem:s14+$0x70] =	vst v8  }
0xf3: {  	[tilespmem:s14+$0xFFFFFF30] =	vst v7;
	v45 =	vld [tilespmem:s24+$0xFFFFFFA0];
	v2 =	vmul.f32 v2, v5  }
0xf4: {  	s8 =	sadd.s32 $0x100, s24;
	v7 =	vld.idx.msk [tilespmem:v12+s26+$0x0], $0xffff;
	v46 =	vshll.u32 v14, $0x10;
	[tilespmem:s16+$0xA0] =	vst v43  }
0xf5: {  	v59 =	vld [tilespmem:s8+$0x0];
	v47 =	vand.u32 $0xFFFF0000, v14;
	v9 =	vmul.f32 v46, v4;
	[tilespmem:s16+$0xE0] =	vst v2  }
0xf6: {  	[tilespmem:s14+$0xFFFFFF70] =	vst v6;
	v2 =	vmul.f32 v47, v4;
	v48 =	vshll.u32 v15, $0x10;
	v49 =	vld [tilespmem:s19+$0x70]  }
0xf7: {  	v52 =	vld [tilespmem:s8+$0x40];
	v50 =	vand.u32 $0xFFFF0000, v15;
	[tilespmem:s16+$0xFFFFFFA0] =	vst v9;
	v51 =	vmul.f32 v48, v3  }
0xf8: {  	v8 =	vmul.f32 v50, v3;
	[tilespmem:s16+$0xFFFFFFE0] =	vst v2;
	v53 =	vshll.u32 v45, $0x10;
	v16 =	vld.idx.msk [tilespmem:v44+s26+$0x0], $0xffff  }
0xf9: {  	v55 =	vld [tilespmem:s8+$0xFFFFFFC0];
	v2 =	vand.u32 $0xFFFF0000, v45;
	v15 =	vmul.f32 v53, v1;
	[tilespmem:s16+$0x20] =	vst v51  }
0xfa: {  	v20 =	vand.u32 $0xFFFF0000, v59;
	v54 =	vmul.f32 v2, v1;
	[tilespmem:s16+$0x60] =	vst v8;
	v2 =	vld.idx.msk [tilespmem:v11+s26+$0x0], $0xffff  }
0xfb: {  	v6 =	vmul.f32 v20, v7;
	[tilespmem:s16+$0xFFFFFF20] =	vst v15;
	v56 =	vand.u32 $0xFFFF0000, v49  }
0xfc: {  	s23 =	sadd.s32 $0x200, s16;
	v61 =	vshll.u32 v52, $0x10;
	[tilespmem:s16+$0xFFFFFF60] =	vst v54;
	v58 =	vmul.f32 v56, v5  }
0xfd: {  	v63 =	vld [tilespmem:s8+$0xFFFFFF80];
	v62 =	vand.u32 $0xFFFF0000, v52;
	v57 =	vshll.u32 v49, $0x10;
	[tilespmem:s23+$0x40] =	vst v6;
	v11 =	vmul.f32 v61, v16  }
0xfe: {  	v15 =	vshll.u32 v55, $0x10;
	v60 =	vmul.f32 v57, v5;
	v5 =	vld.idx.msk [tilespmem:v10+s26+$0x0], $0xffff;
	v12 =	vmul.f32 v62, v16;
	[tilespmem:s16+$0xF0] =	vst v58  }
0xff: {  	v17 =	vld [tilespmem:s19+$0xFFFFFFF0];
	v8 =	vand.u32 $0xFFFF0000, v55;
	v10 =	vmul.f32 v15, v2;
	[tilespmem:s23+$0x80] =	vst v11  }
0x100: {  	v8 =	vmul.f32 v8, v2;
	[tilespmem:s23+$0xC0] =	vst v12  }
0x101: {  	v18 =	vshll.u32 v59, $0x10;
	v19 =	vld [tilespmem:s8+$0x50];
	[tilespmem:s23+$0xFFFFFF80] =	vst v10  }
0x102: {  	v21 =	vshll.u32 v63, $0x10;
	v12 =	vmul.f32 v18, v7;
	[tilespmem:s23+$0xFFFFFFC0] =	vst v8  }
0x103: {  	v22 =	vand.u32 $0xFFFF0000, v63;
	[tilespmem:s17+$0xB0] =	vst v60;
	v23 =	vmul.f32 v21, v5;
	v24 =	vld [tilespmem:s8+$0xFFFFFFD0]  }
0x104: {  	v25 =	vshll.u32 v17, $0x10;
	[tilespmem:s23+$0x0] =	vst v12;
	v8 =	vmul.f32 v22, v5  }
0x105: {  	v26 =	vmul.f32 v25, v4;
	v11 =	vand.u32 $0xFFFF0000, v17;
	v27 =	vld [tilespmem:s8+$0x10];
	[tilespmem:s23+$0xFFFFFF00] =	vst v23  }
0x106: {  	v31 =	vmul.f32 v11, v4;
	[tilespmem:s23+$0xFFFFFF40] =	vst v8;
	v28 =	vshll.u32 v19, $0x10  }
0x107: {  	[tilespmem:s17+$0xFFFFFFB0] =	vst v26;
	v30 =	vld [tilespmem:s8+$0xFFFFFF90];
	v29 =	vand.u32 $0xFFFF0000, v19;
	v12 =	vmul.f32 v28, v16  }
0x108: {  	[tilespmem:s17+$0xFFFFFFF0] =	vst v31;
	v8 =	vmul.f32 v29, v16;
	v32 =	vshll.u32 v24, $0x10  }
0x109: {  	v33 =	vld [tilespmem:s19+$0x30];
	v10 =	vand.u32 $0xFFFF0000, v24;
	v6 =	vmul.f32 v32, v2;
	[tilespmem:s23+$0x90] =	vst v12  }
0x10a: {  	v34 =	vmul.f32 v10, v2;
	v35 =	vshll.u32 v27, $0x10;
	[tilespmem:s23+$0xD0] =	vst v8  }
0x10b: {  	v36 =	vand.u32 $0xFFFF0000, v27;
	v37 =	vmul.f32 v35, v7;
	v12 =	vld [tilespmem:s8+$0x60];
	[tilespmem:s23+$0xFFFFFF90] =	vst v6  }
0x10c: {  	v4 =	vmul.f32 v36, v7;
	v38 =	vshll.u32 v30, $0x10;
	[tilespmem:s23+$0xFFFFFFD0] =	vst v34  }
0x10d: {  	v39 =	vand.u32 $0xFFFF0000, v30;
	v9 =	vmul.f32 v38, v5;
	v40 =	vld [tilespmem:s8+$0xFFFFFFE0];
	[tilespmem:s23+$0x10] =	vst v37  }
0x10e: {  	v41 =	vshll.u32 v33, $0x10;
	v8 =	vmul.f32 v39, v5;
	[tilespmem:s23+$0x50] =	vst v4  }
0x10f: {  	v42 =	vmul.f32 v41, v3;
	v11 =	vand.u32 $0xFFFF0000, v33;
	v43 =	vld [tilespmem:s8+$0x20];
	[tilespmem:s23+$0xFFFFFF10] =	vst v9  }
0x110: {  	v3 =	vmul.f32 v11, v3;
	[tilespmem:s23+$0xFFFFFF50] =	vst v8;
	v44 =	vshll.u32 v12, $0x10  }
0x111: {  	[tilespmem:s17+$0x30] =	vst v42;
	v46 =	vld [tilespmem:s8+$0xFFFFFFA0];
	v45 =	vand.u32 $0xFFFF0000, v12;
	v9 =	vmul.f32 v44, v16  }
0x112: {  	[tilespmem:s17+$0x70] =	vst v3;
	v8 =	vmul.f32 v45, v16;
	v47 =	vshll.u32 v40, $0x10  }
0x113: {  	v48 =	vld [tilespmem:s19+$0xFFFFFFB0];
	v10 =	vand.u32 $0xFFFF0000, v40;
	v4 =	vmul.f32 v47, v2;
	[tilespmem:s23+$0xA0] =	vst v9  }
0x114: {  	v49 =	vmul.f32 v10, v2;
	v50 =	vshll.u32 v43, $0x10;
	[tilespmem:s23+$0xE0] =	vst v8  }
0x115: {  	v3 =	vand.u32 $0xFFFF0000, v43;
	v52 =	vmul.f32 v50, v7;
	v51 =	vld [tilespmem:s8+$0x70];
	[tilespmem:s23+$0xFFFFFFA0] =	vst v4  }
0x116: {  	v3 =	vmul.f32 v3, v7;
	v53 =	vshll.u32 v46, $0x10;
	[tilespmem:s23+$0xFFFFFFE0] =	vst v49  }
0x117: {  	v54 =	vand.u32 $0xFFFF0000, v46;
	v6 =	vmul.f32 v53, v5;
	[tilespmem:s23+$0x20] =	vst v52;
	v55 =	vld [tilespmem:s8+$0xFFFFFFF0]  }
0x118: {  	v56 =	vshll.u32 v48, $0x10;
	v8 =	vmul.f32 v54, v5;
	[tilespmem:s23+$0x60] =	vst v3  }
0x119: {  	v59 =	vand.u32 $0xFFFF0000, v48;
	v3 =	vmul.f32 v56, v1;
	v58 =	vld [tilespmem:s8+$0x30];
	[tilespmem:s23+$0xFFFFFF20] =	vst v6  }
0x11a: {  	v1 =	vmul.f32 v59, v1;
	[tilespmem:s23+$0xFFFFFF60] =	vst v8;
	v57 =	vand.u32 $0xFFFF0000, v51  }
0x11b: {  	[tilespmem:s17+$0xFFFFFF30] =	vst v3;
	v3 =	vld [tilespmem:s8+$0xFFFFFFB0];
	v11 =	vshll.u32 v51, $0x10;
	v6 =	vmul.f32 v57, v16  }
0x11c: {  	[tilespmem:s17+$0xFFFFFF70] =	vst v1;
	v60 =	vmul.f32 v11, v16;
	v61 =	vshll.u32 v55, $0x10  }
0x11d: {  	v4 =	vand.u32 $0xFFFF0000, v55;
	[tilespmem:s23+$0xF0] =	vst v6;
	v6 =	vmul.f32 v61, v2  }
0x11e: {  	v1 =	vshll.u32 v58, $0x10;
	[tilespmem:s23+$0xB0] =	vst v60;
	v2 =	vmul.f32 v4, v2  }
0x11f: {  	v62 =	vand.u32 $0xFFFF0000, v58;
	v1 =	vmul.f32 v1, v7;
	[tilespmem:s23+$0xFFFFFFB0] =	vst v6  }
0x120: {  	p0 =	sne.s32 s12, s10;
	v4 =	vmul.f32 v62, v7;
	v63 =	vshll.u32 v3, $0x10;
	[tilespmem:s23+$0xFFFFFFF0] =	vst v2  }
.Ltmp8:
0x121: {  	v2 =	vand.u32 $0xFFFF0000, v3;
	v3 =	vmul.f32 v63, v5;
	[tilespmem:s23+$0x30] =	vst v1;
	(pc) =	sbr.rel @p0 .LBB2_13-.Ltmp8, $4  }
0x122: {  	[tilespmem:s23+$0x70] =	vst v4;
	v1 =	vmul.f32 v2, v5  }
0x123: {  	[tilespmem:s23+$0xFFFFFF30] =	vst v3  }
0x124: {  	s25 =	sadd.s32 $0x3, s25;
	p1 =	por !p1, !p1;
	s24 =	sadd.s32 $0x13A80, s13;
	[tilespmem:s23+$0xFFFFFF70] =	vst v1  }
0x125: {  	[spmem:s6] =	stream.indirect.scatter.add.f32 [tilespmem:s15], [sflag:s25], $0x80, s24, s0, $0xb8;
	[tilespmem:$0x1FE80] =	vst v63  }
0x126: {  	_ =	swait.ge [sflag:s20], $0x4000  }
0x127: {  	[sflag:s20] =	ssyncset.done $0x0  }
0x128: {  	p1 =	sgt.u32 s5, $0x4D;
	[sflag:s20] =	ssyncadd.s32 $0xFFFFC000  }
0x129: {  	p0 =	sne.s32 @p1 s5, $0x4E;
	_ =	swait.ge [sflag:s21], $0x4000  }
0x12a: {  	s12 =	sshll.u32 @!p1 s5, $0x6;
	p2 =	por p0, !p1;
	[sflag:s21] =	ssyncset.done $0x0  }
0x12b: {  	s8 =	sshll.u32 @!p2 s5, $0x6;
	s14 =	sshrl.u32 @!p2 s11, $0x3;
	[sflag:s21] =	ssyncadd.s32 $0xFFFFC000  }
.Ltmp9:
0x12c: {  	s8 =	sor.u32 @!p2 $0x1C09, s8;
	[bflag:$0x0] =	sbarrier.arrive $0xFFFF;
	(pc) =	sbr.rel @!p6 .LBB2_18-.Ltmp9, $4  }
0x12d: {  	[hbm:s18], [sflag:s8] =	dma.local @!p2 [spmem:s14], $0x100  }
0x12e: {  	s13 =	sshrl.u32 @!p1 s22, $0x3;
	s12 =	sor.u32 @!p1 $0x1C09, s12;
	s14 =	rddreg [dreg:$0xf]  }
0x12f: {  	[hbm:s14], [sflag:s12] =	dma.local @!p1 [spmem:s13], $0x800  }
0x130: {  	s8 =	smov.u32 s22;
	s12 =	smov.u32 s14  }
.LBB2_17:
0x131: {  	p0 =	sgt.u32 s29, $0x4D;
	s28 =	sadd.s32 $0xFFFFFFFF, s28;
	s8 =	sadd.s32 $0x40000, s8  }
0x132: {  	p4 =	sne.s32 @p0 s29, $0x4E;
	s29 =	sadd.s32 $0x10, s29;
	p3 =	sne.s32 s28, $0x0  }
.Ltmp10:
0x133: {  	s12 =	sadd.s32 $0x8000, s12;
	p4 =	por p4, !p0;
	(pc) =	sbr.rel @p3 .LBB2_17-.Ltmp10, $4  }
0x134: {  	s14 =	sshll.u32 @!p0 s5, $0x6;
	s15 =	sshrl.u32 @!p0 s8, $0x3;
	s13 =	sshll.u32 @!p4 s5, $0x6  }
0x135: {  	s14 =	sor.u32 @!p0 $0x1C09, s14;
	s16 =	sshrl.u32 @!p4 s11, $0x3;
	s13 =	sor.u32 @!p4 $0x1C09, s13  }
0x136: {  	[hbm:s18], [sflag:s13] =	dma.local @!p4 [spmem:s16], $0x100  }
0x137: {  	[hbm:s12], [sflag:s14] =	dma.local @!p0 [spmem:s15], $0x800  }
.LBB2_18:
0x138: {  	s16 =	rddreg [dreg:$0x7]  }
0x139: {  	s8 =	sadd.s32 $0xFFFFFFFF, s16  }
0x13a: {  	p3 =	sne.s32 s8, $0x0  }
.Ltmp11:
0x13b: {  	_ = 	snop;
	(pc) =	sbr.rel @!p3 .LBB2_19-.Ltmp11, $2  }
0x13c: {  	_ =	sdelay $0x2  }
0x13d: {  	p0 =	por $0x0, $0x0  }
0x13e: {  	s8 =	sadd.s32 $0xFFFFFFFF, s8  }
0x13f: {  	s13 =	simm.s32 @!p2 $0x9;
	p4 =	sne.s32 s8, $0x0  }
.Ltmp12:
0x140: {  	_ =	swait.ge @!p2 [sflag:s13], $0x100;
	(pc) =	sbr.rel @!p4 .LBB2_22-.Ltmp12, $4  }
0x141: {  	s12 =	sadd.s32 $0x10, s5;
	p3 =	por p1, p1;
	[sflag:s13] =	ssyncset.done @!p2 $0x0  }
0x142: {  	p1 =	sgt.u32 s12, $0x4D;
	[sflag:s13] =	ssyncadd.s32 @!p2 $0xFFFFFF00;
	s13 =	simm.s32 @!p3 $0x9  }
0x143: {  	p0 =	sne.s32 @p1 s12, $0x4E;
	_ =	swait.ge @!p3 [sflag:s13], $0x800  }
0x144: {  	p2 =	por p0, !p1;
	p0 =	por $0x1, $0x1;
	[sflag:s13] =	ssyncset.done @!p3 $0x0  }
.LBB2_21:
0x145: {  	s8 =	sadd.s32 $0xFFFFFFFF, s8  }
0x146: {  	s14 =	simm.s32 @!p2 $0x9;
	[sflag:s13] =	ssyncadd.s32 @!p3 $0xFFFFF800;
	p4 =	sne.s32 s8, $0x0  }
.Ltmp13:
0x147: {  	_ =	swait.ge @!p2 [sflag:s14], $0x100;
	(pc) =	sbr.rel @p4 .LBB2_21-.Ltmp13, $4  }
0x148: {  	s12 =	sadd.s32 $0x10, s12;
	p3 =	por p1, p1;
	[sflag:s14] =	ssyncset.done @!p2 $0x0  }
0x149: {  	p1 =	sgt.u32 s12, $0x4D;
	s13 =	simm.s32 @!p3 $0x9;
	[sflag:s14] =	ssyncadd.s32 @!p2 $0xFFFFFF00  }
0x14a: {  	p2 =	sne.s32 @p1 s12, $0x4E;
	_ =	swait.ge @!p3 [sflag:s13], $0x800  }
0x14b: {  	p2 =	por p2, !p1;
	[sflag:s13] =	ssyncset.done @!p3 $0x0  }
.LBB2_22:
0x14c: {  	p0 =	por p3, !p0  }
0x14d: {  	s8 =	simm.s32 @!p2 $0x9;
	[sflag:s13] =	ssyncadd.s32 @!p0 $0xFFFFF800  }
0x14e: {  	_ =	swait.ge @!p2 [sflag:s8], $0x100  }
0x14f: {  	p0 =	por p1, p1;
	[sflag:s8] =	ssyncset.done @!p2 $0x0  }
0x150: {  	[sflag:s8] =	ssyncadd.s32 @!p2 $0xFFFFFF00;
	s8 =	simm.s32 @!p0 $0x9  }
0x151: {  	_ =	swait.ge @!p0 [sflag:s8], $0x800  }
0x152: {  	s7 =	sadd.s32 $0x1, s7;
	s12 =	rddreg [dreg:$0xe]  }
0x153: {  	p1 =	sne.s32 s7, s12  }
.Ltmp14:
0x154: {  	_ = 	snop;
	(pc) =	sbr.rel @p1 .LBB2_1-.Ltmp14, $4  }
.Ltmp15:
0x155: {  	_ = 	snop;
	(pc) =	sbr.rel @!p1 .LBB2_23-.Ltmp15, $4  }
0x156: {  	_ = 	snop  }
0x157: {  	[sflag:s8] =	ssyncset.done @!p0 $0x0  }
0x158: {  	[sflag:s8] =	ssyncadd.s32 @!p0 $0xFFFFF800  }
0x159: {  	_ = 	snop  }
.LBB2_9:
.Ltmp16:
0x15a: {  	(pc) =	sbr.rel .LBB2_12-.Ltmp16, $2  }
0x15b: {  	_ =	sdelay $0x2  }
0x15c: {  	_ = 	snop  }
.LBB2_19:
.Ltmp17:
0x15d: {  	(pc) =	sbr.rel .LBB2_22-.Ltmp17, $2  }
0x15e: {  	_ =	sdelay $0x2  }
0x15f: {  	_ = 	snop  }
.LBB2_5:
.Ltmp18:
0x160: {  	(pc) =	sbr.rel .LBB2_8-.Ltmp18, $3  }
0x161: {  	_ =	sdelay $0x1  }
0x162: {  	s12 =	smov.u32 s22  }
0x163: {  	s14 =	smov.u32 s29;
	p6 =	por p2, p2;
	p2 =	por $0x0, $0x0  }
.LBB2_23:
0x164: {  	_ =	sfence.sel $0x180000  }
0x165: {  	[bflag:$0x0] =	sbarrier.arrive $0xFFFF  }
0x166: {  	_ =	strace $0x9000004A  }
0x167: {  	[bflag:$0x2] =	sbarrier.arrive $0xFFFF  }
0x168: {  	p0 =	sne.s32 s5, $0x0;
	s0 =	rddreg [dreg:$0x6]  }
0x169: {  	s0 =	sadd.s32 @!p0 $0x100000, s0  }
0x16a: {  	[sflag:s0] =	ssyncadd.tile.s32 @!p0 $0x1;
	_ =	shalt  }
.Lfunc_end2:
_tile_overlayer_lowered:
.L_overlay_start_2:
0x16b: {  	(tag) =	ssettag $0x2  }
0x16c: {  	s0 =	rddreg [dreg:$0x0];
	s2 =	stileid.u32  }
0x16d: {  	s1 =	rddreg [dreg:$0x1];
	p0 =	sne.s32 s2, $0x0  }
0x16e: {  	s3 =	rddreg [dreg:$0x2];
	[bflag:$0x3] =	sbarrier.arrive $0xFFFF;
	s2 =	simm.s32 @!p0 $0x1C0A  }
0x16f: {  	[timem:s3], [sflag:s2] =	dma.local @!p0 [hbm:s0], s1  }
0x170: {  	s0 =	simm.s32 @!p0 $0xA  }
0x171: {  	_ =	swait.ge @!p0 [sflag:s0], s1  }
0x172: {  	s1 =	ssub.s32 @!p0 $0x0, s1;
	[sflag:s0] =	ssyncset.done @!p0 $0x0  }
0x173: {  	[sflag:s0] =	ssyncadd.s32 @!p0 s1  }
0x174: {  	[bflag:$0x3] =	sbarrier.arrive $0xFFFF  }
0x175: {  	_ =	shalt  }

</sc_bundles>
